<compile_context>
chip_gen: v7x
topology: tpu7x:2x2x1
jax: 0.10.2.dev20260603
libtpu: 0.0.44.dev20260713+nightly
codegen_flags: <defaults>
</compile_context>

<pallas_src>
import functools

import jax
import jax.numpy as jnp
from jax import lax
from jax.experimental import pallas as pl
from jax.experimental.pallas import tpu as pltpu
from jax.experimental.pallas import tpu_sc as plsc

_N = 10000
_E = 320000
_D = 128

_NC = 2
_NS = 16
_NW = _NC * _NS
_EPW = _E // _NW
_K = 80
_NBUF = 3
_NCHUNK = _EPW // _K
_NGROUP = 41
_RPS = 624
_TAIL = _N - _NS * _RPS


def _seg_sum_partials(h, src, dst):
  mesh = plsc.VectorSubcoreMesh(core_axis_name="c", subcore_axis_name="s")

  @functools.partial(
      pl.kernel,
      out_type=jax.ShapeDtypeStruct((_NC, _N, _D), jnp.float32),
      mesh=mesh,
      scratch_types=[
          pltpu.VMEM((_EPW,), jnp.int32),
          pltpu.VMEM((_NBUF, _K), jnp.int32),
          pltpu.VMEM((_NBUF, _K, _D), jnp.float32),
          pltpu.VMEM_SHARED((_N, _D), jnp.float32),
          pltpu.SemaphoreType.DMA,
          pltpu.SemaphoreType.DMA,
          pltpu.SemaphoreType.DMA,
      ],
  )
  def seg_kernel(h_hbm, src_hbm, dst_hbm, out_hbm,
                 srcb, dstb, rows, acc, gsem, ssem, isem):
    c = lax.axis_index("c")
    s = lax.axis_index("s")
    wid = s * _NC + c
    row0 = s * _RPS
    ebase = wid * _EPW

    pltpu.sync_copy(src_hbm.at[pl.ds(ebase, _EPW)], srcb)

    zvec = jnp.zeros((16,), jnp.float32)
    def _zrow(i, carry):
      for b in range(_NBUF):
        for j in range(_D // 16):
          rows[b, i, pl.ds(j * 16, 16)] = zvec
      return carry
    lax.fori_loop(0, _K, _zrow, 0)
    nfull = _RPS // _K
    rem = _RPS - nfull * _K
    for r in range(nfull):
      pltpu.sync_copy(rows.at[r % _NBUF], acc.at[pl.ds(row0 + r * _K, _K)])
    pltpu.sync_copy(rows.at[0, pl.ds(0, rem)],
                    acc.at[pl.ds(row0 + nfull * _K, rem)])
    @pl.when(s == _NS - 1)
    def _zero_tail():
      pltpu.sync_copy(rows.at[1, pl.ds(0, _TAIL)],
                      acc.at[pl.ds(_NS * _RPS, _TAIL)])
    plsc.subcore_barrier()

    def _fire(chunk, b):
      pltpu.async_copy(dst_hbm.at[pl.ds(ebase + chunk * _K, _K)],
                       dstb.at[b], isem)
      pltpu.async_copy(h_hbm.at[srcb.at[pl.ds(chunk * _K, _K)]],
                       rows.at[b], gsem)

    def _drain(b):
      pltpu.make_async_copy(dst_hbm.at[pl.ds(0, _K)], dstb.at[b],
                            isem).wait()
      pltpu.make_async_copy(h_hbm.at[pl.ds(0, _K)], rows.at[b], gsem).wait()

    for b in range(_NBUF):
      _fire(b, b)

    def _group(g, carry):
      sh = []
      for b in range(_NBUF):
        _drain(b)
        sh.append(pltpu.async_copy(rows.at[b], acc.at[dstb.at[b]],
                                   ssem, add=True))
      for b in range(_NBUF):
        sh[b].wait()
        _fire((g + 1) * _NBUF + b, b)
      return carry
    lax.fori_loop(0, _NGROUP - 1, _group, 0)

    sh = []
    for b in range(_NBUF):
      _drain(b)
      sh.append(pltpu.async_copy(rows.at[b], acc.at[dstb.at[b]],
                                 ssem, add=True))
    for b in range(_NBUF):
      sh[b].wait()

    for i, chunk in enumerate(range(_NGROUP * _NBUF, _NCHUNK)):
      _fire(chunk, i)
    sh = []
    for i in range(_NCHUNK - _NGROUP * _NBUF):
      _drain(i)
      sh.append(pltpu.async_copy(rows.at[i], acc.at[dstb.at[i]],
                                 ssem, add=True))
    for h_ in sh:
      h_.wait()

    plsc.subcore_barrier()
    pltpu.sync_copy(acc.at[pl.ds(row0, _RPS)],
                    out_hbm.at[c, pl.ds(row0, _RPS)])
    @pl.when(s == _NS - 1)
    def _out_tail():
      pltpu.sync_copy(acc.at[pl.ds(_NS * _RPS, _TAIL)],
                      out_hbm.at[c, pl.ds(_NS * _RPS, _TAIL)])

  return seg_kernel(h, src, dst)


_BR = 5000


def _ln_relu(x, g, b):
  def body(x_ref, g_ref, b_ref, o_ref):
    xx = x_ref[...]
    mu = jnp.mean(xx, axis=1, keepdims=True)
    var = jnp.mean((xx - mu) ** 2, axis=1, keepdims=True)
    xn = (xx - mu) * lax.rsqrt(var + 1e-5) * g_ref[...] + b_ref[...]
    o_ref[...] = jnp.maximum(xn, 0.0)

  return pl.pallas_call(
      body,
      grid=(_N // _BR,),
      in_specs=[
          pl.BlockSpec((_BR, _D), lambda i: (i, 0)),
          pl.BlockSpec((1, _D), lambda i: (0, 0)),
          pl.BlockSpec((1, _D), lambda i: (0, 0)),
      ],
      out_specs=pl.BlockSpec((_BR, _D), lambda i: (i, 0)),
      out_shape=jax.ShapeDtypeStruct((_N, _D), jnp.float32),
  )(x, g.reshape(1, _D), b.reshape(1, _D))


def _gconv_ln(p, h, WrT, br, WoT, g, b):
  def body(p_ref, h_ref, wr_ref, br_ref, wo_ref, g_ref, b_ref, o_ref):
    agg = p_ref[0] + p_ref[1]
    hh = h_ref[...]
    t = jnp.dot(agg.astype(jnp.bfloat16), wr_ref[...].astype(jnp.bfloat16),
                preferred_element_type=jnp.float32)
    t += jnp.dot(hh.astype(jnp.bfloat16), wo_ref[...].astype(jnp.bfloat16),
                 preferred_element_type=jnp.float32)
    t = hh + jnp.maximum(t + br_ref[...], 0.0)
    mu = jnp.mean(t, axis=1, keepdims=True)
    var = jnp.mean((t - mu) ** 2, axis=1, keepdims=True)
    o_ref[...] = (t - mu) * lax.rsqrt(var + 1e-5) * g_ref[...] + b_ref[...]

  return pl.pallas_call(
      body,
      grid=(_N // _BR,),
      in_specs=[
          pl.BlockSpec((_NC, _BR, _D), lambda i: (0, i, 0)),
          pl.BlockSpec((_BR, _D), lambda i: (i, 0)),
          pl.BlockSpec((_D, _D), lambda i: (0, 0)),
          pl.BlockSpec((1, _D), lambda i: (0, 0)),
          pl.BlockSpec((_D, _D), lambda i: (0, 0)),
          pl.BlockSpec((1, _D), lambda i: (0, 0)),
          pl.BlockSpec((1, _D), lambda i: (0, 0)),
      ],
      out_specs=pl.BlockSpec((_BR, _D), lambda i: (i, 0)),
      out_shape=jax.ShapeDtypeStruct((_N, _D), jnp.float32),
  )(p, h, WrT, br.reshape(1, _D), WoT, g.reshape(1, _D), b.reshape(1, _D))


def _final_stage(p, h, WrT, br, WoT, g3, b3,
                 W1T, b1, gc, bc, W2T, b2, H2, NCLS):
  def body(p_ref, h_ref, wr_ref, br_ref, wo_ref, g3_ref, b3_ref,
           w1_ref, b1_ref, gc_ref, bc_ref, w2_ref, b2_ref,
           lg_ref, h3_ref):
    agg = p_ref[0] + p_ref[1]
    hh = h_ref[...]
    t = jnp.dot(agg.astype(jnp.bfloat16), wr_ref[...].astype(jnp.bfloat16),
                preferred_element_type=jnp.float32)
    t += jnp.dot(hh.astype(jnp.bfloat16), wo_ref[...].astype(jnp.bfloat16),
                 preferred_element_type=jnp.float32)
    t = jnp.maximum(t + br_ref[...], 0.0)
    mu = jnp.mean(t, axis=1, keepdims=True)
    var = jnp.mean((t - mu) ** 2, axis=1, keepdims=True)
    h3 = (t - mu) * lax.rsqrt(var + 1e-5) * g3_ref[...] + b3_ref[...]
    h3_ref[...] = h3

    z = jnp.dot(h3.astype(jnp.bfloat16), w1_ref[...].astype(jnp.bfloat16),
                preferred_element_type=jnp.float32)
    z = jnp.maximum(z + b1_ref[...], 0.0)
    mu = jnp.mean(z, axis=1, keepdims=True)
    var = jnp.mean((z - mu) ** 2, axis=1, keepdims=True)
    z = (z - mu) * lax.rsqrt(var + 1e-5) * gc_ref[...] + bc_ref[...]
    lg = jnp.dot(z.astype(jnp.bfloat16), w2_ref[...].astype(jnp.bfloat16),
                 preferred_element_type=jnp.float32)
    lg = lg + b2_ref[...]
    m = jnp.max(lg, axis=1, keepdims=True)
    e = jnp.exp(lg - m)
    lg_ref[...] = lg - m - jnp.log(jnp.sum(e, axis=1, keepdims=True))

  return pl.pallas_call(
      body,
      grid=(_N // _BR,),
      in_specs=[
          pl.BlockSpec((_NC, _BR, _D), lambda i: (0, i, 0)),
          pl.BlockSpec((_BR, _D), lambda i: (i, 0)),
          pl.BlockSpec((_D, _D), lambda i: (0, 0)),
          pl.BlockSpec((1, _D), lambda i: (0, 0)),
          pl.BlockSpec((_D, _D), lambda i: (0, 0)),
          pl.BlockSpec((1, _D), lambda i: (0, 0)),
          pl.BlockSpec((1, _D), lambda i: (0, 0)),
          pl.BlockSpec((_D, H2), lambda i: (0, 0)),
          pl.BlockSpec((1, H2), lambda i: (0, 0)),
          pl.BlockSpec((1, H2), lambda i: (0, 0)),
          pl.BlockSpec((1, H2), lambda i: (0, 0)),
          pl.BlockSpec((H2, NCLS), lambda i: (0, 0)),
          pl.BlockSpec((1, NCLS), lambda i: (0, 0)),
      ],
      out_specs=[
          pl.BlockSpec((_BR, NCLS), lambda i: (i, 0)),
          pl.BlockSpec((_BR, _D), lambda i: (i, 0)),
      ],
      out_shape=[
          jax.ShapeDtypeStruct((_N, NCLS), jnp.float32),
          jax.ShapeDtypeStruct((_N, _D), jnp.float32),
      ],
  )(p, h, WrT, br.reshape(1, _D), WoT, g3.reshape(1, _D), b3.reshape(1, _D),
    W1T, b1.reshape(1, H2), gc.reshape(1, H2), bc.reshape(1, H2),
    W2T, b2.reshape(1, NCLS))


def kernel(x, edge_index, ln0_g, ln0_b,
           W_rel1, b_rel1, W_root1, ln1_g, ln1_b,
           W_rel2, b_rel2, W_root2, ln2_g, ln2_b,
           W_rel3, b_rel3, W_root3, ln3_g, ln3_b,
           cls_W1, cls_b1, cls_ln_g, cls_ln_b, cls_W2, cls_b2):
  src = edge_index[0]
  dst = edge_index[1]
  H2 = cls_W1.shape[0]
  NCLS = cls_W2.shape[0]

  xn = _ln_relu(x, ln0_g, ln0_b)
  p1 = _seg_sum_partials(xn, src, dst)
  h1 = _gconv_ln(p1, xn, W_rel1.T, b_rel1, W_root1.T, ln1_g, ln1_b)
  p2 = _seg_sum_partials(h1, src, dst)
  h2 = _gconv_ln(p2, h1, W_rel2.T, b_rel2, W_root2.T, ln2_g, ln2_b)
  p3 = _seg_sum_partials(h2, src, dst)
  logits, h3 = _final_stage(
      p3, h2, W_rel3.T, b_rel3, W_root3.T, ln3_g, ln3_b,
      cls_W1.T, cls_b1, cls_ln_g, cls_ln_b, cls_W2.T, cls_b2, H2, NCLS)
  return (logits, h3)

# --- scband reference (transcript-rebuilt; emitter-appended) ---
"""Pipeline reference for scband-graph-net-70463233458670 (READ-ONLY COPY).

The authoritative reference and input builder live on the scoring server;
editing this copy changes nothing except your own understanding.
"""

import jax, jax.numpy as jnp
import numpy as np

N = 10000
E = 320000
D = 128
H = 128
NC = 40


def layer_norm(x, g, b, eps=1e-5):
    mu = jnp.mean(x, axis=-1, keepdims=True)
    var = jnp.mean((x - mu) ** 2, axis=-1, keepdims=True)
    return (x - mu) / jnp.sqrt(var + eps) * g + b


def graph_conv(x, edge_index, W_rel, b_rel, W_root):
    # PyG GraphConv: out_i = lin_rel(sum_{j in N(i)} x_j) + lin_root(x_i)
    src = edge_index[0]
    dst = edge_index[1]
    msgs = x[src]
    agg = jax.ops.segment_sum(msgs, dst, num_segments=x.shape[0])
    return agg @ W_rel.T + b_rel + x @ W_root.T


def setup_inputs(seed: int = 0) -> dict:
    key = jax.random.key(seed)
    ks = jax.random.split(key, 16)
    s = 0.05
    inp = {}
    inp["x"] = jax.random.normal(ks[0], (N, D), dtype=jnp.float32)
    inp["edge_index"] = jax.random.randint(ks[1], (2, E), 0, N, dtype=jnp.int32)
    inp["ln0_g"] = jnp.ones((D,), jnp.float32)
    inp["ln0_b"] = jnp.zeros((D,), jnp.float32)
    inp["W_rel1"] = jax.random.normal(ks[2], (D, D), jnp.float32) * s
    inp["b_rel1"] = jnp.zeros((D,), jnp.float32)
    inp["W_root1"] = jax.random.normal(ks[3], (D, D), jnp.float32) * s
    inp["ln1_g"] = jnp.ones((D,), jnp.float32)
    inp["ln1_b"] = jnp.zeros((D,), jnp.float32)
    inp["W_rel2"] = jax.random.normal(ks[4], (D, D), jnp.float32) * s
    inp["b_rel2"] = jnp.zeros((D,), jnp.float32)
    inp["W_root2"] = jax.random.normal(ks[5], (D, D), jnp.float32) * s
    inp["ln2_g"] = jnp.ones((D,), jnp.float32)
    inp["ln2_b"] = jnp.zeros((D,), jnp.float32)
    inp["W_rel3"] = jax.random.normal(ks[6], (H, D), jnp.float32) * s
    inp["b_rel3"] = jnp.zeros((H,), jnp.float32)
    inp["W_root3"] = jax.random.normal(ks[7], (H, D), jnp.float32) * s
    inp["ln3_g"] = jnp.ones((H,), jnp.float32)
    inp["ln3_b"] = jnp.zeros((H,), jnp.float32)
    inp["cls_W1"] = jax.random.normal(ks[8], (H // 2, H), jnp.float32) * s
    inp["cls_b1"] = jnp.zeros((H // 2,), jnp.float32)
    inp["cls_ln_g"] = jnp.ones((H // 2,), jnp.float32)
    inp["cls_ln_b"] = jnp.zeros((H // 2,), jnp.float32)
    inp["cls_W2"] = jax.random.normal(ks[9], (NC, H // 2), jnp.float32) * s
    inp["cls_b2"] = jnp.zeros((NC,), jnp.float32)
    return inp


def reference(x, edge_index, ln0_g, ln0_b,
              W_rel1, b_rel1, W_root1, ln1_g, ln1_b,
              W_rel2, b_rel2, W_root2, ln2_g, ln2_b,
              W_rel3, b_rel3, W_root3, ln3_g, ln3_b,
              cls_W1, cls_b1, cls_ln_g, cls_ln_b, cls_W2, cls_b2):
    xn = jax.nn.relu(layer_norm(x, ln0_g, ln0_b))
    h = layer_norm(xn + jax.nn.relu(graph_conv(xn, edge_index, W_rel1, b_rel1, W_root1)), ln1_g, ln1_b)
    h = layer_norm(h + jax.nn.relu(graph_conv(h, edge_index, W_rel2, b_rel2, W_root2)), ln2_g, ln2_b)
    h = layer_norm(jax.nn.relu(graph_conv(h, edge_index, W_rel3, b_rel3, W_root3)), ln3_g, ln3_b)
    # classifier (Dropout is identity in eval mode)
    z = h @ cls_W1.T + cls_b1
    z = jax.nn.relu(z)
    z = layer_norm(z, cls_ln_g, cls_ln_b)
    logits = z @ cls_W2.T + cls_b2
    logits = jax.nn.log_softmax(logits, axis=1)
    return (logits, h)

if __name__ == "__main__":
    import jax
    _d = setup_inputs()
    print(jax.jit(kernel)(*tuple(_d.values())))

</pallas_src>

<mosaic_0001>
#map = affine_map<(d0, d1) -> (0, 0)>
#map1 = affine_map<(d0, d1) -> (0)>
#map2 = affine_map<(d0, d1) -> (0, 0, 0)>
module attributes {stable_mosaic.version = 14 : i64} {
  func.func @seg_kernel(%arg0: i32, %arg1: i32, %arg2: memref<10000x128xf32, #tpu.memory_space<hbm>>, %arg3: memref<320000xi32, #tpu.memory_space<hbm>>, %arg4: memref<320000xi32, #tpu.memory_space<hbm>>, %arg5: memref<2x10000x128xf32, #tpu.memory_space<hbm>>, %arg6: memref<10000xi32, #tpu.memory_space<vmem>>, %arg7: memref<3x80xi32, #tpu.memory_space<vmem>>, %arg8: memref<3x80x128xf32, #tpu.memory_space<vmem>>, %arg9: memref<10000x128xf32, #tpu.memory_space<vmem_shared>>, %arg10: memref<!tpu.dma_semaphore, #tpu.memory_space<semaphore_mem>>, %arg11: memref<!tpu.dma_semaphore, #tpu.memory_space<semaphore_mem>>, %arg12: memref<!tpu.dma_semaphore, #tpu.memory_space<semaphore_mem>>) attributes {dimension_semantics = [#tpu.dimension_semantics<core_parallel>, #tpu.dimension_semantics<subcore_parallel>], iteration_bounds = array<i64: 2, 16>, scalar_prefetch = 0 : i64, scratch_operands = 7 : i64, tpu.core_type = #tpu.core_type<sc_vector_subcore>, window_params = [{transform_indices = #map}, {transform_indices = #map1}, {transform_indices = #map1}, {transform_indices = #map2}]} {
    %mul3A = arith.constant 2 : i32
    %mul3A_0 = arith.muli %arg1, %mul3A : i32
    %add3A = arith.addi %mul3A_0, %arg0 : i32
    %mul3A_1 = arith.constant 624 : i32
    %mul3A_2 = arith.muli %arg1, %mul3A_1 : i32
    %mul3A_3 = arith.constant 10000 : i32
    %mul3A_4 = arith.muli %add3A, %mul3A_3 : i32
    "tpu.region"() ({
      %run_scoped3A_401 = tpu.sem_alloc : memref<!tpu.dma_semaphore, #tpu.memory_space<semaphore_mem>>
      %dma_start3A_402 = tpu.memref_slice %arg3[%mul3A_4] : memref<320000xi32, #tpu.memory_space<hbm>> -> memref<10000xi32, #tpu.memory_space<hbm>>
      %dma_start3A_403 = tpu.memref_slice %arg3[%mul3A_4] : memref<320000xi32, #tpu.memory_space<hbm>> -> memref<10000xi32, #tpu.memory_space<hbm>>
      tpu.enqueue_dma source(%dma_start3A_403 : memref<10000xi32, #tpu.memory_space<hbm>>) target(%arg6 : memref<10000xi32, #tpu.memory_space<vmem>>) target_semaphore(%run_scoped3A_401 : memref<!tpu.dma_semaphore, #tpu.memory_space<semaphore_mem>>)
      %dma_wait3A_404 = tpu.memref_slice %arg3[%mul3A_4] : memref<320000xi32, #tpu.memory_space<hbm>> -> memref<10000xi32, #tpu.memory_space<hbm>>
      %dma_wait3A_405 = tpu.memref_slice %arg3[%mul3A_4] : memref<320000xi32, #tpu.memory_space<hbm>> -> memref<10000xi32, #tpu.memory_space<hbm>>
      tpu.wait_dma2 semaphore(%run_scoped3A_401 : memref<!tpu.dma_semaphore, #tpu.memory_space<semaphore_mem>>) src(%dma_wait3A_405 : memref<10000xi32, #tpu.memory_space<hbm>>) dst(%arg6 : memref<10000xi32, #tpu.memory_space<vmem>>)
      tpu.yield
    }) : () -> ()
    %broadcast_in_dim3A = arith.constant 0.000000e+00 : f32
    %broadcast_in_dim3A_5 = vector.broadcast %broadcast_in_dim3A : f32 to vector<16xf32>
    %scan3A = arith.constant 0 : i32
    %scan3A_6 = arith.constant 0 : i32
    %scan3A_7 = arith.constant 80 : i32
    %scan3A_8 = arith.addi %scan3A_6, %scan3A_7 : i32
    %scan3A_9 = arith.constant 1 : i32
    scf.for %scan3A_401 = %scan3A_6 to %scan3A_8 step %scan3A_9  : i32 {
      %swap3A = arith.constant 0 : i32
      %swap3A_402 = arith.index_cast %swap3A : i32 to index
      %swap3A_403 = arith.index_cast %scan3A_401 : i32 to index
      %swap3A_404 = arith.constant 0 : index
      %swap3A_405 = tpu.vector_load %arg8[%swap3A_402, %swap3A_403, %swap3A_404] {strides = array<i32>} : memref<3x80x128xf32, #tpu.memory_space<vmem>>, vector<1x1x16xf32>,
      %swap3A_406 = vector.shape_cast %swap3A_405 : vector<1x1x16xf32> to vector<16xf32>
      %swap3A_407 = vector.shape_cast %broadcast_in_dim3A_5 : vector<16xf32> to vector<1x1x16xf32>
      tpu.vector_store %arg8[%swap3A_402, %swap3A_403, %swap3A_404], %swap3A_407 {strides = array<i32>} : memref<3x80x128xf32, #tpu.memory_space<vmem>>, vector<1x1x16xf32>,
      %swap3A_408 = arith.constant 0 : i32
      %swap3A_409 = arith.index_cast %swap3A_408 : i32 to index
      %swap3A_410 = arith.index_cast %scan3A_401 : i32 to index
      %swap3A_411 = arith.constant 16 : index
      %swap3A_412 = tpu.vector_load %arg8[%swap3A_409, %swap3A_410, %swap3A_411] {strides = array<i32>} : memref<3x80x128xf32, #tpu.memory_space<vmem>>, vector<1x1x16xf32>,
      %swap3A_413 = vector.shape_cast %swap3A_412 : vector<1x1x16xf32> to vector<16xf32>
      %swap3A_414 = vector.shape_cast %broadcast_in_dim3A_5 : vector<16xf32> to vector<1x1x16xf32>
      tpu.vector_store %arg8[%swap3A_409, %swap3A_410, %swap3A_411], %swap3A_414 {strides = array<i32>} : memref<3x80x128xf32, #tpu.memory_space<vmem>>, vector<1x1x16xf32>,
      %swap3A_415 = arith.constant 0 : i32
      %swap3A_416 = arith.index_cast %swap3A_415 : i32 to index
      %swap3A_417 = arith.index_cast %scan3A_401 : i32 to index
      %swap3A_418 = arith.constant 32 : index
      %swap3A_419 = tpu.vector_load %arg8[%swap3A_416, %swap3A_417, %swap3A_418] {strides = array<i32>} : memref<3x80x128xf32, #tpu.memory_space<vmem>>, vector<1x1x16xf32>,
      %swap3A_420 = vector.shape_cast %swap3A_419 : vector<1x1x16xf32> to vector<16xf32>
      %swap3A_421 = vector.shape_cast %broadcast_in_dim3A_5 : vector<16xf32> to vector<1x1x16xf32>
      tpu.vector_store %arg8[%swap3A_416, %swap3A_417, %swap3A_418], %swap3A_421 {strides = array<i32>} : memref<3x80x128xf32, #tpu.memory_space<vmem>>, vector<1x1x16xf32>,
      %swap3A_422 = arith.constant 0 : i32
      %swap3A_423 = arith.index_cast %swap3A_422 : i32 to index
      %swap3A_424 = arith.index_cast %scan3A_401 : i32 to index
      %swap3A_425 = arith.constant 48 : index
      %swap3A_426 = tpu.vector_load %arg8[%swap3A_423, %swap3A_424, %swap3A_425] {strides = array<i32>} : memref<3x80x128xf32, #tpu.memory_space<vmem>>, vector<1x1x16xf32>,
      %swap3A_427 = vector.shape_cast %swap3A_426 : vector<1x1x16xf32> to vector<16xf32>
      %swap3A_428 = vector.shape_cast %broadcast_in_dim3A_5 : vector<16xf32> to vector<1x1x16xf32>
      tpu.vector_store %arg8[%swap3A_423, %swap3A_424, %swap3A_425], %swap3A_428 {strides = array<i32>} : memref<3x80x128xf32, #tpu.memory_space<vmem>>, vector<1x1x16xf32>,
      %swap3A_429 = arith.constant 0 : i32
      %swap3A_430 = arith.index_cast %swap3A_429 : i32 to index
      %swap3A_431 = arith.index_cast %scan3A_401 : i32 to index
      %swap3A_432 = arith.constant 64 : index
      %swap3A_433 = tpu.vector_load %arg8[%swap3A_430, %swap3A_431, %swap3A_432] {strides = array<i32>} : memref<3x80x128xf32, #tpu.memory_space<vmem>>, vector<1x1x16xf32>,
      %swap3A_434 = vector.shape_cast %swap3A_433 : vector<1x1x16xf32> to vector<16xf32>
      %swap3A_435 = vector.shape_cast %broadcast_in_dim3A_5 : vector<16xf32> to vector<1x1x16xf32>
      tpu.vector_store %arg8[%swap3A_430, %swap3A_431, %swap3A_432], %swap3A_435 {strides = array<i32>} : memref<3x80x128xf32, #tpu.memory_space<vmem>>, vector<1x1x16xf32>,
      %swap3A_436 = arith.constant 0 : i32
      %swap3A_437 = arith.index_cast %swap3A_436 : i32 to index
      %swap3A_438 = arith.index_cast %scan3A_401 : i32 to index
      %swap3A_439 = arith.constant 80 : index
      %swap3A_440 = tpu.vector_load %arg8[%swap3A_437, %swap3A_438, %swap3A_439] {strides = array<i32>} : memref<3x80x128xf32, #tpu.memory_space<vmem>>, vector<1x1x16xf32>,
      %swap3A_441 = vector.shape_cast %swap3A_440 : vector<1x1x16xf32> to vector<16xf32>
      %swap3A_442 = vector.shape_cast %broadcast_in_dim3A_5 : vector<16xf32> to vector<1x1x16xf32>
      tpu.vector_store %arg8[%swap3A_437, %swap3A_438, %swap3A_439], %swap3A_442 {strides = array<i32>} : memref<3x80x128xf32, #tpu.memory_space<vmem>>, vector<1x1x16xf32>,
      %swap3A_443 = arith.constant 0 : i32
      %swap3A_444 = arith.index_cast %swap3A_443 : i32 to index
      %swap3A_445 = arith.index_cast %scan3A_401 : i32 to index
      %swap3A_446 = arith.constant 96 : index
      %swap3A_447 = tpu.vector_load %arg8[%swap3A_444, %swap3A_445, %swap3A_446] {strides = array<i32>} : memref<3x80x128xf32, #tpu.memory_space<vmem>>, vector<1x1x16xf32>,
      %swap3A_448 = vector.shape_cast %swap3A_447 : vector<1x1x16xf32> to vector<16xf32>
      %swap3A_449 = vector.shape_cast %broadcast_in_dim3A_5 : vector<16xf32> to vector<1x1x16xf32>
      tpu.vector_store %arg8[%swap3A_444, %swap3A_445, %swap3A_446], %swap3A_449 {strides = array<i32>} : memref<3x80x128xf32, #tpu.memory_space<vmem>>, vector<1x1x16xf32>,
      %swap3A_450 = arith.constant 0 : i32
      %swap3A_451 = arith.index_cast %swap3A_450 : i32 to index
      %swap3A_452 = arith.index_cast %scan3A_401 : i32 to index
      %swap3A_453 = arith.constant 112 : index
      %swap3A_454 = tpu.vector_load %arg8[%swap3A_451, %swap3A_452, %swap3A_453] {strides = array<i32>} : memref<3x80x128xf32, #tpu.memory_space<vmem>>, vector<1x1x16xf32>,
      %swap3A_455 = vector.shape_cast %swap3A_454 : vector<1x1x16xf32> to vector<16xf32>
      %swap3A_456 = vector.shape_cast %broadcast_in_dim3A_5 : vector<16xf32> to vector<1x1x16xf32>
      tpu.vector_store %arg8[%swap3A_451, %swap3A_452, %swap3A_453], %swap3A_456 {strides = array<i32>} : memref<3x80x128xf32, #tpu.memory_space<vmem>>, vector<1x1x16xf32>,
      %swap3A_457 = arith.constant 1 : i32
      %swap3A_458 = arith.index_cast %swap3A_457 : i32 to index
      %swap3A_459 = arith.index_cast %scan3A_401 : i32 to index
      %swap3A_460 = arith.constant 0 : index
      %swap3A_461 = tpu.vector_load %arg8[%swap3A_458, %swap3A_459, %swap3A_460] {strides = array<i32>} : memref<3x80x128xf32, #tpu.memory_space<vmem>>, vector<1x1x16xf32>,
      %swap3A_462 = vector.shape_cast %swap3A_461 : vector<1x1x16xf32> to vector<16xf32>
      %swap3A_463 = vector.shape_cast %broadcast_in_dim3A_5 : vector<16xf32> to vector<1x1x16xf32>
      tpu.vector_store %arg8[%swap3A_458, %swap3A_459, %swap3A_460], %swap3A_463 {strides = array<i32>} : memref<3x80x128xf32, #tpu.memory_space<vmem>>, vector<1x1x16xf32>,
      %swap3A_464 = arith.constant 1 : i32
      %swap3A_465 = arith.index_cast %swap3A_464 : i32 to index
      %swap3A_466 = arith.index_cast %scan3A_401 : i32 to index
      %swap3A_467 = arith.constant 16 : index
      %swap3A_468 = tpu.vector_load %arg8[%swap3A_465, %swap3A_466, %swap3A_467] {strides = array<i32>} : memref<3x80x128xf32, #tpu.memory_space<vmem>>, vector<1x1x16xf32>,
      %swap3A_469 = vector.shape_cast %swap3A_468 : vector<1x1x16xf32> to vector<16xf32>
      %swap3A_470 = vector.shape_cast %broadcast_in_dim3A_5 : vector<16xf32> to vector<1x1x16xf32>
      tpu.vector_store %arg8[%swap3A_465, %swap3A_466, %swap3A_467], %swap3A_470 {strides = array<i32>} : memref<3x80x128xf32, #tpu.memory_space<vmem>>, vector<1x1x16xf32>,
      %swap3A_471 = arith.constant 1 : i32
      %swap3A_472 = arith.index_cast %swap3A_471 : i32 to index
      %swap3A_473 = arith.index_cast %scan3A_401 : i32 to index
      %swap3A_474 = arith.constant 32 : index
      %swap3A_475 = tpu.vector_load %arg8[%swap3A_472, %swap3A_473, %swap3A_474] {strides = array<i32>} : memref<3x80x128xf32, #tpu.memory_space<vmem>>, vector<1x1x16xf32>,
      %swap3A_476 = vector.shape_cast %swap3A_475 : vector<1x1x16xf32> to vector<16xf32>
      %swap3A_477 = vector.shape_cast %broadcast_in_dim3A_5 : vector<16xf32> to vector<1x1x16xf32>
      tpu.vector_store %arg8[%swap3A_472, %swap3A_473, %swap3A_474], %swap3A_477 {strides = array<i32>} : memref<3x80x128xf32, #tpu.memory_space<vmem>>, vector<1x1x16xf32>,
      %swap3A_478 = arith.constant 1 : i32
      %swap3A_479 = arith.index_cast %swap3A_478 : i32 to index
      %swap3A_480 = arith.index_cast %scan3A_401 : i32 to index
      %swap3A_481 = arith.constant 48 : index
      %swap3A_482 = tpu.vector_load %arg8[%swap3A_479, %swap3A_480, %swap3A_481] {strides = array<i32>} : memref<3x80x128xf32, #tpu.memory_space<vmem>>, vector<1x1x16xf32>,
      %swap3A_483 = vector.shape_cast %swap3A_482 : vector<1x1x16xf32> to vector<16xf32>
      %swap3A_484 = vector.shape_cast %broadcast_in_dim3A_5 : vector<16xf32> to vector<1x1x16xf32>
      tpu.vector_store %arg8[%swap3A_479, %swap3A_480, %swap3A_481], %swap3A_484 {strides = array<i32>} : memref<3x80x128xf32, #tpu.memory_space<vmem>>, vector<1x1x16xf32>,
      %swap3A_485 = arith.constant 1 : i32
      %swap3A_486 = arith.index_cast %swap3A_485 : i32 to index
      %swap3A_487 = arith.index_cast %scan3A_401 : i32 to index
      %swap3A_488 = arith.constant 64 : index
      %swap3A_489 = tpu.vector_load %arg8[%swap3A_486, %swap3A_487, %swap3A_488] {strides = array<i32>} : memref<3x80x128xf32, #tpu.memory_space<vmem>>, vector<1x1x16xf32>,
      %swap3A_490 = vector.shape_cast %swap3A_489 : vector<1x1x16xf32> to vector<16xf32>
      %swap3A_491 = vector.shape_cast %broadcast_in_dim3A_5 : vector<16xf32> to vector<1x1x16xf32>
      tpu.vector_store %arg8[%swap3A_486, %swap3A_487, %swap3A_488], %swap3A_491 {strides = array<i32>} : memref<3x80x128xf32, #tpu.memory_space<vmem>>, vector<1x1x16xf32>,
      %swap3A_492 = arith.constant 1 : i32
      %swap3A_493 = arith.index_cast %swap3A_492 : i32 to index
      %swap3A_494 = arith.index_cast %scan3A_401 : i32 to index
      %swap3A_495 = arith.constant 80 : index
      %swap3A_496 = tpu.vector_load %arg8[%swap3A_493, %swap3A_494, %swap3A_495] {strides = array<i32>} : memref<3x80x128xf32, #tpu.memory_space<vmem>>, vector<1x1x16xf32>,
      %swap3A_497 = vector.shape_cast %swap3A_496 : vector<1x1x16xf32> to vector<16xf32>
      %swap3A_498 = vector.shape_cast %broadcast_in_dim3A_5 : vector<16xf32> to vector<1x1x16xf32>
      tpu.vector_store %arg8[%swap3A_493, %swap3A_494, %swap3A_495], %swap3A_498 {strides = array<i32>} : memref<3x80x128xf32, #tpu.memory_space<vmem>>, vector<1x1x16xf32>,
      %swap3A_499 = arith.constant 1 : i32
      %swap3A_500 = arith.index_cast %swap3A_499 : i32 to index
      %swap3A_501 = arith.index_cast %scan3A_401 : i32 to index
      %swap3A_502 = arith.constant 96 : index
      %swap3A_503 = tpu.vector_load %arg8[%swap3A_500, %swap3A_501, %swap3A_502] {strides = array<i32>} : memref<3x80x128xf32, #tpu.memory_space<vmem>>, vector<1x1x16xf32>,
      %swap3A_504 = vector.shape_cast %swap3A_503 : vector<1x1x16xf32> to vector<16xf32>
      %swap3A_505 = vector.shape_cast %broadcast_in_dim3A_5 : vector<16xf32> to vector<1x1x16xf32>
      tpu.vector_store %arg8[%swap3A_500, %swap3A_501, %swap3A_502], %swap3A_505 {strides = array<i32>} : memref<3x80x128xf32, #tpu.memory_space<vmem>>, vector<1x1x16xf32>,
      %swap3A_506 = arith.constant 1 : i32
      %swap3A_507 = arith.index_cast %swap3A_506 : i32 to index
      %swap3A_508 = arith.index_cast %scan3A_401 : i32 to index
      %swap3A_509 = arith.constant 112 : index
      %swap3A_510 = tpu.vector_load %arg8[%swap3A_507, %swap3A_508, %swap3A_509] {strides = array<i32>} : memref<3x80x128xf32, #tpu.memory_space<vmem>>, vector<1x1x16xf32>,
      %swap3A_511 = vector.shape_cast %swap3A_510 : vector<1x1x16xf32> to vector<16xf32>
      %swap3A_512 = vector.shape_cast %broadcast_in_dim3A_5 : vector<16xf32> to vector<1x1x16xf32>
      tpu.vector_store %arg8[%swap3A_507, %swap3A_508, %swap3A_509], %swap3A_512 {strides = array<i32>} : memref<3x80x128xf32, #tpu.memory_space<vmem>>, vector<1x1x16xf32>,
      %swap3A_513 = arith.constant 2 : i32
      %swap3A_514 = arith.index_cast %swap3A_513 : i32 to index
      %swap3A_515 = arith.index_cast %scan3A_401 : i32 to index
      %swap3A_516 = arith.constant 0 : index
      %swap3A_517 = tpu.vector_load %arg8[%swap3A_514, %swap3A_515, %swap3A_516] {strides = array<i32>} : memref<3x80x128xf32, #tpu.memory_space<vmem>>, vector<1x1x16xf32>,
      %swap3A_518 = vector.shape_cast %swap3A_517 : vector<1x1x16xf32> to vector<16xf32>
      %swap3A_519 = vector.shape_cast %broadcast_in_dim3A_5 : vector<16xf32> to vector<1x1x16xf32>
      tpu.vector_store %arg8[%swap3A_514, %swap3A_515, %swap3A_516], %swap3A_519 {strides = array<i32>} : memref<3x80x128xf32, #tpu.memory_space<vmem>>, vector<1x1x16xf32>,
      %swap3A_520 = arith.constant 2 : i32
      %swap3A_521 = arith.index_cast %swap3A_520 : i32 to index
      %swap3A_522 = arith.index_cast %scan3A_401 : i32 to index
      %swap3A_523 = arith.constant 16 : index
      %swap3A_524 = tpu.vector_load %arg8[%swap3A_521, %swap3A_522, %swap3A_523] {strides = array<i32>} : memref<3x80x128xf32, #tpu.memory_space<vmem>>, vector<1x1x16xf32>,
      %swap3A_525 = vector.shape_cast %swap3A_524 : vector<1x1x16xf32> to vector<16xf32>
      %swap3A_526 = vector.shape_cast %broadcast_in_dim3A_5 : vector<16xf32> to vector<1x1x16xf32>
      tpu.vector_store %arg8[%swap3A_521, %swap3A_522, %swap3A_523], %swap3A_526 {strides = array<i32>} : memref<3x80x128xf32, #tpu.memory_space<vmem>>, vector<1x1x16xf32>,
      %swap3A_527 = arith.constant 2 : i32
      %swap3A_528 = arith.index_cast %swap3A_527 : i32 to index
      %swap3A_529 = arith.index_cast %scan3A_401 : i32 to index
      %swap3A_530 = arith.constant 32 : index
      %swap3A_531 = tpu.vector_load %arg8[%swap3A_528, %swap3A_529, %swap3A_530] {strides = array<i32>} : memref<3x80x128xf32, #tpu.memory_space<vmem>>, vector<1x1x16xf32>,
      %swap3A_532 = vector.shape_cast %swap3A_531 : vector<1x1x16xf32> to vector<16xf32>
      %swap3A_533 = vector.shape_cast %broadcast_in_dim3A_5 : vector<16xf32> to vector<1x1x16xf32>
      tpu.vector_store %arg8[%swap3A_528, %swap3A_529, %swap3A_530], %swap3A_533 {strides = array<i32>} : memref<3x80x128xf32, #tpu.memory_space<vmem>>, vector<1x1x16xf32>,
      %swap3A_534 = arith.constant 2 : i32
      %swap3A_535 = arith.index_cast %swap3A_534 : i32 to index
      %swap3A_536 = arith.index_cast %scan3A_401 : i32 to index
      %swap3A_537 = arith.constant 48 : index
      %swap3A_538 = tpu.vector_load %arg8[%swap3A_535, %swap3A_536, %swap3A_537] {strides = array<i32>} : memref<3x80x128xf32, #tpu.memory_space<vmem>>, vector<1x1x16xf32>,
      %swap3A_539 = vector.shape_cast %swap3A_538 : vector<1x1x16xf32> to vector<16xf32>
      %swap3A_540 = vector.shape_cast %broadcast_in_dim3A_5 : vector<16xf32> to vector<1x1x16xf32>
      tpu.vector_store %arg8[%swap3A_535, %swap3A_536, %swap3A_537], %swap3A_540 {strides = array<i32>} : memref<3x80x128xf32, #tpu.memory_space<vmem>>, vector<1x1x16xf32>,
      %swap3A_541 = arith.constant 2 : i32
      %swap3A_542 = arith.index_cast %swap3A_541 : i32 to index
      %swap3A_543 = arith.index_cast %scan3A_401 : i32 to index
      %swap3A_544 = arith.constant 64 : index
      %swap3A_545 = tpu.vector_load %arg8[%swap3A_542, %swap3A_543, %swap3A_544] {strides = array<i32>} : memref<3x80x128xf32, #tpu.memory_space<vmem>>, vector<1x1x16xf32>,
      %swap3A_546 = vector.shape_cast %swap3A_545 : vector<1x1x16xf32> to vector<16xf32>
      %swap3A_547 = vector.shape_cast %broadcast_in_dim3A_5 : vector<16xf32> to vector<1x1x16xf32>
      tpu.vector_store %arg8[%swap3A_542, %swap3A_543, %swap3A_544], %swap3A_547 {strides = array<i32>} : memref<3x80x128xf32, #tpu.memory_space<vmem>>, vector<1x1x16xf32>,
      %swap3A_548 = arith.constant 2 : i32
      %swap3A_549 = arith.index_cast %swap3A_548 : i32 to index
      %swap3A_550 = arith.index_cast %scan3A_401 : i32 to index
      %swap3A_551 = arith.constant 80 : index
      %swap3A_552 = tpu.vector_load %arg8[%swap3A_549, %swap3A_550, %swap3A_551] {strides = array<i32>} : memref<3x80x128xf32, #tpu.memory_space<vmem>>, vector<1x1x16xf32>,
      %swap3A_553 = vector.shape_cast %swap3A_552 : vector<1x1x16xf32> to vector<16xf32>
      %swap3A_554 = vector.shape_cast %broadcast_in_dim3A_5 : vector<16xf32> to vector<1x1x16xf32>
      tpu.vector_store %arg8[%swap3A_549, %swap3A_550, %swap3A_551], %swap3A_554 {strides = array<i32>} : memref<3x80x128xf32, #tpu.memory_space<vmem>>, vector<1x1x16xf32>,
      %swap3A_555 = arith.constant 2 : i32
      %swap3A_556 = arith.index_cast %swap3A_555 : i32 to index
      %swap3A_557 = arith.index_cast %scan3A_401 : i32 to index
      %swap3A_558 = arith.constant 96 : index
      %swap3A_559 = tpu.vector_load %arg8[%swap3A_556, %swap3A_557, %swap3A_558] {strides = array<i32>} : memref<3x80x128xf32, #tpu.memory_space<vmem>>, vector<1x1x16xf32>,
      %swap3A_560 = vector.shape_cast %swap3A_559 : vector<1x1x16xf32> to vector<16xf32>
      %swap3A_561 = vector.shape_cast %broadcast_in_dim3A_5 : vector<16xf32> to vector<1x1x16xf32>
      tpu.vector_store %arg8[%swap3A_556, %swap3A_557, %swap3A_558], %swap3A_561 {strides = array<i32>} : memref<3x80x128xf32, #tpu.memory_space<vmem>>, vector<1x1x16xf32>,
      %swap3A_562 = arith.constant 2 : i32
      %swap3A_563 = arith.index_cast %swap3A_562 : i32 to index
      %swap3A_564 = arith.index_cast %scan3A_401 : i32 to index
      %swap3A_565 = arith.constant 112 : index
      %swap3A_566 = tpu.vector_load %arg8[%swap3A_563, %swap3A_564, %swap3A_565] {strides = array<i32>} : memref<3x80x128xf32, #tpu.memory_space<vmem>>, vector<1x1x16xf32>,
      %swap3A_567 = vector.shape_cast %swap3A_566 : vector<1x1x16xf32> to vector<16xf32>
      %swap3A_568 = vector.shape_cast %broadcast_in_dim3A_5 : vector<16xf32> to vector<1x1x16xf32>
      tpu.vector_store %arg8[%swap3A_563, %swap3A_564, %swap3A_565], %swap3A_568 {strides = array<i32>} : memref<3x80x128xf32, #tpu.memory_space<vmem>>, vector<1x1x16xf32>,
    }
    %scan3A_10 = arith.constant 80 : i32
    %add3A_11 = arith.constant 0 : i32
    %add3A_12 = arith.addi %mul3A_2, %add3A_11 : i32
    %run_scoped3A = arith.constant 0 : i32
    "tpu.region"() ({
      %run_scoped3A_401 = tpu.sem_alloc : memref<!tpu.dma_semaphore, #tpu.memory_space<semaphore_mem>>
      %dma_start3A_402 = arith.constant 0 : i32
      %dma_start3A_403 = arith.constant 0 : i32
      %dma_start3A_404 = tpu.memref_slice %arg8[%run_scoped3A, %dma_start3A_402, %dma_start3A_403] : memref<3x80x128xf32, #tpu.memory_space<vmem>> -> memref<1x80x128xf32, #tpu.memory_space<vmem>>
      %dma_start3A_405 = tpu.memref_squeeze %dma_start3A_404 : memref<1x80x128xf32, #tpu.memory_space<vmem>> -> memref<80x128xf32, #tpu.memory_space<vmem>>
      %dma_start3A_406 = arith.constant 0 : i32
      %dma_start3A_407 = tpu.memref_slice %arg9[%add3A_12, %dma_start3A_406] : memref<10000x128xf32, #tpu.memory_space<vmem_shared>> -> memref<80x128xf32, #tpu.memory_space<vmem_shared>>
      %dma_start3A_408 = arith.constant 0 : i32
      %dma_start3A_409 = tpu.memref_slice %arg9[%add3A_12, %dma_start3A_408] : memref<10000x128xf32, #tpu.memory_space<vmem_shared>> -> memref<80x128xf32, #tpu.memory_space<vmem_shared>>
      %dma_start3A_410 = arith.constant 0 : i32
      %dma_start3A_411 = arith.constant 0 : i32
      %dma_start3A_412 = tpu.memref_slice %arg8[%run_scoped3A, %dma_start3A_410, %dma_start3A_411] : memref<3x80x128xf32, #tpu.memory_space<vmem>> -> memref<1x80x128xf32, #tpu.memory_space<vmem>>
      %dma_start3A_413 = tpu.memref_squeeze %dma_start3A_412 : memref<1x80x128xf32, #tpu.memory_space<vmem>> -> memref<80x128xf32, #tpu.memory_space<vmem>>
      tpu.enqueue_dma source(%dma_start3A_413 : memref<80x128xf32, #tpu.memory_space<vmem>>) target(%dma_start3A_409 : memref<80x128xf32, #tpu.memory_space<vmem_shared>>) target_semaphore(%run_scoped3A_401 : memref<!tpu.dma_semaphore, #tpu.memory_space<semaphore_mem>>)
      %dma_wait3A_414 = arith.constant 0 : i32
      %dma_wait3A_415 = arith.constant 0 : i32
      %dma_wait3A_416 = tpu.memref_slice %arg8[%run_scoped3A, %dma_wait3A_414, %dma_wait3A_415] : memref<3x80x128xf32, #tpu.memory_space<vmem>> -> memref<1x80x128xf32, #tpu.memory_space<vmem>>
      %dma_wait3A_417 = tpu.memref_squeeze %dma_wait3A_416 : memref<1x80x128xf32, #tpu.memory_space<vmem>> -> memref<80x128xf32, #tpu.memory_space<vmem>>
      %dma_wait3A_418 = arith.constant 0 : i32
      %dma_wait3A_419 = tpu.memref_slice %arg9[%add3A_12, %dma_wait3A_418] : memref<10000x128xf32, #tpu.memory_space<vmem_shared>> -> memref<80x128xf32, #tpu.memory_space<vmem_shared>>
      %dma_wait3A_420 = arith.constant 0 : i32
      %dma_wait3A_421 = tpu.memref_slice %arg9[%add3A_12, %dma_wait3A_420] : memref<10000x128xf32, #tpu.memory_space<vmem_shared>> -> memref<80x128xf32, #tpu.memory_space<vmem_shared>>
      %dma_wait3A_422 = arith.constant 0 : i32
      %dma_wait3A_423 = arith.constant 0 : i32
      %dma_wait3A_424 = tpu.memref_slice %arg8[%run_scoped3A, %dma_wait3A_422, %dma_wait3A_423] : memref<3x80x128xf32, #tpu.memory_space<vmem>> -> memref<1x80x128xf32, #tpu.memory_space<vmem>>
      %dma_wait3A_425 = tpu.memref_squeeze %dma_wait3A_424 : memref<1x80x128xf32, #tpu.memory_space<vmem>> -> memref<80x128xf32, #tpu.memory_space<vmem>>
      tpu.wait_dma2 semaphore(%run_scoped3A_401 : memref<!tpu.dma_semaphore, #tpu.memory_space<semaphore_mem>>) src(%dma_wait3A_425 : memref<80x128xf32, #tpu.memory_space<vmem>>) dst(%dma_wait3A_421 : memref<80x128xf32, #tpu.memory_space<vmem_shared>>)
      tpu.yield
    }) : () -> ()
    %add3A_13 = arith.constant 80 : i32
    %add3A_14 = arith.addi %mul3A_2, %add3A_13 : i32
    %run_scoped3A_15 = arith.constant 1 : i32
    "tpu.region"() ({
      %run_scoped3A_401 = tpu.sem_alloc : memref<!tpu.dma_semaphore, #tpu.memory_space<semaphore_mem>>
      %dma_start3A_402 = arith.constant 0 : i32
      %dma_start3A_403 = arith.constant 0 : i32
      %dma_start3A_404 = tpu.memref_slice %arg8[%run_scoped3A_15, %dma_start3A_402, %dma_start3A_403] : memref<3x80x128xf32, #tpu.memory_space<vmem>> -> memref<1x80x128xf32, #tpu.memory_space<vmem>>
      %dma_start3A_405 = tpu.memref_squeeze %dma_start3A_404 : memref<1x80x128xf32, #tpu.memory_space<vmem>> -> memref<80x128xf32, #tpu.memory_space<vmem>>
      %dma_start3A_406 = arith.constant 0 : i32
      %dma_start3A_407 = tpu.memref_slice %arg9[%add3A_14, %dma_start3A_406] : memref<10000x128xf32, #tpu.memory_space<vmem_shared>> -> memref<80x128xf32, #tpu.memory_space<vmem_shared>>
      %dma_start3A_408 = arith.constant 0 : i32
      %dma_start3A_409 = tpu.memref_slice %arg9[%add3A_14, %dma_start3A_408] : memref<10000x128xf32, #tpu.memory_space<vmem_shared>> -> memref<80x128xf32, #tpu.memory_space<vmem_shared>>
      %dma_start3A_410 = arith.constant 0 : i32
      %dma_start3A_411 = arith.constant 0 : i32
      %dma_start3A_412 = tpu.memref_slice %arg8[%run_scoped3A_15, %dma_start3A_410, %dma_start3A_411] : memref<3x80x128xf32, #tpu.memory_space<vmem>> -> memref<1x80x128xf32, #tpu.memory_space<vmem>>
      %dma_start3A_413 = tpu.memref_squeeze %dma_start3A_412 : memref<1x80x128xf32, #tpu.memory_space<vmem>> -> memref<80x128xf32, #tpu.memory_space<vmem>>
      tpu.enqueue_dma source(%dma_start3A_413 : memref<80x128xf32, #tpu.memory_space<vmem>>) target(%dma_start3A_409 : memref<80x128xf32, #tpu.memory_space<vmem_shared>>) target_semaphore(%run_scoped3A_401 : memref<!tpu.dma_semaphore, #tpu.memory_space<semaphore_mem>>)
      %dma_wait3A_414 = arith.constant 0 : i32
      %dma_wait3A_415 = arith.constant 0 : i32
      %dma_wait3A_416 = tpu.memref_slice %arg8[%run_scoped3A_15, %dma_wait3A_414, %dma_wait3A_415] : memref<3x80x128xf32, #tpu.memory_space<vmem>> -> memref<1x80x128xf32, #tpu.memory_space<vmem>>
      %dma_wait3A_417 = tpu.memref_squeeze %dma_wait3A_416 : memref<1x80x128xf32, #tpu.memory_space<vmem>> -> memref<80x128xf32, #tpu.memory_space<vmem>>
      %dma_wait3A_418 = arith.constant 0 : i32
      %dma_wait3A_419 = tpu.memref_slice %arg9[%add3A_14, %dma_wait3A_418] : memref<10000x128xf32, #tpu.memory_space<vmem_shared>> -> memref<80x128xf32, #tpu.memory_space<vmem_shared>>
      %dma_wait3A_420 = arith.constant 0 : i32
      %dma_wait3A_421 = tpu.memref_slice %arg9[%add3A_14, %dma_wait3A_420] : memref<10000x128xf32, #tpu.memory_space<vmem_shared>> -> memref<80x128xf32, #tpu.memory_space<vmem_shared>>
      %dma_wait3A_422 = arith.constant 0 : i32
      %dma_wait3A_423 = arith.constant 0 : i32
      %dma_wait3A_424 = tpu.memref_slice %arg8[%run_scoped3A_15, %dma_wait3A_422, %dma_wait3A_423] : memref<3x80x128xf32, #tpu.memory_space<vmem>> -> memref<1x80x128xf32, #tpu.memory_space<vmem>>
      %dma_wait3A_425 = tpu.memref_squeeze %dma_wait3A_424 : memref<1x80x128xf32, #tpu.memory_space<vmem>> -> memref<80x128xf32, #tpu.memory_space<vmem>>
      tpu.wait_dma2 semaphore(%run_scoped3A_401 : memref<!tpu.dma_semaphore, #tpu.memory_space<semaphore_mem>>) src(%dma_wait3A_425 : memref<80x128xf32, #tpu.memory_space<vmem>>) dst(%dma_wait3A_421 : memref<80x128xf32, #tpu.memory_space<vmem_shared>>)
      tpu.yield
    }) : () -> ()
    %add3A_16 = arith.constant 160 : i32
    %add3A_17 = arith.addi %mul3A_2, %add3A_16 : i32
    %run_scoped3A_18 = arith.constant 2 : i32
    "tpu.region"() ({
      %run_scoped3A_401 = tpu.sem_alloc : memref<!tpu.dma_semaphore, #tpu.memory_space<semaphore_mem>>
      %dma_start3A_402 = arith.constant 0 : i32
      %dma_start3A_403 = arith.constant 0 : i32
      %dma_start3A_404 = tpu.memref_slice %arg8[%run_scoped3A_18, %dma_start3A_402, %dma_start3A_403] : memref<3x80x128xf32, #tpu.memory_space<vmem>> -> memref<1x80x128xf32, #tpu.memory_space<vmem>>
      %dma_start3A_405 = tpu.memref_squeeze %dma_start3A_404 : memref<1x80x128xf32, #tpu.memory_space<vmem>> -> memref<80x128xf32, #tpu.memory_space<vmem>>
      %dma_start3A_406 = arith.constant 0 : i32
      %dma_start3A_407 = tpu.memref_slice %arg9[%add3A_17, %dma_start3A_406] : memref<10000x128xf32, #tpu.memory_space<vmem_shared>> -> memref<80x128xf32, #tpu.memory_space<vmem_shared>>
      %dma_start3A_408 = arith.constant 0 : i32
      %dma_start3A_409 = tpu.memref_slice %arg9[%add3A_17, %dma_start3A_408] : memref<10000x128xf32, #tpu.memory_space<vmem_shared>> -> memref<80x128xf32, #tpu.memory_space<vmem_shared>>
      %dma_start3A_410 = arith.constant 0 : i32
      %dma_start3A_411 = arith.constant 0 : i32
      %dma_start3A_412 = tpu.memref_slice %arg8[%run_scoped3A_18, %dma_start3A_410, %dma_start3A_411] : memref<3x80x128xf32, #tpu.memory_space<vmem>> -> memref<1x80x128xf32, #tpu.memory_space<vmem>>
      %dma_start3A_413 = tpu.memref_squeeze %dma_start3A_412 : memref<1x80x128xf32, #tpu.memory_space<vmem>> -> memref<80x128xf32, #tpu.memory_space<vmem>>
      tpu.enqueue_dma source(%dma_start3A_413 : memref<80x128xf32, #tpu.memory_space<vmem>>) target(%dma_start3A_409 : memref<80x128xf32, #tpu.memory_space<vmem_shared>>) target_semaphore(%run_scoped3A_401 : memref<!tpu.dma_semaphore, #tpu.memory_space<semaphore_mem>>)
      %dma_wait3A_414 = arith.constant 0 : i32
      %dma_wait3A_415 = arith.constant 0 : i32
      %dma_wait3A_416 = tpu.memref_slice %arg8[%run_scoped3A_18, %dma_wait3A_414, %dma_wait3A_415] : memref<3x80x128xf32, #tpu.memory_space<vmem>> -> memref<1x80x128xf32, #tpu.memory_space<vmem>>
      %dma_wait3A_417 = tpu.memref_squeeze %dma_wait3A_416 : memref<1x80x128xf32, #tpu.memory_space<vmem>> -> memref<80x128xf32, #tpu.memory_space<vmem>>
      %dma_wait3A_418 = arith.constant 0 : i32
      %dma_wait3A_419 = tpu.memref_slice %arg9[%add3A_17, %dma_wait3A_418] : memref<10000x128xf32, #tpu.memory_space<vmem_shared>> -> memref<80x128xf32, #tpu.memory_space<vmem_shared>>
      %dma_wait3A_420 = arith.constant 0 : i32
      %dma_wait3A_421 = tpu.memref_slice %arg9[%add3A_17, %dma_wait3A_420] : memref<10000x128xf32, #tpu.memory_space<vmem_shared>> -> memref<80x128xf32, #tpu.memory_space<vmem_shared>>
      %dma_wait3A_422 = arith.constant 0 : i32
      %dma_wait3A_423 = arith.constant 0 : i32
      %dma_wait3A_424 = tpu.memref_slice %arg8[%run_scoped3A_18, %dma_wait3A_422, %dma_wait3A_423] : memref<3x80x128xf32, #tpu.memory_space<vmem>> -> memref<1x80x128xf32, #tpu.memory_space<vmem>>
      %dma_wait3A_425 = tpu.memref_squeeze %dma_wait3A_424 : memref<1x80x128xf32, #tpu.memory_space<vmem>> -> memref<80x128xf32, #tpu.memory_space<vmem>>
      tpu.wait_dma2 semaphore(%run_scoped3A_401 : memref<!tpu.dma_semaphore, #tpu.memory_space<semaphore_mem>>) src(%dma_wait3A_425 : memref<80x128xf32, #tpu.memory_space<vmem>>) dst(%dma_wait3A_421 : memref<80x128xf32, #tpu.memory_space<vmem_shared>>)
      tpu.yield
    }) : () -> ()
    %add3A_19 = arith.constant 240 : i32
    %add3A_20 = arith.addi %mul3A_2, %add3A_19 : i32
    %run_scoped3A_21 = arith.constant 0 : i32
    "tpu.region"() ({
      %run_scoped3A_401 = tpu.sem_alloc : memref<!tpu.dma_semaphore, #tpu.memory_space<semaphore_mem>>
      %dma_start3A_402 = arith.constant 0 : i32
      %dma_start3A_403 = arith.constant 0 : i32
      %dma_start3A_404 = tpu.memref_slice %arg8[%run_scoped3A_21, %dma_start3A_402, %dma_start3A_403] : memref<3x80x128xf32, #tpu.memory_space<vmem>> -> memref<1x80x128xf32, #tpu.memory_space<vmem>>
      %dma_start3A_405 = tpu.memref_squeeze %dma_start3A_404 : memref<1x80x128xf32, #tpu.memory_space<vmem>> -> memref<80x128xf32, #tpu.memory_space<vmem>>
      %dma_start3A_406 = arith.constant 0 : i32
      %dma_start3A_407 = tpu.memref_slice %arg9[%add3A_20, %dma_start3A_406] : memref<10000x128xf32, #tpu.memory_space<vmem_shared>> -> memref<80x128xf32, #tpu.memory_space<vmem_shared>>
      %dma_start3A_408 = arith.constant 0 : i32
      %dma_start3A_409 = tpu.memref_slice %arg9[%add3A_20, %dma_start3A_408] : memref<10000x128xf32, #tpu.memory_space<vmem_shared>> -> memref<80x128xf32, #tpu.memory_space<vmem_shared>>
      %dma_start3A_410 = arith.constant 0 : i32
      %dma_start3A_411 = arith.constant 0 : i32
      %dma_start3A_412 = tpu.memref_slice %arg8[%run_scoped3A_21, %dma_start3A_410, %dma_start3A_411] : memref<3x80x128xf32, #tpu.memory_space<vmem>> -> memref<1x80x128xf32, #tpu.memory_space<vmem>>
      %dma_start3A_413 = tpu.memref_squeeze %dma_start3A_412 : memref<1x80x128xf32, #tpu.memory_space<vmem>> -> memref<80x128xf32, #tpu.memory_space<vmem>>
      tpu.enqueue_dma source(%dma_start3A_413 : memref<80x128xf32, #tpu.memory_space<vmem>>) target(%dma_start3A_409 : memref<80x128xf32, #tpu.memory_space<vmem_shared>>) target_semaphore(%run_scoped3A_401 : memref<!tpu.dma_semaphore, #tpu.memory_space<semaphore_mem>>)
      %dma_wait3A_414 = arith.constant 0 : i32
      %dma_wait3A_415 = arith.constant 0 : i32
      %dma_wait3A_416 = tpu.memref_slice %arg8[%run_scoped3A_21, %dma_wait3A_414, %dma_wait3A_415] : memref<3x80x128xf32, #tpu.memory_space<vmem>> -> memref<1x80x128xf32, #tpu.memory_space<vmem>>
      %dma_wait3A_417 = tpu.memref_squeeze %dma_wait3A_416 : memref<1x80x128xf32, #tpu.memory_space<vmem>> -> memref<80x128xf32, #tpu.memory_space<vmem>>
      %dma_wait3A_418 = arith.constant 0 : i32
      %dma_wait3A_419 = tpu.memref_slice %arg9[%add3A_20, %dma_wait3A_418] : memref<10000x128xf32, #tpu.memory_space<vmem_shared>> -> memref<80x128xf32, #tpu.memory_space<vmem_shared>>
      %dma_wait3A_420 = arith.constant 0 : i32
      %dma_wait3A_421 = tpu.memref_slice %arg9[%add3A_20, %dma_wait3A_420] : memref<10000x128xf32, #tpu.memory_space<vmem_shared>> -> memref<80x128xf32, #tpu.memory_space<vmem_shared>>
      %dma_wait3A_422 = arith.constant 0 : i32
      %dma_wait3A_423 = arith.constant 0 : i32
      %dma_wait3A_424 = tpu.memref_slice %arg8[%run_scoped3A_21, %dma_wait3A_422, %dma_wait3A_423] : memref<3x80x128xf32, #tpu.memory_space<vmem>> -> memref<1x80x128xf32, #tpu.memory_space<vmem>>
      %dma_wait3A_425 = tpu.memref_squeeze %dma_wait3A_424 : memref<1x80x128xf32, #tpu.memory_space<vmem>> -> memref<80x128xf32, #tpu.memory_space<vmem>>
      tpu.wait_dma2 semaphore(%run_scoped3A_401 : memref<!tpu.dma_semaphore, #tpu.memory_space<semaphore_mem>>) src(%dma_wait3A_425 : memref<80x128xf32, #tpu.memory_space<vmem>>) dst(%dma_wait3A_421 : memref<80x128xf32, #tpu.memory_space<vmem_shared>>)
      tpu.yield
    }) : () -> ()
    %add3A_22 = arith.constant 320 : i32
    %add3A_23 = arith.addi %mul3A_2, %add3A_22 : i32
    %run_scoped3A_24 = arith.constant 1 : i32
    "tpu.region"() ({
      %run_scoped3A_401 = tpu.sem_alloc : memref<!tpu.dma_semaphore, #tpu.memory_space<semaphore_mem>>
      %dma_start3A_402 = arith.constant 0 : i32
      %dma_start3A_403 = arith.constant 0 : i32
      %dma_start3A_404 = tpu.memref_slice %arg8[%run_scoped3A_24, %dma_start3A_402, %dma_start3A_403] : memref<3x80x128xf32, #tpu.memory_space<vmem>> -> memref<1x80x128xf32, #tpu.memory_space<vmem>>
      %dma_start3A_405 = tpu.memref_squeeze %dma_start3A_404 : memref<1x80x128xf32, #tpu.memory_space<vmem>> -> memref<80x128xf32, #tpu.memory_space<vmem>>
      %dma_start3A_406 = arith.constant 0 : i32
      %dma_start3A_407 = tpu.memref_slice %arg9[%add3A_23, %dma_start3A_406] : memref<10000x128xf32, #tpu.memory_space<vmem_shared>> -> memref<80x128xf32, #tpu.memory_space<vmem_shared>>
      %dma_start3A_408 = arith.constant 0 : i32
      %dma_start3A_409 = tpu.memref_slice %arg9[%add3A_23, %dma_start3A_408] : memref<10000x128xf32, #tpu.memory_space<vmem_shared>> -> memref<80x128xf32, #tpu.memory_space<vmem_shared>>
      %dma_start3A_410 = arith.constant 0 : i32
      %dma_start3A_411 = arith.constant 0 : i32
      %dma_start3A_412 = tpu.memref_slice %arg8[%run_scoped3A_24, %dma_start3A_410, %dma_start3A_411] : memref<3x80x128xf32, #tpu.memory_space<vmem>> -> memref<1x80x128xf32, #tpu.memory_space<vmem>>
      %dma_start3A_413 = tpu.memref_squeeze %dma_start3A_412 : memref<1x80x128xf32, #tpu.memory_space<vmem>> -> memref<80x128xf32, #tpu.memory_space<vmem>>
      tpu.enqueue_dma source(%dma_start3A_413 : memref<80x128xf32, #tpu.memory_space<vmem>>) target(%dma_start3A_409 : memref<80x128xf32, #tpu.memory_space<vmem_shared>>) target_semaphore(%run_scoped3A_401 : memref<!tpu.dma_semaphore, #tpu.memory_space<semaphore_mem>>)
      %dma_wait3A_414 = arith.constant 0 : i32
      %dma_wait3A_415 = arith.constant 0 : i32
      %dma_wait3A_416 = tpu.memref_slice %arg8[%run_scoped3A_24, %dma_wait3A_414, %dma_wait3A_415] : memref<3x80x128xf32, #tpu.memory_space<vmem>> -> memref<1x80x128xf32, #tpu.memory_space<vmem>>
      %dma_wait3A_417 = tpu.memref_squeeze %dma_wait3A_416 : memref<1x80x128xf32, #tpu.memory_space<vmem>> -> memref<80x128xf32, #tpu.memory_space<vmem>>
      %dma_wait3A_418 = arith.constant 0 : i32
      %dma_wait3A_419 = tpu.memref_slice %arg9[%add3A_23, %dma_wait3A_418] : memref<10000x128xf32, #tpu.memory_space<vmem_shared>> -> memref<80x128xf32, #tpu.memory_space<vmem_shared>>
      %dma_wait3A_420 = arith.constant 0 : i32
      %dma_wait3A_421 = tpu.memref_slice %arg9[%add3A_23, %dma_wait3A_420] : memref<10000x128xf32, #tpu.memory_space<vmem_shared>> -> memref<80x128xf32, #tpu.memory_space<vmem_shared>>
      %dma_wait3A_422 = arith.constant 0 : i32
      %dma_wait3A_423 = arith.constant 0 : i32
      %dma_wait3A_424 = tpu.memref_slice %arg8[%run_scoped3A_24, %dma_wait3A_422, %dma_wait3A_423] : memref<3x80x128xf32, #tpu.memory_space<vmem>> -> memref<1x80x128xf32, #tpu.memory_space<vmem>>
      %dma_wait3A_425 = tpu.memref_squeeze %dma_wait3A_424 : memref<1x80x128xf32, #tpu.memory_space<vmem>> -> memref<80x128xf32, #tpu.memory_space<vmem>>
      tpu.wait_dma2 semaphore(%run_scoped3A_401 : memref<!tpu.dma_semaphore, #tpu.memory_space<semaphore_mem>>) src(%dma_wait3A_425 : memref<80x128xf32, #tpu.memory_space<vmem>>) dst(%dma_wait3A_421 : memref<80x128xf32, #tpu.memory_space<vmem_shared>>)
      tpu.yield
    }) : () -> ()
    %add3A_25 = arith.constant 400 : i32
    %add3A_26 = arith.addi %mul3A_2, %add3A_25 : i32
    %run_scoped3A_27 = arith.constant 2 : i32
    "tpu.region"() ({
      %run_scoped3A_401 = tpu.sem_alloc : memref<!tpu.dma_semaphore, #tpu.memory_space<semaphore_mem>>
      %dma_start3A_402 = arith.constant 0 : i32
      %dma_start3A_403 = arith.constant 0 : i32
      %dma_start3A_404 = tpu.memref_slice %arg8[%run_scoped3A_27, %dma_start3A_402, %dma_start3A_403] : memref<3x80x128xf32, #tpu.memory_space<vmem>> -> memref<1x80x128xf32, #tpu.memory_space<vmem>>
      %dma_start3A_405 = tpu.memref_squeeze %dma_start3A_404 : memref<1x80x128xf32, #tpu.memory_space<vmem>> -> memref<80x128xf32, #tpu.memory_space<vmem>>
      %dma_start3A_406 = arith.constant 0 : i32
      %dma_start3A_407 = tpu.memref_slice %arg9[%add3A_26, %dma_start3A_406] : memref<10000x128xf32, #tpu.memory_space<vmem_shared>> -> memref<80x128xf32, #tpu.memory_space<vmem_shared>>
      %dma_start3A_408 = arith.constant 0 : i32
      %dma_start3A_409 = tpu.memref_slice %arg9[%add3A_26, %dma_start3A_408] : memref<10000x128xf32, #tpu.memory_space<vmem_shared>> -> memref<80x128xf32, #tpu.memory_space<vmem_shared>>
      %dma_start3A_410 = arith.constant 0 : i32
      %dma_start3A_411 = arith.constant 0 : i32
      %dma_start3A_412 = tpu.memref_slice %arg8[%run_scoped3A_27, %dma_start3A_410, %dma_start3A_411] : memref<3x80x128xf32, #tpu.memory_space<vmem>> -> memref<1x80x128xf32, #tpu.memory_space<vmem>>
      %dma_start3A_413 = tpu.memref_squeeze %dma_start3A_412 : memref<1x80x128xf32, #tpu.memory_space<vmem>> -> memref<80x128xf32, #tpu.memory_space<vmem>>
      tpu.enqueue_dma source(%dma_start3A_413 : memref<80x128xf32, #tpu.memory_space<vmem>>) target(%dma_start3A_409 : memref<80x128xf32, #tpu.memory_space<vmem_shared>>) target_semaphore(%run_scoped3A_401 : memref<!tpu.dma_semaphore, #tpu.memory_space<semaphore_mem>>)
      %dma_wait3A_414 = arith.constant 0 : i32
      %dma_wait3A_415 = arith.constant 0 : i32
      %dma_wait3A_416 = tpu.memref_slice %arg8[%run_scoped3A_27, %dma_wait3A_414, %dma_wait3A_415] : memref<3x80x128xf32, #tpu.memory_space<vmem>> -> memref<1x80x128xf32, #tpu.memory_space<vmem>>
      %dma_wait3A_417 = tpu.memref_squeeze %dma_wait3A_416 : memref<1x80x128xf32, #tpu.memory_space<vmem>> -> memref<80x128xf32, #tpu.memory_space<vmem>>
      %dma_wait3A_418 = arith.constant 0 : i32
      %dma_wait3A_419 = tpu.memref_slice %arg9[%add3A_26, %dma_wait3A_418] : memref<10000x128xf32, #tpu.memory_space<vmem_shared>> -> memref<80x128xf32, #tpu.memory_space<vmem_shared>>
      %dma_wait3A_420 = arith.constant 0 : i32
      %dma_wait3A_421 = tpu.memref_slice %arg9[%add3A_26, %dma_wait3A_420] : memref<10000x128xf32, #tpu.memory_space<vmem_shared>> -> memref<80x128xf32, #tpu.memory_space<vmem_shared>>
      %dma_wait3A_422 = arith.constant 0 : i32
      %dma_wait3A_423 = arith.constant 0 : i32
      %dma_wait3A_424 = tpu.memref_slice %arg8[%run_scoped3A_27, %dma_wait3A_422, %dma_wait3A_423] : memref<3x80x128xf32, #tpu.memory_space<vmem>> -> memref<1x80x128xf32, #tpu.memory_space<vmem>>
      %dma_wait3A_425 = tpu.memref_squeeze %dma_wait3A_424 : memref<1x80x128xf32, #tpu.memory_space<vmem>> -> memref<80x128xf32, #tpu.memory_space<vmem>>
      tpu.wait_dma2 semaphore(%run_scoped3A_401 : memref<!tpu.dma_semaphore, #tpu.memory_space<semaphore_mem>>) src(%dma_wait3A_425 : memref<80x128xf32, #tpu.memory_space<vmem>>) dst(%dma_wait3A_421 : memref<80x128xf32, #tpu.memory_space<vmem_shared>>)
      tpu.yield
    }) : () -> ()
    %add3A_28 = arith.constant 480 : i32
    %add3A_29 = arith.addi %mul3A_2, %add3A_28 : i32
    %run_scoped3A_30 = arith.constant 0 : i32
    "tpu.region"() ({
      %run_scoped3A_401 = tpu.sem_alloc : memref<!tpu.dma_semaphore, #tpu.memory_space<semaphore_mem>>
      %dma_start3A_402 = arith.constant 0 : i32
      %dma_start3A_403 = arith.constant 0 : i32
      %dma_start3A_404 = tpu.memref_slice %arg8[%run_scoped3A_30, %dma_start3A_402, %dma_start3A_403] : memref<3x80x128xf32, #tpu.memory_space<vmem>> -> memref<1x80x128xf32, #tpu.memory_space<vmem>>
      %dma_start3A_405 = tpu.memref_squeeze %dma_start3A_404 : memref<1x80x128xf32, #tpu.memory_space<vmem>> -> memref<80x128xf32, #tpu.memory_space<vmem>>
      %dma_start3A_406 = arith.constant 0 : i32
      %dma_start3A_407 = tpu.memref_slice %arg9[%add3A_29, %dma_start3A_406] : memref<10000x128xf32, #tpu.memory_space<vmem_shared>> -> memref<80x128xf32, #tpu.memory_space<vmem_shared>>
      %dma_start3A_408 = arith.constant 0 : i32
      %dma_start3A_409 = tpu.memref_slice %arg9[%add3A_29, %dma_start3A_408] : memref<10000x128xf32, #tpu.memory_space<vmem_shared>> -> memref<80x128xf32, #tpu.memory_space<vmem_shared>>
      %dma_start3A_410 = arith.constant 0 : i32
      %dma_start3A_411 = arith.constant 0 : i32
      %dma_start3A_412 = tpu.memref_slice %arg8[%run_scoped3A_30, %dma_start3A_410, %dma_start3A_411] : memref<3x80x128xf32, #tpu.memory_space<vmem>> -> memref<1x80x128xf32, #tpu.memory_space<vmem>>
      %dma_start3A_413 = tpu.memref_squeeze %dma_start3A_412 : memref<1x80x128xf32, #tpu.memory_space<vmem>> -> memref<80x128xf32, #tpu.memory_space<vmem>>
      tpu.enqueue_dma source(%dma_start3A_413 : memref<80x128xf32, #tpu.memory_space<vmem>>) target(%dma_start3A_409 : memref<80x128xf32, #tpu.memory_space<vmem_shared>>) target_semaphore(%run_scoped3A_401 : memref<!tpu.dma_semaphore, #tpu.memory_space<semaphore_mem>>)
      %dma_wait3A_414 = arith.constant 0 : i32
      %dma_wait3A_415 = arith.constant 0 : i32
      %dma_wait3A_416 = tpu.memref_slice %arg8[%run_scoped3A_30, %dma_wait3A_414, %dma_wait3A_415] : memref<3x80x128xf32, #tpu.memory_space<vmem>> -> memref<1x80x128xf32, #tpu.memory_space<vmem>>
      %dma_wait3A_417 = tpu.memref_squeeze %dma_wait3A_416 : memref<1x80x128xf32, #tpu.memory_space<vmem>> -> memref<80x128xf32, #tpu.memory_space<vmem>>
      %dma_wait3A_418 = arith.constant 0 : i32
      %dma_wait3A_419 = tpu.memref_slice %arg9[%add3A_29, %dma_wait3A_418] : memref<10000x128xf32, #tpu.memory_space<vmem_shared>> -> memref<80x128xf32, #tpu.memory_space<vmem_shared>>
      %dma_wait3A_420 = arith.constant 0 : i32
      %dma_wait3A_421 = tpu.memref_slice %arg9[%add3A_29, %dma_wait3A_420] : memref<10000x128xf32, #tpu.memory_space<vmem_shared>> -> memref<80x128xf32, #tpu.memory_space<vmem_shared>>
      %dma_wait3A_422 = arith.constant 0 : i32
      %dma_wait3A_423 = arith.constant 0 : i32
      %dma_wait3A_424 = tpu.memref_slice %arg8[%run_scoped3A_30, %dma_wait3A_422, %dma_wait3A_423] : memref<3x80x128xf32, #tpu.memory_space<vmem>> -> memref<1x80x128xf32, #tpu.memory_space<vmem>>
      %dma_wait3A_425 = tpu.memref_squeeze %dma_wait3A_424 : memref<1x80x128xf32, #tpu.memory_space<vmem>> -> memref<80x128xf32, #tpu.memory_space<vmem>>
      tpu.wait_dma2 semaphore(%run_scoped3A_401 : memref<!tpu.dma_semaphore, #tpu.memory_space<semaphore_mem>>) src(%dma_wait3A_425 : memref<80x128xf32, #tpu.memory_space<vmem>>) dst(%dma_wait3A_421 : memref<80x128xf32, #tpu.memory_space<vmem_shared>>)
      tpu.yield
    }) : () -> ()
    %add3A_31 = arith.constant 560 : i32
    %add3A_32 = arith.addi %mul3A_2, %add3A_31 : i32
    %run_scoped3A_33 = arith.constant 0 : i32
    "tpu.region"() ({
      %run_scoped3A_401 = tpu.sem_alloc : memref<!tpu.dma_semaphore, #tpu.memory_space<semaphore_mem>>
      %dma_start3A_402 = arith.constant 0 : i32
      %dma_start3A_403 = arith.constant 0 : i32
      %dma_start3A_404 = tpu.memref_slice %arg8[%run_scoped3A_33, %dma_start3A_402, %dma_start3A_403] : memref<3x80x128xf32, #tpu.memory_space<vmem>> -> memref<1x64x128xf32, #tpu.memory_space<vmem>>
      %dma_start3A_405 = tpu.memref_squeeze %dma_start3A_404 : memref<1x64x128xf32, #tpu.memory_space<vmem>> -> memref<64x128xf32, #tpu.memory_space<vmem>>
      %dma_start3A_406 = arith.constant 0 : i32
      %dma_start3A_407 = tpu.memref_slice %arg9[%add3A_32, %dma_start3A_406] : memref<10000x128xf32, #tpu.memory_space<vmem_shared>> -> memref<64x128xf32, #tpu.memory_space<vmem_shared>>
      %dma_start3A_408 = arith.constant 0 : i32
      %dma_start3A_409 = tpu.memref_slice %arg9[%add3A_32, %dma_start3A_408] : memref<10000x128xf32, #tpu.memory_space<vmem_shared>> -> memref<64x128xf32, #tpu.memory_space<vmem_shared>>
      %dma_start3A_410 = arith.constant 0 : i32
      %dma_start3A_411 = arith.constant 0 : i32
      %dma_start3A_412 = tpu.memref_slice %arg8[%run_scoped3A_33, %dma_start3A_410, %dma_start3A_411] : memref<3x80x128xf32, #tpu.memory_space<vmem>> -> memref<1x64x128xf32, #tpu.memory_space<vmem>>
      %dma_start3A_413 = tpu.memref_squeeze %dma_start3A_412 : memref<1x64x128xf32, #tpu.memory_space<vmem>> -> memref<64x128xf32, #tpu.memory_space<vmem>>
      tpu.enqueue_dma source(%dma_start3A_413 : memref<64x128xf32, #tpu.memory_space<vmem>>) target(%dma_start3A_409 : memref<64x128xf32, #tpu.memory_space<vmem_shared>>) target_semaphore(%run_scoped3A_401 : memref<!tpu.dma_semaphore, #tpu.memory_space<semaphore_mem>>)
      %dma_wait3A_414 = arith.constant 0 : i32
      %dma_wait3A_415 = arith.constant 0 : i32
      %dma_wait3A_416 = tpu.memref_slice %arg8[%run_scoped3A_33, %dma_wait3A_414, %dma_wait3A_415] : memref<3x80x128xf32, #tpu.memory_space<vmem>> -> memref<1x64x128xf32, #tpu.memory_space<vmem>>
      %dma_wait3A_417 = tpu.memref_squeeze %dma_wait3A_416 : memref<1x64x128xf32, #tpu.memory_space<vmem>> -> memref<64x128xf32, #tpu.memory_space<vmem>>
      %dma_wait3A_418 = arith.constant 0 : i32
      %dma_wait3A_419 = tpu.memref_slice %arg9[%add3A_32, %dma_wait3A_418] : memref<10000x128xf32, #tpu.memory_space<vmem_shared>> -> memref<64x128xf32, #tpu.memory_space<vmem_shared>>
      %dma_wait3A_420 = arith.constant 0 : i32
      %dma_wait3A_421 = tpu.memref_slice %arg9[%add3A_32, %dma_wait3A_420] : memref<10000x128xf32, #tpu.memory_space<vmem_shared>> -> memref<64x128xf32, #tpu.memory_space<vmem_shared>>
      %dma_wait3A_422 = arith.constant 0 : i32
      %dma_wait3A_423 = arith.constant 0 : i32
      %dma_wait3A_424 = tpu.memref_slice %arg8[%run_scoped3A_33, %dma_wait3A_422, %dma_wait3A_423] : memref<3x80x128xf32, #tpu.memory_space<vmem>> -> memref<1x64x128xf32, #tpu.memory_space<vmem>>
      %dma_wait3A_425 = tpu.memref_squeeze %dma_wait3A_424 : memref<1x64x128xf32, #tpu.memory_space<vmem>> -> memref<64x128xf32, #tpu.memory_space<vmem>>
      tpu.wait_dma2 semaphore(%run_scoped3A_401 : memref<!tpu.dma_semaphore, #tpu.memory_space<semaphore_mem>>) src(%dma_wait3A_425 : memref<64x128xf32, #tpu.memory_space<vmem>>) dst(%dma_wait3A_421 : memref<64x128xf32, #tpu.memory_space<vmem_shared>>)
      tpu.yield
    }) : () -> ()
    %eq3A = arith.constant 15 : i32
    %eq3A_34 = arith.cmpi eq, %arg1, %eq3A : i32
    %convert_element_type3A = arith.extui %eq3A_34 : i1 to i32
    %cond3A = arith.constant 0 : i32
    %cond3A_35 = arith.cmpi ne, %convert_element_type3A, %cond3A : i32
    scf.if %cond3A_35 {
      %run_scoped3A_401 = arith.constant 1 : i32
      "tpu.region"() ({
        %run_scoped3A_402 = tpu.sem_alloc : memref<!tpu.dma_semaphore, #tpu.memory_space<semaphore_mem>>
        %dma_start3A_403 = arith.constant 0 : i32
        %dma_start3A_404 = arith.constant 0 : i32
        %dma_start3A_405 = tpu.memref_slice %arg8[%run_scoped3A_401, %dma_start3A_403, %dma_start3A_404] : memref<3x80x128xf32, #tpu.memory_space<vmem>> -> memref<1x16x128xf32, #tpu.memory_space<vmem>>
        %dma_start3A_406 = tpu.memref_squeeze %dma_start3A_405 : memref<1x16x128xf32, #tpu.memory_space<vmem>> -> memref<16x128xf32, #tpu.memory_space<vmem>>
        %dma_start3A_407 = arith.constant 9984 : i32
        %dma_start3A_408 = arith.constant 0 : i32
        %dma_start3A_409 = tpu.memref_slice %arg9[%dma_start3A_407, %dma_start3A_408] : memref<10000x128xf32, #tpu.memory_space<vmem_shared>> -> memref<16x128xf32, #tpu.memory_space<vmem_shared>>
        %dma_start3A_410 = arith.constant 9984 : i32
        %dma_start3A_411 = arith.constant 0 : i32
        %dma_start3A_412 = tpu.memref_slice %arg9[%dma_start3A_410, %dma_start3A_411] : memref<10000x128xf32, #tpu.memory_space<vmem_shared>> -> memref<16x128xf32, #tpu.memory_space<vmem_shared>>
        %dma_start3A_413 = arith.constant 0 : i32
        %dma_start3A_414 = arith.constant 0 : i32
        %dma_start3A_415 = tpu.memref_slice %arg8[%run_scoped3A_401, %dma_start3A_413, %dma_start3A_414] : memref<3x80x128xf32, #tpu.memory_space<vmem>> -> memref<1x16x128xf32, #tpu.memory_space<vmem>>
        %dma_start3A_416 = tpu.memref_squeeze %dma_start3A_415 : memref<1x16x128xf32, #tpu.memory_space<vmem>> -> memref<16x128xf32, #tpu.memory_space<vmem>>
        tpu.enqueue_dma source(%dma_start3A_416 : memref<16x128xf32, #tpu.memory_space<vmem>>) target(%dma_start3A_412 : memref<16x128xf32, #tpu.memory_space<vmem_shared>>) target_semaphore(%run_scoped3A_402 : memref<!tpu.dma_semaphore, #tpu.memory_space<semaphore_mem>>)
        %dma_wait3A_417 = arith.constant 0 : i32
        %dma_wait3A_418 = arith.constant 0 : i32
        %dma_wait3A_419 = tpu.memref_slice %arg8[%run_scoped3A_401, %dma_wait3A_417, %dma_wait3A_418] : memref<3x80x128xf32, #tpu.memory_space<vmem>> -> memref<1x16x128xf32, #tpu.memory_space<vmem>>
        %dma_wait3A_420 = tpu.memref_squeeze %dma_wait3A_419 : memref<1x16x128xf32, #tpu.memory_space<vmem>> -> memref<16x128xf32, #tpu.memory_space<vmem>>
        %dma_wait3A_421 = arith.constant 9984 : i32
        %dma_wait3A_422 = arith.constant 0 : i32
        %dma_wait3A_423 = tpu.memref_slice %arg9[%dma_wait3A_421, %dma_wait3A_422] : memref<10000x128xf32, #tpu.memory_space<vmem_shared>> -> memref<16x128xf32, #tpu.memory_space<vmem_shared>>
        %dma_wait3A_424 = arith.constant 9984 : i32
        %dma_wait3A_425 = arith.constant 0 : i32
        %dma_wait3A_426 = tpu.memref_slice %arg9[%dma_wait3A_424, %dma_wait3A_425] : memref<10000x128xf32, #tpu.memory_space<vmem_shared>> -> memref<16x128xf32, #tpu.memory_space<vmem_shared>>
        %dma_wait3A_427 = arith.constant 0 : i32
        %dma_wait3A_428 = arith.constant 0 : i32
        %dma_wait3A_429 = tpu.memref_slice %arg8[%run_scoped3A_401, %dma_wait3A_427, %dma_wait3A_428] : memref<3x80x128xf32, #tpu.memory_space<vmem>> -> memref<1x16x128xf32, #tpu.memory_space<vmem>>
        %dma_wait3A_430 = tpu.memref_squeeze %dma_wait3A_429 : memref<1x16x128xf32, #tpu.memory_space<vmem>> -> memref<16x128xf32, #tpu.memory_space<vmem>>
        tpu.wait_dma2 semaphore(%run_scoped3A_402 : memref<!tpu.dma_semaphore, #tpu.memory_space<semaphore_mem>>) src(%dma_wait3A_430 : memref<16x128xf32, #tpu.memory_space<vmem>>) dst(%dma_wait3A_426 : memref<16x128xf32, #tpu.memory_space<vmem_shared>>)
        tpu.yield
      }) : () -> ()
    } else {
    }
    %barrier3A = arith.constant 0 : index
    tpu.barrier barrier_id(%barrier3A)
    %add3A_36 = arith.constant 0 : i32
    %add3A_37 = arith.addi %mul3A_4, %add3A_36 : i32
    %dma_start3A = arith.constant 0 : i32
    %dma_start3A_38 = arith.constant 0 : i32
    %dma_start3A_39 = tpu.memref_slice %arg7[%dma_start3A, %dma_start3A_38] : memref<3x80xi32, #tpu.memory_space<vmem>> -> memref<1x80xi32, #tpu.memory_space<vmem>>
    %dma_start3A_40 = tpu.memref_squeeze %dma_start3A_39 : memref<1x80xi32, #tpu.memory_space<vmem>> -> memref<80xi32, #tpu.memory_space<vmem>>
    %dma_start3A_41 = tpu.memref_slice %arg4[%add3A_37] : memref<320000xi32, #tpu.memory_space<hbm>> -> memref<80xi32, #tpu.memory_space<hbm>>
    %dma_start3A_42 = arith.constant 0 : i32
    %dma_start3A_43 = tpu.memref_slice %arg7[%dma_start3A, %dma_start3A_42] : memref<3x80xi32, #tpu.memory_space<vmem>> -> memref<1x80xi32, #tpu.memory_space<vmem>>
    %dma_start3A_44 = tpu.memref_squeeze %dma_start3A_43 : memref<1x80xi32, #tpu.memory_space<vmem>> -> memref<80xi32, #tpu.memory_space<vmem>>
    %dma_start3A_45 = tpu.memref_slice %arg4[%add3A_37] : memref<320000xi32, #tpu.memory_space<hbm>> -> memref<80xi32, #tpu.memory_space<hbm>>
    tpu.enqueue_dma source(%dma_start3A_45 : memref<80xi32, #tpu.memory_space<hbm>>) target(%dma_start3A_44 : memref<80xi32, #tpu.memory_space<vmem>>) target_semaphore(%arg12 : memref<!tpu.dma_semaphore, #tpu.memory_space<semaphore_mem>>)
    %dma_start3A_46 = arith.constant 0 : i32
    %dma_start3A_47 = arith.constant 0 : i32
    %dma_start3A_48 = arith.constant 0 : i32
    %dma_start3A_49 = tpu.memref_slice %arg8[%dma_start3A_46, %dma_start3A_47, %dma_start3A_48] : memref<3x80x128xf32, #tpu.memory_space<vmem>> -> memref<1x80x128xf32, #tpu.memory_space<vmem>>
    %dma_start3A_50 = tpu.memref_squeeze %dma_start3A_49 : memref<1x80x128xf32, #tpu.memory_space<vmem>> -> memref<80x128xf32, #tpu.memory_space<vmem>>
    %dma_start3A_51 = arith.constant 0 : i32
    %dma_start3A_52 = tpu.memref_slice %arg6[%dma_start3A_51] : memref<10000xi32, #tpu.memory_space<vmem>> -> memref<80xi32, #tpu.memory_space<vmem>>
    %dma_start3A_53 = arith.constant 0 : i32
    %dma_start3A_54 = arith.constant 0 : i32
    %dma_start3A_55 = tpu.memref_slice %arg2[%dma_start3A_53, %dma_start3A_54] : memref<10000x128xf32, #tpu.memory_space<hbm>> -> memref<10000x128xf32, #tpu.memory_space<hbm>>
    tpu.enqueue_indirect_dma source(%dma_start3A_55 : memref<10000x128xf32, #tpu.memory_space<hbm>>) target(%dma_start3A_50 : memref<80x128xf32, #tpu.memory_space<vmem>>) offsets(%dma_start3A_52 : memref<80xi32, #tpu.memory_space<vmem>>) semaphore(%arg10 : memref<!tpu.dma_semaphore, #tpu.memory_space<semaphore_mem>>)
    %add3A_56 = arith.constant 80 : i32
    %add3A_57 = arith.addi %mul3A_4, %add3A_56 : i32
    %dma_start3A_58 = arith.constant 1 : i32
    %dma_start3A_59 = arith.constant 0 : i32
    %dma_start3A_60 = tpu.memref_slice %arg7[%dma_start3A_58, %dma_start3A_59] : memref<3x80xi32, #tpu.memory_space<vmem>> -> memref<1x80xi32, #tpu.memory_space<vmem>>
    %dma_start3A_61 = tpu.memref_squeeze %dma_start3A_60 : memref<1x80xi32, #tpu.memory_space<vmem>> -> memref<80xi32, #tpu.memory_space<vmem>>
    %dma_start3A_62 = tpu.memref_slice %arg4[%add3A_57] : memref<320000xi32, #tpu.memory_space<hbm>> -> memref<80xi32, #tpu.memory_space<hbm>>
    %dma_start3A_63 = arith.constant 0 : i32
    %dma_start3A_64 = tpu.memref_slice %arg7[%dma_start3A_58, %dma_start3A_63] : memref<3x80xi32, #tpu.memory_space<vmem>> -> memref<1x80xi32, #tpu.memory_space<vmem>>
    %dma_start3A_65 = tpu.memref_squeeze %dma_start3A_64 : memref<1x80xi32, #tpu.memory_space<vmem>> -> memref<80xi32, #tpu.memory_space<vmem>>
    %dma_start3A_66 = tpu.memref_slice %arg4[%add3A_57] : memref<320000xi32, #tpu.memory_space<hbm>> -> memref<80xi32, #tpu.memory_space<hbm>>
    tpu.enqueue_dma source(%dma_start3A_66 : memref<80xi32, #tpu.memory_space<hbm>>) target(%dma_start3A_65 : memref<80xi32, #tpu.memory_space<vmem>>) target_semaphore(%arg12 : memref<!tpu.dma_semaphore, #tpu.memory_space<semaphore_mem>>)
    %dma_start3A_67 = arith.constant 1 : i32
    %dma_start3A_68 = arith.constant 0 : i32
    %dma_start3A_69 = arith.constant 0 : i32
    %dma_start3A_70 = tpu.memref_slice %arg8[%dma_start3A_67, %dma_start3A_68, %dma_start3A_69] : memref<3x80x128xf32, #tpu.memory_space<vmem>> -> memref<1x80x128xf32, #tpu.memory_space<vmem>>
    %dma_start3A_71 = tpu.memref_squeeze %dma_start3A_70 : memref<1x80x128xf32, #tpu.memory_space<vmem>> -> memref<80x128xf32, #tpu.memory_space<vmem>>
    %dma_start3A_72 = arith.constant 80 : i32
    %dma_start3A_73 = tpu.memref_slice %arg6[%dma_start3A_72] : memref<10000xi32, #tpu.memory_space<vmem>> -> memref<80xi32, #tpu.memory_space<vmem>>
    %dma_start3A_74 = arith.constant 0 : i32
    %dma_start3A_75 = arith.constant 0 : i32
    %dma_start3A_76 = tpu.memref_slice %arg2[%dma_start3A_74, %dma_start3A_75] : memref<10000x128xf32, #tpu.memory_space<hbm>> -> memref<10000x128xf32, #tpu.memory_space<hbm>>
    tpu.enqueue_indirect_dma source(%dma_start3A_76 : memref<10000x128xf32, #tpu.memory_space<hbm>>) target(%dma_start3A_71 : memref<80x128xf32, #tpu.memory_space<vmem>>) offsets(%dma_start3A_73 : memref<80xi32, #tpu.memory_space<vmem>>) semaphore(%arg10 : memref<!tpu.dma_semaphore, #tpu.memory_space<semaphore_mem>>)
    %add3A_77 = arith.constant 160 : i32
    %add3A_78 = arith.addi %mul3A_4, %add3A_77 : i32
    %dma_start3A_79 = arith.constant 2 : i32
    %dma_start3A_80 = arith.constant 0 : i32
    %dma_start3A_81 = tpu.memref_slice %arg7[%dma_start3A_79, %dma_start3A_80] : memref<3x80xi32, #tpu.memory_space<vmem>> -> memref<1x80xi32, #tpu.memory_space<vmem>>
    %dma_start3A_82 = tpu.memref_squeeze %dma_start3A_81 : memref<1x80xi32, #tpu.memory_space<vmem>> -> memref<80xi32, #tpu.memory_space<vmem>>
    %dma_start3A_83 = tpu.memref_slice %arg4[%add3A_78] : memref<320000xi32, #tpu.memory_space<hbm>> -> memref<80xi32, #tpu.memory_space<hbm>>
    %dma_start3A_84 = arith.constant 0 : i32
    %dma_start3A_85 = tpu.memref_slice %arg7[%dma_start3A_79, %dma_start3A_84] : memref<3x80xi32, #tpu.memory_space<vmem>> -> memref<1x80xi32, #tpu.memory_space<vmem>>
    %dma_start3A_86 = tpu.memref_squeeze %dma_start3A_85 : memref<1x80xi32, #tpu.memory_space<vmem>> -> memref<80xi32, #tpu.memory_space<vmem>>
    %dma_start3A_87 = tpu.memref_slice %arg4[%add3A_78] : memref<320000xi32, #tpu.memory_space<hbm>> -> memref<80xi32, #tpu.memory_space<hbm>>
    tpu.enqueue_dma source(%dma_start3A_87 : memref<80xi32, #tpu.memory_space<hbm>>) target(%dma_start3A_86 : memref<80xi32, #tpu.memory_space<vmem>>) target_semaphore(%arg12 : memref<!tpu.dma_semaphore, #tpu.memory_space<semaphore_mem>>)
    %dma_start3A_88 = arith.constant 2 : i32
    %dma_start3A_89 = arith.constant 0 : i32
    %dma_start3A_90 = arith.constant 0 : i32
    %dma_start3A_91 = tpu.memref_slice %arg8[%dma_start3A_88, %dma_start3A_89, %dma_start3A_90] : memref<3x80x128xf32, #tpu.memory_space<vmem>> -> memref<1x80x128xf32, #tpu.memory_space<vmem>>
    %dma_start3A_92 = tpu.memref_squeeze %dma_start3A_91 : memref<1x80x128xf32, #tpu.memory_space<vmem>> -> memref<80x128xf32, #tpu.memory_space<vmem>>
    %dma_start3A_93 = arith.constant 160 : i32
    %dma_start3A_94 = tpu.memref_slice %arg6[%dma_start3A_93] : memref<10000xi32, #tpu.memory_space<vmem>> -> memref<80xi32, #tpu.memory_space<vmem>>
    %dma_start3A_95 = arith.constant 0 : i32
    %dma_start3A_96 = arith.constant 0 : i32
    %dma_start3A_97 = tpu.memref_slice %arg2[%dma_start3A_95, %dma_start3A_96] : memref<10000x128xf32, #tpu.memory_space<hbm>> -> memref<10000x128xf32, #tpu.memory_space<hbm>>
    tpu.enqueue_indirect_dma source(%dma_start3A_97 : memref<10000x128xf32, #tpu.memory_space<hbm>>) target(%dma_start3A_92 : memref<80x128xf32, #tpu.memory_space<vmem>>) offsets(%dma_start3A_94 : memref<80xi32, #tpu.memory_space<vmem>>) semaphore(%arg10 : memref<!tpu.dma_semaphore, #tpu.memory_space<semaphore_mem>>)
    %scan3A_98 = arith.constant 0 : i32
    %scan3A_99 = arith.constant 0 : i32
    %scan3A_100 = arith.constant 40 : i32
    %scan3A_101 = arith.addi %scan3A_99, %scan3A_100 : i32
    %scan3A_102 = arith.constant 1 : i32
    scf.for %scan3A_401 = %scan3A_99 to %scan3A_101 step %scan3A_102  : i32 {
      %dma_wait3A_402 = arith.constant 0 : i32
      %dma_wait3A_403 = arith.constant 0 : i32
      %dma_wait3A_404 = tpu.memref_slice %arg7[%dma_wait3A_402, %dma_wait3A_403] : memref<3x80xi32, #tpu.memory_space<vmem>> -> memref<1x80xi32, #tpu.memory_space<vmem>>
      %dma_wait3A_405 = tpu.memref_squeeze %dma_wait3A_404 : memref<1x80xi32, #tpu.memory_space<vmem>> -> memref<80xi32, #tpu.memory_space<vmem>>
      %dma_wait3A_406 = arith.constant 0 : i32
      %dma_wait3A_407 = tpu.memref_slice %arg4[%dma_wait3A_406] : memref<320000xi32, #tpu.memory_space<hbm>> -> memref<80xi32, #tpu.memory_space<hbm>>
      %dma_wait3A_408 = arith.constant 0 : i32
      %dma_wait3A_409 = tpu.memref_slice %arg7[%dma_wait3A_402, %dma_wait3A_408] : memref<3x80xi32, #tpu.memory_space<vmem>> -> memref<1x80xi32, #tpu.memory_space<vmem>>
      %dma_wait3A_410 = tpu.memref_squeeze %dma_wait3A_409 : memref<1x80xi32, #tpu.memory_space<vmem>> -> memref<80xi32, #tpu.memory_space<vmem>>
      %dma_wait3A_411 = arith.constant 0 : i32
      %dma_wait3A_412 = tpu.memref_slice %arg4[%dma_wait3A_411] : memref<320000xi32, #tpu.memory_space<hbm>> -> memref<80xi32, #tpu.memory_space<hbm>>
      tpu.wait_dma2 semaphore(%arg12 : memref<!tpu.dma_semaphore, #tpu.memory_space<semaphore_mem>>) src(%dma_wait3A_412 : memref<80xi32, #tpu.memory_space<hbm>>) dst(%dma_wait3A_410 : memref<80xi32, #tpu.memory_space<vmem>>)
      %dma_wait3A_413 = arith.constant 0 : i32
      %dma_wait3A_414 = arith.constant 0 : i32
      %dma_wait3A_415 = arith.constant 0 : i32
      %dma_wait3A_416 = tpu.memref_slice %arg8[%dma_wait3A_413, %dma_wait3A_414, %dma_wait3A_415] : memref<3x80x128xf32, #tpu.memory_space<vmem>> -> memref<1x80x128xf32, #tpu.memory_space<vmem>>
      %dma_wait3A_417 = tpu.memref_squeeze %dma_wait3A_416 : memref<1x80x128xf32, #tpu.memory_space<vmem>> -> memref<80x128xf32, #tpu.memory_space<vmem>>
      %dma_wait3A_418 = arith.constant 0 : i32
      %dma_wait3A_419 = arith.constant 0 : i32
      %dma_wait3A_420 = tpu.memref_slice %arg2[%dma_wait3A_418, %dma_wait3A_419] : memref<10000x128xf32, #tpu.memory_space<hbm>> -> memref<80x128xf32, #tpu.memory_space<hbm>>
      %dma_wait3A_421 = arith.constant 0 : i32
      %dma_wait3A_422 = arith.constant 0 : i32
      %dma_wait3A_423 = tpu.memref_slice %arg8[%dma_wait3A_413, %dma_wait3A_421, %dma_wait3A_422] : memref<3x80x128xf32, #tpu.memory_space<vmem>> -> memref<1x80x128xf32, #tpu.memory_space<vmem>>
      %dma_wait3A_424 = tpu.memref_squeeze %dma_wait3A_423 : memref<1x80x128xf32, #tpu.memory_space<vmem>> -> memref<80x128xf32, #tpu.memory_space<vmem>>
      %dma_wait3A_425 = arith.constant 0 : i32
      %dma_wait3A_426 = arith.constant 0 : i32
      %dma_wait3A_427 = tpu.memref_slice %arg2[%dma_wait3A_425, %dma_wait3A_426] : memref<10000x128xf32, #tpu.memory_space<hbm>> -> memref<80x128xf32, #tpu.memory_space<hbm>>
      tpu.wait_dma2 semaphore(%arg10 : memref<!tpu.dma_semaphore, #tpu.memory_space<semaphore_mem>>) src(%dma_wait3A_427 : memref<80x128xf32, #tpu.memory_space<hbm>>) dst(%dma_wait3A_424 : memref<80x128xf32, #tpu.memory_space<vmem>>)
      %dma_start3A_428 = arith.constant 0 : i32
      %dma_start3A_429 = arith.constant 0 : i32
      %dma_start3A_430 = arith.constant 0 : i32
      %dma_start3A_431 = arith.constant 0 : i32
      %dma_start3A_432 = tpu.memref_slice %arg8[%dma_start3A_428, %dma_start3A_430, %dma_start3A_431] : memref<3x80x128xf32, #tpu.memory_space<vmem>> -> memref<1x80x128xf32, #tpu.memory_space<vmem>>
      %dma_start3A_433 = tpu.memref_squeeze %dma_start3A_432 : memref<1x80x128xf32, #tpu.memory_space<vmem>> -> memref<80x128xf32, #tpu.memory_space<vmem>>
      %dma_start3A_434 = arith.constant 0 : i32
      %dma_start3A_435 = tpu.memref_slice %arg7[%dma_start3A_429, %dma_start3A_434] : memref<3x80xi32, #tpu.memory_space<vmem>> -> memref<1x80xi32, #tpu.memory_space<vmem>>
      %dma_start3A_436 = tpu.memref_squeeze %dma_start3A_435 : memref<1x80xi32, #tpu.memory_space<vmem>> -> memref<80xi32, #tpu.memory_space<vmem>>
      %dma_start3A_437 = arith.constant 0 : i32
      %dma_start3A_438 = arith.constant 0 : i32
      %dma_start3A_439 = tpu.memref_slice %arg9[%dma_start3A_437, %dma_start3A_438] : memref<10000x128xf32, #tpu.memory_space<vmem_shared>> -> memref<10000x128xf32, #tpu.memory_space<vmem_shared>>
      tpu.enqueue_indirect_dma source(%dma_start3A_433 : memref<80x128xf32, #tpu.memory_space<vmem>>) target(%dma_start3A_439 : memref<10000x128xf32, #tpu.memory_space<vmem_shared>>) offsets(%dma_start3A_436 : memref<80xi32, #tpu.memory_space<vmem>>) semaphore(%arg11 : memref<!tpu.dma_semaphore, #tpu.memory_space<semaphore_mem>>) {add = true}
      %dma_wait3A_440 = arith.constant 1 : i32
      %dma_wait3A_441 = arith.constant 0 : i32
      %dma_wait3A_442 = tpu.memref_slice %arg7[%dma_wait3A_440, %dma_wait3A_441] : memref<3x80xi32, #tpu.memory_space<vmem>> -> memref<1x80xi32, #tpu.memory_space<vmem>>
      %dma_wait3A_443 = tpu.memref_squeeze %dma_wait3A_442 : memref<1x80xi32, #tpu.memory_space<vmem>> -> memref<80xi32, #tpu.memory_space<vmem>>
      %dma_wait3A_444 = arith.constant 0 : i32
      %dma_wait3A_445 = tpu.memref_slice %arg4[%dma_wait3A_444] : memref<320000xi32, #tpu.memory_space<hbm>> -> memref<80xi32, #tpu.memory_space<hbm>>
      %dma_wait3A_446 = arith.constant 0 : i32
      %dma_wait3A_447 = tpu.memref_slice %arg7[%dma_wait3A_440, %dma_wait3A_446] : memref<3x80xi32, #tpu.memory_space<vmem>> -> memref<1x80xi32, #tpu.memory_space<vmem>>
      %dma_wait3A_448 = tpu.memref_squeeze %dma_wait3A_447 : memref<1x80xi32, #tpu.memory_space<vmem>> -> memref<80xi32, #tpu.memory_space<vmem>>
      %dma_wait3A_449 = arith.constant 0 : i32
      %dma_wait3A_450 = tpu.memref_slice %arg4[%dma_wait3A_449] : memref<320000xi32, #tpu.memory_space<hbm>> -> memref<80xi32, #tpu.memory_space<hbm>>
      tpu.wait_dma2 semaphore(%arg12 : memref<!tpu.dma_semaphore, #tpu.memory_space<semaphore_mem>>) src(%dma_wait3A_450 : memref<80xi32, #tpu.memory_space<hbm>>) dst(%dma_wait3A_448 : memref<80xi32, #tpu.memory_space<vmem>>)
      %dma_wait3A_451 = arith.constant 1 : i32
      %dma_wait3A_452 = arith.constant 0 : i32
      %dma_wait3A_453 = arith.constant 0 : i32
      %dma_wait3A_454 = tpu.memref_slice %arg8[%dma_wait3A_451, %dma_wait3A_452, %dma_wait3A_453] : memref<3x80x128xf32, #tpu.memory_space<vmem>> -> memref<1x80x128xf32, #tpu.memory_space<vmem>>
      %dma_wait3A_455 = tpu.memref_squeeze %dma_wait3A_454 : memref<1x80x128xf32, #tpu.memory_space<vmem>> -> memref<80x128xf32, #tpu.memory_space<vmem>>
      %dma_wait3A_456 = arith.constant 0 : i32
      %dma_wait3A_457 = arith.constant 0 : i32
      %dma_wait3A_458 = tpu.memref_slice %arg2[%dma_wait3A_456, %dma_wait3A_457] : memref<10000x128xf32, #tpu.memory_space<hbm>> -> memref<80x128xf32, #tpu.memory_space<hbm>>
      %dma_wait3A_459 = arith.constant 0 : i32
      %dma_wait3A_460 = arith.constant 0 : i32
      %dma_wait3A_461 = tpu.memref_slice %arg8[%dma_wait3A_451, %dma_wait3A_459, %dma_wait3A_460] : memref<3x80x128xf32, #tpu.memory_space<vmem>> -> memref<1x80x128xf32, #tpu.memory_space<vmem>>
      %dma_wait3A_462 = tpu.memref_squeeze %dma_wait3A_461 : memref<1x80x128xf32, #tpu.memory_space<vmem>> -> memref<80x128xf32, #tpu.memory_space<vmem>>
      %dma_wait3A_463 = arith.constant 0 : i32
      %dma_wait3A_464 = arith.constant 0 : i32
      %dma_wait3A_465 = tpu.memref_slice %arg2[%dma_wait3A_463, %dma_wait3A_464] : memref<10000x128xf32, #tpu.memory_space<hbm>> -> memref<80x128xf32, #tpu.memory_space<hbm>>
      tpu.wait_dma2 semaphore(%arg10 : memref<!tpu.dma_semaphore, #tpu.memory_space<semaphore_mem>>) src(%dma_wait3A_465 : memref<80x128xf32, #tpu.memory_space<hbm>>) dst(%dma_wait3A_462 : memref<80x128xf32, #tpu.memory_space<vmem>>)
      %dma_start3A_466 = arith.constant 1 : i32
      %dma_start3A_467 = arith.constant 1 : i32
      %dma_start3A_468 = arith.constant 0 : i32
      %dma_start3A_469 = arith.constant 0 : i32
      %dma_start3A_470 = tpu.memref_slice %arg8[%dma_start3A_466, %dma_start3A_468, %dma_start3A_469] : memref<3x80x128xf32, #tpu.memory_space<vmem>> -> memref<1x80x128xf32, #tpu.memory_space<vmem>>
      %dma_start3A_471 = tpu.memref_squeeze %dma_start3A_470 : memref<1x80x128xf32, #tpu.memory_space<vmem>> -> memref<80x128xf32, #tpu.memory_space<vmem>>
      %dma_start3A_472 = arith.constant 0 : i32
      %dma_start3A_473 = tpu.memref_slice %arg7[%dma_start3A_467, %dma_start3A_472] : memref<3x80xi32, #tpu.memory_space<vmem>> -> memref<1x80xi32, #tpu.memory_space<vmem>>
      %dma_start3A_474 = tpu.memref_squeeze %dma_start3A_473 : memref<1x80xi32, #tpu.memory_space<vmem>> -> memref<80xi32, #tpu.memory_space<vmem>>
      %dma_start3A_475 = arith.constant 0 : i32
      %dma_start3A_476 = arith.constant 0 : i32
      %dma_start3A_477 = tpu.memref_slice %arg9[%dma_start3A_475, %dma_start3A_476] : memref<10000x128xf32, #tpu.memory_space<vmem_shared>> -> memref<10000x128xf32, #tpu.memory_space<vmem_shared>>
      tpu.enqueue_indirect_dma source(%dma_start3A_471 : memref<80x128xf32, #tpu.memory_space<vmem>>) target(%dma_start3A_477 : memref<10000x128xf32, #tpu.memory_space<vmem_shared>>) offsets(%dma_start3A_474 : memref<80xi32, #tpu.memory_space<vmem>>) semaphore(%arg11 : memref<!tpu.dma_semaphore, #tpu.memory_space<semaphore_mem>>) {add = true}
      %dma_wait3A_478 = arith.constant 2 : i32
      %dma_wait3A_479 = arith.constant 0 : i32
      %dma_wait3A_480 = tpu.memref_slice %arg7[%dma_wait3A_478, %dma_wait3A_479] : memref<3x80xi32, #tpu.memory_space<vmem>> -> memref<1x80xi32, #tpu.memory_space<vmem>>
      %dma_wait3A_481 = tpu.memref_squeeze %dma_wait3A_480 : memref<1x80xi32, #tpu.memory_space<vmem>> -> memref<80xi32, #tpu.memory_space<vmem>>
      %dma_wait3A_482 = arith.constant 0 : i32
      %dma_wait3A_483 = tpu.memref_slice %arg4[%dma_wait3A_482] : memref<320000xi32, #tpu.memory_space<hbm>> -> memref<80xi32, #tpu.memory_space<hbm>>
      %dma_wait3A_484 = arith.constant 0 : i32
      %dma_wait3A_485 = tpu.memref_slice %arg7[%dma_wait3A_478, %dma_wait3A_484] : memref<3x80xi32, #tpu.memory_space<vmem>> -> memref<1x80xi32, #tpu.memory_space<vmem>>
      %dma_wait3A_486 = tpu.memref_squeeze %dma_wait3A_485 : memref<1x80xi32, #tpu.memory_space<vmem>> -> memref<80xi32, #tpu.memory_space<vmem>>
      %dma_wait3A_487 = arith.constant 0 : i32
      %dma_wait3A_488 = tpu.memref_slice %arg4[%dma_wait3A_487] : memref<320000xi32, #tpu.memory_space<hbm>> -> memref<80xi32, #tpu.memory_space<hbm>>
      tpu.wait_dma2 semaphore(%arg12 : memref<!tpu.dma_semaphore, #tpu.memory_space<semaphore_mem>>) src(%dma_wait3A_488 : memref<80xi32, #tpu.memory_space<hbm>>) dst(%dma_wait3A_486 : memref<80xi32, #tpu.memory_space<vmem>>)
      %dma_wait3A_489 = arith.constant 2 : i32
      %dma_wait3A_490 = arith.constant 0 : i32
      %dma_wait3A_491 = arith.constant 0 : i32
      %dma_wait3A_492 = tpu.memref_slice %arg8[%dma_wait3A_489, %dma_wait3A_490, %dma_wait3A_491] : memref<3x80x128xf32, #tpu.memory_space<vmem>> -> memref<1x80x128xf32, #tpu.memory_space<vmem>>
      %dma_wait3A_493 = tpu.memref_squeeze %dma_wait3A_492 : memref<1x80x128xf32, #tpu.memory_space<vmem>> -> memref<80x128xf32, #tpu.memory_space<vmem>>
      %dma_wait3A_494 = arith.constant 0 : i32
      %dma_wait3A_495 = arith.constant 0 : i32
      %dma_wait3A_496 = tpu.memref_slice %arg2[%dma_wait3A_494, %dma_wait3A_495] : memref<10000x128xf32, #tpu.memory_space<hbm>> -> memref<80x128xf32, #tpu.memory_space<hbm>>
      %dma_wait3A_497 = arith.constant 0 : i32
      %dma_wait3A_498 = arith.constant 0 : i32
      %dma_wait3A_499 = tpu.memref_slice %arg8[%dma_wait3A_489, %dma_wait3A_497, %dma_wait3A_498] : memref<3x80x128xf32, #tpu.memory_space<vmem>> -> memref<1x80x128xf32, #tpu.memory_space<vmem>>
      %dma_wait3A_500 = tpu.memref_squeeze %dma_wait3A_499 : memref<1x80x128xf32, #tpu.memory_space<vmem>> -> memref<80x128xf32, #tpu.memory_space<vmem>>
      %dma_wait3A_501 = arith.constant 0 : i32
      %dma_wait3A_502 = arith.constant 0 : i32
      %dma_wait3A_503 = tpu.memref_slice %arg2[%dma_wait3A_501, %dma_wait3A_502] : memref<10000x128xf32, #tpu.memory_space<hbm>> -> memref<80x128xf32, #tpu.memory_space<hbm>>
      tpu.wait_dma2 semaphore(%arg10 : memref<!tpu.dma_semaphore, #tpu.memory_space<semaphore_mem>>) src(%dma_wait3A_503 : memref<80x128xf32, #tpu.memory_space<hbm>>) dst(%dma_wait3A_500 : memref<80x128xf32, #tpu.memory_space<vmem>>)
      %dma_start3A_504 = arith.constant 2 : i32
      %dma_start3A_505 = arith.constant 2 : i32
      %dma_start3A_506 = arith.constant 0 : i32
      %dma_start3A_507 = arith.constant 0 : i32
      %dma_start3A_508 = tpu.memref_slice %arg8[%dma_start3A_504, %dma_start3A_506, %dma_start3A_507] : memref<3x80x128xf32, #tpu.memory_space<vmem>> -> memref<1x80x128xf32, #tpu.memory_space<vmem>>
      %dma_start3A_509 = tpu.memref_squeeze %dma_start3A_508 : memref<1x80x128xf32, #tpu.memory_space<vmem>> -> memref<80x128xf32, #tpu.memory_space<vmem>>
      %dma_start3A_510 = arith.constant 0 : i32
      %dma_start3A_511 = tpu.memref_slice %arg7[%dma_start3A_505, %dma_start3A_510] : memref<3x80xi32, #tpu.memory_space<vmem>> -> memref<1x80xi32, #tpu.memory_space<vmem>>
      %dma_start3A_512 = tpu.memref_squeeze %dma_start3A_511 : memref<1x80xi32, #tpu.memory_space<vmem>> -> memref<80xi32, #tpu.memory_space<vmem>>
      %dma_start3A_513 = arith.constant 0 : i32
      %dma_start3A_514 = arith.constant 0 : i32
      %dma_start3A_515 = tpu.memref_slice %arg9[%dma_start3A_513, %dma_start3A_514] : memref<10000x128xf32, #tpu.memory_space<vmem_shared>> -> memref<10000x128xf32, #tpu.memory_space<vmem_shared>>
      tpu.enqueue_indirect_dma source(%dma_start3A_509 : memref<80x128xf32, #tpu.memory_space<vmem>>) target(%dma_start3A_515 : memref<10000x128xf32, #tpu.memory_space<vmem_shared>>) offsets(%dma_start3A_512 : memref<80xi32, #tpu.memory_space<vmem>>) semaphore(%arg11 : memref<!tpu.dma_semaphore, #tpu.memory_space<semaphore_mem>>) {add = true}
      %dma_wait3A_516 = arith.constant 0 : i32
      %dma_wait3A_517 = arith.constant 0 : i32
      %dma_wait3A_518 = arith.constant 0 : i32
      %dma_wait3A_519 = arith.constant 0 : i32
      %dma_wait3A_520 = tpu.memref_slice %arg8[%dma_wait3A_516, %dma_wait3A_518, %dma_wait3A_519] : memref<3x80x128xf32, #tpu.memory_space<vmem>> -> memref<1x80x128xf32, #tpu.memory_space<vmem>>
      %dma_wait3A_521 = tpu.memref_squeeze %dma_wait3A_520 : memref<1x80x128xf32, #tpu.memory_space<vmem>> -> memref<80x128xf32, #tpu.memory_space<vmem>>
      %dma_wait3A_522 = arith.constant 0 : i32
      %dma_wait3A_523 = tpu.memref_slice %arg7[%dma_wait3A_517, %dma_wait3A_522] : memref<3x80xi32, #tpu.memory_space<vmem>> -> memref<1x80xi32, #tpu.memory_space<vmem>>
      %dma_wait3A_524 = tpu.memref_squeeze %dma_wait3A_523 : memref<1x80xi32, #tpu.memory_space<vmem>> -> memref<80xi32, #tpu.memory_space<vmem>>
      %dma_wait3A_525 = arith.constant 0 : i32
      %dma_wait3A_526 = arith.constant 0 : i32
      %dma_wait3A_527 = tpu.memref_slice %arg9[%dma_wait3A_525, %dma_wait3A_526] : memref<10000x128xf32, #tpu.memory_space<vmem_shared>> -> memref<10000x128xf32, #tpu.memory_space<vmem_shared>>
      tpu.wait_indirect_dma semaphore(%arg11 : memref<!tpu.dma_semaphore, #tpu.memory_space<semaphore_mem>>) src(%dma_wait3A_521 : memref<80x128xf32, #tpu.memory_space<vmem>>) dst(%dma_wait3A_527 : memref<10000x128xf32, #tpu.memory_space<vmem_shared>>)
      %add3A_528 = arith.constant 1 : i32
      %add3A_529 = arith.addi %scan3A_401, %add3A_528 : i32
      %mul3A_530 = arith.constant 3 : i32
      %mul3A_531 = arith.muli %add3A_529, %mul3A_530 : i32
      %add3A_532 = arith.constant 0 : i32
      %add3A_533 = arith.addi %mul3A_531, %add3A_532 : i32
      %mul3A_534 = arith.constant 80 : i32
      %mul3A_535 = arith.muli %add3A_533, %mul3A_534 : i32
      %add3A_536 = arith.addi %mul3A_4, %mul3A_535 : i32
      %dma_start3A_537 = arith.constant 0 : i32
      %dma_start3A_538 = arith.constant 0 : i32
      %dma_start3A_539 = tpu.memref_slice %arg7[%dma_start3A_537, %dma_start3A_538] : memref<3x80xi32, #tpu.memory_space<vmem>> -> memref<1x80xi32, #tpu.memory_space<vmem>>
      %dma_start3A_540 = tpu.memref_squeeze %dma_start3A_539 : memref<1x80xi32, #tpu.memory_space<vmem>> -> memref<80xi32, #tpu.memory_space<vmem>>
      %dma_start3A_541 = tpu.memref_slice %arg4[%add3A_536] : memref<320000xi32, #tpu.memory_space<hbm>> -> memref<80xi32, #tpu.memory_space<hbm>>
      %dma_start3A_542 = arith.constant 0 : i32
      %dma_start3A_543 = tpu.memref_slice %arg7[%dma_start3A_537, %dma_start3A_542] : memref<3x80xi32, #tpu.memory_space<vmem>> -> memref<1x80xi32, #tpu.memory_space<vmem>>
      %dma_start3A_544 = tpu.memref_squeeze %dma_start3A_543 : memref<1x80xi32, #tpu.memory_space<vmem>> -> memref<80xi32, #tpu.memory_space<vmem>>
      %dma_start3A_545 = tpu.memref_slice %arg4[%add3A_536] : memref<320000xi32, #tpu.memory_space<hbm>> -> memref<80xi32, #tpu.memory_space<hbm>>
      tpu.enqueue_dma source(%dma_start3A_545 : memref<80xi32, #tpu.memory_space<hbm>>) target(%dma_start3A_544 : memref<80xi32, #tpu.memory_space<vmem>>) target_semaphore(%arg12 : memref<!tpu.dma_semaphore, #tpu.memory_space<semaphore_mem>>)
      %mul3A_546 = arith.constant 80 : i32
      %mul3A_547 = arith.muli %add3A_533, %mul3A_546 : i32
      %dma_start3A_548 = arith.constant 0 : i32
      %dma_start3A_549 = arith.constant 0 : i32
      %dma_start3A_550 = arith.constant 0 : i32
      %dma_start3A_551 = tpu.memref_slice %arg8[%dma_start3A_548, %dma_start3A_549, %dma_start3A_550] : memref<3x80x128xf32, #tpu.memory_space<vmem>> -> memref<1x80x128xf32, #tpu.memory_space<vmem>>
      %dma_start3A_552 = tpu.memref_squeeze %dma_start3A_551 : memref<1x80x128xf32, #tpu.memory_space<vmem>> -> memref<80x128xf32, #tpu.memory_space<vmem>>
      %dma_start3A_553 = tpu.memref_slice %arg6[%mul3A_547] : memref<10000xi32, #tpu.memory_space<vmem>> -> memref<80xi32, #tpu.memory_space<vmem>>
      %dma_start3A_554 = arith.constant 0 : i32
      %dma_start3A_555 = arith.constant 0 : i32
      %dma_start3A_556 = tpu.memref_slice %arg2[%dma_start3A_554, %dma_start3A_555] : memref<10000x128xf32, #tpu.memory_space<hbm>> -> memref<10000x128xf32, #tpu.memory_space<hbm>>
      tpu.enqueue_indirect_dma source(%dma_start3A_556 : memref<10000x128xf32, #tpu.memory_space<hbm>>) target(%dma_start3A_552 : memref<80x128xf32, #tpu.memory_space<vmem>>) offsets(%dma_start3A_553 : memref<80xi32, #tpu.memory_space<vmem>>) semaphore(%arg10 : memref<!tpu.dma_semaphore, #tpu.memory_space<semaphore_mem>>)
      %dma_wait3A_557 = arith.constant 1 : i32
      %dma_wait3A_558 = arith.constant 1 : i32
      %dma_wait3A_559 = arith.constant 0 : i32
      %dma_wait3A_560 = arith.constant 0 : i32
      %dma_wait3A_561 = tpu.memref_slice %arg8[%dma_wait3A_557, %dma_wait3A_559, %dma_wait3A_560] : memref<3x80x128xf32, #tpu.memory_space<vmem>> -> memref<1x80x128xf32, #tpu.memory_space<vmem>>
      %dma_wait3A_562 = tpu.memref_squeeze %dma_wait3A_561 : memref<1x80x128xf32, #tpu.memory_space<vmem>> -> memref<80x128xf32, #tpu.memory_space<vmem>>
      %dma_wait3A_563 = arith.constant 0 : i32
      %dma_wait3A_564 = tpu.memref_slice %arg7[%dma_wait3A_558, %dma_wait3A_563] : memref<3x80xi32, #tpu.memory_space<vmem>> -> memref<1x80xi32, #tpu.memory_space<vmem>>
      %dma_wait3A_565 = tpu.memref_squeeze %dma_wait3A_564 : memref<1x80xi32, #tpu.memory_space<vmem>> -> memref<80xi32, #tpu.memory_space<vmem>>
      %dma_wait3A_566 = arith.constant 0 : i32
      %dma_wait3A_567 = arith.constant 0 : i32
      %dma_wait3A_568 = tpu.memref_slice %arg9[%dma_wait3A_566, %dma_wait3A_567] : memref<10000x128xf32, #tpu.memory_space<vmem_shared>> -> memref<10000x128xf32, #tpu.memory_space<vmem_shared>>
      tpu.wait_indirect_dma semaphore(%arg11 : memref<!tpu.dma_semaphore, #tpu.memory_space<semaphore_mem>>) src(%dma_wait3A_562 : memref<80x128xf32, #tpu.memory_space<vmem>>) dst(%dma_wait3A_568 : memref<10000x128xf32, #tpu.memory_space<vmem_shared>>)
      %add3A_569 = arith.constant 1 : i32
      %add3A_570 = arith.addi %scan3A_401, %add3A_569 : i32
      %mul3A_571 = arith.constant 3 : i32
      %mul3A_572 = arith.muli %add3A_570, %mul3A_571 : i32
      %add3A_573 = arith.constant 1 : i32
      %add3A_574 = arith.addi %mul3A_572, %add3A_573 : i32
      %mul3A_575 = arith.constant 80 : i32
      %mul3A_576 = arith.muli %add3A_574, %mul3A_575 : i32
      %add3A_577 = arith.addi %mul3A_4, %mul3A_576 : i32
      %dma_start3A_578 = arith.constant 1 : i32
      %dma_start3A_579 = arith.constant 0 : i32
      %dma_start3A_580 = tpu.memref_slice %arg7[%dma_start3A_578, %dma_start3A_579] : memref<3x80xi32, #tpu.memory_space<vmem>> -> memref<1x80xi32, #tpu.memory_space<vmem>>
      %dma_start3A_581 = tpu.memref_squeeze %dma_start3A_580 : memref<1x80xi32, #tpu.memory_space<vmem>> -> memref<80xi32, #tpu.memory_space<vmem>>
      %dma_start3A_582 = tpu.memref_slice %arg4[%add3A_577] : memref<320000xi32, #tpu.memory_space<hbm>> -> memref<80xi32, #tpu.memory_space<hbm>>
      %dma_start3A_583 = arith.constant 0 : i32
      %dma_start3A_584 = tpu.memref_slice %arg7[%dma_start3A_578, %dma_start3A_583] : memref<3x80xi32, #tpu.memory_space<vmem>> -> memref<1x80xi32, #tpu.memory_space<vmem>>
      %dma_start3A_585 = tpu.memref_squeeze %dma_start3A_584 : memref<1x80xi32, #tpu.memory_space<vmem>> -> memref<80xi32, #tpu.memory_space<vmem>>
      %dma_start3A_586 = tpu.memref_slice %arg4[%add3A_577] : memref<320000xi32, #tpu.memory_space<hbm>> -> memref<80xi32, #tpu.memory_space<hbm>>
      tpu.enqueue_dma source(%dma_start3A_586 : memref<80xi32, #tpu.memory_space<hbm>>) target(%dma_start3A_585 : memref<80xi32, #tpu.memory_space<vmem>>) target_semaphore(%arg12 : memref<!tpu.dma_semaphore, #tpu.memory_space<semaphore_mem>>)
      %mul3A_587 = arith.constant 80 : i32
      %mul3A_588 = arith.muli %add3A_574, %mul3A_587 : i32
      %dma_start3A_589 = arith.constant 1 : i32
      %dma_start3A_590 = arith.constant 0 : i32
      %dma_start3A_591 = arith.constant 0 : i32
      %dma_start3A_592 = tpu.memref_slice %arg8[%dma_start3A_589, %dma_start3A_590, %dma_start3A_591] : memref<3x80x128xf32, #tpu.memory_space<vmem>> -> memref<1x80x128xf32, #tpu.memory_space<vmem>>
      %dma_start3A_593 = tpu.memref_squeeze %dma_start3A_592 : memref<1x80x128xf32, #tpu.memory_space<vmem>> -> memref<80x128xf32, #tpu.memory_space<vmem>>
      %dma_start3A_594 = tpu.memref_slice %arg6[%mul3A_588] : memref<10000xi32, #tpu.memory_space<vmem>> -> memref<80xi32, #tpu.memory_space<vmem>>
      %dma_start3A_595 = arith.constant 0 : i32
      %dma_start3A_596 = arith.constant 0 : i32
      %dma_start3A_597 = tpu.memref_slice %arg2[%dma_start3A_595, %dma_start3A_596] : memref<10000x128xf32, #tpu.memory_space<hbm>> -> memref<10000x128xf32, #tpu.memory_space<hbm>>
      tpu.enqueue_indirect_dma source(%dma_start3A_597 : memref<10000x128xf32, #tpu.memory_space<hbm>>) target(%dma_start3A_593 : memref<80x128xf32, #tpu.memory_space<vmem>>) offsets(%dma_start3A_594 : memref<80xi32, #tpu.memory_space<vmem>>) semaphore(%arg10 : memref<!tpu.dma_semaphore, #tpu.memory_space<semaphore_mem>>)
      %dma_wait3A_598 = arith.constant 2 : i32
      %dma_wait3A_599 = arith.constant 2 : i32
      %dma_wait3A_600 = arith.constant 0 : i32
      %dma_wait3A_601 = arith.constant 0 : i32
      %dma_wait3A_602 = tpu.memref_slice %arg8[%dma_wait3A_598, %dma_wait3A_600, %dma_wait3A_601] : memref<3x80x128xf32, #tpu.memory_space<vmem>> -> memref<1x80x128xf32, #tpu.memory_space<vmem>>
      %dma_wait3A_603 = tpu.memref_squeeze %dma_wait3A_602 : memref<1x80x128xf32, #tpu.memory_space<vmem>> -> memref<80x128xf32, #tpu.memory_space<vmem>>
      %dma_wait3A_604 = arith.constant 0 : i32
      %dma_wait3A_605 = tpu.memref_slice %arg7[%dma_wait3A_599, %dma_wait3A_604] : memref<3x80xi32, #tpu.memory_space<vmem>> -> memref<1x80xi32, #tpu.memory_space<vmem>>
      %dma_wait3A_606 = tpu.memref_squeeze %dma_wait3A_605 : memref<1x80xi32, #tpu.memory_space<vmem>> -> memref<80xi32, #tpu.memory_space<vmem>>
      %dma_wait3A_607 = arith.constant 0 : i32
      %dma_wait3A_608 = arith.constant 0 : i32
      %dma_wait3A_609 = tpu.memref_slice %arg9[%dma_wait3A_607, %dma_wait3A_608] : memref<10000x128xf32, #tpu.memory_space<vmem_shared>> -> memref<10000x128xf32, #tpu.memory_space<vmem_shared>>
      tpu.wait_indirect_dma semaphore(%arg11 : memref<!tpu.dma_semaphore, #tpu.memory_space<semaphore_mem>>) src(%dma_wait3A_603 : memref<80x128xf32, #tpu.memory_space<vmem>>) dst(%dma_wait3A_609 : memref<10000x128xf32, #tpu.memory_space<vmem_shared>>)
      %add3A_610 = arith.constant 1 : i32
      %add3A_611 = arith.addi %scan3A_401, %add3A_610 : i32
      %mul3A_612 = arith.constant 3 : i32
      %mul3A_613 = arith.muli %add3A_611, %mul3A_612 : i32
      %add3A_614 = arith.constant 2 : i32
      %add3A_615 = arith.addi %mul3A_613, %add3A_614 : i32
      %mul3A_616 = arith.constant 80 : i32
      %mul3A_617 = arith.muli %add3A_615, %mul3A_616 : i32
      %add3A_618 = arith.addi %mul3A_4, %mul3A_617 : i32
      %dma_start3A_619 = arith.constant 2 : i32
      %dma_start3A_620 = arith.constant 0 : i32
      %dma_start3A_621 = tpu.memref_slice %arg7[%dma_start3A_619, %dma_start3A_620] : memref<3x80xi32, #tpu.memory_space<vmem>> -> memref<1x80xi32, #tpu.memory_space<vmem>>
      %dma_start3A_622 = tpu.memref_squeeze %dma_start3A_621 : memref<1x80xi32, #tpu.memory_space<vmem>> -> memref<80xi32, #tpu.memory_space<vmem>>
      %dma_start3A_623 = tpu.memref_slice %arg4[%add3A_618] : memref<320000xi32, #tpu.memory_space<hbm>> -> memref<80xi32, #tpu.memory_space<hbm>>
      %dma_start3A_624 = arith.constant 0 : i32
      %dma_start3A_625 = tpu.memref_slice %arg7[%dma_start3A_619, %dma_start3A_624] : memref<3x80xi32, #tpu.memory_space<vmem>> -> memref<1x80xi32, #tpu.memory_space<vmem>>
      %dma_start3A_626 = tpu.memref_squeeze %dma_start3A_625 : memref<1x80xi32, #tpu.memory_space<vmem>> -> memref<80xi32, #tpu.memory_space<vmem>>
      %dma_start3A_627 = tpu.memref_slice %arg4[%add3A_618] : memref<320000xi32, #tpu.memory_space<hbm>> -> memref<80xi32, #tpu.memory_space<hbm>>
      tpu.enqueue_dma source(%dma_start3A_627 : memref<80xi32, #tpu.memory_space<hbm>>) target(%dma_start3A_626 : memref<80xi32, #tpu.memory_space<vmem>>) target_semaphore(%arg12 : memref<!tpu.dma_semaphore, #tpu.memory_space<semaphore_mem>>)
      %mul3A_628 = arith.constant 80 : i32
      %mul3A_629 = arith.muli %add3A_615, %mul3A_628 : i32
      %dma_start3A_630 = arith.constant 2 : i32
      %dma_start3A_631 = arith.constant 0 : i32
      %dma_start3A_632 = arith.constant 0 : i32
      %dma_start3A_633 = tpu.memref_slice %arg8[%dma_start3A_630, %dma_start3A_631, %dma_start3A_632] : memref<3x80x128xf32, #tpu.memory_space<vmem>> -> memref<1x80x128xf32, #tpu.memory_space<vmem>>
      %dma_start3A_634 = tpu.memref_squeeze %dma_start3A_633 : memref<1x80x128xf32, #tpu.memory_space<vmem>> -> memref<80x128xf32, #tpu.memory_space<vmem>>
      %dma_start3A_635 = tpu.memref_slice %arg6[%mul3A_629] : memref<10000xi32, #tpu.memory_space<vmem>> -> memref<80xi32, #tpu.memory_space<vmem>>
      %dma_start3A_636 = arith.constant 0 : i32
      %dma_start3A_637 = arith.constant 0 : i32
      %dma_start3A_638 = tpu.memref_slice %arg2[%dma_start3A_636, %dma_start3A_637] : memref<10000x128xf32, #tpu.memory_space<hbm>> -> memref<10000x128xf32, #tpu.memory_space<hbm>>
      tpu.enqueue_indirect_dma source(%dma_start3A_638 : memref<10000x128xf32, #tpu.memory_space<hbm>>) target(%dma_start3A_634 : memref<80x128xf32, #tpu.memory_space<vmem>>) offsets(%dma_start3A_635 : memref<80xi32, #tpu.memory_space<vmem>>) semaphore(%arg10 : memref<!tpu.dma_semaphore, #tpu.memory_space<semaphore_mem>>)
    }
    %scan3A_103 = arith.constant 40 : i32
    %dma_wait3A = arith.constant 0 : i32
    %dma_wait3A_104 = arith.constant 0 : i32
    %dma_wait3A_105 = tpu.memref_slice %arg7[%dma_wait3A, %dma_wait3A_104] : memref<3x80xi32, #tpu.memory_space<vmem>> -> memref<1x80xi32, #tpu.memory_space<vmem>>
    %dma_wait3A_106 = tpu.memref_squeeze %dma_wait3A_105 : memref<1x80xi32, #tpu.memory_space<vmem>> -> memref<80xi32, #tpu.memory_space<vmem>>
    %dma_wait3A_107 = arith.constant 0 : i32
    %dma_wait3A_108 = tpu.memref_slice %arg4[%dma_wait3A_107] : memref<320000xi32, #tpu.memory_space<hbm>> -> memref<80xi32, #tpu.memory_space<hbm>>
    %dma_wait3A_109 = arith.constant 0 : i32
    %dma_wait3A_110 = tpu.memref_slice %arg7[%dma_wait3A, %dma_wait3A_109] : memref<3x80xi32, #tpu.memory_space<vmem>> -> memref<1x80xi32, #tpu.memory_space<vmem>>
    %dma_wait3A_111 = tpu.memref_squeeze %dma_wait3A_110 : memref<1x80xi32, #tpu.memory_space<vmem>> -> memref<80xi32, #tpu.memory_space<vmem>>
    %dma_wait3A_112 = arith.constant 0 : i32
    %dma_wait3A_113 = tpu.memref_slice %arg4[%dma_wait3A_112] : memref<320000xi32, #tpu.memory_space<hbm>> -> memref<80xi32, #tpu.memory_space<hbm>>
    tpu.wait_dma2 semaphore(%arg12 : memref<!tpu.dma_semaphore, #tpu.memory_space<semaphore_mem>>) src(%dma_wait3A_113 : memref<80xi32, #tpu.memory_space<hbm>>) dst(%dma_wait3A_111 : memref<80xi32, #tpu.memory_space<vmem>>)
    %dma_wait3A_114 = arith.constant 0 : i32
    %dma_wait3A_115 = arith.constant 0 : i32
    %dma_wait3A_116 = arith.constant 0 : i32
    %dma_wait3A_117 = tpu.memref_slice %arg8[%dma_wait3A_114, %dma_wait3A_115, %dma_wait3A_116] : memref<3x80x128xf32, #tpu.memory_space<vmem>> -> memref<1x80x128xf32, #tpu.memory_space<vmem>>
    %dma_wait3A_118 = tpu.memref_squeeze %dma_wait3A_117 : memref<1x80x128xf32, #tpu.memory_space<vmem>> -> memref<80x128xf32, #tpu.memory_space<vmem>>
    %dma_wait3A_119 = arith.constant 0 : i32
    %dma_wait3A_120 = arith.constant 0 : i32
    %dma_wait3A_121 = tpu.memref_slice %arg2[%dma_wait3A_119, %dma_wait3A_120] : memref<10000x128xf32, #tpu.memory_space<hbm>> -> memref<80x128xf32, #tpu.memory_space<hbm>>
    %dma_wait3A_122 = arith.constant 0 : i32
    %dma_wait3A_123 = arith.constant 0 : i32
    %dma_wait3A_124 = tpu.memref_slice %arg8[%dma_wait3A_114, %dma_wait3A_122, %dma_wait3A_123] : memref<3x80x128xf32, #tpu.memory_space<vmem>> -> memref<1x80x128xf32, #tpu.memory_space<vmem>>
    %dma_wait3A_125 = tpu.memref_squeeze %dma_wait3A_124 : memref<1x80x128xf32, #tpu.memory_space<vmem>> -> memref<80x128xf32, #tpu.memory_space<vmem>>
    %dma_wait3A_126 = arith.constant 0 : i32
    %dma_wait3A_127 = arith.constant 0 : i32
    %dma_wait3A_128 = tpu.memref_slice %arg2[%dma_wait3A_126, %dma_wait3A_127] : memref<10000x128xf32, #tpu.memory_space<hbm>> -> memref<80x128xf32, #tpu.memory_space<hbm>>
    tpu.wait_dma2 semaphore(%arg10 : memref<!tpu.dma_semaphore, #tpu.memory_space<semaphore_mem>>) src(%dma_wait3A_128 : memref<80x128xf32, #tpu.memory_space<hbm>>) dst(%dma_wait3A_125 : memref<80x128xf32, #tpu.memory_space<vmem>>)
    %dma_start3A_129 = arith.constant 0 : i32
    %dma_start3A_130 = arith.constant 0 : i32
    %dma_start3A_131 = arith.constant 0 : i32
    %dma_start3A_132 = arith.constant 0 : i32
    %dma_start3A_133 = tpu.memref_slice %arg8[%dma_start3A_129, %dma_start3A_131, %dma_start3A_132] : memref<3x80x128xf32, #tpu.memory_space<vmem>> -> memref<1x80x128xf32, #tpu.memory_space<vmem>>
    %dma_start3A_134 = tpu.memref_squeeze %dma_start3A_133 : memref<1x80x128xf32, #tpu.memory_space<vmem>> -> memref<80x128xf32, #tpu.memory_space<vmem>>
    %dma_start3A_135 = arith.constant 0 : i32
    %dma_start3A_136 = tpu.memref_slice %arg7[%dma_start3A_130, %dma_start3A_135] : memref<3x80xi32, #tpu.memory_space<vmem>> -> memref<1x80xi32, #tpu.memory_space<vmem>>
    %dma_start3A_137 = tpu.memref_squeeze %dma_start3A_136 : memref<1x80xi32, #tpu.memory_space<vmem>> -> memref<80xi32, #tpu.memory_space<vmem>>
    %dma_start3A_138 = arith.constant 0 : i32
    %dma_start3A_139 = arith.constant 0 : i32
    %dma_start3A_140 = tpu.memref_slice %arg9[%dma_start3A_138, %dma_start3A_139] : memref<10000x128xf32, #tpu.memory_space<vmem_shared>> -> memref<10000x128xf32, #tpu.memory_space<vmem_shared>>
    tpu.enqueue_indirect_dma source(%dma_start3A_134 : memref<80x128xf32, #tpu.memory_space<vmem>>) target(%dma_start3A_140 : memref<10000x128xf32, #tpu.memory_space<vmem_shared>>) offsets(%dma_start3A_137 : memref<80xi32, #tpu.memory_space<vmem>>) semaphore(%arg11 : memref<!tpu.dma_semaphore, #tpu.memory_space<semaphore_mem>>) {add = true}
    %dma_wait3A_141 = arith.constant 1 : i32
    %dma_wait3A_142 = arith.constant 0 : i32
    %dma_wait3A_143 = tpu.memref_slice %arg7[%dma_wait3A_141, %dma_wait3A_142] : memref<3x80xi32, #tpu.memory_space<vmem>> -> memref<1x80xi32, #tpu.memory_space<vmem>>
    %dma_wait3A_144 = tpu.memref_squeeze %dma_wait3A_143 : memref<1x80xi32, #tpu.memory_space<vmem>> -> memref<80xi32, #tpu.memory_space<vmem>>
    %dma_wait3A_145 = arith.constant 0 : i32
    %dma_wait3A_146 = tpu.memref_slice %arg4[%dma_wait3A_145] : memref<320000xi32, #tpu.memory_space<hbm>> -> memref<80xi32, #tpu.memory_space<hbm>>
    %dma_wait3A_147 = arith.constant 0 : i32
    %dma_wait3A_148 = tpu.memref_slice %arg7[%dma_wait3A_141, %dma_wait3A_147] : memref<3x80xi32, #tpu.memory_space<vmem>> -> memref<1x80xi32, #tpu.memory_space<vmem>>
    %dma_wait3A_149 = tpu.memref_squeeze %dma_wait3A_148 : memref<1x80xi32, #tpu.memory_space<vmem>> -> memref<80xi32, #tpu.memory_space<vmem>>
    %dma_wait3A_150 = arith.constant 0 : i32
    %dma_wait3A_151 = tpu.memref_slice %arg4[%dma_wait3A_150] : memref<320000xi32, #tpu.memory_space<hbm>> -> memref<80xi32, #tpu.memory_space<hbm>>
    tpu.wait_dma2 semaphore(%arg12 : memref<!tpu.dma_semaphore, #tpu.memory_space<semaphore_mem>>) src(%dma_wait3A_151 : memref<80xi32, #tpu.memory_space<hbm>>) dst(%dma_wait3A_149 : memref<80xi32, #tpu.memory_space<vmem>>)
    %dma_wait3A_152 = arith.constant 1 : i32
    %dma_wait3A_153 = arith.constant 0 : i32
    %dma_wait3A_154 = arith.constant 0 : i32
    %dma_wait3A_155 = tpu.memref_slice %arg8[%dma_wait3A_152, %dma_wait3A_153, %dma_wait3A_154] : memref<3x80x128xf32, #tpu.memory_space<vmem>> -> memref<1x80x128xf32, #tpu.memory_space<vmem>>
    %dma_wait3A_156 = tpu.memref_squeeze %dma_wait3A_155 : memref<1x80x128xf32, #tpu.memory_space<vmem>> -> memref<80x128xf32, #tpu.memory_space<vmem>>
    %dma_wait3A_157 = arith.constant 0 : i32
    %dma_wait3A_158 = arith.constant 0 : i32
    %dma_wait3A_159 = tpu.memref_slice %arg2[%dma_wait3A_157, %dma_wait3A_158] : memref<10000x128xf32, #tpu.memory_space<hbm>> -> memref<80x128xf32, #tpu.memory_space<hbm>>
    %dma_wait3A_160 = arith.constant 0 : i32
    %dma_wait3A_161 = arith.constant 0 : i32
    %dma_wait3A_162 = tpu.memref_slice %arg8[%dma_wait3A_152, %dma_wait3A_160, %dma_wait3A_161] : memref<3x80x128xf32, #tpu.memory_space<vmem>> -> memref<1x80x128xf32, #tpu.memory_space<vmem>>
    %dma_wait3A_163 = tpu.memref_squeeze %dma_wait3A_162 : memref<1x80x128xf32, #tpu.memory_space<vmem>> -> memref<80x128xf32, #tpu.memory_space<vmem>>
    %dma_wait3A_164 = arith.constant 0 : i32
    %dma_wait3A_165 = arith.constant 0 : i32
    %dma_wait3A_166 = tpu.memref_slice %arg2[%dma_wait3A_164, %dma_wait3A_165] : memref<10000x128xf32, #tpu.memory_space<hbm>> -> memref<80x128xf32, #tpu.memory_space<hbm>>
    tpu.wait_dma2 semaphore(%arg10 : memref<!tpu.dma_semaphore, #tpu.memory_space<semaphore_mem>>) src(%dma_wait3A_166 : memref<80x128xf32, #tpu.memory_space<hbm>>) dst(%dma_wait3A_163 : memref<80x128xf32, #tpu.memory_space<vmem>>)
    %dma_start3A_167 = arith.constant 1 : i32
    %dma_start3A_168 = arith.constant 1 : i32
    %dma_start3A_169 = arith.constant 0 : i32
    %dma_start3A_170 = arith.constant 0 : i32
    %dma_start3A_171 = tpu.memref_slice %arg8[%dma_start3A_167, %dma_start3A_169, %dma_start3A_170] : memref<3x80x128xf32, #tpu.memory_space<vmem>> -> memref<1x80x128xf32, #tpu.memory_space<vmem>>
    %dma_start3A_172 = tpu.memref_squeeze %dma_start3A_171 : memref<1x80x128xf32, #tpu.memory_space<vmem>> -> memref<80x128xf32, #tpu.memory_space<vmem>>
    %dma_start3A_173 = arith.constant 0 : i32
    %dma_start3A_174 = tpu.memref_slice %arg7[%dma_start3A_168, %dma_start3A_173] : memref<3x80xi32, #tpu.memory_space<vmem>> -> memref<1x80xi32, #tpu.memory_space<vmem>>
    %dma_start3A_175 = tpu.memref_squeeze %dma_start3A_174 : memref<1x80xi32, #tpu.memory_space<vmem>> -> memref<80xi32, #tpu.memory_space<vmem>>
    %dma_start3A_176 = arith.constant 0 : i32
    %dma_start3A_177 = arith.constant 0 : i32
    %dma_start3A_178 = tpu.memref_slice %arg9[%dma_start3A_176, %dma_start3A_177] : memref<10000x128xf32, #tpu.memory_space<vmem_shared>> -> memref<10000x128xf32, #tpu.memory_space<vmem_shared>>
    tpu.enqueue_indirect_dma source(%dma_start3A_172 : memref<80x128xf32, #tpu.memory_space<vmem>>) target(%dma_start3A_178 : memref<10000x128xf32, #tpu.memory_space<vmem_shared>>) offsets(%dma_start3A_175 : memref<80xi32, #tpu.memory_space<vmem>>) semaphore(%arg11 : memref<!tpu.dma_semaphore, #tpu.memory_space<semaphore_mem>>) {add = true}
    %dma_wait3A_179 = arith.constant 2 : i32
    %dma_wait3A_180 = arith.constant 0 : i32
    %dma_wait3A_181 = tpu.memref_slice %arg7[%dma_wait3A_179, %dma_wait3A_180] : memref<3x80xi32, #tpu.memory_space<vmem>> -> memref<1x80xi32, #tpu.memory_space<vmem>>
    %dma_wait3A_182 = tpu.memref_squeeze %dma_wait3A_181 : memref<1x80xi32, #tpu.memory_space<vmem>> -> memref<80xi32, #tpu.memory_space<vmem>>
    %dma_wait3A_183 = arith.constant 0 : i32
    %dma_wait3A_184 = tpu.memref_slice %arg4[%dma_wait3A_183] : memref<320000xi32, #tpu.memory_space<hbm>> -> memref<80xi32, #tpu.memory_space<hbm>>
    %dma_wait3A_185 = arith.constant 0 : i32
    %dma_wait3A_186 = tpu.memref_slice %arg7[%dma_wait3A_179, %dma_wait3A_185] : memref<3x80xi32, #tpu.memory_space<vmem>> -> memref<1x80xi32, #tpu.memory_space<vmem>>
    %dma_wait3A_187 = tpu.memref_squeeze %dma_wait3A_186 : memref<1x80xi32, #tpu.memory_space<vmem>> -> memref<80xi32, #tpu.memory_space<vmem>>
    %dma_wait3A_188 = arith.constant 0 : i32
    %dma_wait3A_189 = tpu.memref_slice %arg4[%dma_wait3A_188] : memref<320000xi32, #tpu.memory_space<hbm>> -> memref<80xi32, #tpu.memory_space<hbm>>
    tpu.wait_dma2 semaphore(%arg12 : memref<!tpu.dma_semaphore, #tpu.memory_space<semaphore_mem>>) src(%dma_wait3A_189 : memref<80xi32, #tpu.memory_space<hbm>>) dst(%dma_wait3A_187 : memref<80xi32, #tpu.memory_space<vmem>>)
    %dma_wait3A_190 = arith.constant 2 : i32
    %dma_wait3A_191 = arith.constant 0 : i32
    %dma_wait3A_192 = arith.constant 0 : i32
    %dma_wait3A_193 = tpu.memref_slice %arg8[%dma_wait3A_190, %dma_wait3A_191, %dma_wait3A_192] : memref<3x80x128xf32, #tpu.memory_space<vmem>> -> memref<1x80x128xf32, #tpu.memory_space<vmem>>
    %dma_wait3A_194 = tpu.memref_squeeze %dma_wait3A_193 : memref<1x80x128xf32, #tpu.memory_space<vmem>> -> memref<80x128xf32, #tpu.memory_space<vmem>>
    %dma_wait3A_195 = arith.constant 0 : i32
    %dma_wait3A_196 = arith.constant 0 : i32
    %dma_wait3A_197 = tpu.memref_slice %arg2[%dma_wait3A_195, %dma_wait3A_196] : memref<10000x128xf32, #tpu.memory_space<hbm>> -> memref<80x128xf32, #tpu.memory_space<hbm>>
    %dma_wait3A_198 = arith.constant 0 : i32
    %dma_wait3A_199 = arith.constant 0 : i32
    %dma_wait3A_200 = tpu.memref_slice %arg8[%dma_wait3A_190, %dma_wait3A_198, %dma_wait3A_199] : memref<3x80x128xf32, #tpu.memory_space<vmem>> -> memref<1x80x128xf32, #tpu.memory_space<vmem>>
    %dma_wait3A_201 = tpu.memref_squeeze %dma_wait3A_200 : memref<1x80x128xf32, #tpu.memory_space<vmem>> -> memref<80x128xf32, #tpu.memory_space<vmem>>
    %dma_wait3A_202 = arith.constant 0 : i32
    %dma_wait3A_203 = arith.constant 0 : i32
    %dma_wait3A_204 = tpu.memref_slice %arg2[%dma_wait3A_202, %dma_wait3A_203] : memref<10000x128xf32, #tpu.memory_space<hbm>> -> memref<80x128xf32, #tpu.memory_space<hbm>>
    tpu.wait_dma2 semaphore(%arg10 : memref<!tpu.dma_semaphore, #tpu.memory_space<semaphore_mem>>) src(%dma_wait3A_204 : memref<80x128xf32, #tpu.memory_space<hbm>>) dst(%dma_wait3A_201 : memref<80x128xf32, #tpu.memory_space<vmem>>)
    %dma_start3A_205 = arith.constant 2 : i32
    %dma_start3A_206 = arith.constant 2 : i32
    %dma_start3A_207 = arith.constant 0 : i32
    %dma_start3A_208 = arith.constant 0 : i32
    %dma_start3A_209 = tpu.memref_slice %arg8[%dma_start3A_205, %dma_start3A_207, %dma_start3A_208] : memref<3x80x128xf32, #tpu.memory_space<vmem>> -> memref<1x80x128xf32, #tpu.memory_space<vmem>>
    %dma_start3A_210 = tpu.memref_squeeze %dma_start3A_209 : memref<1x80x128xf32, #tpu.memory_space<vmem>> -> memref<80x128xf32, #tpu.memory_space<vmem>>
    %dma_start3A_211 = arith.constant 0 : i32
    %dma_start3A_212 = tpu.memref_slice %arg7[%dma_start3A_206, %dma_start3A_211] : memref<3x80xi32, #tpu.memory_space<vmem>> -> memref<1x80xi32, #tpu.memory_space<vmem>>
    %dma_start3A_213 = tpu.memref_squeeze %dma_start3A_212 : memref<1x80xi32, #tpu.memory_space<vmem>> -> memref<80xi32, #tpu.memory_space<vmem>>
    %dma_start3A_214 = arith.constant 0 : i32
    %dma_start3A_215 = arith.constant 0 : i32
    %dma_start3A_216 = tpu.memref_slice %arg9[%dma_start3A_214, %dma_start3A_215] : memref<10000x128xf32, #tpu.memory_space<vmem_shared>> -> memref<10000x128xf32, #tpu.memory_space<vmem_shared>>
    tpu.enqueue_indirect_dma source(%dma_start3A_210 : memref<80x128xf32, #tpu.memory_space<vmem>>) target(%dma_start3A_216 : memref<10000x128xf32, #tpu.memory_space<vmem_shared>>) offsets(%dma_start3A_213 : memref<80xi32, #tpu.memory_space<vmem>>) semaphore(%arg11 : memref<!tpu.dma_semaphore, #tpu.memory_space<semaphore_mem>>) {add = true}
    %dma_wait3A_217 = arith.constant 0 : i32
    %dma_wait3A_218 = arith.constant 0 : i32
    %dma_wait3A_219 = arith.constant 0 : i32
    %dma_wait3A_220 = arith.constant 0 : i32
    %dma_wait3A_221 = tpu.memref_slice %arg8[%dma_wait3A_217, %dma_wait3A_219, %dma_wait3A_220] : memref<3x80x128xf32, #tpu.memory_space<vmem>> -> memref<1x80x128xf32, #tpu.memory_space<vmem>>
    %dma_wait3A_222 = tpu.memref_squeeze %dma_wait3A_221 : memref<1x80x128xf32, #tpu.memory_space<vmem>> -> memref<80x128xf32, #tpu.memory_space<vmem>>
    %dma_wait3A_223 = arith.constant 0 : i32
    %dma_wait3A_224 = tpu.memref_slice %arg7[%dma_wait3A_218, %dma_wait3A_223] : memref<3x80xi32, #tpu.memory_space<vmem>> -> memref<1x80xi32, #tpu.memory_space<vmem>>
    %dma_wait3A_225 = tpu.memref_squeeze %dma_wait3A_224 : memref<1x80xi32, #tpu.memory_space<vmem>> -> memref<80xi32, #tpu.memory_space<vmem>>
    %dma_wait3A_226 = arith.constant 0 : i32
    %dma_wait3A_227 = arith.constant 0 : i32
    %dma_wait3A_228 = tpu.memref_slice %arg9[%dma_wait3A_226, %dma_wait3A_227] : memref<10000x128xf32, #tpu.memory_space<vmem_shared>> -> memref<10000x128xf32, #tpu.memory_space<vmem_shared>>
    tpu.wait_indirect_dma semaphore(%arg11 : memref<!tpu.dma_semaphore, #tpu.memory_space<semaphore_mem>>) src(%dma_wait3A_222 : memref<80x128xf32, #tpu.memory_space<vmem>>) dst(%dma_wait3A_228 : memref<10000x128xf32, #tpu.memory_space<vmem_shared>>)
    %dma_wait3A_229 = arith.constant 1 : i32
    %dma_wait3A_230 = arith.constant 1 : i32
    %dma_wait3A_231 = arith.constant 0 : i32
    %dma_wait3A_232 = arith.constant 0 : i32
    %dma_wait3A_233 = tpu.memref_slice %arg8[%dma_wait3A_229, %dma_wait3A_231, %dma_wait3A_232] : memref<3x80x128xf32, #tpu.memory_space<vmem>> -> memref<1x80x128xf32, #tpu.memory_space<vmem>>
    %dma_wait3A_234 = tpu.memref_squeeze %dma_wait3A_233 : memref<1x80x128xf32, #tpu.memory_space<vmem>> -> memref<80x128xf32, #tpu.memory_space<vmem>>
    %dma_wait3A_235 = arith.constant 0 : i32
    %dma_wait3A_236 = tpu.memref_slice %arg7[%dma_wait3A_230, %dma_wait3A_235] : memref<3x80xi32, #tpu.memory_space<vmem>> -> memref<1x80xi32, #tpu.memory_space<vmem>>
    %dma_wait3A_237 = tpu.memref_squeeze %dma_wait3A_236 : memref<1x80xi32, #tpu.memory_space<vmem>> -> memref<80xi32, #tpu.memory_space<vmem>>
    %dma_wait3A_238 = arith.constant 0 : i32
    %dma_wait3A_239 = arith.constant 0 : i32
    %dma_wait3A_240 = tpu.memref_slice %arg9[%dma_wait3A_238, %dma_wait3A_239] : memref<10000x128xf32, #tpu.memory_space<vmem_shared>> -> memref<10000x128xf32, #tpu.memory_space<vmem_shared>>
    tpu.wait_indirect_dma semaphore(%arg11 : memref<!tpu.dma_semaphore, #tpu.memory_space<semaphore_mem>>) src(%dma_wait3A_234 : memref<80x128xf32, #tpu.memory_space<vmem>>) dst(%dma_wait3A_240 : memref<10000x128xf32, #tpu.memory_space<vmem_shared>>)
    %dma_wait3A_241 = arith.constant 2 : i32
    %dma_wait3A_242 = arith.constant 2 : i32
    %dma_wait3A_243 = arith.constant 0 : i32
    %dma_wait3A_244 = arith.constant 0 : i32
    %dma_wait3A_245 = tpu.memref_slice %arg8[%dma_wait3A_241, %dma_wait3A_243, %dma_wait3A_244] : memref<3x80x128xf32, #tpu.memory_space<vmem>> -> memref<1x80x128xf32, #tpu.memory_space<vmem>>
    %dma_wait3A_246 = tpu.memref_squeeze %dma_wait3A_245 : memref<1x80x128xf32, #tpu.memory_space<vmem>> -> memref<80x128xf32, #tpu.memory_space<vmem>>
    %dma_wait3A_247 = arith.constant 0 : i32
    %dma_wait3A_248 = tpu.memref_slice %arg7[%dma_wait3A_242, %dma_wait3A_247] : memref<3x80xi32, #tpu.memory_space<vmem>> -> memref<1x80xi32, #tpu.memory_space<vmem>>
    %dma_wait3A_249 = tpu.memref_squeeze %dma_wait3A_248 : memref<1x80xi32, #tpu.memory_space<vmem>> -> memref<80xi32, #tpu.memory_space<vmem>>
    %dma_wait3A_250 = arith.constant 0 : i32
    %dma_wait3A_251 = arith.constant 0 : i32
    %dma_wait3A_252 = tpu.memref_slice %arg9[%dma_wait3A_250, %dma_wait3A_251] : memref<10000x128xf32, #tpu.memory_space<vmem_shared>> -> memref<10000x128xf32, #tpu.memory_space<vmem_shared>>
    tpu.wait_indirect_dma semaphore(%arg11 : memref<!tpu.dma_semaphore, #tpu.memory_space<semaphore_mem>>) src(%dma_wait3A_246 : memref<80x128xf32, #tpu.memory_space<vmem>>) dst(%dma_wait3A_252 : memref<10000x128xf32, #tpu.memory_space<vmem_shared>>)
    %add3A_253 = arith.constant 9840 : i32
    %add3A_254 = arith.addi %mul3A_4, %add3A_253 : i32
    %dma_start3A_255 = arith.constant 0 : i32
    %dma_start3A_256 = arith.constant 0 : i32
    %dma_start3A_257 = tpu.memref_slice %arg7[%dma_start3A_255, %dma_start3A_256] : memref<3x80xi32, #tpu.memory_space<vmem>> -> memref<1x80xi32, #tpu.memory_space<vmem>>
    %dma_start3A_258 = tpu.memref_squeeze %dma_start3A_257 : memref<1x80xi32, #tpu.memory_space<vmem>> -> memref<80xi32, #tpu.memory_space<vmem>>
    %dma_start3A_259 = tpu.memref_slice %arg4[%add3A_254] : memref<320000xi32, #tpu.memory_space<hbm>> -> memref<80xi32, #tpu.memory_space<hbm>>
    %dma_start3A_260 = arith.constant 0 : i32
    %dma_start3A_261 = tpu.memref_slice %arg7[%dma_start3A_255, %dma_start3A_260] : memref<3x80xi32, #tpu.memory_space<vmem>> -> memref<1x80xi32, #tpu.memory_space<vmem>>
    %dma_start3A_262 = tpu.memref_squeeze %dma_start3A_261 : memref<1x80xi32, #tpu.memory_space<vmem>> -> memref<80xi32, #tpu.memory_space<vmem>>
    %dma_start3A_263 = tpu.memref_slice %arg4[%add3A_254] : memref<320000xi32, #tpu.memory_space<hbm>> -> memref<80xi32, #tpu.memory_space<hbm>>
    tpu.enqueue_dma source(%dma_start3A_263 : memref<80xi32, #tpu.memory_space<hbm>>) target(%dma_start3A_262 : memref<80xi32, #tpu.memory_space<vmem>>) target_semaphore(%arg12 : memref<!tpu.dma_semaphore, #tpu.memory_space<semaphore_mem>>)
    %dma_start3A_264 = arith.constant 0 : i32
    %dma_start3A_265 = arith.constant 0 : i32
    %dma_start3A_266 = arith.constant 0 : i32
    %dma_start3A_267 = tpu.memref_slice %arg8[%dma_start3A_264, %dma_start3A_265, %dma_start3A_266] : memref<3x80x128xf32, #tpu.memory_space<vmem>> -> memref<1x80x128xf32, #tpu.memory_space<vmem>>
    %dma_start3A_268 = tpu.memref_squeeze %dma_start3A_267 : memref<1x80x128xf32, #tpu.memory_space<vmem>> -> memref<80x128xf32, #tpu.memory_space<vmem>>
    %dma_start3A_269 = arith.constant 9840 : i32
    %dma_start3A_270 = tpu.memref_slice %arg6[%dma_start3A_269] : memref<10000xi32, #tpu.memory_space<vmem>> -> memref<80xi32, #tpu.memory_space<vmem>>
    %dma_start3A_271 = arith.constant 0 : i32
    %dma_start3A_272 = arith.constant 0 : i32
    %dma_start3A_273 = tpu.memref_slice %arg2[%dma_start3A_271, %dma_start3A_272] : memref<10000x128xf32, #tpu.memory_space<hbm>> -> memref<10000x128xf32, #tpu.memory_space<hbm>>
    tpu.enqueue_indirect_dma source(%dma_start3A_273 : memref<10000x128xf32, #tpu.memory_space<hbm>>) target(%dma_start3A_268 : memref<80x128xf32, #tpu.memory_space<vmem>>) offsets(%dma_start3A_270 : memref<80xi32, #tpu.memory_space<vmem>>) semaphore(%arg10 : memref<!tpu.dma_semaphore, #tpu.memory_space<semaphore_mem>>)
    %add3A_274 = arith.constant 9920 : i32
    %add3A_275 = arith.addi %mul3A_4, %add3A_274 : i32
    %dma_start3A_276 = arith.constant 1 : i32
    %dma_start3A_277 = arith.constant 0 : i32
    %dma_start3A_278 = tpu.memref_slice %arg7[%dma_start3A_276, %dma_start3A_277] : memref<3x80xi32, #tpu.memory_space<vmem>> -> memref<1x80xi32, #tpu.memory_space<vmem>>
    %dma_start3A_279 = tpu.memref_squeeze %dma_start3A_278 : memref<1x80xi32, #tpu.memory_space<vmem>> -> memref<80xi32, #tpu.memory_space<vmem>>
    %dma_start3A_280 = tpu.memref_slice %arg4[%add3A_275] : memref<320000xi32, #tpu.memory_space<hbm>> -> memref<80xi32, #tpu.memory_space<hbm>>
    %dma_start3A_281 = arith.constant 0 : i32
    %dma_start3A_282 = tpu.memref_slice %arg7[%dma_start3A_276, %dma_start3A_281] : memref<3x80xi32, #tpu.memory_space<vmem>> -> memref<1x80xi32, #tpu.memory_space<vmem>>
    %dma_start3A_283 = tpu.memref_squeeze %dma_start3A_282 : memref<1x80xi32, #tpu.memory_space<vmem>> -> memref<80xi32, #tpu.memory_space<vmem>>
    %dma_start3A_284 = tpu.memref_slice %arg4[%add3A_275] : memref<320000xi32, #tpu.memory_space<hbm>> -> memref<80xi32, #tpu.memory_space<hbm>>
    tpu.enqueue_dma source(%dma_start3A_284 : memref<80xi32, #tpu.memory_space<hbm>>) target(%dma_start3A_283 : memref<80xi32, #tpu.memory_space<vmem>>) target_semaphore(%arg12 : memref<!tpu.dma_semaphore, #tpu.memory_space<semaphore_mem>>)
    %dma_start3A_285 = arith.constant 1 : i32
    %dma_start3A_286 = arith.constant 0 : i32
    %dma_start3A_287 = arith.constant 0 : i32
    %dma_start3A_288 = tpu.memref_slice %arg8[%dma_start3A_285, %dma_start3A_286, %dma_start3A_287] : memref<3x80x128xf32, #tpu.memory_space<vmem>> -> memref<1x80x128xf32, #tpu.memory_space<vmem>>
    %dma_start3A_289 = tpu.memref_squeeze %dma_start3A_288 : memref<1x80x128xf32, #tpu.memory_space<vmem>> -> memref<80x128xf32, #tpu.memory_space<vmem>>
    %dma_start3A_290 = arith.constant 9920 : i32
    %dma_start3A_291 = tpu.memref_slice %arg6[%dma_start3A_290] : memref<10000xi32, #tpu.memory_space<vmem>> -> memref<80xi32, #tpu.memory_space<vmem>>
    %dma_start3A_292 = arith.constant 0 : i32
    %dma_start3A_293 = arith.constant 0 : i32
    %dma_start3A_294 = tpu.memref_slice %arg2[%dma_start3A_292, %dma_start3A_293] : memref<10000x128xf32, #tpu.memory_space<hbm>> -> memref<10000x128xf32, #tpu.memory_space<hbm>>
    tpu.enqueue_indirect_dma source(%dma_start3A_294 : memref<10000x128xf32, #tpu.memory_space<hbm>>) target(%dma_start3A_289 : memref<80x128xf32, #tpu.memory_space<vmem>>) offsets(%dma_start3A_291 : memref<80xi32, #tpu.memory_space<vmem>>) semaphore(%arg10 : memref<!tpu.dma_semaphore, #tpu.memory_space<semaphore_mem>>)
    %dma_wait3A_295 = arith.constant 0 : i32
    %dma_wait3A_296 = arith.constant 0 : i32
    %dma_wait3A_297 = tpu.memref_slice %arg7[%dma_wait3A_295, %dma_wait3A_296] : memref<3x80xi32, #tpu.memory_space<vmem>> -> memref<1x80xi32, #tpu.memory_space<vmem>>
    %dma_wait3A_298 = tpu.memref_squeeze %dma_wait3A_297 : memref<1x80xi32, #tpu.memory_space<vmem>> -> memref<80xi32, #tpu.memory_space<vmem>>
    %dma_wait3A_299 = arith.constant 0 : i32
    %dma_wait3A_300 = tpu.memref_slice %arg4[%dma_wait3A_299] : memref<320000xi32, #tpu.memory_space<hbm>> -> memref<80xi32, #tpu.memory_space<hbm>>
    %dma_wait3A_301 = arith.constant 0 : i32
    %dma_wait3A_302 = tpu.memref_slice %arg7[%dma_wait3A_295, %dma_wait3A_301] : memref<3x80xi32, #tpu.memory_space<vmem>> -> memref<1x80xi32, #tpu.memory_space<vmem>>
    %dma_wait3A_303 = tpu.memref_squeeze %dma_wait3A_302 : memref<1x80xi32, #tpu.memory_space<vmem>> -> memref<80xi32, #tpu.memory_space<vmem>>
    %dma_wait3A_304 = arith.constant 0 : i32
    %dma_wait3A_305 = tpu.memref_slice %arg4[%dma_wait3A_304] : memref<320000xi32, #tpu.memory_space<hbm>> -> memref<80xi32, #tpu.memory_space<hbm>>
    tpu.wait_dma2 semaphore(%arg12 : memref<!tpu.dma_semaphore, #tpu.memory_space<semaphore_mem>>) src(%dma_wait3A_305 : memref<80xi32, #tpu.memory_space<hbm>>) dst(%dma_wait3A_303 : memref<80xi32, #tpu.memory_space<vmem>>)
    %dma_wait3A_306 = arith.constant 0 : i32
    %dma_wait3A_307 = arith.constant 0 : i32
    %dma_wait3A_308 = arith.constant 0 : i32
    %dma_wait3A_309 = tpu.memref_slice %arg8[%dma_wait3A_306, %dma_wait3A_307, %dma_wait3A_308] : memref<3x80x128xf32, #tpu.memory_space<vmem>> -> memref<1x80x128xf32, #tpu.memory_space<vmem>>
    %dma_wait3A_310 = tpu.memref_squeeze %dma_wait3A_309 : memref<1x80x128xf32, #tpu.memory_space<vmem>> -> memref<80x128xf32, #tpu.memory_space<vmem>>
    %dma_wait3A_311 = arith.constant 0 : i32
    %dma_wait3A_312 = arith.constant 0 : i32
    %dma_wait3A_313 = tpu.memref_slice %arg2[%dma_wait3A_311, %dma_wait3A_312] : memref<10000x128xf32, #tpu.memory_space<hbm>> -> memref<80x128xf32, #tpu.memory_space<hbm>>
    %dma_wait3A_314 = arith.constant 0 : i32
    %dma_wait3A_315 = arith.constant 0 : i32
    %dma_wait3A_316 = tpu.memref_slice %arg8[%dma_wait3A_306, %dma_wait3A_314, %dma_wait3A_315] : memref<3x80x128xf32, #tpu.memory_space<vmem>> -> memref<1x80x128xf32, #tpu.memory_space<vmem>>
    %dma_wait3A_317 = tpu.memref_squeeze %dma_wait3A_316 : memref<1x80x128xf32, #tpu.memory_space<vmem>> -> memref<80x128xf32, #tpu.memory_space<vmem>>
    %dma_wait3A_318 = arith.constant 0 : i32
    %dma_wait3A_319 = arith.constant 0 : i32
    %dma_wait3A_320 = tpu.memref_slice %arg2[%dma_wait3A_318, %dma_wait3A_319] : memref<10000x128xf32, #tpu.memory_space<hbm>> -> memref<80x128xf32, #tpu.memory_space<hbm>>
    tpu.wait_dma2 semaphore(%arg10 : memref<!tpu.dma_semaphore, #tpu.memory_space<semaphore_mem>>) src(%dma_wait3A_320 : memref<80x128xf32, #tpu.memory_space<hbm>>) dst(%dma_wait3A_317 : memref<80x128xf32, #tpu.memory_space<vmem>>)
    %dma_start3A_321 = arith.constant 0 : i32
    %dma_start3A_322 = arith.constant 0 : i32
    %dma_start3A_323 = arith.constant 0 : i32
    %dma_start3A_324 = arith.constant 0 : i32
    %dma_start3A_325 = tpu.memref_slice %arg8[%dma_start3A_321, %dma_start3A_323, %dma_start3A_324] : memref<3x80x128xf32, #tpu.memory_space<vmem>> -> memref<1x80x128xf32, #tpu.memory_space<vmem>>
    %dma_start3A_326 = tpu.memref_squeeze %dma_start3A_325 : memref<1x80x128xf32, #tpu.memory_space<vmem>> -> memref<80x128xf32, #tpu.memory_space<vmem>>
    %dma_start3A_327 = arith.constant 0 : i32
    %dma_start3A_328 = tpu.memref_slice %arg7[%dma_start3A_322, %dma_start3A_327] : memref<3x80xi32, #tpu.memory_space<vmem>> -> memref<1x80xi32, #tpu.memory_space<vmem>>
    %dma_start3A_329 = tpu.memref_squeeze %dma_start3A_328 : memref<1x80xi32, #tpu.memory_space<vmem>> -> memref<80xi32, #tpu.memory_space<vmem>>
    %dma_start3A_330 = arith.constant 0 : i32
    %dma_start3A_331 = arith.constant 0 : i32
    %dma_start3A_332 = tpu.memref_slice %arg9[%dma_start3A_330, %dma_start3A_331] : memref<10000x128xf32, #tpu.memory_space<vmem_shared>> -> memref<10000x128xf32, #tpu.memory_space<vmem_shared>>
    tpu.enqueue_indirect_dma source(%dma_start3A_326 : memref<80x128xf32, #tpu.memory_space<vmem>>) target(%dma_start3A_332 : memref<10000x128xf32, #tpu.memory_space<vmem_shared>>) offsets(%dma_start3A_329 : memref<80xi32, #tpu.memory_space<vmem>>) semaphore(%arg11 : memref<!tpu.dma_semaphore, #tpu.memory_space<semaphore_mem>>) {add = true}
    %dma_wait3A_333 = arith.constant 1 : i32
    %dma_wait3A_334 = arith.constant 0 : i32
    %dma_wait3A_335 = tpu.memref_slice %arg7[%dma_wait3A_333, %dma_wait3A_334] : memref<3x80xi32, #tpu.memory_space<vmem>> -> memref<1x80xi32, #tpu.memory_space<vmem>>
    %dma_wait3A_336 = tpu.memref_squeeze %dma_wait3A_335 : memref<1x80xi32, #tpu.memory_space<vmem>> -> memref<80xi32, #tpu.memory_space<vmem>>
    %dma_wait3A_337 = arith.constant 0 : i32
    %dma_wait3A_338 = tpu.memref_slice %arg4[%dma_wait3A_337] : memref<320000xi32, #tpu.memory_space<hbm>> -> memref<80xi32, #tpu.memory_space<hbm>>
    %dma_wait3A_339 = arith.constant 0 : i32
    %dma_wait3A_340 = tpu.memref_slice %arg7[%dma_wait3A_333, %dma_wait3A_339] : memref<3x80xi32, #tpu.memory_space<vmem>> -> memref<1x80xi32, #tpu.memory_space<vmem>>
    %dma_wait3A_341 = tpu.memref_squeeze %dma_wait3A_340 : memref<1x80xi32, #tpu.memory_space<vmem>> -> memref<80xi32, #tpu.memory_space<vmem>>
    %dma_wait3A_342 = arith.constant 0 : i32
    %dma_wait3A_343 = tpu.memref_slice %arg4[%dma_wait3A_342] : memref<320000xi32, #tpu.memory_space<hbm>> -> memref<80xi32, #tpu.memory_space<hbm>>
    tpu.wait_dma2 semaphore(%arg12 : memref<!tpu.dma_semaphore, #tpu.memory_space<semaphore_mem>>) src(%dma_wait3A_343 : memref<80xi32, #tpu.memory_space<hbm>>) dst(%dma_wait3A_341 : memref<80xi32, #tpu.memory_space<vmem>>)
    %dma_wait3A_344 = arith.constant 1 : i32
    %dma_wait3A_345 = arith.constant 0 : i32
    %dma_wait3A_346 = arith.constant 0 : i32
    %dma_wait3A_347 = tpu.memref_slice %arg8[%dma_wait3A_344, %dma_wait3A_345, %dma_wait3A_346] : memref<3x80x128xf32, #tpu.memory_space<vmem>> -> memref<1x80x128xf32, #tpu.memory_space<vmem>>
    %dma_wait3A_348 = tpu.memref_squeeze %dma_wait3A_347 : memref<1x80x128xf32, #tpu.memory_space<vmem>> -> memref<80x128xf32, #tpu.memory_space<vmem>>
    %dma_wait3A_349 = arith.constant 0 : i32
    %dma_wait3A_350 = arith.constant 0 : i32
    %dma_wait3A_351 = tpu.memref_slice %arg2[%dma_wait3A_349, %dma_wait3A_350] : memref<10000x128xf32, #tpu.memory_space<hbm>> -> memref<80x128xf32, #tpu.memory_space<hbm>>
    %dma_wait3A_352 = arith.constant 0 : i32
    %dma_wait3A_353 = arith.constant 0 : i32
    %dma_wait3A_354 = tpu.memref_slice %arg8[%dma_wait3A_344, %dma_wait3A_352, %dma_wait3A_353] : memref<3x80x128xf32, #tpu.memory_space<vmem>> -> memref<1x80x128xf32, #tpu.memory_space<vmem>>
    %dma_wait3A_355 = tpu.memref_squeeze %dma_wait3A_354 : memref<1x80x128xf32, #tpu.memory_space<vmem>> -> memref<80x128xf32, #tpu.memory_space<vmem>>
    %dma_wait3A_356 = arith.constant 0 : i32
    %dma_wait3A_357 = arith.constant 0 : i32
    %dma_wait3A_358 = tpu.memref_slice %arg2[%dma_wait3A_356, %dma_wait3A_357] : memref<10000x128xf32, #tpu.memory_space<hbm>> -> memref<80x128xf32, #tpu.memory_space<hbm>>
    tpu.wait_dma2 semaphore(%arg10 : memref<!tpu.dma_semaphore, #tpu.memory_space<semaphore_mem>>) src(%dma_wait3A_358 : memref<80x128xf32, #tpu.memory_space<hbm>>) dst(%dma_wait3A_355 : memref<80x128xf32, #tpu.memory_space<vmem>>)
    %dma_start3A_359 = arith.constant 1 : i32
    %dma_start3A_360 = arith.constant 1 : i32
    %dma_start3A_361 = arith.constant 0 : i32
    %dma_start3A_362 = arith.constant 0 : i32
    %dma_start3A_363 = tpu.memref_slice %arg8[%dma_start3A_359, %dma_start3A_361, %dma_start3A_362] : memref<3x80x128xf32, #tpu.memory_space<vmem>> -> memref<1x80x128xf32, #tpu.memory_space<vmem>>
    %dma_start3A_364 = tpu.memref_squeeze %dma_start3A_363 : memref<1x80x128xf32, #tpu.memory_space<vmem>> -> memref<80x128xf32, #tpu.memory_space<vmem>>
    %dma_start3A_365 = arith.constant 0 : i32
    %dma_start3A_366 = tpu.memref_slice %arg7[%dma_start3A_360, %dma_start3A_365] : memref<3x80xi32, #tpu.memory_space<vmem>> -> memref<1x80xi32, #tpu.memory_space<vmem>>
    %dma_start3A_367 = tpu.memref_squeeze %dma_start3A_366 : memref<1x80xi32, #tpu.memory_space<vmem>> -> memref<80xi32, #tpu.memory_space<vmem>>
    %dma_start3A_368 = arith.constant 0 : i32
    %dma_start3A_369 = arith.constant 0 : i32
    %dma_start3A_370 = tpu.memref_slice %arg9[%dma_start3A_368, %dma_start3A_369] : memref<10000x128xf32, #tpu.memory_space<vmem_shared>> -> memref<10000x128xf32, #tpu.memory_space<vmem_shared>>
    tpu.enqueue_indirect_dma source(%dma_start3A_364 : memref<80x128xf32, #tpu.memory_space<vmem>>) target(%dma_start3A_370 : memref<10000x128xf32, #tpu.memory_space<vmem_shared>>) offsets(%dma_start3A_367 : memref<80xi32, #tpu.memory_space<vmem>>) semaphore(%arg11 : memref<!tpu.dma_semaphore, #tpu.memory_space<semaphore_mem>>) {add = true}
    %dma_wait3A_371 = arith.constant 0 : i32
    %dma_wait3A_372 = arith.constant 0 : i32
    %dma_wait3A_373 = arith.constant 0 : i32
    %dma_wait3A_374 = arith.constant 0 : i32
    %dma_wait3A_375 = tpu.memref_slice %arg8[%dma_wait3A_371, %dma_wait3A_373, %dma_wait3A_374] : memref<3x80x128xf32, #tpu.memory_space<vmem>> -> memref<1x80x128xf32, #tpu.memory_space<vmem>>
    %dma_wait3A_376 = tpu.memref_squeeze %dma_wait3A_375 : memref<1x80x128xf32, #tpu.memory_space<vmem>> -> memref<80x128xf32, #tpu.memory_space<vmem>>
    %dma_wait3A_377 = arith.constant 0 : i32
    %dma_wait3A_378 = tpu.memref_slice %arg7[%dma_wait3A_372, %dma_wait3A_377] : memref<3x80xi32, #tpu.memory_space<vmem>> -> memref<1x80xi32, #tpu.memory_space<vmem>>
    %dma_wait3A_379 = tpu.memref_squeeze %dma_wait3A_378 : memref<1x80xi32, #tpu.memory_space<vmem>> -> memref<80xi32, #tpu.memory_space<vmem>>
    %dma_wait3A_380 = arith.constant 0 : i32
    %dma_wait3A_381 = arith.constant 0 : i32
    %dma_wait3A_382 = tpu.memref_slice %arg9[%dma_wait3A_380, %dma_wait3A_381] : memref<10000x128xf32, #tpu.memory_space<vmem_shared>> -> memref<10000x128xf32, #tpu.memory_space<vmem_shared>>
    tpu.wait_indirect_dma semaphore(%arg11 : memref<!tpu.dma_semaphore, #tpu.memory_space<semaphore_mem>>) src(%dma_wait3A_376 : memref<80x128xf32, #tpu.memory_space<vmem>>) dst(%dma_wait3A_382 : memref<10000x128xf32, #tpu.memory_space<vmem_shared>>)
    %dma_wait3A_383 = arith.constant 1 : i32
    %dma_wait3A_384 = arith.constant 1 : i32
    %dma_wait3A_385 = arith.constant 0 : i32
    %dma_wait3A_386 = arith.constant 0 : i32
    %dma_wait3A_387 = tpu.memref_slice %arg8[%dma_wait3A_383, %dma_wait3A_385, %dma_wait3A_386] : memref<3x80x128xf32, #tpu.memory_space<vmem>> -> memref<1x80x128xf32, #tpu.memory_space<vmem>>
    %dma_wait3A_388 = tpu.memref_squeeze %dma_wait3A_387 : memref<1x80x128xf32, #tpu.memory_space<vmem>> -> memref<80x128xf32, #tpu.memory_space<vmem>>
    %dma_wait3A_389 = arith.constant 0 : i32
    %dma_wait3A_390 = tpu.memref_slice %arg7[%dma_wait3A_384, %dma_wait3A_389] : memref<3x80xi32, #tpu.memory_space<vmem>> -> memref<1x80xi32, #tpu.memory_space<vmem>>
    %dma_wait3A_391 = tpu.memref_squeeze %dma_wait3A_390 : memref<1x80xi32, #tpu.memory_space<vmem>> -> memref<80xi32, #tpu.memory_space<vmem>>
    %dma_wait3A_392 = arith.constant 0 : i32
    %dma_wait3A_393 = arith.constant 0 : i32
    %dma_wait3A_394 = tpu.memref_slice %arg9[%dma_wait3A_392, %dma_wait3A_393] : memref<10000x128xf32, #tpu.memory_space<vmem_shared>> -> memref<10000x128xf32, #tpu.memory_space<vmem_shared>>
    tpu.wait_indirect_dma semaphore(%arg11 : memref<!tpu.dma_semaphore, #tpu.memory_space<semaphore_mem>>) src(%dma_wait3A_388 : memref<80x128xf32, #tpu.memory_space<vmem>>) dst(%dma_wait3A_394 : memref<10000x128xf32, #tpu.memory_space<vmem_shared>>)
    %barrier3A_395 = arith.constant 0 : index
    tpu.barrier barrier_id(%barrier3A_395)
    "tpu.region"() ({
      %run_scoped3A_401 = tpu.sem_alloc : memref<!tpu.dma_semaphore, #tpu.memory_space<semaphore_mem>>
      %dma_start3A_402 = arith.constant 0 : i32
      %dma_start3A_403 = tpu.memref_slice %arg5[%arg0, %mul3A_2, %dma_start3A_402] : memref<2x10000x128xf32, #tpu.memory_space<hbm>> -> memref<1x624x128xf32, #tpu.memory_space<hbm>>
      %dma_start3A_404 = tpu.memref_squeeze %dma_start3A_403 : memref<1x624x128xf32, #tpu.memory_space<hbm>> -> memref<624x128xf32, #tpu.memory_space<hbm>>
      %dma_start3A_405 = arith.constant 0 : i32
      %dma_start3A_406 = tpu.memref_slice %arg9[%mul3A_2, %dma_start3A_405] : memref<10000x128xf32, #tpu.memory_space<vmem_shared>> -> memref<624x128xf32, #tpu.memory_space<vmem_shared>>
      tpu.enqueue_dma source(%dma_start3A_406 : memref<624x128xf32, #tpu.memory_space<vmem_shared>>) target(%dma_start3A_404 : memref<624x128xf32, #tpu.memory_space<hbm>>) target_semaphore(%run_scoped3A_401 : memref<!tpu.dma_semaphore, #tpu.memory_space<semaphore_mem>>)
      %dma_wait3A_407 = arith.constant 0 : i32
      %dma_wait3A_408 = tpu.memref_slice %arg5[%arg0, %mul3A_2, %dma_wait3A_407] : memref<2x10000x128xf32, #tpu.memory_space<hbm>> -> memref<1x624x128xf32, #tpu.memory_space<hbm>>
      %dma_wait3A_409 = tpu.memref_squeeze %dma_wait3A_408 : memref<1x624x128xf32, #tpu.memory_space<hbm>> -> memref<624x128xf32, #tpu.memory_space<hbm>>
      %dma_wait3A_410 = arith.constant 0 : i32
      %dma_wait3A_411 = tpu.memref_slice %arg9[%mul3A_2, %dma_wait3A_410] : memref<10000x128xf32, #tpu.memory_space<vmem_shared>> -> memref<624x128xf32, #tpu.memory_space<vmem_shared>>
      tpu.wait_dma2 semaphore(%run_scoped3A_401 : memref<!tpu.dma_semaphore, #tpu.memory_space<semaphore_mem>>) src(%dma_wait3A_411 : memref<624x128xf32, #tpu.memory_space<vmem_shared>>) dst(%dma_wait3A_409 : memref<624x128xf32, #tpu.memory_space<hbm>>)
      tpu.yield
    }) : () -> ()
    %eq3A_396 = arith.constant 15 : i32
    %eq3A_397 = arith.cmpi eq, %arg1, %eq3A_396 : i32
    %convert_element_type3A_398 = arith.extui %eq3A_397 : i1 to i32
    %cond3A_399 = arith.constant 0 : i32
    %cond3A_400 = arith.cmpi ne, %convert_element_type3A_398, %cond3A_399 : i32
    scf.if %cond3A_400 {
      "tpu.region"() ({
        %run_scoped3A_401 = tpu.sem_alloc : memref<!tpu.dma_semaphore, #tpu.memory_space<semaphore_mem>>
        %dma_start3A_402 = arith.constant 9984 : i32
        %dma_start3A_403 = arith.constant 0 : i32
        %dma_start3A_404 = tpu.memref_slice %arg5[%arg0, %dma_start3A_402, %dma_start3A_403] : memref<2x10000x128xf32, #tpu.memory_space<hbm>> -> memref<1x16x128xf32, #tpu.memory_space<hbm>>
        %dma_start3A_405 = tpu.memref_squeeze %dma_start3A_404 : memref<1x16x128xf32, #tpu.memory_space<hbm>> -> memref<16x128xf32, #tpu.memory_space<hbm>>
        %dma_start3A_406 = arith.constant 9984 : i32
        %dma_start3A_407 = arith.constant 0 : i32
        %dma_start3A_408 = tpu.memref_slice %arg9[%dma_start3A_406, %dma_start3A_407] : memref<10000x128xf32, #tpu.memory_space<vmem_shared>> -> memref<16x128xf32, #tpu.memory_space<vmem_shared>>
        tpu.enqueue_dma source(%dma_start3A_408 : memref<16x128xf32, #tpu.memory_space<vmem_shared>>) target(%dma_start3A_405 : memref<16x128xf32, #tpu.memory_space<hbm>>) target_semaphore(%run_scoped3A_401 : memref<!tpu.dma_semaphore, #tpu.memory_space<semaphore_mem>>)
        %dma_wait3A_409 = arith.constant 9984 : i32
        %dma_wait3A_410 = arith.constant 0 : i32
        %dma_wait3A_411 = tpu.memref_slice %arg5[%arg0, %dma_wait3A_409, %dma_wait3A_410] : memref<2x10000x128xf32, #tpu.memory_space<hbm>> -> memref<1x16x128xf32, #tpu.memory_space<hbm>>
        %dma_wait3A_412 = tpu.memref_squeeze %dma_wait3A_411 : memref<1x16x128xf32, #tpu.memory_space<hbm>> -> memref<16x128xf32, #tpu.memory_space<hbm>>
        %dma_wait3A_413 = arith.constant 9984 : i32
        %dma_wait3A_414 = arith.constant 0 : i32
        %dma_wait3A_415 = tpu.memref_slice %arg9[%dma_wait3A_413, %dma_wait3A_414] : memref<10000x128xf32, #tpu.memory_space<vmem_shared>> -> memref<16x128xf32, #tpu.memory_space<vmem_shared>>
        tpu.wait_dma2 semaphore(%run_scoped3A_401 : memref<!tpu.dma_semaphore, #tpu.memory_space<semaphore_mem>>) src(%dma_wait3A_415 : memref<16x128xf32, #tpu.memory_space<vmem_shared>>) dst(%dma_wait3A_412 : memref<16x128xf32, #tpu.memory_space<hbm>>)
        tpu.yield
      }) : () -> ()
    } else {
    }
    return
  }
}

#map = affine_map<(d0, d1) -> (0, 0)>
#map1 = affine_map<(d0, d1) -> (0)>
#map2 = affine_map<(d0, d1) -> (0, 0, 0)>
module attributes {stable_mosaic.version = 14 : i64} {
  func.func @seg_kernel(%arg0: i32, %arg1: i32, %arg2: memref<10000x128xf32, #tpu.memory_space<hbm>>, %arg3: memref<320000xi32, #tpu.memory_space<hbm>>, %arg4: memref<320000xi32, #tpu.memory_space<hbm>>, %arg5: memref<2x10000x128xf32, #tpu.memory_space<hbm>>, %arg6: memref<10000xi32, #tpu.memory_space<vmem>>, %arg7: memref<3x80xi32, #tpu.memory_space<vmem>>, %arg8: memref<3x80x128xf32, #tpu.memory_space<vmem>>, %arg9: memref<10000x128xf32, #tpu.memory_space<vmem_shared>>, %arg10: memref<!tpu.dma_semaphore, #tpu.memory_space<semaphore_mem>>, %arg11: memref<!tpu.dma_semaphore, #tpu.memory_space<semaphore_mem>>, %arg12: memref<!tpu.dma_semaphore, #tpu.memory_space<semaphore_mem>>) attributes {dimension_semantics = [#tpu.dimension_semantics<core_parallel>, #tpu.dimension_semantics<subcore_parallel>], iteration_bounds = array<i64: 2, 16>, scalar_prefetch = 0 : i64, scratch_operands = 7 : i64, tpu.core_type = #tpu.core_type<sc_vector_subcore>, window_params = [{transform_indices = #map}, {transform_indices = #map1}, {transform_indices = #map1}, {transform_indices = #map2}]} {
    %mul3A = arith.constant 2 : i32
    %mul3A_0 = arith.muli %arg1, %mul3A : i32
    %add3A = arith.addi %mul3A_0, %arg0 : i32
    %mul3A_1 = arith.constant 624 : i32
    %mul3A_2 = arith.muli %arg1, %mul3A_1 : i32
    %mul3A_3 = arith.constant 10000 : i32
    %mul3A_4 = arith.muli %add3A, %mul3A_3 : i32
    "tpu.region"() ({
      %run_scoped3A_401 = tpu.sem_alloc : memref<!tpu.dma_semaphore, #tpu.memory_space<semaphore_mem>>
      %dma_start3A_402 = tpu.memref_slice %arg3[%mul3A_4] : memref<320000xi32, #tpu.memory_space<hbm>> -> memref<10000xi32, #tpu.memory_space<hbm>>
      %dma_start3A_403 = tpu.memref_slice %arg3[%mul3A_4] : memref<320000xi32, #tpu.memory_space<hbm>> -> memref<10000xi32, #tpu.memory_space<hbm>>
      tpu.enqueue_dma source(%dma_start3A_403 : memref<10000xi32, #tpu.memory_space<hbm>>) target(%arg6 : memref<10000xi32, #tpu.memory_space<vmem>>) target_semaphore(%run_scoped3A_401 : memref<!tpu.dma_semaphore, #tpu.memory_space<semaphore_mem>>)
      %dma_wait3A_404 = tpu.memref_slice %arg3[%mul3A_4] : memref<320000xi32, #tpu.memory_space<hbm>> -> memref<10000xi32, #tpu.memory_space<hbm>>
      %dma_wait3A_405 = tpu.memref_slice %arg3[%mul3A_4] : memref<320000xi32, #tpu.memory_space<hbm>> -> memref<10000xi32, #tpu.memory_space<hbm>>
      tpu.wait_dma2 semaphore(%run_scoped3A_401 : memref<!tpu.dma_semaphore, #tpu.memory_space<semaphore_mem>>) src(%dma_wait3A_405 : memref<10000xi32, #tpu.memory_space<hbm>>) dst(%arg6 : memref<10000xi32, #tpu.memory_space<vmem>>)
      tpu.yield
    }) : () -> ()
    %broadcast_in_dim3A = arith.constant 0.000000e+00 : f32
    %broadcast_in_dim3A_5 = vector.broadcast %broadcast_in_dim3A : f32 to vector<16xf32>
    %scan3A = arith.constant 0 : i32
    %scan3A_6 = arith.constant 0 : i32
    %scan3A_7 = arith.constant 80 : i32
    %scan3A_8 = arith.addi %scan3A_6, %scan3A_7 : i32
    %scan3A_9 = arith.constant 1 : i32
    scf.for %scan3A_401 = %scan3A_6 to %scan3A_8 step %scan3A_9  : i32 {
      %swap3A = arith.constant 0 : i32
      %swap3A_402 = arith.index_cast %swap3A : i32 to index
      %swap3A_403 = arith.index_cast %scan3A_401 : i32 to index
      %swap3A_404 = arith.constant 0 : index
      %swap3A_405 = tpu.vector_load %arg8[%swap3A_402, %swap3A_403, %swap3A_404] {strides = array<i32>} : memref<3x80x128xf32, #tpu.memory_space<vmem>>, vector<1x1x16xf32>,
      %swap3A_406 = vector.shape_cast %swap3A_405 : vector<1x1x16xf32> to vector<16xf32>
      %swap3A_407 = vector.shape_cast %broadcast_in_dim3A_5 : vector<16xf32> to vector<1x1x16xf32>
      tpu.vector_store %arg8[%swap3A_402, %swap3A_403, %swap3A_404], %swap3A_407 {strides = array<i32>} : memref<3x80x128xf32, #tpu.memory_space<vmem>>, vector<1x1x16xf32>,
      %swap3A_408 = arith.constant 0 : i32
      %swap3A_409 = arith.index_cast %swap3A_408 : i32 to index
      %swap3A_410 = arith.index_cast %scan3A_401 : i32 to index
      %swap3A_411 = arith.constant 16 : index
      %swap3A_412 = tpu.vector_load %arg8[%swap3A_409, %swap3A_410, %swap3A_411] {strides = array<i32>} : memref<3x80x128xf32, #tpu.memory_space<vmem>>, vector<1x1x16xf32>,
      %swap3A_413 = vector.shape_cast %swap3A_412 : vector<1x1x16xf32> to vector<16xf32>
      %swap3A_414 = vector.shape_cast %broadcast_in_dim3A_5 : vector<16xf32> to vector<1x1x16xf32>
      tpu.vector_store %arg8[%swap3A_409, %swap3A_410, %swap3A_411], %swap3A_414 {strides = array<i32>} : memref<3x80x128xf32, #tpu.memory_space<vmem>>, vector<1x1x16xf32>,
      %swap3A_415 = arith.constant 0 : i32
      %swap3A_416 = arith.index_cast %swap3A_415 : i32 to index
      %swap3A_417 = arith.index_cast %scan3A_401 : i32 to index
      %swap3A_418 = arith.constant 32 : index
      %swap3A_419 = tpu.vector_load %arg8[%swap3A_416, %swap3A_417, %swap3A_418] {strides = array<i32>} : memref<3x80x128xf32, #tpu.memory_space<vmem>>, vector<1x1x16xf32>,
      %swap3A_420 = vector.shape_cast %swap3A_419 : vector<1x1x16xf32> to vector<16xf32>
      %swap3A_421 = vector.shape_cast %broadcast_in_dim3A_5 : vector<16xf32> to vector<1x1x16xf32>
      tpu.vector_store %arg8[%swap3A_416, %swap3A_417, %swap3A_418], %swap3A_421 {strides = array<i32>} : memref<3x80x128xf32, #tpu.memory_space<vmem>>, vector<1x1x16xf32>,
      %swap3A_422 = arith.constant 0 : i32
      %swap3A_423 = arith.index_cast %swap3A_422 : i32 to index
      %swap3A_424 = arith.index_cast %scan3A_401 : i32 to index
      %swap3A_425 = arith.constant 48 : index
      %swap3A_426 = tpu.vector_load %arg8[%swap3A_423, %swap3A_424, %swap3A_425] {strides = array<i32>} : memref<3x80x128xf32, #tpu.memory_space<vmem>>, vector<1x1x16xf32>,
      %swap3A_427 = vector.shape_cast %swap3A_426 : vector<1x1x16xf32> to vector<16xf32>
      %swap3A_428 = vector.shape_cast %broadcast_in_dim3A_5 : vector<16xf32> to vector<1x1x16xf32>
      tpu.vector_store %arg8[%swap3A_423, %swap3A_424, %swap3A_425], %swap3A_428 {strides = array<i32>} : memref<3x80x128xf32, #tpu.memory_space<vmem>>, vector<1x1x16xf32>,
      %swap3A_429 = arith.constant 0 : i32
      %swap3A_430 = arith.index_cast %swap3A_429 : i32 to index
      %swap3A_431 = arith.index_cast %scan3A_401 : i32 to index
      %swap3A_432 = arith.constant 64 : index
      %swap3A_433 = tpu.vector_load %arg8[%swap3A_430, %swap3A_431, %swap3A_432] {strides = array<i32>} : memref<3x80x128xf32, #tpu.memory_space<vmem>>, vector<1x1x16xf32>,
      %swap3A_434 = vector.shape_cast %swap3A_433 : vector<1x1x16xf32> to vector<16xf32>
      %swap3A_435 = vector.shape_cast %broadcast_in_dim3A_5 : vector<16xf32> to vector<1x1x16xf32>
      tpu.vector_store %arg8[%swap3A_430, %swap3A_431, %swap3A_432], %swap3A_435 {strides = array<i32>} : memref<3x80x128xf32, #tpu.memory_space<vmem>>, vector<1x1x16xf32>,
      %swap3A_436 = arith.constant 0 : i32
      %swap3A_437 = arith.index_cast %swap3A_436 : i32 to index
      %swap3A_438 = arith.index_cast %scan3A_401 : i32 to index
      %swap3A_439 = arith.constant 80 : index
      %swap3A_440 = tpu.vector_load %arg8[%swap3A_437, %swap3A_438, %swap3A_439] {strides = array<i32>} : memref<3x80x128xf32, #tpu.memory_space<vmem>>, vector<1x1x16xf32>,
      %swap3A_441 = vector.shape_cast %swap3A_440 : vector<1x1x16xf32> to vector<16xf32>
      %swap3A_442 = vector.shape_cast %broadcast_in_dim3A_5 : vector<16xf32> to vector<1x1x16xf32>
      tpu.vector_store %arg8[%swap3A_437, %swap3A_438, %swap3A_439], %swap3A_442 {strides = array<i32>} : memref<3x80x128xf32, #tpu.memory_space<vmem>>, vector<1x1x16xf32>,
      %swap3A_443 = arith.constant 0 : i32
      %swap3A_444 = arith.index_cast %swap3A_443 : i32 to index
      %swap3A_445 = arith.index_cast %scan3A_401 : i32 to index
      %swap3A_446 = arith.constant 96 : index
      %swap3A_447 = tpu.vector_load %arg8[%swap3A_444, %swap3A_445, %swap3A_446] {strides = array<i32>} : memref<3x80x128xf32, #tpu.memory_space<vmem>>, vector<1x1x16xf32>,
      %swap3A_448 = vector.shape_cast %swap3A_447 : vector<1x1x16xf32> to vector<16xf32>
      %swap3A_449 = vector.shape_cast %broadcast_in_dim3A_5 : vector<16xf32> to vector<1x1x16xf32>
      tpu.vector_store %arg8[%swap3A_444, %swap3A_445, %swap3A_446], %swap3A_449 {strides = array<i32>} : memref<3x80x128xf32, #tpu.memory_space<vmem>>, vector<1x1x16xf32>,
      %swap3A_450 = arith.constant 0 : i32
      %swap3A_451 = arith.index_cast %swap3A_450 : i32 to index
      %swap3A_452 = arith.index_cast %scan3A_401 : i32 to index
      %swap3A_453 = arith.constant 112 : index
      %swap3A_454 = tpu.vector_load %arg8[%swap3A_451, %swap3A_452, %swap3A_453] {strides = array<i32>} : memref<3x80x128xf32, #tpu.memory_space<vmem>>, vector<1x1x16xf32>,
      %swap3A_455 = vector.shape_cast %swap3A_454 : vector<1x1x16xf32> to vector<16xf32>
      %swap3A_456 = vector.shape_cast %broadcast_in_dim3A_5 : vector<16xf32> to vector<1x1x16xf32>
      tpu.vector_store %arg8[%swap3A_451, %swap3A_452, %swap3A_453], %swap3A_456 {strides = array<i32>} : memref<3x80x128xf32, #tpu.memory_space<vmem>>, vector<1x1x16xf32>,
      %swap3A_457 = arith.constant 1 : i32
      %swap3A_458 = arith.index_cast %swap3A_457 : i32 to index
      %swap3A_459 = arith.index_cast %scan3A_401 : i32 to index
      %swap3A_460 = arith.constant 0 : index
      %swap3A_461 = tpu.vector_load %arg8[%swap3A_458, %swap3A_459, %swap3A_460] {strides = array<i32>} : memref<3x80x128xf32, #tpu.memory_space<vmem>>, vector<1x1x16xf32>,
      %swap3A_462 = vector.shape_cast %swap3A_461 : vector<1x1x16xf32> to vector<16xf32>
      %swap3A_463 = vector.shape_cast %broadcast_in_dim3A_5 : vector<16xf32> to vector<1x1x16xf32>
      tpu.vector_store %arg8[%swap3A_458, %swap3A_459, %swap3A_460], %swap3A_463 {strides = array<i32>} : memref<3x80x128xf32, #tpu.memory_space<vmem>>, vector<1x1x16xf32>,
      %swap3A_464 = arith.constant 1 : i32
      %swap3A_465 = arith.index_cast %swap3A_464 : i32 to index
      %swap3A_466 = arith.index_cast %scan3A_401 : i32 to index
      %swap3A_467 = arith.constant 16 : index
      %swap3A_468 = tpu.vector_load %arg8[%swap3A_465, %swap3A_466, %swap3A_467] {strides = array<i32>} : memref<3x80x128xf32, #tpu.memory_space<vmem>>, vector<1x1x16xf32>,
      %swap3A_469 = vector.shape_cast %swap3A_468 : vector<1x1x16xf32> to vector<16xf32>
      %swap3A_470 = vector.shape_cast %broadcast_in_dim3A_5 : vector<16xf32> to vector<1x1x16xf32>
      tpu.vector_store %arg8[%swap3A_465, %swap3A_466, %swap3A_467], %swap3A_470 {strides = array<i32>} : memref<3x80x128xf32, #tpu.memory_space<vmem>>, vector<1x1x16xf32>,
      %swap3A_471 = arith.constant 1 : i32
      %swap3A_472 = arith.index_cast %swap3A_471 : i32 to index
      %swap3A_473 = arith.index_cast %scan3A_401 : i32 to index
      %swap3A_474 = arith.constant 32 : index
      %swap3A_475 = tpu.vector_load %arg8[%swap3A_472, %swap3A_473, %swap3A_474] {strides = array<i32>} : memref<3x80x128xf32, #tpu.memory_space<vmem>>, vector<1x1x16xf32>,
      %swap3A_476 = vector.shape_cast %swap3A_475 : vector<1x1x16xf32> to vector<16xf32>
      %swap3A_477 = vector.shape_cast %broadcast_in_dim3A_5 : vector<16xf32> to vector<1x1x16xf32>
      tpu.vector_store %arg8[%swap3A_472, %swap3A_473, %swap3A_474], %swap3A_477 {strides = array<i32>} : memref<3x80x128xf32, #tpu.memory_space<vmem>>, vector<1x1x16xf32>,
      %swap3A_478 = arith.constant 1 : i32
      %swap3A_479 = arith.index_cast %swap3A_478 : i32 to index
      %swap3A_480 = arith.index_cast %scan3A_401 : i32 to index
      %swap3A_481 = arith.constant 48 : index
      %swap3A_482 = tpu.vector_load %arg8[%swap3A_479, %swap3A_480, %swap3A_481] {strides = array<i32>} : memref<3x80x128xf32, #tpu.memory_space<vmem>>, vector<1x1x16xf32>,
      %swap3A_483 = vector.shape_cast %swap3A_482 : vector<1x1x16xf32> to vector<16xf32>
      %swap3A_484 = vector.shape_cast %broadcast_in_dim3A_5 : vector<16xf32> to vector<1x1x16xf32>
      tpu.vector_store %arg8[%swap3A_479, %swap3A_480, %swap3A_481], %swap3A_484 {strides = array<i32>} : memref<3x80x128xf32, #tpu.memory_space<vmem>>, vector<1x1x16xf32>,
      %swap3A_485 = arith.constant 1 : i32
      %swap3A_486 = arith.index_cast %swap3A_485 : i32 to index
      %swap3A_487 = arith.index_cast %scan3A_401 : i32 to index
      %swap3A_488 = arith.constant 64 : index
      %swap3A_489 = tpu.vector_load %arg8[%swap3A_486, %swap3A_487, %swap3A_488] {strides = array<i32>} : memref<3x80x128xf32, #tpu.memory_space<vmem>>, vector<1x1x16xf32>,
      %swap3A_490 = vector.shape_cast %swap3A_489 : vector<1x1x16xf32> to vector<16xf32>
      %swap3A_491 = vector.shape_cast %broadcast_in_dim3A_5 : vector<16xf32> to vector<1x1x16xf32>
      tpu.vector_store %arg8[%swap3A_486, %swap3A_487, %swap3A_488], %swap3A_491 {strides = array<i32>} : memref<3x80x128xf32, #tpu.memory_space<vmem>>, vector<1x1x16xf32>,
      %swap3A_492 = arith.constant 1 : i32
      %swap3A_493 = arith.index_cast %swap3A_492 : i32 to index
      %swap3A_494 = arith.index_cast %scan3A_401 : i32 to index
      %swap3A_495 = arith.constant 80 : index
      %swap3A_496 = tpu.vector_load %arg8[%swap3A_493, %swap3A_494, %swap3A_495] {strides = array<i32>} : memref<3x80x128xf32, #tpu.memory_space<vmem>>, vector<1x1x16xf32>,
      %swap3A_497 = vector.shape_cast %swap3A_496 : vector<1x1x16xf32> to vector<16xf32>
      %swap3A_498 = vector.shape_cast %broadcast_in_dim3A_5 : vector<16xf32> to vector<1x1x16xf32>
      tpu.vector_store %arg8[%swap3A_493, %swap3A_494, %swap3A_495], %swap3A_498 {strides = array<i32>} : memref<3x80x128xf32, #tpu.memory_space<vmem>>, vector<1x1x16xf32>,
      %swap3A_499 = arith.constant 1 : i32
      %swap3A_500 = arith.index_cast %swap3A_499 : i32 to index
      %swap3A_501 = arith.index_cast %scan3A_401 : i32 to index
      %swap3A_502 = arith.constant 96 : index
      %swap3A_503 = tpu.vector_load %arg8[%swap3A_500, %swap3A_501, %swap3A_502] {strides = array<i32>} : memref<3x80x128xf32, #tpu.memory_space<vmem>>, vector<1x1x16xf32>,
      %swap3A_504 = vector.shape_cast %swap3A_503 : vector<1x1x16xf32> to vector<16xf32>
      %swap3A_505 = vector.shape_cast %broadcast_in_dim3A_5 : vector<16xf32> to vector<1x1x16xf32>
      tpu.vector_store %arg8[%swap3A_500, %swap3A_501, %swap3A_502], %swap3A_505 {strides = array<i32>} : memref<3x80x128xf32, #tpu.memory_space<vmem>>, vector<1x1x16xf32>,
      %swap3A_506 = arith.constant 1 : i32
      %swap3A_507 = arith.index_cast %swap3A_506 : i32 to index
      %swap3A_508 = arith.index_cast %scan3A_401 : i32 to index
      %swap3A_509 = arith.constant 112 : index
      %swap3A_510 = tpu.vector_load %arg8[%swap3A_507, %swap3A_508, %swap3A_509] {strides = array<i32>} : memref<3x80x128xf32, #tpu.memory_space<vmem>>, vector<1x1x16xf32>,
      %swap3A_511 = vector.shape_cast %swap3A_510 : vector<1x1x16xf32> to vector<16xf32>
      %swap3A_512 = vector.shape_cast %broadcast_in_dim3A_5 : vector<16xf32> to vector<1x1x16xf32>
      tpu.vector_store %arg8[%swap3A_507, %swap3A_508, %swap3A_509], %swap3A_512 {strides = array<i32>} : memref<3x80x128xf32, #tpu.memory_space<vmem>>, vector<1x1x16xf32>,
      %swap3A_513 = arith.constant 2 : i32
      %swap3A_514 = arith.index_cast %swap3A_513 : i32 to index
      %swap3A_515 = arith.index_cast %scan3A_401 : i32 to index
      %swap3A_516 = arith.constant 0 : index
      %swap3A_517 = tpu.vector_load %arg8[%swap3A_514, %swap3A_515, %swap3A_516] {strides = array<i32>} : memref<3x80x128xf32, #tpu.memory_space<vmem>>, vector<1x1x16xf32>,
      %swap3A_518 = vector.shape_cast %swap3A_517 : vector<1x1x16xf32> to vector<16xf32>
      %swap3A_519 = vector.shape_cast %broadcast_in_dim3A_5 : vector<16xf32> to vector<1x1x16xf32>
      tpu.vector_store %arg8[%swap3A_514, %swap3A_515, %swap3A_516], %swap3A_519 {strides = array<i32>} : memref<3x80x128xf32, #tpu.memory_space<vmem>>, vector<1x1x16xf32>,
      %swap3A_520 = arith.constant 2 : i32
      %swap3A_521 = arith.index_cast %swap3A_520 : i32 to index
      %swap3A_522 = arith.index_cast %scan3A_401 : i32 to index
      %swap3A_523 = arith.constant 16 : index
      %swap3A_524 = tpu.vector_load %arg8[%swap3A_521, %swap3A_522, %swap3A_523] {strides = array<i32>} : memref<3x80x128xf32, #tpu.memory_space<vmem>>, vector<1x1x16xf32>,
      %swap3A_525 = vector.shape_cast %swap3A_524 : vector<1x1x16xf32> to vector<16xf32>
      %swap3A_526 = vector.shape_cast %broadcast_in_dim3A_5 : vector<16xf32> to vector<1x1x16xf32>
      tpu.vector_store %arg8[%swap3A_521, %swap3A_522, %swap3A_523], %swap3A_526 {strides = array<i32>} : memref<3x80x128xf32, #tpu.memory_space<vmem>>, vector<1x1x16xf32>,
      %swap3A_527 = arith.constant 2 : i32
      %swap3A_528 = arith.index_cast %swap3A_527 : i32 to index
      %swap3A_529 = arith.index_cast %scan3A_401 : i32 to index
      %swap3A_530 = arith.constant 32 : index
      %swap3A_531 = tpu.vector_load %arg8[%swap3A_528, %swap3A_529, %swap3A_530] {strides = array<i32>} : memref<3x80x128xf32, #tpu.memory_space<vmem>>, vector<1x1x16xf32>,
      %swap3A_532 = vector.shape_cast %swap3A_531 : vector<1x1x16xf32> to vector<16xf32>
      %swap3A_533 = vector.shape_cast %broadcast_in_dim3A_5 : vector<16xf32> to vector<1x1x16xf32>
      tpu.vector_store %arg8[%swap3A_528, %swap3A_529, %swap3A_530], %swap3A_533 {strides = array<i32>} : memref<3x80x128xf32, #tpu.memory_space<vmem>>, vector<1x1x16xf32>,
      %swap3A_534 = arith.constant 2 : i32
      %swap3A_535 = arith.index_cast %swap3A_534 : i32 to index
      %swap3A_536 = arith.index_cast %scan3A_401 : i32 to index
      %swap3A_537 = arith.constant 48 : index
      %swap3A_538 = tpu.vector_load %arg8[%swap3A_535, %swap3A_536, %swap3A_537] {strides = array<i32>} : memref<3x80x128xf32, #tpu.memory_space<vmem>>, vector<1x1x16xf32>,
      %swap3A_539 = vector.shape_cast %swap3A_538 : vector<1x1x16xf32> to vector<16xf32>
      %swap3A_540 = vector.shape_cast %broadcast_in_dim3A_5 : vector<16xf32> to vector<1x1x16xf32>
      tpu.vector_store %arg8[%swap3A_535, %swap3A_536, %swap3A_537], %swap3A_540 {strides = array<i32>} : memref<3x80x128xf32, #tpu.memory_space<vmem>>, vector<1x1x16xf32>,
      %swap3A_541 = arith.constant 2 : i32
      %swap3A_542 = arith.index_cast %swap3A_541 : i32 to index
      %swap3A_543 = arith.index_cast %scan3A_401 : i32 to index
      %swap3A_544 = arith.constant 64 : index
      %swap3A_545 = tpu.vector_load %arg8[%swap3A_542, %swap3A_543, %swap3A_544] {strides = array<i32>} : memref<3x80x128xf32, #tpu.memory_space<vmem>>, vector<1x1x16xf32>,
      %swap3A_546 = vector.shape_cast %swap3A_545 : vector<1x1x16xf32> to vector<16xf32>
      %swap3A_547 = vector.shape_cast %broadcast_in_dim3A_5 : vector<16xf32> to vector<1x1x16xf32>
      tpu.vector_store %arg8[%swap3A_542, %swap3A_543, %swap3A_544], %swap3A_547 {strides = array<i32>} : memref<3x80x128xf32, #tpu.memory_space<vmem>>, vector<1x1x16xf32>,
      %swap3A_548 = arith.constant 2 : i32
      %swap3A_549 = arith.index_cast %swap3A_548 : i32 to index
      %swap3A_550 = arith.index_cast %scan3A_401 : i32 to index
      %swap3A_551 = arith.constant 80 : index
      %swap3A_552 = tpu.vector_load %arg8[%swap3A_549, %swap3A_550, %swap3A_551] {strides = array<i32>} : memref<3x80x128xf32, #tpu.memory_space<vmem>>, vector<1x1x16xf32>,
      %swap3A_553 = vector.shape_cast %swap3A_552 : vector<1x1x16xf32> to vector<16xf32>
      %swap3A_554 = vector.shape_cast %broadcast_in_dim3A_5 : vector<16xf32> to vector<1x1x16xf32>
      tpu.vector_store %arg8[%swap3A_549, %swap3A_550, %swap3A_551], %swap3A_554 {strides = array<i32>} : memref<3x80x128xf32, #tpu.memory_space<vmem>>, vector<1x1x16xf32>,
      %swap3A_555 = arith.constant 2 : i32
      %swap3A_556 = arith.index_cast %swap3A_555 : i32 to index
      %swap3A_557 = arith.index_cast %scan3A_401 : i32 to index
      %swap3A_558 = arith.constant 96 : index
      %swap3A_559 = tpu.vector_load %arg8[%swap3A_556, %swap3A_557, %swap3A_558] {strides = array<i32>} : memref<3x80x128xf32, #tpu.memory_space<vmem>>, vector<1x1x16xf32>,
      %swap3A_560 = vector.shape_cast %swap3A_559 : vector<1x1x16xf32> to vector<16xf32>
      %swap3A_561 = vector.shape_cast %broadcast_in_dim3A_5 : vector<16xf32> to vector<1x1x16xf32>
      tpu.vector_store %arg8[%swap3A_556, %swap3A_557, %swap3A_558], %swap3A_561 {strides = array<i32>} : memref<3x80x128xf32, #tpu.memory_space<vmem>>, vector<1x1x16xf32>,
      %swap3A_562 = arith.constant 2 : i32
      %swap3A_563 = arith.index_cast %swap3A_562 : i32 to index
      %swap3A_564 = arith.index_cast %scan3A_401 : i32 to index
      %swap3A_565 = arith.constant 112 : index
      %swap3A_566 = tpu.vector_load %arg8[%swap3A_563, %swap3A_564, %swap3A_565] {strides = array<i32>} : memref<3x80x128xf32, #tpu.memory_space<vmem>>, vector<1x1x16xf32>,
      %swap3A_567 = vector.shape_cast %swap3A_566 : vector<1x1x16xf32> to vector<16xf32>
      %swap3A_568 = vector.shape_cast %broadcast_in_dim3A_5 : vector<16xf32> to vector<1x1x16xf32>
      tpu.vector_store %arg8[%swap3A_563, %swap3A_564, %swap3A_565], %swap3A_568 {strides = array<i32>} : memref<3x80x128xf32, #tpu.memory_space<vmem>>, vector<1x1x16xf32>,
    }
    %scan3A_10 = arith.constant 80 : i32
    %add3A_11 = arith.constant 0 : i32
    %add3A_12 = arith.addi %mul3A_2, %add3A_11 : i32
    %run_scoped3A = arith.constant 0 : i32
    "tpu.region"() ({
      %run_scoped3A_401 = tpu.sem_alloc : memref<!tpu.dma_semaphore, #tpu.memory_space<semaphore_mem>>
      %dma_start3A_402 = arith.constant 0 : i32
      %dma_start3A_403 = arith.constant 0 : i32
      %dma_start3A_404 = tpu.memref_slice %arg8[%run_scoped3A, %dma_start3A_402, %dma_start3A_403] : memref<3x80x128xf32, #tpu.memory_space<vmem>> -> memref<1x80x128xf32, #tpu.memory_space<vmem>>
      %dma_start3A_405 = tpu.memref_squeeze %dma_start3A_404 : memref<1x80x128xf32, #tpu.memory_space<vmem>> -> memref<80x128xf32, #tpu.memory_space<vmem>>
      %dma_start3A_406 = arith.constant 0 : i32
      %dma_start3A_407 = tpu.memref_slice %arg9[%add3A_12, %dma_start3A_406] : memref<10000x128xf32, #tpu.memory_space<vmem_shared>> -> memref<80x128xf32, #tpu.memory_space<vmem_shared>>
      %dma_start3A_408 = arith.constant 0 : i32
      %dma_start3A_409 = tpu.memref_slice %arg9[%add3A_12, %dma_start3A_408] : memref<10000x128xf32, #tpu.memory_space<vmem_shared>> -> memref<80x128xf32, #tpu.memory_space<vmem_shared>>
      %dma_start3A_410 = arith.constant 0 : i32
      %dma_start3A_411 = arith.constant 0 : i32
      %dma_start3A_412 = tpu.memref_slice %arg8[%run_scoped3A, %dma_start3A_410, %dma_start3A_411] : memref<3x80x128xf32, #tpu.memory_space<vmem>> -> memref<1x80x128xf32, #tpu.memory_space<vmem>>
      %dma_start3A_413 = tpu.memref_squeeze %dma_start3A_412 : memref<1x80x128xf32, #tpu.memory_space<vmem>> -> memref<80x128xf32, #tpu.memory_space<vmem>>
      tpu.enqueue_dma source(%dma_start3A_413 : memref<80x128xf32, #tpu.memory_space<vmem>>) target(%dma_start3A_409 : memref<80x128xf32, #tpu.memory_space<vmem_shared>>) target_semaphore(%run_scoped3A_401 : memref<!tpu.dma_semaphore, #tpu.memory_space<semaphore_mem>>)
      %dma_wait3A_414 = arith.constant 0 : i32
      %dma_wait3A_415 = arith.constant 0 : i32
      %dma_wait3A_416 = tpu.memref_slice %arg8[%run_scoped3A, %dma_wait3A_414, %dma_wait3A_415] : memref<3x80x128xf32, #tpu.memory_space<vmem>> -> memref<1x80x128xf32, #tpu.memory_space<vmem>>
      %dma_wait3A_417 = tpu.memref_squeeze %dma_wait3A_416 : memref<1x80x128xf32, #tpu.memory_space<vmem>> -> memref<80x128xf32, #tpu.memory_space<vmem>>
      %dma_wait3A_418 = arith.constant 0 : i32
      %dma_wait3A_419 = tpu.memref_slice %arg9[%add3A_12, %dma_wait3A_418] : memref<10000x128xf32, #tpu.memory_space<vmem_shared>> -> memref<80x128xf32, #tpu.memory_space<vmem_shared>>
      %dma_wait3A_420 = arith.constant 0 : i32
      %dma_wait3A_421 = tpu.memref_slice %arg9[%add3A_12, %dma_wait3A_420] : memref<10000x128xf32, #tpu.memory_space<vmem_shared>> -> memref<80x128xf32, #tpu.memory_space<vmem_shared>>
      %dma_wait3A_422 = arith.constant 0 : i32
      %dma_wait3A_423 = arith.constant 0 : i32
      %dma_wait3A_424 = tpu.memref_slice %arg8[%run_scoped3A, %dma_wait3A_422, %dma_wait3A_423] : memref<3x80x128xf32, #tpu.memory_space<vmem>> -> memref<1x80x128xf32, #tpu.memory_space<vmem>>
      %dma_wait3A_425 = tpu.memref_squeeze %dma_wait3A_424 : memref<1x80x128xf32, #tpu.memory_space<vmem>> -> memref<80x128xf32, #tpu.memory_space<vmem>>
      tpu.wait_dma2 semaphore(%run_scoped3A_401 : memref<!tpu.dma_semaphore, #tpu.memory_space<semaphore_mem>>) src(%dma_wait3A_425 : memref<80x128xf32, #tpu.memory_space<vmem>>) dst(%dma_wait3A_421 : memref<80x128xf32, #tpu.memory_space<vmem_shared>>)
      tpu.yield
    }) : () -> ()
    %add3A_13 = arith.constant 80 : i32
    %add3A_14 = arith.addi %mul3A_2, %add3A_13 : i32
    %run_scoped3A_15 = arith.constant 1 : i32
    "tpu.region"() ({
      %run_scoped3A_401 = tpu.sem_alloc : memref<!tpu.dma_semaphore, #tpu.memory_space<semaphore_mem>>
      %dma_start3A_402 = arith.constant 0 : i32
      %dma_start3A_403 = arith.constant 0 : i32
      %dma_start3A_404 = tpu.memref_slice %arg8[%run_scoped3A_15, %dma_start3A_402, %dma_start3A_403] : memref<3x80x128xf32, #tpu.memory_space<vmem>> -> memref<1x80x128xf32, #tpu.memory_space<vmem>>
      %dma_start3A_405 = tpu.memref_squeeze %dma_start3A_404 : memref<1x80x128xf32, #tpu.memory_space<vmem>> -> memref<80x128xf32, #tpu.memory_space<vmem>>
      %dma_start3A_406 = arith.constant 0 : i32
      %dma_start3A_407 = tpu.memref_slice %arg9[%add3A_14, %dma_start3A_406] : memref<10000x128xf32, #tpu.memory_space<vmem_shared>> -> memref<80x128xf32, #tpu.memory_space<vmem_shared>>
      %dma_start3A_408 = arith.constant 0 : i32
      %dma_start3A_409 = tpu.memref_slice %arg9[%add3A_14, %dma_start3A_408] : memref<10000x128xf32, #tpu.memory_space<vmem_shared>> -> memref<80x128xf32, #tpu.memory_space<vmem_shared>>
      %dma_start3A_410 = arith.constant 0 : i32
      %dma_start3A_411 = arith.constant 0 : i32
      %dma_start3A_412 = tpu.memref_slice %arg8[%run_scoped3A_15, %dma_start3A_410, %dma_start3A_411] : memref<3x80x128xf32, #tpu.memory_space<vmem>> -> memref<1x80x128xf32, #tpu.memory_space<vmem>>
      %dma_start3A_413 = tpu.memref_squeeze %dma_start3A_412 : memref<1x80x128xf32, #tpu.memory_space<vmem>> -> memref<80x128xf32, #tpu.memory_space<vmem>>
      tpu.enqueue_dma source(%dma_start3A_413 : memref<80x128xf32, #tpu.memory_space<vmem>>) target(%dma_start3A_409 : memref<80x128xf32, #tpu.memory_space<vmem_shared>>) target_semaphore(%run_scoped3A_401 : memref<!tpu.dma_semaphore, #tpu.memory_space<semaphore_mem>>)
      %dma_wait3A_414 = arith.constant 0 : i32
      %dma_wait3A_415 = arith.constant 0 : i32
      %dma_wait3A_416 = tpu.memref_slice %arg8[%run_scoped3A_15, %dma_wait3A_414, %dma_wait3A_415] : memref<3x80x128xf32, #tpu.memory_space<vmem>> -> memref<1x80x128xf32, #tpu.memory_space<vmem>>
      %dma_wait3A_417 = tpu.memref_squeeze %dma_wait3A_416 : memref<1x80x128xf32, #tpu.memory_space<vmem>> -> memref<80x128xf32, #tpu.memory_space<vmem>>
      %dma_wait3A_418 = arith.constant 0 : i32
      %dma_wait3A_419 = tpu.memref_slice %arg9[%add3A_14, %dma_wait3A_418] : memref<10000x128xf32, #tpu.memory_space<vmem_shared>> -> memref<80x128xf32, #tpu.memory_space<vmem_shared>>
      %dma_wait3A_420 = arith.constant 0 : i32
      %dma_wait3A_421 = tpu.memref_slice %arg9[%add3A_14, %dma_wait3A_420] : memref<10000x128xf32, #tpu.memory_space<vmem_shared>> -> memref<80x128xf32, #tpu.memory_space<vmem_shared>>
      %dma_wait3A_422 = arith.constant 0 : i32
      %dma_wait3A_423 = arith.constant 0 : i32
      %dma_wait3A_424 = tpu.memref_slice %arg8[%run_scoped3A_15, %dma_wait3A_422, %dma_wait3A_423] : memref<3x80x128xf32, #tpu.memory_space<vmem>> -> memref<1x80x128xf32, #tpu.memory_space<vmem>>
      %dma_wait3A_425 = tpu.memref_squeeze %dma_wait3A_424 : memref<1x80x128xf32, #tpu.memory_space<vmem>> -> memref<80x128xf32, #tpu.memory_space<vmem>>
      tpu.wait_dma2 semaphore(%run_scoped3A_401 : memref<!tpu.dma_semaphore, #tpu.memory_space<semaphore_mem>>) src(%dma_wait3A_425 : memref<80x128xf32, #tpu.memory_space<vmem>>) dst(%dma_wait3A_421 : memref<80x128xf32, #tpu.memory_space<vmem_shared>>)
      tpu.yield
    }) : () -> ()
    %add3A_16 = arith.constant 160 : i32
    %add3A_17 = arith.addi %mul3A_2, %add3A_16 : i32
    %run_scoped3A_18 = arith.constant 2 : i32
    "tpu.region"() ({
      %run_scoped3A_401 = tpu.sem_alloc : memref<!tpu.dma_semaphore, #tpu.memory_space<semaphore_mem>>
      %dma_start3A_402 = arith.constant 0 : i32
      %dma_start3A_403 = arith.constant 0 : i32
      %dma_start3A_404 = tpu.memref_slice %arg8[%run_scoped3A_18, %dma_start3A_402, %dma_start3A_403] : memref<3x80x128xf32, #tpu.memory_space<vmem>> -> memref<1x80x128xf32, #tpu.memory_space<vmem>>
      %dma_start3A_405 = tpu.memref_squeeze %dma_start3A_404 : memref<1x80x128xf32, #tpu.memory_space<vmem>> -> memref<80x128xf32, #tpu.memory_space<vmem>>
      %dma_start3A_406 = arith.constant 0 : i32
      %dma_start3A_407 = tpu.memref_slice %arg9[%add3A_17, %dma_start3A_406] : memref<10000x128xf32, #tpu.memory_space<vmem_shared>> -> memref<80x128xf32, #tpu.memory_space<vmem_shared>>
      %dma_start3A_408 = arith.constant 0 : i32
      %dma_start3A_409 = tpu.memref_slice %arg9[%add3A_17, %dma_start3A_408] : memref<10000x128xf32, #tpu.memory_space<vmem_shared>> -> memref<80x128xf32, #tpu.memory_space<vmem_shared>>
      %dma_start3A_410 = arith.constant 0 : i32
      %dma_start3A_411 = arith.constant 0 : i32
      %dma_start3A_412 = tpu.memref_slice %arg8[%run_scoped3A_18, %dma_start3A_410, %dma_start3A_411] : memref<3x80x128xf32, #tpu.memory_space<vmem>> -> memref<1x80x128xf32, #tpu.memory_space<vmem>>
      %dma_start3A_413 = tpu.memref_squeeze %dma_start3A_412 : memref<1x80x128xf32, #tpu.memory_space<vmem>> -> memref<80x128xf32, #tpu.memory_space<vmem>>
      tpu.enqueue_dma source(%dma_start3A_413 : memref<80x128xf32, #tpu.memory_space<vmem>>) target(%dma_start3A_409 : memref<80x128xf32, #tpu.memory_space<vmem_shared>>) target_semaphore(%run_scoped3A_401 : memref<!tpu.dma_semaphore, #tpu.memory_space<semaphore_mem>>)
      %dma_wait3A_414 = arith.constant 0 : i32
      %dma_wait3A_415 = arith.constant 0 : i32
      %dma_wait3A_416 = tpu.memref_slice %arg8[%run_scoped3A_18, %dma_wait3A_414, %dma_wait3A_415] : memref<3x80x128xf32, #tpu.memory_space<vmem>> -> memref<1x80x128xf32, #tpu.memory_space<vmem>>
      %dma_wait3A_417 = tpu.memref_squeeze %dma_wait3A_416 : memref<1x80x128xf32, #tpu.memory_space<vmem>> -> memref<80x128xf32, #tpu.memory_space<vmem>>
      %dma_wait3A_418 = arith.constant 0 : i32
      %dma_wait3A_419 = tpu.memref_slice %arg9[%add3A_17, %dma_wait3A_418] : memref<10000x128xf32, #tpu.memory_space<vmem_shared>> -> memref<80x128xf32, #tpu.memory_space<vmem_shared>>
      %dma_wait3A_420 = arith.constant 0 : i32
      %dma_wait3A_421 = tpu.memref_slice %arg9[%add3A_17, %dma_wait3A_420] : memref<10000x128xf32, #tpu.memory_space<vmem_shared>> -> memref<80x128xf32, #tpu.memory_space<vmem_shared>>
      %dma_wait3A_422 = arith.constant 0 : i32
      %dma_wait3A_423 = arith.constant 0 : i32
      %dma_wait3A_424 = tpu.memref_slice %arg8[%run_scoped3A_18, %dma_wait3A_422, %dma_wait3A_423] : memref<3x80x128xf32, #tpu.memory_space<vmem>> -> memref<1x80x128xf32, #tpu.memory_space<vmem>>
      %dma_wait3A_425 = tpu.memref_squeeze %dma_wait3A_424 : memref<1x80x128xf32, #tpu.memory_space<vmem>> -> memref<80x128xf32, #tpu.memory_space<vmem>>
      tpu.wait_dma2 semaphore(%run_scoped3A_401 : memref<!tpu.dma_semaphore, #tpu.memory_space<semaphore_mem>>) src(%dma_wait3A_425 : memref<80x128xf32, #tpu.memory_space<vmem>>) dst(%dma_wait3A_421 : memref<80x128xf32, #tpu.memory_space<vmem_shared>>)
      tpu.yield
    }) : () -> ()
    %add3A_19 = arith.constant 240 : i32
    %add3A_20 = arith.addi %mul3A_2, %add3A_19 : i32
    %run_scoped3A_21 = arith.constant 0 : i32
    "tpu.region"() ({
      %run_scoped3A_401 = tpu.sem_alloc : memref<!tpu.dma_semaphore, #tpu.memory_space<semaphore_mem>>
      %dma_start3A_402 = arith.constant 0 : i32
      %dma_start3A_403 = arith.constant 0 : i32
      %dma_start3A_404 = tpu.memref_slice %arg8[%run_scoped3A_21, %dma_start3A_402, %dma_start3A_403] : memref<3x80x128xf32, #tpu.memory_space<vmem>> -> memref<1x80x128xf32, #tpu.memory_space<vmem>>
      %dma_start3A_405 = tpu.memref_squeeze %dma_start3A_404 : memref<1x80x128xf32, #tpu.memory_space<vmem>> -> memref<80x128xf32, #tpu.memory_space<vmem>>
      %dma_start3A_406 = arith.constant 0 : i32
      %dma_start3A_407 = tpu.memref_slice %arg9[%add3A_20, %dma_start3A_406] : memref<10000x128xf32, #tpu.memory_space<vmem_shared>> -> memref<80x128xf32, #tpu.memory_space<vmem_shared>>
      %dma_start3A_408 = arith.constant 0 : i32
      %dma_start3A_409 = tpu.memref_slice %arg9[%add3A_20, %dma_start3A_408] : memref<10000x128xf32, #tpu.memory_space<vmem_shared>> -> memref<80x128xf32, #tpu.memory_space<vmem_shared>>
      %dma_start3A_410 = arith.constant 0 : i32
      %dma_start3A_411 = arith.constant 0 : i32
      %dma_start3A_412 = tpu.memref_slice %arg8[%run_scoped3A_21, %dma_start3A_410, %dma_start3A_411] : memref<3x80x128xf32, #tpu.memory_space<vmem>> -> memref<1x80x128xf32, #tpu.memory_space<vmem>>
      %dma_start3A_413 = tpu.memref_squeeze %dma_start3A_412 : memref<1x80x128xf32, #tpu.memory_space<vmem>> -> memref<80x128xf32, #tpu.memory_space<vmem>>
      tpu.enqueue_dma source(%dma_start3A_413 : memref<80x128xf32, #tpu.memory_space<vmem>>) target(%dma_start3A_409 : memref<80x128xf32, #tpu.memory_space<vmem_shared>>) target_semaphore(%run_scoped3A_401 : memref<!tpu.dma_semaphore, #tpu.memory_space<semaphore_mem>>)
      %dma_wait3A_414 = arith.constant 0 : i32
      %dma_wait3A_415 = arith.constant 0 : i32
      %dma_wait3A_416 = tpu.memref_slice %arg8[%run_scoped3A_21, %dma_wait3A_414, %dma_wait3A_415] : memref<3x80x128xf32, #tpu.memory_space<vmem>> -> memref<1x80x128xf32, #tpu.memory_space<vmem>>
      %dma_wait3A_417 = tpu.memref_squeeze %dma_wait3A_416 : memref<1x80x128xf32, #tpu.memory_space<vmem>> -> memref<80x128xf32, #tpu.memory_space<vmem>>
      %dma_wait3A_418 = arith.constant 0 : i32
      %dma_wait3A_419 = tpu.memref_slice %arg9[%add3A_20, %dma_wait3A_418] : memref<10000x128xf32, #tpu.memory_space<vmem_shared>> -> memref<80x128xf32, #tpu.memory_space<vmem_shared>>
      %dma_wait3A_420 = arith.constant 0 : i32
      %dma_wait3A_421 = tpu.memref_slice %arg9[%add3A_20, %dma_wait3A_420] : memref<10000x128xf32, #tpu.memory_space<vmem_shared>> -> memref<80x128xf32, #tpu.memory_space<vmem_shared>>
      %dma_wait3A_422 = arith.constant 0 : i32
      %dma_wait3A_423 = arith.constant 0 : i32
      %dma_wait3A_424 = tpu.memref_slice %arg8[%run_scoped3A_21, %dma_wait3A_422, %dma_wait3A_423] : memref<3x80x128xf32, #tpu.memory_space<vmem>> -> memref<1x80x128xf32, #tpu.memory_space<vmem>>
      %dma_wait3A_425 = tpu.memref_squeeze %dma_wait3A_424 : memref<1x80x128xf32, #tpu.memory_space<vmem>> -> memref<80x128xf32, #tpu.memory_space<vmem>>
      tpu.wait_dma2 semaphore(%run_scoped3A_401 : memref<!tpu.dma_semaphore, #tpu.memory_space<semaphore_mem>>) src(%dma_wait3A_425 : memref<80x128xf32, #tpu.memory_space<vmem>>) dst(%dma_wait3A_421 : memref<80x128xf32, #tpu.memory_space<vmem_shared>>)
      tpu.yield
    }) : () -> ()
    %add3A_22 = arith.constant 320 : i32
    %add3A_23 = arith.addi %mul3A_2, %add3A_22 : i32
    %run_scoped3A_24 = arith.constant 1 : i32
    "tpu.region"() ({
      %run_scoped3A_401 = tpu.sem_alloc : memref<!tpu.dma_semaphore, #tpu.memory_space<semaphore_mem>>
      %dma_start3A_402 = arith.constant 0 : i32
      %dma_start3A_403 = arith.constant 0 : i32
      %dma_start3A_404 = tpu.memref_slice %arg8[%run_scoped3A_24, %dma_start3A_402, %dma_start3A_403] : memref<3x80x128xf32, #tpu.memory_space<vmem>> -> memref<1x80x128xf32, #tpu.memory_space<vmem>>
      %dma_start3A_405 = tpu.memref_squeeze %dma_start3A_404 : memref<1x80x128xf32, #tpu.memory_space<vmem>> -> memref<80x128xf32, #tpu.memory_space<vmem>>
      %dma_start3A_406 = arith.constant 0 : i32
      %dma_start3A_407 = tpu.memref_slice %arg9[%add3A_23, %dma_start3A_406] : memref<10000x128xf32, #tpu.memory_space<vmem_shared>> -> memref<80x128xf32, #tpu.memory_space<vmem_shared>>
      %dma_start3A_408 = arith.constant 0 : i32
      %dma_start3A_409 = tpu.memref_slice %arg9[%add3A_23, %dma_start3A_408] : memref<10000x128xf32, #tpu.memory_space<vmem_shared>> -> memref<80x128xf32, #tpu.memory_space<vmem_shared>>
      %dma_start3A_410 = arith.constant 0 : i32
      %dma_start3A_411 = arith.constant 0 : i32
      %dma_start3A_412 = tpu.memref_slice %arg8[%run_scoped3A_24, %dma_start3A_410, %dma_start3A_411] : memref<3x80x128xf32, #tpu.memory_space<vmem>> -> memref<1x80x128xf32, #tpu.memory_space<vmem>>
      %dma_start3A_413 = tpu.memref_squeeze %dma_start3A_412 : memref<1x80x128xf32, #tpu.memory_space<vmem>> -> memref<80x128xf32, #tpu.memory_space<vmem>>
      tpu.enqueue_dma source(%dma_start3A_413 : memref<80x128xf32, #tpu.memory_space<vmem>>) target(%dma_start3A_409 : memref<80x128xf32, #tpu.memory_space<vmem_shared>>) target_semaphore(%run_scoped3A_401 : memref<!tpu.dma_semaphore, #tpu.memory_space<semaphore_mem>>)
      %dma_wait3A_414 = arith.constant 0 : i32
      %dma_wait3A_415 = arith.constant 0 : i32
      %dma_wait3A_416 = tpu.memref_slice %arg8[%run_scoped3A_24, %dma_wait3A_414, %dma_wait3A_415] : memref<3x80x128xf32, #tpu.memory_space<vmem>> -> memref<1x80x128xf32, #tpu.memory_space<vmem>>
      %dma_wait3A_417 = tpu.memref_squeeze %dma_wait3A_416 : memref<1x80x128xf32, #tpu.memory_space<vmem>> -> memref<80x128xf32, #tpu.memory_space<vmem>>
      %dma_wait3A_418 = arith.constant 0 : i32
      %dma_wait3A_419 = tpu.memref_slice %arg9[%add3A_23, %dma_wait3A_418] : memref<10000x128xf32, #tpu.memory_space<vmem_shared>> -> memref<80x128xf32, #tpu.memory_space<vmem_shared>>
      %dma_wait3A_420 = arith.constant 0 : i32
      %dma_wait3A_421 = tpu.memref_slice %arg9[%add3A_23, %dma_wait3A_420] : memref<10000x128xf32, #tpu.memory_space<vmem_shared>> -> memref<80x128xf32, #tpu.memory_space<vmem_shared>>
      %dma_wait3A_422 = arith.constant 0 : i32
      %dma_wait3A_423 = arith.constant 0 : i32
      %dma_wait3A_424 = tpu.memref_slice %arg8[%run_scoped3A_24, %dma_wait3A_422, %dma_wait3A_423] : memref<3x80x128xf32, #tpu.memory_space<vmem>> -> memref<1x80x128xf32, #tpu.memory_space<vmem>>
      %dma_wait3A_425 = tpu.memref_squeeze %dma_wait3A_424 : memref<1x80x128xf32, #tpu.memory_space<vmem>> -> memref<80x128xf32, #tpu.memory_space<vmem>>
      tpu.wait_dma2 semaphore(%run_scoped3A_401 : memref<!tpu.dma_semaphore, #tpu.memory_space<semaphore_mem>>) src(%dma_wait3A_425 : memref<80x128xf32, #tpu.memory_space<vmem>>) dst(%dma_wait3A_421 : memref<80x128xf32, #tpu.memory_space<vmem_shared>>)
      tpu.yield
    }) : () -> ()
    %add3A_25 = arith.constant 400 : i32
    %add3A_26 = arith.addi %mul3A_2, %add3A_25 : i32
    %run_scoped3A_27 = arith.constant 2 : i32
    "tpu.region"() ({
      %run_scoped3A_401 = tpu.sem_alloc : memref<!tpu.dma_semaphore, #tpu.memory_space<semaphore_mem>>
      %dma_start3A_402 = arith.constant 0 : i32
      %dma_start3A_403 = arith.constant 0 : i32
      %dma_start3A_404 = tpu.memref_slice %arg8[%run_scoped3A_27, %dma_start3A_402, %dma_start3A_403] : memref<3x80x128xf32, #tpu.memory_space<vmem>> -> memref<1x80x128xf32, #tpu.memory_space<vmem>>
      %dma_start3A_405 = tpu.memref_squeeze %dma_start3A_404 : memref<1x80x128xf32, #tpu.memory_space<vmem>> -> memref<80x128xf32, #tpu.memory_space<vmem>>
      %dma_start3A_406 = arith.constant 0 : i32
      %dma_start3A_407 = tpu.memref_slice %arg9[%add3A_26, %dma_start3A_406] : memref<10000x128xf32, #tpu.memory_space<vmem_shared>> -> memref<80x128xf32, #tpu.memory_space<vmem_shared>>
      %dma_start3A_408 = arith.constant 0 : i32
      %dma_start3A_409 = tpu.memref_slice %arg9[%add3A_26, %dma_start3A_408] : memref<10000x128xf32, #tpu.memory_space<vmem_shared>> -> memref<80x128xf32, #tpu.memory_space<vmem_shared>>
      %dma_start3A_410 = arith.constant 0 : i32
      %dma_start3A_411 = arith.constant 0 : i32
      %dma_start3A_412 = tpu.memref_slice %arg8[%run_scoped3A_27, %dma_start3A_410, %dma_start3A_411] : memref<3x80x128xf32, #tpu.memory_space<vmem>> -> memref<1x80x128xf32, #tpu.memory_space<vmem>>
      %dma_start3A_413 = tpu.memref_squeeze %dma_start3A_412 : memref<1x80x128xf32, #tpu.memory_space<vmem>> -> memref<80x128xf32, #tpu.memory_space<vmem>>
      tpu.enqueue_dma source(%dma_start3A_413 : memref<80x128xf32, #tpu.memory_space<vmem>>) target(%dma_start3A_409 : memref<80x128xf32, #tpu.memory_space<vmem_shared>>) target_semaphore(%run_scoped3A_401 : memref<!tpu.dma_semaphore, #tpu.memory_space<semaphore_mem>>)
      %dma_wait3A_414 = arith.constant 0 : i32
      %dma_wait3A_415 = arith.constant 0 : i32
      %dma_wait3A_416 = tpu.memref_slice %arg8[%run_scoped3A_27, %dma_wait3A_414, %dma_wait3A_415] : memref<3x80x128xf32, #tpu.memory_space<vmem>> -> memref<1x80x128xf32, #tpu.memory_space<vmem>>
      %dma_wait3A_417 = tpu.memref_squeeze %dma_wait3A_416 : memref<1x80x128xf32, #tpu.memory_space<vmem>> -> memref<80x128xf32, #tpu.memory_space<vmem>>
      %dma_wait3A_418 = arith.constant 0 : i32
      %dma_wait3A_419 = tpu.memref_slice %arg9[%add3A_26, %dma_wait3A_418] : memref<10000x128xf32, #tpu.memory_space<vmem_shared>> -> memref<80x128xf32, #tpu.memory_space<vmem_shared>>
      %dma_wait3A_420 = arith.constant 0 : i32
      %dma_wait3A_421 = tpu.memref_slice %arg9[%add3A_26, %dma_wait3A_420] : memref<10000x128xf32, #tpu.memory_space<vmem_shared>> -> memref<80x128xf32, #tpu.memory_space<vmem_shared>>
      %dma_wait3A_422 = arith.constant 0 : i32
      %dma_wait3A_423 = arith.constant 0 : i32
      %dma_wait3A_424 = tpu.memref_slice %arg8[%run_scoped3A_27, %dma_wait3A_422, %dma_wait3A_423] : memref<3x80x128xf32, #tpu.memory_space<vmem>> -> memref<1x80x128xf32, #tpu.memory_space<vmem>>
      %dma_wait3A_425 = tpu.memref_squeeze %dma_wait3A_424 : memref<1x80x128xf32, #tpu.memory_space<vmem>> -> memref<80x128xf32, #tpu.memory_space<vmem>>
      tpu.wait_dma2 semaphore(%run_scoped3A_401 : memref<!tpu.dma_semaphore, #tpu.memory_space<semaphore_mem>>) src(%dma_wait3A_425 : memref<80x128xf32, #tpu.memory_space<vmem>>) dst(%dma_wait3A_421 : memref<80x128xf32, #tpu.memory_space<vmem_shared>>)
      tpu.yield
    }) : () -> ()
    %add3A_28 = arith.constant 480 : i32
    %add3A_29 = arith.addi %mul3A_2, %add3A_28 : i32
    %run_scoped3A_30 = arith.constant 0 : i32
    "tpu.region"() ({
      %run_scoped3A_401 = tpu.sem_alloc : memref<!tpu.dma_semaphore, #tpu.memory_space<semaphore_mem>>
      %dma_start3A_402 = arith.constant 0 : i32
      %dma_start3A_403 = arith.constant 0 : i32
      %dma_start3A_404 = tpu.memref_slice %arg8[%run_scoped3A_30, %dma_start3A_402, %dma_start3A_403] : memref<3x80x128xf32, #tpu.memory_space<vmem>> -> memref<1x80x128xf32, #tpu.memory_space<vmem>>
      %dma_start3A_405 = tpu.memref_squeeze %dma_start3A_404 : memref<1x80x128xf32, #tpu.memory_space<vmem>> -> memref<80x128xf32, #tpu.memory_space<vmem>>
      %dma_start3A_406 = arith.constant 0 : i32
      %dma_start3A_407 = tpu.memref_slice %arg9[%add3A_29, %dma_start3A_406] : memref<10000x128xf32, #tpu.memory_space<vmem_shared>> -> memref<80x128xf32, #tpu.memory_space<vmem_shared>>
      %dma_start3A_408 = arith.constant 0 : i32
      %dma_start3A_409 = tpu.memref_slice %arg9[%add3A_29, %dma_start3A_408] : memref<10000x128xf32, #tpu.memory_space<vmem_shared>> -> memref<80x128xf32, #tpu.memory_space<vmem_shared>>
      %dma_start3A_410 = arith.constant 0 : i32
      %dma_start3A_411 = arith.constant 0 : i32
      %dma_start3A_412 = tpu.memref_slice %arg8[%run_scoped3A_30, %dma_start3A_410, %dma_start3A_411] : memref<3x80x128xf32, #tpu.memory_space<vmem>> -> memref<1x80x128xf32, #tpu.memory_space<vmem>>
      %dma_start3A_413 = tpu.memref_squeeze %dma_start3A_412 : memref<1x80x128xf32, #tpu.memory_space<vmem>> -> memref<80x128xf32, #tpu.memory_space<vmem>>
      tpu.enqueue_dma source(%dma_start3A_413 : memref<80x128xf32, #tpu.memory_space<vmem>>) target(%dma_start3A_409 : memref<80x128xf32, #tpu.memory_space<vmem_shared>>) target_semaphore(%run_scoped3A_401 : memref<!tpu.dma_semaphore, #tpu.memory_space<semaphore_mem>>)
      %dma_wait3A_414 = arith.constant 0 : i32
      %dma_wait3A_415 = arith.constant 0 : i32
      %dma_wait3A_416 = tpu.memref_slice %arg8[%run_scoped3A_30, %dma_wait3A_414, %dma_wait3A_415] : memref<3x80x128xf32, #tpu.memory_space<vmem>> -> memref<1x80x128xf32, #tpu.memory_space<vmem>>
      %dma_wait3A_417 = tpu.memref_squeeze %dma_wait3A_416 : memref<1x80x128xf32, #tpu.memory_space<vmem>> -> memref<80x128xf32, #tpu.memory_space<vmem>>
      %dma_wait3A_418 = arith.constant 0 : i32
      %dma_wait3A_419 = tpu.memref_slice %arg9[%add3A_29, %dma_wait3A_418] : memref<10000x128xf32, #tpu.memory_space<vmem_shared>> -> memref<80x128xf32, #tpu.memory_space<vmem_shared>>
      %dma_wait3A_420 = arith.constant 0 : i32
      %dma_wait3A_421 = tpu.memref_slice %arg9[%add3A_29, %dma_wait3A_420] : memref<10000x128xf32, #tpu.memory_space<vmem_shared>> -> memref<80x128xf32, #tpu.memory_space<vmem_shared>>
      %dma_wait3A_422 = arith.constant 0 : i32
      %dma_wait3A_423 = arith.constant 0 : i32
      %dma_wait3A_424 = tpu.memref_slice %arg8[%run_scoped3A_30, %dma_wait3A_422, %dma_wait3A_423] : memref<3x80x128xf32, #tpu.memory_space<vmem>> -> memref<1x80x128xf32, #tpu.memory_space<vmem>>
      %dma_wait3A_425 = tpu.memref_squeeze %dma_wait3A_424 : memref<1x80x128xf32, #tpu.memory_space<vmem>> -> memref<80x128xf32, #tpu.memory_space<vmem>>
      tpu.wait_dma2 semaphore(%run_scoped3A_401 : memref<!tpu.dma_semaphore, #tpu.memory_space<semaphore_mem>>) src(%dma_wait3A_425 : memref<80x128xf32, #tpu.memory_space<vmem>>) dst(%dma_wait3A_421 : memref<80x128xf32, #tpu.memory_space<vmem_shared>>)
      tpu.yield
    }) : () -> ()
    %add3A_31 = arith.constant 560 : i32
    %add3A_32 = arith.addi %mul3A_2, %add3A_31 : i32
    %run_scoped3A_33 = arith.constant 0 : i32
    "tpu.region"() ({
      %run_scoped3A_401 = tpu.sem_alloc : memref<!tpu.dma_semaphore, #tpu.memory_space<semaphore_mem>>
      %dma_start3A_402 = arith.constant 0 : i32
      %dma_start3A_403 = arith.constant 0 : i32
      %dma_start3A_404 = tpu.memref_slice %arg8[%run_scoped3A_33, %dma_start3A_402, %dma_start3A_403] : memref<3x80x128xf32, #tpu.memory_space<vmem>> -> memref<1x64x128xf32, #tpu.memory_space<vmem>>
      %dma_start3A_405 = tpu.memref_squeeze %dma_start3A_404 : memref<1x64x128xf32, #tpu.memory_space<vmem>> -> memref<64x128xf32, #tpu.memory_space<vmem>>
      %dma_start3A_406 = arith.constant 0 : i32
      %dma_start3A_407 = tpu.memref_slice %arg9[%add3A_32, %dma_start3A_406] : memref<10000x128xf32, #tpu.memory_space<vmem_shared>> -> memref<64x128xf32, #tpu.memory_space<vmem_shared>>
      %dma_start3A_408 = arith.constant 0 : i32
      %dma_start3A_409 = tpu.memref_slice %arg9[%add3A_32, %dma_start3A_408] : memref<10000x128xf32, #tpu.memory_space<vmem_shared>> -> memref<64x128xf32, #tpu.memory_space<vmem_shared>>
      %dma_start3A_410 = arith.constant 0 : i32
      %dma_start3A_411 = arith.constant 0 : i32
      %dma_start3A_412 = tpu.memref_slice %arg8[%run_scoped3A_33, %dma_start3A_410, %dma_start3A_411] : memref<3x80x128xf32, #tpu.memory_space<vmem>> -> memref<1x64x128xf32, #tpu.memory_space<vmem>>
      %dma_start3A_413 = tpu.memref_squeeze %dma_start3A_412 : memref<1x64x128xf32, #tpu.memory_space<vmem>> -> memref<64x128xf32, #tpu.memory_space<vmem>>
      tpu.enqueue_dma source(%dma_start3A_413 : memref<64x128xf32, #tpu.memory_space<vmem>>) target(%dma_start3A_409 : memref<64x128xf32, #tpu.memory_space<vmem_shared>>) target_semaphore(%run_scoped3A_401 : memref<!tpu.dma_semaphore, #tpu.memory_space<semaphore_mem>>)
      %dma_wait3A_414 = arith.constant 0 : i32
      %dma_wait3A_415 = arith.constant 0 : i32
      %dma_wait3A_416 = tpu.memref_slice %arg8[%run_scoped3A_33, %dma_wait3A_414, %dma_wait3A_415] : memref<3x80x128xf32, #tpu.memory_space<vmem>> -> memref<1x64x128xf32, #tpu.memory_space<vmem>>
      %dma_wait3A_417 = tpu.memref_squeeze %dma_wait3A_416 : memref<1x64x128xf32, #tpu.memory_space<vmem>> -> memref<64x128xf32, #tpu.memory_space<vmem>>
      %dma_wait3A_418 = arith.constant 0 : i32
      %dma_wait3A_419 = tpu.memref_slice %arg9[%add3A_32, %dma_wait3A_418] : memref<10000x128xf32, #tpu.memory_space<vmem_shared>> -> memref<64x128xf32, #tpu.memory_space<vmem_shared>>
      %dma_wait3A_420 = arith.constant 0 : i32
      %dma_wait3A_421 = tpu.memref_slice %arg9[%add3A_32, %dma_wait3A_420] : memref<10000x128xf32, #tpu.memory_space<vmem_shared>> -> memref<64x128xf32, #tpu.memory_space<vmem_shared>>
      %dma_wait3A_422 = arith.constant 0 : i32
      %dma_wait3A_423 = arith.constant 0 : i32
      %dma_wait3A_424 = tpu.memref_slice %arg8[%run_scoped3A_33, %dma_wait3A_422, %dma_wait3A_423] : memref<3x80x128xf32, #tpu.memory_space<vmem>> -> memref<1x64x128xf32, #tpu.memory_space<vmem>>
      %dma_wait3A_425 = tpu.memref_squeeze %dma_wait3A_424 : memref<1x64x128xf32, #tpu.memory_space<vmem>> -> memref<64x128xf32, #tpu.memory_space<vmem>>
      tpu.wait_dma2 semaphore(%run_scoped3A_401 : memref<!tpu.dma_semaphore, #tpu.memory_space<semaphore_mem>>) src(%dma_wait3A_425 : memref<64x128xf32, #tpu.memory_space<vmem>>) dst(%dma_wait3A_421 : memref<64x128xf32, #tpu.memory_space<vmem_shared>>)
      tpu.yield
    }) : () -> ()
    %eq3A = arith.constant 15 : i32
    %eq3A_34 = arith.cmpi eq, %arg1, %eq3A : i32
    %convert_element_type3A = arith.extui %eq3A_34 : i1 to i32
    %cond3A = arith.constant 0 : i32
    %cond3A_35 = arith.cmpi ne, %convert_element_type3A, %cond3A : i32
    scf.if %cond3A_35 {
      %run_scoped3A_401 = arith.constant 1 : i32
      "tpu.region"() ({
        %run_scoped3A_402 = tpu.sem_alloc : memref<!tpu.dma_semaphore, #tpu.memory_space<semaphore_mem>>
        %dma_start3A_403 = arith.constant 0 : i32
        %dma_start3A_404 = arith.constant 0 : i32
        %dma_start3A_405 = tpu.memref_slice %arg8[%run_scoped3A_401, %dma_start3A_403, %dma_start3A_404] : memref<3x80x128xf32, #tpu.memory_space<vmem>> -> memref<1x16x128xf32, #tpu.memory_space<vmem>>
        %dma_start3A_406 = tpu.memref_squeeze %dma_start3A_405 : memref<1x16x128xf32, #tpu.memory_space<vmem>> -> memref<16x128xf32, #tpu.memory_space<vmem>>
        %dma_start3A_407 = arith.constant 9984 : i32
        %dma_start3A_408 = arith.constant 0 : i32
        %dma_start3A_409 = tpu.memref_slice %arg9[%dma_start3A_407, %dma_start3A_408] : memref<10000x128xf32, #tpu.memory_space<vmem_shared>> -> memref<16x128xf32, #tpu.memory_space<vmem_shared>>
        %dma_start3A_410 = arith.constant 9984 : i32
        %dma_start3A_411 = arith.constant 0 : i32
        %dma_start3A_412 = tpu.memref_slice %arg9[%dma_start3A_410, %dma_start3A_411] : memref<10000x128xf32, #tpu.memory_space<vmem_shared>> -> memref<16x128xf32, #tpu.memory_space<vmem_shared>>
        %dma_start3A_413 = arith.constant 0 : i32
        %dma_start3A_414 = arith.constant 0 : i32
        %dma_start3A_415 = tpu.memref_slice %arg8[%run_scoped3A_401, %dma_start3A_413, %dma_start3A_414] : memref<3x80x128xf32, #tpu.memory_space<vmem>> -> memref<1x16x128xf32, #tpu.memory_space<vmem>>
        %dma_start3A_416 = tpu.memref_squeeze %dma_start3A_415 : memref<1x16x128xf32, #tpu.memory_space<vmem>> -> memref<16x128xf32, #tpu.memory_space<vmem>>
        tpu.enqueue_dma source(%dma_start3A_416 : memref<16x128xf32, #tpu.memory_space<vmem>>) target(%dma_start3A_412 : memref<16x128xf32, #tpu.memory_space<vmem_shared>>) target_semaphore(%run_scoped3A_402 : memref<!tpu.dma_semaphore, #tpu.memory_space<semaphore_mem>>)
        %dma_wait3A_417 = arith.constant 0 : i32
        %dma_wait3A_418 = arith.constant 0 : i32
        %dma_wait3A_419 = tpu.memref_slice %arg8[%run_scoped3A_401, %dma_wait3A_417, %dma_wait3A_418] : memref<3x80x128xf32, #tpu.memory_space<vmem>> -> memref<1x16x128xf32, #tpu.memory_space<vmem>>
        %dma_wait3A_420 = tpu.memref_squeeze %dma_wait3A_419 : memref<1x16x128xf32, #tpu.memory_space<vmem>> -> memref<16x128xf32, #tpu.memory_space<vmem>>
        %dma_wait3A_421 = arith.constant 9984 : i32
        %dma_wait3A_422 = arith.constant 0 : i32
        %dma_wait3A_423 = tpu.memref_slice %arg9[%dma_wait3A_421, %dma_wait3A_422] : memref<10000x128xf32, #tpu.memory_space<vmem_shared>> -> memref<16x128xf32, #tpu.memory_space<vmem_shared>>
        %dma_wait3A_424 = arith.constant 9984 : i32
        %dma_wait3A_425 = arith.constant 0 : i32
        %dma_wait3A_426 = tpu.memref_slice %arg9[%dma_wait3A_424, %dma_wait3A_425] : memref<10000x128xf32, #tpu.memory_space<vmem_shared>> -> memref<16x128xf32, #tpu.memory_space<vmem_shared>>
        %dma_wait3A_427 = arith.constant 0 : i32
        %dma_wait3A_428 = arith.constant 0 : i32
        %dma_wait3A_429 = tpu.memref_slice %arg8[%run_scoped3A_401, %dma_wait3A_427, %dma_wait3A_428] : memref<3x80x128xf32, #tpu.memory_space<vmem>> -> memref<1x16x128xf32, #tpu.memory_space<vmem>>
        %dma_wait3A_430 = tpu.memref_squeeze %dma_wait3A_429 : memref<1x16x128xf32, #tpu.memory_space<vmem>> -> memref<16x128xf32, #tpu.memory_space<vmem>>
        tpu.wait_dma2 semaphore(%run_scoped3A_402 : memref<!tpu.dma_semaphore, #tpu.memory_space<semaphore_mem>>) src(%dma_wait3A_430 : memref<16x128xf32, #tpu.memory_space<vmem>>) dst(%dma_wait3A_426 : memref<16x128xf32, #tpu.memory_space<vmem_shared>>)
        tpu.yield
      }) : () -> ()
    } else {
    }
    %barrier3A = arith.constant 0 : index
    tpu.barrier barrier_id(%barrier3A)
    %add3A_36 = arith.constant 0 : i32
    %add3A_37 = arith.addi %mul3A_4, %add3A_36 : i32
    %dma_start3A = arith.constant 0 : i32
    %dma_start3A_38 = arith.constant 0 : i32
    %dma_start3A_39 = tpu.memref_slice %arg7[%dma_start3A, %dma_start3A_38] : memref<3x80xi32, #tpu.memory_space<vmem>> -> memref<1x80xi32, #tpu.memory_space<vmem>>
    %dma_start3A_40 = tpu.memref_squeeze %dma_start3A_39 : memref<1x80xi32, #tpu.memory_space<vmem>> -> memref<80xi32, #tpu.memory_space<vmem>>
    %dma_start3A_41 = tpu.memref_slice %arg4[%add3A_37] : memref<320000xi32, #tpu.memory_space<hbm>> -> memref<80xi32, #tpu.memory_space<hbm>>
    %dma_start3A_42 = arith.constant 0 : i32
    %dma_start3A_43 = tpu.memref_slice %arg7[%dma_start3A, %dma_start3A_42] : memref<3x80xi32, #tpu.memory_space<vmem>> -> memref<1x80xi32, #tpu.memory_space<vmem>>
    %dma_start3A_44 = tpu.memref_squeeze %dma_start3A_43 : memref<1x80xi32, #tpu.memory_space<vmem>> -> memref<80xi32, #tpu.memory_space<vmem>>
    %dma_start3A_45 = tpu.memref_slice %arg4[%add3A_37] : memref<320000xi32, #tpu.memory_space<hbm>> -> memref<80xi32, #tpu.memory_space<hbm>>
    tpu.enqueue_dma source(%dma_start3A_45 : memref<80xi32, #tpu.memory_space<hbm>>) target(%dma_start3A_44 : memref<80xi32, #tpu.memory_space<vmem>>) target_semaphore(%arg12 : memref<!tpu.dma_semaphore, #tpu.memory_space<semaphore_mem>>)
    %dma_start3A_46 = arith.constant 0 : i32
    %dma_start3A_47 = arith.constant 0 : i32
    %dma_start3A_48 = arith.constant 0 : i32
    %dma_start3A_49 = tpu.memref_slice %arg8[%dma_start3A_46, %dma_start3A_47, %dma_start3A_48] : memref<3x80x128xf32, #tpu.memory_space<vmem>> -> memref<1x80x128xf32, #tpu.memory_space<vmem>>
    %dma_start3A_50 = tpu.memref_squeeze %dma_start3A_49 : memref<1x80x128xf32, #tpu.memory_space<vmem>> -> memref<80x128xf32, #tpu.memory_space<vmem>>
    %dma_start3A_51 = arith.constant 0 : i32
    %dma_start3A_52 = tpu.memref_slice %arg6[%dma_start3A_51] : memref<10000xi32, #tpu.memory_space<vmem>> -> memref<80xi32, #tpu.memory_space<vmem>>
    %dma_start3A_53 = arith.constant 0 : i32
    %dma_start3A_54 = arith.constant 0 : i32
    %dma_start3A_55 = tpu.memref_slice %arg2[%dma_start3A_53, %dma_start3A_54] : memref<10000x128xf32, #tpu.memory_space<hbm>> -> memref<10000x128xf32, #tpu.memory_space<hbm>>
    tpu.enqueue_indirect_dma source(%dma_start3A_55 : memref<10000x128xf32, #tpu.memory_space<hbm>>) target(%dma_start3A_50 : memref<80x128xf32, #tpu.memory_space<vmem>>) offsets(%dma_start3A_52 : memref<80xi32, #tpu.memory_space<vmem>>) semaphore(%arg10 : memref<!tpu.dma_semaphore, #tpu.memory_space<semaphore_mem>>)
    %add3A_56 = arith.constant 80 : i32
    %add3A_57 = arith.addi %mul3A_4, %add3A_56 : i32
    %dma_start3A_58 = arith.constant 1 : i32
    %dma_start3A_59 = arith.constant 0 : i32
    %dma_start3A_60 = tpu.memref_slice %arg7[%dma_start3A_58, %dma_start3A_59] : memref<3x80xi32, #tpu.memory_space<vmem>> -> memref<1x80xi32, #tpu.memory_space<vmem>>
    %dma_start3A_61 = tpu.memref_squeeze %dma_start3A_60 : memref<1x80xi32, #tpu.memory_space<vmem>> -> memref<80xi32, #tpu.memory_space<vmem>>
    %dma_start3A_62 = tpu.memref_slice %arg4[%add3A_57] : memref<320000xi32, #tpu.memory_space<hbm>> -> memref<80xi32, #tpu.memory_space<hbm>>
    %dma_start3A_63 = arith.constant 0 : i32
    %dma_start3A_64 = tpu.memref_slice %arg7[%dma_start3A_58, %dma_start3A_63] : memref<3x80xi32, #tpu.memory_space<vmem>> -> memref<1x80xi32, #tpu.memory_space<vmem>>
    %dma_start3A_65 = tpu.memref_squeeze %dma_start3A_64 : memref<1x80xi32, #tpu.memory_space<vmem>> -> memref<80xi32, #tpu.memory_space<vmem>>
    %dma_start3A_66 = tpu.memref_slice %arg4[%add3A_57] : memref<320000xi32, #tpu.memory_space<hbm>> -> memref<80xi32, #tpu.memory_space<hbm>>
    tpu.enqueue_dma source(%dma_start3A_66 : memref<80xi32, #tpu.memory_space<hbm>>) target(%dma_start3A_65 : memref<80xi32, #tpu.memory_space<vmem>>) target_semaphore(%arg12 : memref<!tpu.dma_semaphore, #tpu.memory_space<semaphore_mem>>)
    %dma_start3A_67 = arith.constant 1 : i32
    %dma_start3A_68 = arith.constant 0 : i32
    %dma_start3A_69 = arith.constant 0 : i32
    %dma_start3A_70 = tpu.memref_slice %arg8[%dma_start3A_67, %dma_start3A_68, %dma_start3A_69] : memref<3x80x128xf32, #tpu.memory_space<vmem>> -> memref<1x80x128xf32, #tpu.memory_space<vmem>>
    %dma_start3A_71 = tpu.memref_squeeze %dma_start3A_70 : memref<1x80x128xf32, #tpu.memory_space<vmem>> -> memref<80x128xf32, #tpu.memory_space<vmem>>
    %dma_start3A_72 = arith.constant 80 : i32
    %dma_start3A_73 = tpu.memref_slice %arg6[%dma_start3A_72] : memref<10000xi32, #tpu.memory_space<vmem>> -> memref<80xi32, #tpu.memory_space<vmem>>
    %dma_start3A_74 = arith.constant 0 : i32
    %dma_start3A_75 = arith.constant 0 : i32
    %dma_start3A_76 = tpu.memref_slice %arg2[%dma_start3A_74, %dma_start3A_75] : memref<10000x128xf32, #tpu.memory_space<hbm>> -> memref<10000x128xf32, #tpu.memory_space<hbm>>
    tpu.enqueue_indirect_dma source(%dma_start3A_76 : memref<10000x128xf32, #tpu.memory_space<hbm>>) target(%dma_start3A_71 : memref<80x128xf32, #tpu.memory_space<vmem>>) offsets(%dma_start3A_73 : memref<80xi32, #tpu.memory_space<vmem>>) semaphore(%arg10 : memref<!tpu.dma_semaphore, #tpu.memory_space<semaphore_mem>>)
    %add3A_77 = arith.constant 160 : i32
    %add3A_78 = arith.addi %mul3A_4, %add3A_77 : i32
    %dma_start3A_79 = arith.constant 2 : i32
    %dma_start3A_80 = arith.constant 0 : i32
    %dma_start3A_81 = tpu.memref_slice %arg7[%dma_start3A_79, %dma_start3A_80] : memref<3x80xi32, #tpu.memory_space<vmem>> -> memref<1x80xi32, #tpu.memory_space<vmem>>
    %dma_start3A_82 = tpu.memref_squeeze %dma_start3A_81 : memref<1x80xi32, #tpu.memory_space<vmem>> -> memref<80xi32, #tpu.memory_space<vmem>>
    %dma_start3A_83 = tpu.memref_slice %arg4[%add3A_78] : memref<320000xi32, #tpu.memory_space<hbm>> -> memref<80xi32, #tpu.memory_space<hbm>>
    %dma_start3A_84 = arith.constant 0 : i32
    %dma_start3A_85 = tpu.memref_slice %arg7[%dma_start3A_79, %dma_start3A_84] : memref<3x80xi32, #tpu.memory_space<vmem>> -> memref<1x80xi32, #tpu.memory_space<vmem>>
    %dma_start3A_86 = tpu.memref_squeeze %dma_start3A_85 : memref<1x80xi32, #tpu.memory_space<vmem>> -> memref<80xi32, #tpu.memory_space<vmem>>
    %dma_start3A_87 = tpu.memref_slice %arg4[%add3A_78] : memref<320000xi32, #tpu.memory_space<hbm>> -> memref<80xi32, #tpu.memory_space<hbm>>
    tpu.enqueue_dma source(%dma_start3A_87 : memref<80xi32, #tpu.memory_space<hbm>>) target(%dma_start3A_86 : memref<80xi32, #tpu.memory_space<vmem>>) target_semaphore(%arg12 : memref<!tpu.dma_semaphore, #tpu.memory_space<semaphore_mem>>)
    %dma_start3A_88 = arith.constant 2 : i32
    %dma_start3A_89 = arith.constant 0 : i32
    %dma_start3A_90 = arith.constant 0 : i32
    %dma_start3A_91 = tpu.memref_slice %arg8[%dma_start3A_88, %dma_start3A_89, %dma_start3A_90] : memref<3x80x128xf32, #tpu.memory_space<vmem>> -> memref<1x80x128xf32, #tpu.memory_space<vmem>>
    %dma_start3A_92 = tpu.memref_squeeze %dma_start3A_91 : memref<1x80x128xf32, #tpu.memory_space<vmem>> -> memref<80x128xf32, #tpu.memory_space<vmem>>
    %dma_start3A_93 = arith.constant 160 : i32
    %dma_start3A_94 = tpu.memref_slice %arg6[%dma_start3A_93] : memref<10000xi32, #tpu.memory_space<vmem>> -> memref<80xi32, #tpu.memory_space<vmem>>
    %dma_start3A_95 = arith.constant 0 : i32
    %dma_start3A_96 = arith.constant 0 : i32
    %dma_start3A_97 = tpu.memref_slice %arg2[%dma_start3A_95, %dma_start3A_96] : memref<10000x128xf32, #tpu.memory_space<hbm>> -> memref<10000x128xf32, #tpu.memory_space<hbm>>
    tpu.enqueue_indirect_dma source(%dma_start3A_97 : memref<10000x128xf32, #tpu.memory_space<hbm>>) target(%dma_start3A_92 : memref<80x128xf32, #tpu.memory_space<vmem>>) offsets(%dma_start3A_94 : memref<80xi32, #tpu.memory_space<vmem>>) semaphore(%arg10 : memref<!tpu.dma_semaphore, #tpu.memory_space<semaphore_mem>>)
    %scan3A_98 = arith.constant 0 : i32
    %scan3A_99 = arith.constant 0 : i32
    %scan3A_100 = arith.constant 40 : i32
    %scan3A_101 = arith.addi %scan3A_99, %scan3A_100 : i32
    %scan3A_102 = arith.constant 1 : i32
    scf.for %scan3A_401 = %scan3A_99 to %scan3A_101 step %scan3A_102  : i32 {
      %dma_wait3A_402 = arith.constant 0 : i32
      %dma_wait3A_403 = arith.constant 0 : i32
      %dma_wait3A_404 = tpu.memref_slice %arg7[%dma_wait3A_402, %dma_wait3A_403] : memref<3x80xi32, #tpu.memory_space<vmem>> -> memref<1x80xi32, #tpu.memory_space<vmem>>
      %dma_wait3A_405 = tpu.memref_squeeze %dma_wait3A_404 : memref<1x80xi32, #tpu.memory_space<vmem>> -> memref<80xi32, #tpu.memory_space<vmem>>
      %dma_wait3A_406 = arith.constant 0 : i32
      %dma_wait3A_407 = tpu.memref_slice %arg4[%dma_wait3A_406] : memref<320000xi32, #tpu.memory_space<hbm>> -> memref<80xi32, #tpu.memory_space<hbm>>
      %dma_wait3A_408 = arith.constant 0 : i32
      %dma_wait3A_409 = tpu.memref_slice %arg7[%dma_wait3A_402, %dma_wait3A_408] : memref<3x80xi32, #tpu.memory_space<vmem>> -> memref<1x80xi32, #tpu.memory_space<vmem>>
      %dma_wait3A_410 = tpu.memref_squeeze %dma_wait3A_409 : memref<1x80xi32, #tpu.memory_space<vmem>> -> memref<80xi32, #tpu.memory_space<vmem>>
      %dma_wait3A_411 = arith.constant 0 : i32
      %dma_wait3A_412 = tpu.memref_slice %arg4[%dma_wait3A_411] : memref<320000xi32, #tpu.memory_space<hbm>> -> memref<80xi32, #tpu.memory_space<hbm>>
      tpu.wait_dma2 semaphore(%arg12 : memref<!tpu.dma_semaphore, #tpu.memory_space<semaphore_mem>>) src(%dma_wait3A_412 : memref<80xi32, #tpu.memory_space<hbm>>) dst(%dma_wait3A_410 : memref<80xi32, #tpu.memory_space<vmem>>)
      %dma_wait3A_413 = arith.constant 0 : i32
      %dma_wait3A_414 = arith.constant 0 : i32
      %dma_wait3A_415 = arith.constant 0 : i32
      %dma_wait3A_416 = tpu.memref_slice %arg8[%dma_wait3A_413, %dma_wait3A_414, %dma_wait3A_415] : memref<3x80x128xf32, #tpu.memory_space<vmem>> -> memref<1x80x128xf32, #tpu.memory_space<vmem>>
      %dma_wait3A_417 = tpu.memref_squeeze %dma_wait3A_416 : memref<1x80x128xf32, #tpu.memory_space<vmem>> -> memref<80x128xf32, #tpu.memory_space<vmem>>
      %dma_wait3A_418 = arith.constant 0 : i32
      %dma_wait3A_419 = arith.constant 0 : i32
      %dma_wait3A_420 = tpu.memref_slice %arg2[%dma_wait3A_418, %dma_wait3A_419] : memref<10000x128xf32, #tpu.memory_space<hbm>> -> memref<80x128xf32, #tpu.memory_space<hbm>>
      %dma_wait3A_421 = arith.constant 0 : i32
      %dma_wait3A_422 = arith.constant 0 : i32
      %dma_wait3A_423 = tpu.memref_slice %arg8[%dma_wait3A_413, %dma_wait3A_421, %dma_wait3A_422] : memref<3x80x128xf32, #tpu.memory_space<vmem>> -> memref<1x80x128xf32, #tpu.memory_space<vmem>>
      %dma_wait3A_424 = tpu.memref_squeeze %dma_wait3A_423 : memref<1x80x128xf32, #tpu.memory_space<vmem>> -> memref<80x128xf32, #tpu.memory_space<vmem>>
      %dma_wait3A_425 = arith.constant 0 : i32
      %dma_wait3A_426 = arith.constant 0 : i32
      %dma_wait3A_427 = tpu.memref_slice %arg2[%dma_wait3A_425, %dma_wait3A_426] : memref<10000x128xf32, #tpu.memory_space<hbm>> -> memref<80x128xf32, #tpu.memory_space<hbm>>
      tpu.wait_dma2 semaphore(%arg10 : memref<!tpu.dma_semaphore, #tpu.memory_space<semaphore_mem>>) src(%dma_wait3A_427 : memref<80x128xf32, #tpu.memory_space<hbm>>) dst(%dma_wait3A_424 : memref<80x128xf32, #tpu.memory_space<vmem>>)
      %dma_start3A_428 = arith.constant 0 : i32
      %dma_start3A_429 = arith.constant 0 : i32
      %dma_start3A_430 = arith.constant 0 : i32
      %dma_start3A_431 = arith.constant 0 : i32
      %dma_start3A_432 = tpu.memref_slice %arg8[%dma_start3A_428, %dma_start3A_430, %dma_start3A_431] : memref<3x80x128xf32, #tpu.memory_space<vmem>> -> memref<1x80x128xf32, #tpu.memory_space<vmem>>
      %dma_start3A_433 = tpu.memref_squeeze %dma_start3A_432 : memref<1x80x128xf32, #tpu.memory_space<vmem>> -> memref<80x128xf32, #tpu.memory_space<vmem>>
      %dma_start3A_434 = arith.constant 0 : i32
      %dma_start3A_435 = tpu.memref_slice %arg7[%dma_start3A_429, %dma_start3A_434] : memref<3x80xi32, #tpu.memory_space<vmem>> -> memref<1x80xi32, #tpu.memory_space<vmem>>
      %dma_start3A_436 = tpu.memref_squeeze %dma_start3A_435 : memref<1x80xi32, #tpu.memory_space<vmem>> -> memref<80xi32, #tpu.memory_space<vmem>>
      %dma_start3A_437 = arith.constant 0 : i32
      %dma_start3A_438 = arith.constant 0 : i32
      %dma_start3A_439 = tpu.memref_slice %arg9[%dma_start3A_437, %dma_start3A_438] : memref<10000x128xf32, #tpu.memory_space<vmem_shared>> -> memref<10000x128xf32, #tpu.memory_space<vmem_shared>>
      tpu.enqueue_indirect_dma source(%dma_start3A_433 : memref<80x128xf32, #tpu.memory_space<vmem>>) target(%dma_start3A_439 : memref<10000x128xf32, #tpu.memory_space<vmem_shared>>) offsets(%dma_start3A_436 : memref<80xi32, #tpu.memory_space<vmem>>) semaphore(%arg11 : memref<!tpu.dma_semaphore, #tpu.memory_space<semaphore_mem>>) {add = true}
      %dma_wait3A_440 = arith.constant 1 : i32
      %dma_wait3A_441 = arith.constant 0 : i32
      %dma_wait3A_442 = tpu.memref_slice %arg7[%dma_wait3A_440, %dma_wait3A_441] : memref<3x80xi32, #tpu.memory_space<vmem>> -> memref<1x80xi32, #tpu.memory_space<vmem>>
      %dma_wait3A_443 = tpu.memref_squeeze %dma_wait3A_442 : memref<1x80xi32, #tpu.memory_space<vmem>> -> memref<80xi32, #tpu.memory_space<vmem>>
      %dma_wait3A_444 = arith.constant 0 : i32
      %dma_wait3A_445 = tpu.memref_slice %arg4[%dma_wait3A_444] : memref<320000xi32, #tpu.memory_space<hbm>> -> memref<80xi32, #tpu.memory_space<hbm>>
      %dma_wait3A_446 = arith.constant 0 : i32
      %dma_wait3A_447 = tpu.memref_slice %arg7[%dma_wait3A_440, %dma_wait3A_446] : memref<3x80xi32, #tpu.memory_space<vmem>> -> memref<1x80xi32, #tpu.memory_space<vmem>>
      %dma_wait3A_448 = tpu.memref_squeeze %dma_wait3A_447 : memref<1x80xi32, #tpu.memory_space<vmem>> -> memref<80xi32, #tpu.memory_space<vmem>>
      %dma_wait3A_449 = arith.constant 0 : i32
      %dma_wait3A_450 = tpu.memref_slice %arg4[%dma_wait3A_449] : memref<320000xi32, #tpu.memory_space<hbm>> -> memref<80xi32, #tpu.memory_space<hbm>>
      tpu.wait_dma2 semaphore(%arg12 : memref<!tpu.dma_semaphore, #tpu.memory_space<semaphore_mem>>) src(%dma_wait3A_450 : memref<80xi32, #tpu.memory_space<hbm>>) dst(%dma_wait3A_448 : memref<80xi32, #tpu.memory_space<vmem>>)
      %dma_wait3A_451 = arith.constant 1 : i32
      %dma_wait3A_452 = arith.constant 0 : i32
      %dma_wait3A_453 = arith.constant 0 : i32
      %dma_wait3A_454 = tpu.memref_slice %arg8[%dma_wait3A_451, %dma_wait3A_452, %dma_wait3A_453] : memref<3x80x128xf32, #tpu.memory_space<vmem>> -> memref<1x80x128xf32, #tpu.memory_space<vmem>>
      %dma_wait3A_455 = tpu.memref_squeeze %dma_wait3A_454 : memref<1x80x128xf32, #tpu.memory_space<vmem>> -> memref<80x128xf32, #tpu.memory_space<vmem>>
      %dma_wait3A_456 = arith.constant 0 : i32
      %dma_wait3A_457 = arith.constant 0 : i32
      %dma_wait3A_458 = tpu.memref_slice %arg2[%dma_wait3A_456, %dma_wait3A_457] : memref<10000x128xf32, #tpu.memory_space<hbm>> -> memref<80x128xf32, #tpu.memory_space<hbm>>
      %dma_wait3A_459 = arith.constant 0 : i32
      %dma_wait3A_460 = arith.constant 0 : i32
      %dma_wait3A_461 = tpu.memref_slice %arg8[%dma_wait3A_451, %dma_wait3A_459, %dma_wait3A_460] : memref<3x80x128xf32, #tpu.memory_space<vmem>> -> memref<1x80x128xf32, #tpu.memory_space<vmem>>
      %dma_wait3A_462 = tpu.memref_squeeze %dma_wait3A_461 : memref<1x80x128xf32, #tpu.memory_space<vmem>> -> memref<80x128xf32, #tpu.memory_space<vmem>>
      %dma_wait3A_463 = arith.constant 0 : i32
      %dma_wait3A_464 = arith.constant 0 : i32
      %dma_wait3A_465 = tpu.memref_slice %arg2[%dma_wait3A_463, %dma_wait3A_464] : memref<10000x128xf32, #tpu.memory_space<hbm>> -> memref<80x128xf32, #tpu.memory_space<hbm>>
      tpu.wait_dma2 semaphore(%arg10 : memref<!tpu.dma_semaphore, #tpu.memory_space<semaphore_mem>>) src(%dma_wait3A_465 : memref<80x128xf32, #tpu.memory_space<hbm>>) dst(%dma_wait3A_462 : memref<80x128xf32, #tpu.memory_space<vmem>>)
      %dma_start3A_466 = arith.constant 1 : i32
      %dma_start3A_467 = arith.constant 1 : i32
      %dma_start3A_468 = arith.constant 0 : i32
      %dma_start3A_469 = arith.constant 0 : i32
      %dma_start3A_470 = tpu.memref_slice %arg8[%dma_start3A_466, %dma_start3A_468, %dma_start3A_469] : memref<3x80x128xf32, #tpu.memory_space<vmem>> -> memref<1x80x128xf32, #tpu.memory_space<vmem>>
      %dma_start3A_471 = tpu.memref_squeeze %dma_start3A_470 : memref<1x80x128xf32, #tpu.memory_space<vmem>> -> memref<80x128xf32, #tpu.memory_space<vmem>>
      %dma_start3A_472 = arith.constant 0 : i32
      %dma_start3A_473 = tpu.memref_slice %arg7[%dma_start3A_467, %dma_start3A_472] : memref<3x80xi32, #tpu.memory_space<vmem>> -> memref<1x80xi32, #tpu.memory_space<vmem>>
      %dma_start3A_474 = tpu.memref_squeeze %dma_start3A_473 : memref<1x80xi32, #tpu.memory_space<vmem>> -> memref<80xi32, #tpu.memory_space<vmem>>
      %dma_start3A_475 = arith.constant 0 : i32
      %dma_start3A_476 = arith.constant 0 : i32
      %dma_start3A_477 = tpu.memref_slice %arg9[%dma_start3A_475, %dma_start3A_476] : memref<10000x128xf32, #tpu.memory_space<vmem_shared>> -> memref<10000x128xf32, #tpu.memory_space<vmem_shared>>
      tpu.enqueue_indirect_dma source(%dma_start3A_471 : memref<80x128xf32, #tpu.memory_space<vmem>>) target(%dma_start3A_477 : memref<10000x128xf32, #tpu.memory_space<vmem_shared>>) offsets(%dma_start3A_474 : memref<80xi32, #tpu.memory_space<vmem>>) semaphore(%arg11 : memref<!tpu.dma_semaphore, #tpu.memory_space<semaphore_mem>>) {add = true}
      %dma_wait3A_478 = arith.constant 2 : i32
      %dma_wait3A_479 = arith.constant 0 : i32
      %dma_wait3A_480 = tpu.memref_slice %arg7[%dma_wait3A_478, %dma_wait3A_479] : memref<3x80xi32, #tpu.memory_space<vmem>> -> memref<1x80xi32, #tpu.memory_space<vmem>>
      %dma_wait3A_481 = tpu.memref_squeeze %dma_wait3A_480 : memref<1x80xi32, #tpu.memory_space<vmem>> -> memref<80xi32, #tpu.memory_space<vmem>>
      %dma_wait3A_482 = arith.constant 0 : i32
      %dma_wait3A_483 = tpu.memref_slice %arg4[%dma_wait3A_482] : memref<320000xi32, #tpu.memory_space<hbm>> -> memref<80xi32, #tpu.memory_space<hbm>>
      %dma_wait3A_484 = arith.constant 0 : i32
      %dma_wait3A_485 = tpu.memref_slice %arg7[%dma_wait3A_478, %dma_wait3A_484] : memref<3x80xi32, #tpu.memory_space<vmem>> -> memref<1x80xi32, #tpu.memory_space<vmem>>
      %dma_wait3A_486 = tpu.memref_squeeze %dma_wait3A_485 : memref<1x80xi32, #tpu.memory_space<vmem>> -> memref<80xi32, #tpu.memory_space<vmem>>
      %dma_wait3A_487 = arith.constant 0 : i32
      %dma_wait3A_488 = tpu.memref_slice %arg4[%dma_wait3A_487] : memref<320000xi32, #tpu.memory_space<hbm>> -> memref<80xi32, #tpu.memory_space<hbm>>
      tpu.wait_dma2 semaphore(%arg12 : memref<!tpu.dma_semaphore, #tpu.memory_space<semaphore_mem>>) src(%dma_wait3A_488 : memref<80xi32, #tpu.memory_space<hbm>>) dst(%dma_wait3A_486 : memref<80xi32, #tpu.memory_space<vmem>>)
      %dma_wait3A_489 = arith.constant 2 : i32
      %dma_wait3A_490 = arith.constant 0 : i32
      %dma_wait3A_491 = arith.constant 0 : i32
      %dma_wait3A_492 = tpu.memref_slice %arg8[%dma_wait3A_489, %dma_wait3A_490, %dma_wait3A_491] : memref<3x80x128xf32, #tpu.memory_space<vmem>> -> memref<1x80x128xf32, #tpu.memory_space<vmem>>
      %dma_wait3A_493 = tpu.memref_squeeze %dma_wait3A_492 : memref<1x80x128xf32, #tpu.memory_space<vmem>> -> memref<80x128xf32, #tpu.memory_space<vmem>>
      %dma_wait3A_494 = arith.constant 0 : i32
      %dma_wait3A_495 = arith.constant 0 : i32
      %dma_wait3A_496 = tpu.memref_slice %arg2[%dma_wait3A_494, %dma_wait3A_495] : memref<10000x128xf32, #tpu.memory_space<hbm>> -> memref<80x128xf32, #tpu.memory_space<hbm>>
      %dma_wait3A_497 = arith.constant 0 : i32
      %dma_wait3A_498 = arith.constant 0 : i32
      %dma_wait3A_499 = tpu.memref_slice %arg8[%dma_wait3A_489, %dma_wait3A_497, %dma_wait3A_498] : memref<3x80x128xf32, #tpu.memory_space<vmem>> -> memref<1x80x128xf32, #tpu.memory_space<vmem>>
      %dma_wait3A_500 = tpu.memref_squeeze %dma_wait3A_499 : memref<1x80x128xf32, #tpu.memory_space<vmem>> -> memref<80x128xf32, #tpu.memory_space<vmem>>
      %dma_wait3A_501 = arith.constant 0 : i32
      %dma_wait3A_502 = arith.constant 0 : i32
      %dma_wait3A_503 = tpu.memref_slice %arg2[%dma_wait3A_501, %dma_wait3A_502] : memref<10000x128xf32, #tpu.memory_space<hbm>> -> memref<80x128xf32, #tpu.memory_space<hbm>>
      tpu.wait_dma2 semaphore(%arg10 : memref<!tpu.dma_semaphore, #tpu.memory_space<semaphore_mem>>) src(%dma_wait3A_503 : memref<80x128xf32, #tpu.memory_space<hbm>>) dst(%dma_wait3A_500 : memref<80x128xf32, #tpu.memory_space<vmem>>)
      %dma_start3A_504 = arith.constant 2 : i32
      %dma_start3A_505 = arith.constant 2 : i32
      %dma_start3A_506 = arith.constant 0 : i32
      %dma_start3A_507 = arith.constant 0 : i32
      %dma_start3A_508 = tpu.memref_slice %arg8[%dma_start3A_504, %dma_start3A_506, %dma_start3A_507] : memref<3x80x128xf32, #tpu.memory_space<vmem>> -> memref<1x80x128xf32, #tpu.memory_space<vmem>>
      %dma_start3A_509 = tpu.memref_squeeze %dma_start3A_508 : memref<1x80x128xf32, #tpu.memory_space<vmem>> -> memref<80x128xf32, #tpu.memory_space<vmem>>
      %dma_start3A_510 = arith.constant 0 : i32
      %dma_start3A_511 = tpu.memref_slice %arg7[%dma_start3A_505, %dma_start3A_510] : memref<3x80xi32, #tpu.memory_space<vmem>> -> memref<1x80xi32, #tpu.memory_space<vmem>>
      %dma_start3A_512 = tpu.memref_squeeze %dma_start3A_511 : memref<1x80xi32, #tpu.memory_space<vmem>> -> memref<80xi32, #tpu.memory_space<vmem>>
      %dma_start3A_513 = arith.constant 0 : i32
      %dma_start3A_514 = arith.constant 0 : i32
      %dma_start3A_515 = tpu.memref_slice %arg9[%dma_start3A_513, %dma_start3A_514] : memref<10000x128xf32, #tpu.memory_space<vmem_shared>> -> memref<10000x128xf32, #tpu.memory_space<vmem_shared>>
      tpu.enqueue_indirect_dma source(%dma_start3A_509 : memref<80x128xf32, #tpu.memory_space<vmem>>) target(%dma_start3A_515 : memref<10000x128xf32, #tpu.memory_space<vmem_shared>>) offsets(%dma_start3A_512 : memref<80xi32, #tpu.memory_space<vmem>>) semaphore(%arg11 : memref<!tpu.dma_semaphore, #tpu.memory_space<semaphore_mem>>) {add = true}
      %dma_wait3A_516 = arith.constant 0 : i32
      %dma_wait3A_517 = arith.constant 0 : i32
      %dma_wait3A_518 = arith.constant 0 : i32
      %dma_wait3A_519 = arith.constant 0 : i32
      %dma_wait3A_520 = tpu.memref_slice %arg8[%dma_wait3A_516, %dma_wait3A_518, %dma_wait3A_519] : memref<3x80x128xf32, #tpu.memory_space<vmem>> -> memref<1x80x128xf32, #tpu.memory_space<vmem>>
      %dma_wait3A_521 = tpu.memref_squeeze %dma_wait3A_520 : memref<1x80x128xf32, #tpu.memory_space<vmem>> -> memref<80x128xf32, #tpu.memory_space<vmem>>
      %dma_wait3A_522 = arith.constant 0 : i32
      %dma_wait3A_523 = tpu.memref_slice %arg7[%dma_wait3A_517, %dma_wait3A_522] : memref<3x80xi32, #tpu.memory_space<vmem>> -> memref<1x80xi32, #tpu.memory_space<vmem>>
      %dma_wait3A_524 = tpu.memref_squeeze %dma_wait3A_523 : memref<1x80xi32, #tpu.memory_space<vmem>> -> memref<80xi32, #tpu.memory_space<vmem>>
      %dma_wait3A_525 = arith.constant 0 : i32
      %dma_wait3A_526 = arith.constant 0 : i32
      %dma_wait3A_527 = tpu.memref_slice %arg9[%dma_wait3A_525, %dma_wait3A_526] : memref<10000x128xf32, #tpu.memory_space<vmem_shared>> -> memref<10000x128xf32, #tpu.memory_space<vmem_shared>>
      tpu.wait_indirect_dma semaphore(%arg11 : memref<!tpu.dma_semaphore, #tpu.memory_space<semaphore_mem>>) src(%dma_wait3A_521 : memref<80x128xf32, #tpu.memory_space<vmem>>) dst(%dma_wait3A_527 : memref<10000x128xf32, #tpu.memory_space<vmem_shared>>)
      %add3A_528 = arith.constant 1 : i32
      %add3A_529 = arith.addi %scan3A_401, %add3A_528 : i32
      %mul3A_530 = arith.constant 3 : i32
      %mul3A_531 = arith.muli %add3A_529, %mul3A_530 : i32
      %add3A_532 = arith.constant 0 : i32
      %add3A_533 = arith.addi %mul3A_531, %add3A_532 : i32
      %mul3A_534 = arith.constant 80 : i32
      %mul3A_535 = arith.muli %add3A_533, %mul3A_534 : i32
      %add3A_536 = arith.addi %mul3A_4, %mul3A_535 : i32
      %dma_start3A_537 = arith.constant 0 : i32
      %dma_start3A_538 = arith.constant 0 : i32
      %dma_start3A_539 = tpu.memref_slice %arg7[%dma_start3A_537, %dma_start3A_538] : memref<3x80xi32, #tpu.memory_space<vmem>> -> memref<1x80xi32, #tpu.memory_space<vmem>>
      %dma_start3A_540 = tpu.memref_squeeze %dma_start3A_539 : memref<1x80xi32, #tpu.memory_space<vmem>> -> memref<80xi32, #tpu.memory_space<vmem>>
      %dma_start3A_541 = tpu.memref_slice %arg4[%add3A_536] : memref<320000xi32, #tpu.memory_space<hbm>> -> memref<80xi32, #tpu.memory_space<hbm>>
      %dma_start3A_542 = arith.constant 0 : i32
      %dma_start3A_543 = tpu.memref_slice %arg7[%dma_start3A_537, %dma_start3A_542] : memref<3x80xi32, #tpu.memory_space<vmem>> -> memref<1x80xi32, #tpu.memory_space<vmem>>
      %dma_start3A_544 = tpu.memref_squeeze %dma_start3A_543 : memref<1x80xi32, #tpu.memory_space<vmem>> -> memref<80xi32, #tpu.memory_space<vmem>>
      %dma_start3A_545 = tpu.memref_slice %arg4[%add3A_536] : memref<320000xi32, #tpu.memory_space<hbm>> -> memref<80xi32, #tpu.memory_space<hbm>>
      tpu.enqueue_dma source(%dma_start3A_545 : memref<80xi32, #tpu.memory_space<hbm>>) target(%dma_start3A_544 : memref<80xi32, #tpu.memory_space<vmem>>) target_semaphore(%arg12 : memref<!tpu.dma_semaphore, #tpu.memory_space<semaphore_mem>>)
      %mul3A_546 = arith.constant 80 : i32
      %mul3A_547 = arith.muli %add3A_533, %mul3A_546 : i32
      %dma_start3A_548 = arith.constant 0 : i32
      %dma_start3A_549 = arith.constant 0 : i32
      %dma_start3A_550 = arith.constant 0 : i32
      %dma_start3A_551 = tpu.memref_slice %arg8[%dma_start3A_548, %dma_start3A_549, %dma_start3A_550] : memref<3x80x128xf32, #tpu.memory_space<vmem>> -> memref<1x80x128xf32, #tpu.memory_space<vmem>>
      %dma_start3A_552 = tpu.memref_squeeze %dma_start3A_551 : memref<1x80x128xf32, #tpu.memory_space<vmem>> -> memref<80x128xf32, #tpu.memory_space<vmem>>
      %dma_start3A_553 = tpu.memref_slice %arg6[%mul3A_547] : memref<10000xi32, #tpu.memory_space<vmem>> -> memref<80xi32, #tpu.memory_space<vmem>>
      %dma_start3A_554 = arith.constant 0 : i32
      %dma_start3A_555 = arith.constant 0 : i32
      %dma_start3A_556 = tpu.memref_slice %arg2[%dma_start3A_554, %dma_start3A_555] : memref<10000x128xf32, #tpu.memory_space<hbm>> -> memref<10000x128xf32, #tpu.memory_space<hbm>>
      tpu.enqueue_indirect_dma source(%dma_start3A_556 : memref<10000x128xf32, #tpu.memory_space<hbm>>) target(%dma_start3A_552 : memref<80x128xf32, #tpu.memory_space<vmem>>) offsets(%dma_start3A_553 : memref<80xi32, #tpu.memory_space<vmem>>) semaphore(%arg10 : memref<!tpu.dma_semaphore, #tpu.memory_space<semaphore_mem>>)
      %dma_wait3A_557 = arith.constant 1 : i32
      %dma_wait3A_558 = arith.constant 1 : i32
      %dma_wait3A_559 = arith.constant 0 : i32
      %dma_wait3A_560 = arith.constant 0 : i32
      %dma_wait3A_561 = tpu.memref_slice %arg8[%dma_wait3A_557, %dma_wait3A_559, %dma_wait3A_560] : memref<3x80x128xf32, #tpu.memory_space<vmem>> -> memref<1x80x128xf32, #tpu.memory_space<vmem>>
      %dma_wait3A_562 = tpu.memref_squeeze %dma_wait3A_561 : memref<1x80x128xf32, #tpu.memory_space<vmem>> -> memref<80x128xf32, #tpu.memory_space<vmem>>
      %dma_wait3A_563 = arith.constant 0 : i32
      %dma_wait3A_564 = tpu.memref_slice %arg7[%dma_wait3A_558, %dma_wait3A_563] : memref<3x80xi32, #tpu.memory_space<vmem>> -> memref<1x80xi32, #tpu.memory_space<vmem>>
      %dma_wait3A_565 = tpu.memref_squeeze %dma_wait3A_564 : memref<1x80xi32, #tpu.memory_space<vmem>> -> memref<80xi32, #tpu.memory_space<vmem>>
      %dma_wait3A_566 = arith.constant 0 : i32
      %dma_wait3A_567 = arith.constant 0 : i32
      %dma_wait3A_568 = tpu.memref_slice %arg9[%dma_wait3A_566, %dma_wait3A_567] : memref<10000x128xf32, #tpu.memory_space<vmem_shared>> -> memref<10000x128xf32, #tpu.memory_space<vmem_shared>>
      tpu.wait_indirect_dma semaphore(%arg11 : memref<!tpu.dma_semaphore, #tpu.memory_space<semaphore_mem>>) src(%dma_wait3A_562 : memref<80x128xf32, #tpu.memory_space<vmem>>) dst(%dma_wait3A_568 : memref<10000x128xf32, #tpu.memory_space<vmem_shared>>)
      %add3A_569 = arith.constant 1 : i32
      %add3A_570 = arith.addi %scan3A_401, %add3A_569 : i32
      %mul3A_571 = arith.constant 3 : i32
      %mul3A_572 = arith.muli %add3A_570, %mul3A_571 : i32
      %add3A_573 = arith.constant 1 : i32
      %add3A_574 = arith.addi %mul3A_572, %add3A_573 : i32
      %mul3A_575 = arith.constant 80 : i32
      %mul3A_576 = arith.muli %add3A_574, %mul3A_575 : i32
      %add3A_577 = arith.addi %mul3A_4, %mul3A_576 : i32
      %dma_start3A_578 = arith.constant 1 : i32
      %dma_start3A_579 = arith.constant 0 : i32
      %dma_start3A_580 = tpu.memref_slice %arg7[%dma_start3A_578, %dma_start3A_579] : memref<3x80xi32, #tpu.memory_space<vmem>> -> memref<1x80xi32, #tpu.memory_space<vmem>>
      %dma_start3A_581 = tpu.memref_squeeze %dma_start3A_580 : memref<1x80xi32, #tpu.memory_space<vmem>> -> memref<80xi32, #tpu.memory_space<vmem>>
      %dma_start3A_582 = tpu.memref_slice %arg4[%add3A_577] : memref<320000xi32, #tpu.memory_space<hbm>> -> memref<80xi32, #tpu.memory_space<hbm>>
      %dma_start3A_583 = arith.constant 0 : i32
      %dma_start3A_584 = tpu.memref_slice %arg7[%dma_start3A_578, %dma_start3A_583] : memref<3x80xi32, #tpu.memory_space<vmem>> -> memref<1x80xi32, #tpu.memory_space<vmem>>
      %dma_start3A_585 = tpu.memref_squeeze %dma_start3A_584 : memref<1x80xi32, #tpu.memory_space<vmem>> -> memref<80xi32, #tpu.memory_space<vmem>>
      %dma_start3A_586 = tpu.memref_slice %arg4[%add3A_577] : memref<320000xi32, #tpu.memory_space<hbm>> -> memref<80xi32, #tpu.memory_space<hbm>>
      tpu.enqueue_dma source(%dma_start3A_586 : memref<80xi32, #tpu.memory_space<hbm>>) target(%dma_start3A_585 : memref<80xi32, #tpu.memory_space<vmem>>) target_semaphore(%arg12 : memref<!tpu.dma_semaphore, #tpu.memory_space<semaphore_mem>>)
      %mul3A_587 = arith.constant 80 : i32
      %mul3A_588 = arith.muli %add3A_574, %mul3A_587 : i32
      %dma_start3A_589 = arith.constant 1 : i32
      %dma_start3A_590 = arith.constant 0 : i32
      %dma_start3A_591 = arith.constant 0 : i32
      %dma_start3A_592 = tpu.memref_slice %arg8[%dma_start3A_589, %dma_start3A_590, %dma_start3A_591] : memref<3x80x128xf32, #tpu.memory_space<vmem>> -> memref<1x80x128xf32, #tpu.memory_space<vmem>>
      %dma_start3A_593 = tpu.memref_squeeze %dma_start3A_592 : memref<1x80x128xf32, #tpu.memory_space<vmem>> -> memref<80x128xf32, #tpu.memory_space<vmem>>
      %dma_start3A_594 = tpu.memref_slice %arg6[%mul3A_588] : memref<10000xi32, #tpu.memory_space<vmem>> -> memref<80xi32, #tpu.memory_space<vmem>>
      %dma_start3A_595 = arith.constant 0 : i32
      %dma_start3A_596 = arith.constant 0 : i32
      %dma_start3A_597 = tpu.memref_slice %arg2[%dma_start3A_595, %dma_start3A_596] : memref<10000x128xf32, #tpu.memory_space<hbm>> -> memref<10000x128xf32, #tpu.memory_space<hbm>>
      tpu.enqueue_indirect_dma source(%dma_start3A_597 : memref<10000x128xf32, #tpu.memory_space<hbm>>) target(%dma_start3A_593 : memref<80x128xf32, #tpu.memory_space<vmem>>) offsets(%dma_start3A_594 : memref<80xi32, #tpu.memory_space<vmem>>) semaphore(%arg10 : memref<!tpu.dma_semaphore, #tpu.memory_space<semaphore_mem>>)
      %dma_wait3A_598 = arith.constant 2 : i32
      %dma_wait3A_599 = arith.constant 2 : i32
      %dma_wait3A_600 = arith.constant 0 : i32
      %dma_wait3A_601 = arith.constant 0 : i32
      %dma_wait3A_602 = tpu.memref_slice %arg8[%dma_wait3A_598, %dma_wait3A_600, %dma_wait3A_601] : memref<3x80x128xf32, #tpu.memory_space<vmem>> -> memref<1x80x128xf32, #tpu.memory_space<vmem>>
      %dma_wait3A_603 = tpu.memref_squeeze %dma_wait3A_602 : memref<1x80x128xf32, #tpu.memory_space<vmem>> -> memref<80x128xf32, #tpu.memory_space<vmem>>
      %dma_wait3A_604 = arith.constant 0 : i32
      %dma_wait3A_605 = tpu.memref_slice %arg7[%dma_wait3A_599, %dma_wait3A_604] : memref<3x80xi32, #tpu.memory_space<vmem>> -> memref<1x80xi32, #tpu.memory_space<vmem>>
      %dma_wait3A_606 = tpu.memref_squeeze %dma_wait3A_605 : memref<1x80xi32, #tpu.memory_space<vmem>> -> memref<80xi32, #tpu.memory_space<vmem>>
      %dma_wait3A_607 = arith.constant 0 : i32
      %dma_wait3A_608 = arith.constant 0 : i32
      %dma_wait3A_609 = tpu.memref_slice %arg9[%dma_wait3A_607, %dma_wait3A_608] : memref<10000x128xf32, #tpu.memory_space<vmem_shared>> -> memref<10000x128xf32, #tpu.memory_space<vmem_shared>>
      tpu.wait_indirect_dma semaphore(%arg11 : memref<!tpu.dma_semaphore, #tpu.memory_space<semaphore_mem>>) src(%dma_wait3A_603 : memref<80x128xf32, #tpu.memory_space<vmem>>) dst(%dma_wait3A_609 : memref<10000x128xf32, #tpu.memory_space<vmem_shared>>)
      %add3A_610 = arith.constant 1 : i32
      %add3A_611 = arith.addi %scan3A_401, %add3A_610 : i32
      %mul3A_612 = arith.constant 3 : i32
      %mul3A_613 = arith.muli %add3A_611, %mul3A_612 : i32
      %add3A_614 = arith.constant 2 : i32
      %add3A_615 = arith.addi %mul3A_613, %add3A_614 : i32
      %mul3A_616 = arith.constant 80 : i32
      %mul3A_617 = arith.muli %add3A_615, %mul3A_616 : i32
      %add3A_618 = arith.addi %mul3A_4, %mul3A_617 : i32
      %dma_start3A_619 = arith.constant 2 : i32
      %dma_start3A_620 = arith.constant 0 : i32
      %dma_start3A_621 = tpu.memref_slice %arg7[%dma_start3A_619, %dma_start3A_620] : memref<3x80xi32, #tpu.memory_space<vmem>> -> memref<1x80xi32, #tpu.memory_space<vmem>>
      %dma_start3A_622 = tpu.memref_squeeze %dma_start3A_621 : memref<1x80xi32, #tpu.memory_space<vmem>> -> memref<80xi32, #tpu.memory_space<vmem>>
      %dma_start3A_623 = tpu.memref_slice %arg4[%add3A_618] : memref<320000xi32, #tpu.memory_space<hbm>> -> memref<80xi32, #tpu.memory_space<hbm>>
      %dma_start3A_624 = arith.constant 0 : i32
      %dma_start3A_625 = tpu.memref_slice %arg7[%dma_start3A_619, %dma_start3A_624] : memref<3x80xi32, #tpu.memory_space<vmem>> -> memref<1x80xi32, #tpu.memory_space<vmem>>
      %dma_start3A_626 = tpu.memref_squeeze %dma_start3A_625 : memref<1x80xi32, #tpu.memory_space<vmem>> -> memref<80xi32, #tpu.memory_space<vmem>>
      %dma_start3A_627 = tpu.memref_slice %arg4[%add3A_618] : memref<320000xi32, #tpu.memory_space<hbm>> -> memref<80xi32, #tpu.memory_space<hbm>>
      tpu.enqueue_dma source(%dma_start3A_627 : memref<80xi32, #tpu.memory_space<hbm>>) target(%dma_start3A_626 : memref<80xi32, #tpu.memory_space<vmem>>) target_semaphore(%arg12 : memref<!tpu.dma_semaphore, #tpu.memory_space<semaphore_mem>>)
      %mul3A_628 = arith.constant 80 : i32
      %mul3A_629 = arith.muli %add3A_615, %mul3A_628 : i32
      %dma_start3A_630 = arith.constant 2 : i32
      %dma_start3A_631 = arith.constant 0 : i32
      %dma_start3A_632 = arith.constant 0 : i32
      %dma_start3A_633 = tpu.memref_slice %arg8[%dma_start3A_630, %dma_start3A_631, %dma_start3A_632] : memref<3x80x128xf32, #tpu.memory_space<vmem>> -> memref<1x80x128xf32, #tpu.memory_space<vmem>>
      %dma_start3A_634 = tpu.memref_squeeze %dma_start3A_633 : memref<1x80x128xf32, #tpu.memory_space<vmem>> -> memref<80x128xf32, #tpu.memory_space<vmem>>
      %dma_start3A_635 = tpu.memref_slice %arg6[%mul3A_629] : memref<10000xi32, #tpu.memory_space<vmem>> -> memref<80xi32, #tpu.memory_space<vmem>>
      %dma_start3A_636 = arith.constant 0 : i32
      %dma_start3A_637 = arith.constant 0 : i32
      %dma_start3A_638 = tpu.memref_slice %arg2[%dma_start3A_636, %dma_start3A_637] : memref<10000x128xf32, #tpu.memory_space<hbm>> -> memref<10000x128xf32, #tpu.memory_space<hbm>>
      tpu.enqueue_indirect_dma source(%dma_start3A_638 : memref<10000x128xf32, #tpu.memory_space<hbm>>) target(%dma_start3A_634 : memref<80x128xf32, #tpu.memory_space<vmem>>) offsets(%dma_start3A_635 : memref<80xi32, #tpu.memory_space<vmem>>) semaphore(%arg10 : memref<!tpu.dma_semaphore, #tpu.memory_space<semaphore_mem>>)
    }
    %scan3A_103 = arith.constant 40 : i32
    %dma_wait3A = arith.constant 0 : i32
    %dma_wait3A_104 = arith.constant 0 : i32
    %dma_wait3A_105 = tpu.memref_slice %arg7[%dma_wait3A, %dma_wait3A_104] : memref<3x80xi32, #tpu.memory_space<vmem>> -> memref<1x80xi32, #tpu.memory_space<vmem>>
    %dma_wait3A_106 = tpu.memref_squeeze %dma_wait3A_105 : memref<1x80xi32, #tpu.memory_space<vmem>> -> memref<80xi32, #tpu.memory_space<vmem>>
    %dma_wait3A_107 = arith.constant 0 : i32
    %dma_wait3A_108 = tpu.memref_slice %arg4[%dma_wait3A_107] : memref<320000xi32, #tpu.memory_space<hbm>> -> memref<80xi32, #tpu.memory_space<hbm>>
    %dma_wait3A_109 = arith.constant 0 : i32
    %dma_wait3A_110 = tpu.memref_slice %arg7[%dma_wait3A, %dma_wait3A_109] : memref<3x80xi32, #tpu.memory_space<vmem>> -> memref<1x80xi32, #tpu.memory_space<vmem>>
    %dma_wait3A_111 = tpu.memref_squeeze %dma_wait3A_110 : memref<1x80xi32, #tpu.memory_space<vmem>> -> memref<80xi32, #tpu.memory_space<vmem>>
    %dma_wait3A_112 = arith.constant 0 : i32
    %dma_wait3A_113 = tpu.memref_slice %arg4[%dma_wait3A_112] : memref<320000xi32, #tpu.memory_space<hbm>> -> memref<80xi32, #tpu.memory_space<hbm>>
    tpu.wait_dma2 semaphore(%arg12 : memref<!tpu.dma_semaphore, #tpu.memory_space<semaphore_mem>>) src(%dma_wait3A_113 : memref<80xi32, #tpu.memory_space<hbm>>) dst(%dma_wait3A_111 : memref<80xi32, #tpu.memory_space<vmem>>)
    %dma_wait3A_114 = arith.constant 0 : i32
    %dma_wait3A_115 = arith.constant 0 : i32
    %dma_wait3A_116 = arith.constant 0 : i32
    %dma_wait3A_117 = tpu.memref_slice %arg8[%dma_wait3A_114, %dma_wait3A_115, %dma_wait3A_116] : memref<3x80x128xf32, #tpu.memory_space<vmem>> -> memref<1x80x128xf32, #tpu.memory_space<vmem>>
    %dma_wait3A_118 = tpu.memref_squeeze %dma_wait3A_117 : memref<1x80x128xf32, #tpu.memory_space<vmem>> -> memref<80x128xf32, #tpu.memory_space<vmem>>
    %dma_wait3A_119 = arith.constant 0 : i32
    %dma_wait3A_120 = arith.constant 0 : i32
    %dma_wait3A_121 = tpu.memref_slice %arg2[%dma_wait3A_119, %dma_wait3A_120] : memref<10000x128xf32, #tpu.memory_space<hbm>> -> memref<80x128xf32, #tpu.memory_space<hbm>>
    %dma_wait3A_122 = arith.constant 0 : i32
    %dma_wait3A_123 = arith.constant 0 : i32
    %dma_wait3A_124 = tpu.memref_slice %arg8[%dma_wait3A_114, %dma_wait3A_122, %dma_wait3A_123] : memref<3x80x128xf32, #tpu.memory_space<vmem>> -> memref<1x80x128xf32, #tpu.memory_space<vmem>>
    %dma_wait3A_125 = tpu.memref_squeeze %dma_wait3A_124 : memref<1x80x128xf32, #tpu.memory_space<vmem>> -> memref<80x128xf32, #tpu.memory_space<vmem>>
    %dma_wait3A_126 = arith.constant 0 : i32
    %dma_wait3A_127 = arith.constant 0 : i32
    %dma_wait3A_128 = tpu.memref_slice %arg2[%dma_wait3A_126, %dma_wait3A_127] : memref<10000x128xf32, #tpu.memory_space<hbm>> -> memref<80x128xf32, #tpu.memory_space<hbm>>
    tpu.wait_dma2 semaphore(%arg10 : memref<!tpu.dma_semaphore, #tpu.memory_space<semaphore_mem>>) src(%dma_wait3A_128 : memref<80x128xf32, #tpu.memory_space<hbm>>) dst(%dma_wait3A_125 : memref<80x128xf32, #tpu.memory_space<vmem>>)
    %dma_start3A_129 = arith.constant 0 : i32
    %dma_start3A_130 = arith.constant 0 : i32
    %dma_start3A_131 = arith.constant 0 : i32
    %dma_start3A_132 = arith.constant 0 : i32
    %dma_start3A_133 = tpu.memref_slice %arg8[%dma_start3A_129, %dma_start3A_131, %dma_start3A_132] : memref<3x80x128xf32, #tpu.memory_space<vmem>> -> memref<1x80x128xf32, #tpu.memory_space<vmem>>
    %dma_start3A_134 = tpu.memref_squeeze %dma_start3A_133 : memref<1x80x128xf32, #tpu.memory_space<vmem>> -> memref<80x128xf32, #tpu.memory_space<vmem>>
    %dma_start3A_135 = arith.constant 0 : i32
    %dma_start3A_136 = tpu.memref_slice %arg7[%dma_start3A_130, %dma_start3A_135] : memref<3x80xi32, #tpu.memory_space<vmem>> -> memref<1x80xi32, #tpu.memory_space<vmem>>
    %dma_start3A_137 = tpu.memref_squeeze %dma_start3A_136 : memref<1x80xi32, #tpu.memory_space<vmem>> -> memref<80xi32, #tpu.memory_space<vmem>>
    %dma_start3A_138 = arith.constant 0 : i32
    %dma_start3A_139 = arith.constant 0 : i32
    %dma_start3A_140 = tpu.memref_slice %arg9[%dma_start3A_138, %dma_start3A_139] : memref<10000x128xf32, #tpu.memory_space<vmem_shared>> -> memref<10000x128xf32, #tpu.memory_space<vmem_shared>>
    tpu.enqueue_indirect_dma source(%dma_start3A_134 : memref<80x128xf32, #tpu.memory_space<vmem>>) target(%dma_start3A_140 : memref<10000x128xf32, #tpu.memory_space<vmem_shared>>) offsets(%dma_start3A_137 : memref<80xi32, #tpu.memory_space<vmem>>) semaphore(%arg11 : memref<!tpu.dma_semaphore, #tpu.memory_space<semaphore_mem>>) {add = true}
    %dma_wait3A_141 = arith.constant 1 : i32
    %dma_wait3A_142 = arith.constant 0 : i32
    %dma_wait3A_143 = tpu.memref_slice %arg7[%dma_wait3A_141, %dma_wait3A_142] : memref<3x80xi32, #tpu.memory_space<vmem>> -> memref<1x80xi32, #tpu.memory_space<vmem>>
    %dma_wait3A_144 = tpu.memref_squeeze %dma_wait3A_143 : memref<1x80xi32, #tpu.memory_space<vmem>> -> memref<80xi32, #tpu.memory_space<vmem>>
    %dma_wait3A_145 = arith.constant 0 : i32
    %dma_wait3A_146 = tpu.memref_slice %arg4[%dma_wait3A_145] : memref<320000xi32, #tpu.memory_space<hbm>> -> memref<80xi32, #tpu.memory_space<hbm>>
    %dma_wait3A_147 = arith.constant 0 : i32
    %dma_wait3A_148 = tpu.memref_slice %arg7[%dma_wait3A_141, %dma_wait3A_147] : memref<3x80xi32, #tpu.memory_space<vmem>> -> memref<1x80xi32, #tpu.memory_space<vmem>>
    %dma_wait3A_149 = tpu.memref_squeeze %dma_wait3A_148 : memref<1x80xi32, #tpu.memory_space<vmem>> -> memref<80xi32, #tpu.memory_space<vmem>>
    %dma_wait3A_150 = arith.constant 0 : i32
    %dma_wait3A_151 = tpu.memref_slice %arg4[%dma_wait3A_150] : memref<320000xi32, #tpu.memory_space<hbm>> -> memref<80xi32, #tpu.memory_space<hbm>>
    tpu.wait_dma2 semaphore(%arg12 : memref<!tpu.dma_semaphore, #tpu.memory_space<semaphore_mem>>) src(%dma_wait3A_151 : memref<80xi32, #tpu.memory_space<hbm>>) dst(%dma_wait3A_149 : memref<80xi32, #tpu.memory_space<vmem>>)
    %dma_wait3A_152 = arith.constant 1 : i32
    %dma_wait3A_153 = arith.constant 0 : i32
    %dma_wait3A_154 = arith.constant 0 : i32
    %dma_wait3A_155 = tpu.memref_slice %arg8[%dma_wait3A_152, %dma_wait3A_153, %dma_wait3A_154] : memref<3x80x128xf32, #tpu.memory_space<vmem>> -> memref<1x80x128xf32, #tpu.memory_space<vmem>>
    %dma_wait3A_156 = tpu.memref_squeeze %dma_wait3A_155 : memref<1x80x128xf32, #tpu.memory_space<vmem>> -> memref<80x128xf32, #tpu.memory_space<vmem>>
    %dma_wait3A_157 = arith.constant 0 : i32
    %dma_wait3A_158 = arith.constant 0 : i32
    %dma_wait3A_159 = tpu.memref_slice %arg2[%dma_wait3A_157, %dma_wait3A_158] : memref<10000x128xf32, #tpu.memory_space<hbm>> -> memref<80x128xf32, #tpu.memory_space<hbm>>
    %dma_wait3A_160 = arith.constant 0 : i32
    %dma_wait3A_161 = arith.constant 0 : i32
    %dma_wait3A_162 = tpu.memref_slice %arg8[%dma_wait3A_152, %dma_wait3A_160, %dma_wait3A_161] : memref<3x80x128xf32, #tpu.memory_space<vmem>> -> memref<1x80x128xf32, #tpu.memory_space<vmem>>
    %dma_wait3A_163 = tpu.memref_squeeze %dma_wait3A_162 : memref<1x80x128xf32, #tpu.memory_space<vmem>> -> memref<80x128xf32, #tpu.memory_space<vmem>>
    %dma_wait3A_164 = arith.constant 0 : i32
    %dma_wait3A_165 = arith.constant 0 : i32
    %dma_wait3A_166 = tpu.memref_slice %arg2[%dma_wait3A_164, %dma_wait3A_165] : memref<10000x128xf32, #tpu.memory_space<hbm>> -> memref<80x128xf32, #tpu.memory_space<hbm>>
    tpu.wait_dma2 semaphore(%arg10 : memref<!tpu.dma_semaphore, #tpu.memory_space<semaphore_mem>>) src(%dma_wait3A_166 : memref<80x128xf32, #tpu.memory_space<hbm>>) dst(%dma_wait3A_163 : memref<80x128xf32, #tpu.memory_space<vmem>>)
    %dma_start3A_167 = arith.constant 1 : i32
    %dma_start3A_168 = arith.constant 1 : i32
    %dma_start3A_169 = arith.constant 0 : i32
    %dma_start3A_170 = arith.constant 0 : i32
    %dma_start3A_171 = tpu.memref_slice %arg8[%dma_start3A_167, %dma_start3A_169, %dma_start3A_170] : memref<3x80x128xf32, #tpu.memory_space<vmem>> -> memref<1x80x128xf32, #tpu.memory_space<vmem>>
    %dma_start3A_172 = tpu.memref_squeeze %dma_start3A_171 : memref<1x80x128xf32, #tpu.memory_space<vmem>> -> memref<80x128xf32, #tpu.memory_space<vmem>>
    %dma_start3A_173 = arith.constant 0 : i32
    %dma_start3A_174 = tpu.memref_slice %arg7[%dma_start3A_168, %dma_start3A_173] : memref<3x80xi32, #tpu.memory_space<vmem>> -> memref<1x80xi32, #tpu.memory_space<vmem>>
    %dma_start3A_175 = tpu.memref_squeeze %dma_start3A_174 : memref<1x80xi32, #tpu.memory_space<vmem>> -> memref<80xi32, #tpu.memory_space<vmem>>
    %dma_start3A_176 = arith.constant 0 : i32
    %dma_start3A_177 = arith.constant 0 : i32
    %dma_start3A_178 = tpu.memref_slice %arg9[%dma_start3A_176, %dma_start3A_177] : memref<10000x128xf32, #tpu.memory_space<vmem_shared>> -> memref<10000x128xf32, #tpu.memory_space<vmem_shared>>
    tpu.enqueue_indirect_dma source(%dma_start3A_172 : memref<80x128xf32, #tpu.memory_space<vmem>>) target(%dma_start3A_178 : memref<10000x128xf32, #tpu.memory_space<vmem_shared>>) offsets(%dma_start3A_175 : memref<80xi32, #tpu.memory_space<vmem>>) semaphore(%arg11 : memref<!tpu.dma_semaphore, #tpu.memory_space<semaphore_mem>>) {add = true}
    %dma_wait3A_179 = arith.constant 2 : i32
    %dma_wait3A_180 = arith.constant 0 : i32
    %dma_wait3A_181 = tpu.memref_slice %arg7[%dma_wait3A_179, %dma_wait3A_180] : memref<3x80xi32, #tpu.memory_space<vmem>> -> memref<1x80xi32, #tpu.memory_space<vmem>>
    %dma_wait3A_182 = tpu.memref_squeeze %dma_wait3A_181 : memref<1x80xi32, #tpu.memory_space<vmem>> -> memref<80xi32, #tpu.memory_space<vmem>>
    %dma_wait3A_183 = arith.constant 0 : i32
    %dma_wait3A_184 = tpu.memref_slice %arg4[%dma_wait3A_183] : memref<320000xi32, #tpu.memory_space<hbm>> -> memref<80xi32, #tpu.memory_space<hbm>>
    %dma_wait3A_185 = arith.constant 0 : i32
    %dma_wait3A_186 = tpu.memref_slice %arg7[%dma_wait3A_179, %dma_wait3A_185] : memref<3x80xi32, #tpu.memory_space<vmem>> -> memref<1x80xi32, #tpu.memory_space<vmem>>
    %dma_wait3A_187 = tpu.memref_squeeze %dma_wait3A_186 : memref<1x80xi32, #tpu.memory_space<vmem>> -> memref<80xi32, #tpu.memory_space<vmem>>
    %dma_wait3A_188 = arith.constant 0 : i32
    %dma_wait3A_189 = tpu.memref_slice %arg4[%dma_wait3A_188] : memref<320000xi32, #tpu.memory_space<hbm>> -> memref<80xi32, #tpu.memory_space<hbm>>
    tpu.wait_dma2 semaphore(%arg12 : memref<!tpu.dma_semaphore, #tpu.memory_space<semaphore_mem>>) src(%dma_wait3A_189 : memref<80xi32, #tpu.memory_space<hbm>>) dst(%dma_wait3A_187 : memref<80xi32, #tpu.memory_space<vmem>>)
    %dma_wait3A_190 = arith.constant 2 : i32
    %dma_wait3A_191 = arith.constant 0 : i32
    %dma_wait3A_192 = arith.constant 0 : i32
    %dma_wait3A_193 = tpu.memref_slice %arg8[%dma_wait3A_190, %dma_wait3A_191, %dma_wait3A_192] : memref<3x80x128xf32, #tpu.memory_space<vmem>> -> memref<1x80x128xf32, #tpu.memory_space<vmem>>
    %dma_wait3A_194 = tpu.memref_squeeze %dma_wait3A_193 : memref<1x80x128xf32, #tpu.memory_space<vmem>> -> memref<80x128xf32, #tpu.memory_space<vmem>>
    %dma_wait3A_195 = arith.constant 0 : i32
    %dma_wait3A_196 = arith.constant 0 : i32
    %dma_wait3A_197 = tpu.memref_slice %arg2[%dma_wait3A_195, %dma_wait3A_196] : memref<10000x128xf32, #tpu.memory_space<hbm>> -> memref<80x128xf32, #tpu.memory_space<hbm>>
    %dma_wait3A_198 = arith.constant 0 : i32
    %dma_wait3A_199 = arith.constant 0 : i32
    %dma_wait3A_200 = tpu.memref_slice %arg8[%dma_wait3A_190, %dma_wait3A_198, %dma_wait3A_199] : memref<3x80x128xf32, #tpu.memory_space<vmem>> -> memref<1x80x128xf32, #tpu.memory_space<vmem>>
    %dma_wait3A_201 = tpu.memref_squeeze %dma_wait3A_200 : memref<1x80x128xf32, #tpu.memory_space<vmem>> -> memref<80x128xf32, #tpu.memory_space<vmem>>
    %dma_wait3A_202 = arith.constant 0 : i32
    %dma_wait3A_203 = arith.constant 0 : i32
    %dma_wait3A_204 = tpu.memref_slice %arg2[%dma_wait3A_202, %dma_wait3A_203] : memref<10000x128xf32, #tpu.memory_space<hbm>> -> memref<80x128xf32, #tpu.memory_space<hbm>>
    tpu.wait_dma2 semaphore(%arg10 : memref<!tpu.dma_semaphore, #tpu.memory_space<semaphore_mem>>) src(%dma_wait3A_204 : memref<80x128xf32, #tpu.memory_space<hbm>>) dst(%dma_wait3A_201 : memref<80x128xf32, #tpu.memory_space<vmem>>)
    %dma_start3A_205 = arith.constant 2 : i32
    %dma_start3A_206 = arith.constant 2 : i32
    %dma_start3A_207 = arith.constant 0 : i32
    %dma_start3A_208 = arith.constant 0 : i32
    %dma_start3A_209 = tpu.memref_slice %arg8[%dma_start3A_205, %dma_start3A_207, %dma_start3A_208] : memref<3x80x128xf32, #tpu.memory_space<vmem>> -> memref<1x80x128xf32, #tpu.memory_space<vmem>>
    %dma_start3A_210 = tpu.memref_squeeze %dma_start3A_209 : memref<1x80x128xf32, #tpu.memory_space<vmem>> -> memref<80x128xf32, #tpu.memory_space<vmem>>
    %dma_start3A_211 = arith.constant 0 : i32
    %dma_start3A_212 = tpu.memref_slice %arg7[%dma_start3A_206, %dma_start3A_211] : memref<3x80xi32, #tpu.memory_space<vmem>> -> memref<1x80xi32, #tpu.memory_space<vmem>>
    %dma_start3A_213 = tpu.memref_squeeze %dma_start3A_212 : memref<1x80xi32, #tpu.memory_space<vmem>> -> memref<80xi32, #tpu.memory_space<vmem>>
    %dma_start3A_214 = arith.constant 0 : i32
    %dma_start3A_215 = arith.constant 0 : i32
    %dma_start3A_216 = tpu.memref_slice %arg9[%dma_start3A_214, %dma_start3A_215] : memref<10000x128xf32, #tpu.memory_space<vmem_shared>> -> memref<10000x128xf32, #tpu.memory_space<vmem_shared>>
    tpu.enqueue_indirect_dma source(%dma_start3A_210 : memref<80x128xf32, #tpu.memory_space<vmem>>) target(%dma_start3A_216 : memref<10000x128xf32, #tpu.memory_space<vmem_shared>>) offsets(%dma_start3A_213 : memref<80xi32, #tpu.memory_space<vmem>>) semaphore(%arg11 : memref<!tpu.dma_semaphore, #tpu.memory_space<semaphore_mem>>) {add = true}
    %dma_wait3A_217 = arith.constant 0 : i32
    %dma_wait3A_218 = arith.constant 0 : i32
    %dma_wait3A_219 = arith.constant 0 : i32
    %dma_wait3A_220 = arith.constant 0 : i32
    %dma_wait3A_221 = tpu.memref_slice %arg8[%dma_wait3A_217, %dma_wait3A_219, %dma_wait3A_220] : memref<3x80x128xf32, #tpu.memory_space<vmem>> -> memref<1x80x128xf32, #tpu.memory_space<vmem>>
    %dma_wait3A_222 = tpu.memref_squeeze %dma_wait3A_221 : memref<1x80x128xf32, #tpu.memory_space<vmem>> -> memref<80x128xf32, #tpu.memory_space<vmem>>
    %dma_wait3A_223 = arith.constant 0 : i32
    %dma_wait3A_224 = tpu.memref_slice %arg7[%dma_wait3A_218, %dma_wait3A_223] : memref<3x80xi32, #tpu.memory_space<vmem>> -> memref<1x80xi32, #tpu.memory_space<vmem>>
    %dma_wait3A_225 = tpu.memref_squeeze %dma_wait3A_224 : memref<1x80xi32, #tpu.memory_space<vmem>> -> memref<80xi32, #tpu.memory_space<vmem>>
    %dma_wait3A_226 = arith.constant 0 : i32
    %dma_wait3A_227 = arith.constant 0 : i32
    %dma_wait3A_228 = tpu.memref_slice %arg9[%dma_wait3A_226, %dma_wait3A_227] : memref<10000x128xf32, #tpu.memory_space<vmem_shared>> -> memref<10000x128xf32, #tpu.memory_space<vmem_shared>>
    tpu.wait_indirect_dma semaphore(%arg11 : memref<!tpu.dma_semaphore, #tpu.memory_space<semaphore_mem>>) src(%dma_wait3A_222 : memref<80x128xf32, #tpu.memory_space<vmem>>) dst(%dma_wait3A_228 : memref<10000x128xf32, #tpu.memory_space<vmem_shared>>)
    %dma_wait3A_229 = arith.constant 1 : i32
    %dma_wait3A_230 = arith.constant 1 : i32
    %dma_wait3A_231 = arith.constant 0 : i32
    %dma_wait3A_232 = arith.constant 0 : i32
    %dma_wait3A_233 = tpu.memref_slice %arg8[%dma_wait3A_229, %dma_wait3A_231, %dma_wait3A_232] : memref<3x80x128xf32, #tpu.memory_space<vmem>> -> memref<1x80x128xf32, #tpu.memory_space<vmem>>
    %dma_wait3A_234 = tpu.memref_squeeze %dma_wait3A_233 : memref<1x80x128xf32, #tpu.memory_space<vmem>> -> memref<80x128xf32, #tpu.memory_space<vmem>>
    %dma_wait3A_235 = arith.constant 0 : i32
    %dma_wait3A_236 = tpu.memref_slice %arg7[%dma_wait3A_230, %dma_wait3A_235] : memref<3x80xi32, #tpu.memory_space<vmem>> -> memref<1x80xi32, #tpu.memory_space<vmem>>
    %dma_wait3A_237 = tpu.memref_squeeze %dma_wait3A_236 : memref<1x80xi32, #tpu.memory_space<vmem>> -> memref<80xi32, #tpu.memory_space<vmem>>
    %dma_wait3A_238 = arith.constant 0 : i32
    %dma_wait3A_239 = arith.constant 0 : i32
    %dma_wait3A_240 = tpu.memref_slice %arg9[%dma_wait3A_238, %dma_wait3A_239] : memref<10000x128xf32, #tpu.memory_space<vmem_shared>> -> memref<10000x128xf32, #tpu.memory_space<vmem_shared>>
    tpu.wait_indirect_dma semaphore(%arg11 : memref<!tpu.dma_semaphore, #tpu.memory_space<semaphore_mem>>) src(%dma_wait3A_234 : memref<80x128xf32, #tpu.memory_space<vmem>>) dst(%dma_wait3A_240 : memref<10000x128xf32, #tpu.memory_space<vmem_shared>>)
    %dma_wait3A_241 = arith.constant 2 : i32
    %dma_wait3A_242 = arith.constant 2 : i32
    %dma_wait3A_243 = arith.constant 0 : i32
    %dma_wait3A_244 = arith.constant 0 : i32
    %dma_wait3A_245 = tpu.memref_slice %arg8[%dma_wait3A_241, %dma_wait3A_243, %dma_wait3A_244] : memref<3x80x128xf32, #tpu.memory_space<vmem>> -> memref<1x80x128xf32, #tpu.memory_space<vmem>>
    %dma_wait3A_246 = tpu.memref_squeeze %dma_wait3A_245 : memref<1x80x128xf32, #tpu.memory_space<vmem>> -> memref<80x128xf32, #tpu.memory_space<vmem>>
    %dma_wait3A_247 = arith.constant 0 : i32
    %dma_wait3A_248 = tpu.memref_slice %arg7[%dma_wait3A_242, %dma_wait3A_247] : memref<3x80xi32, #tpu.memory_space<vmem>> -> memref<1x80xi32, #tpu.memory_space<vmem>>
    %dma_wait3A_249 = tpu.memref_squeeze %dma_wait3A_248 : memref<1x80xi32, #tpu.memory_space<vmem>> -> memref<80xi32, #tpu.memory_space<vmem>>
    %dma_wait3A_250 = arith.constant 0 : i32
    %dma_wait3A_251 = arith.constant 0 : i32
    %dma_wait3A_252 = tpu.memref_slice %arg9[%dma_wait3A_250, %dma_wait3A_251] : memref<10000x128xf32, #tpu.memory_space<vmem_shared>> -> memref<10000x128xf32, #tpu.memory_space<vmem_shared>>
    tpu.wait_indirect_dma semaphore(%arg11 : memref<!tpu.dma_semaphore, #tpu.memory_space<semaphore_mem>>) src(%dma_wait3A_246 : memref<80x128xf32, #tpu.memory_space<vmem>>) dst(%dma_wait3A_252 : memref<10000x128xf32, #tpu.memory_space<vmem_shared>>)
    %add3A_253 = arith.constant 9840 : i32
    %add3A_254 = arith.addi %mul3A_4, %add3A_253 : i32
    %dma_start3A_255 = arith.constant 0 : i32
    %dma_start3A_256 = arith.constant 0 : i32
    %dma_start3A_257 = tpu.memref_slice %arg7[%dma_start3A_255, %dma_start3A_256] : memref<3x80xi32, #tpu.memory_space<vmem>> -> memref<1x80xi32, #tpu.memory_space<vmem>>
    %dma_start3A_258 = tpu.memref_squeeze %dma_start3A_257 : memref<1x80xi32, #tpu.memory_space<vmem>> -> memref<80xi32, #tpu.memory_space<vmem>>
    %dma_start3A_259 = tpu.memref_slice %arg4[%add3A_254] : memref<320000xi32, #tpu.memory_space<hbm>> -> memref<80xi32, #tpu.memory_space<hbm>>
    %dma_start3A_260 = arith.constant 0 : i32
    %dma_start3A_261 = tpu.memref_slice %arg7[%dma_start3A_255, %dma_start3A_260] : memref<3x80xi32, #tpu.memory_space<vmem>> -> memref<1x80xi32, #tpu.memory_space<vmem>>
    %dma_start3A_262 = tpu.memref_squeeze %dma_start3A_261 : memref<1x80xi32, #tpu.memory_space<vmem>> -> memref<80xi32, #tpu.memory_space<vmem>>
    %dma_start3A_263 = tpu.memref_slice %arg4[%add3A_254] : memref<320000xi32, #tpu.memory_space<hbm>> -> memref<80xi32, #tpu.memory_space<hbm>>
    tpu.enqueue_dma source(%dma_start3A_263 : memref<80xi32, #tpu.memory_space<hbm>>) target(%dma_start3A_262 : memref<80xi32, #tpu.memory_space<vmem>>) target_semaphore(%arg12 : memref<!tpu.dma_semaphore, #tpu.memory_space<semaphore_mem>>)
    %dma_start3A_264 = arith.constant 0 : i32
    %dma_start3A_265 = arith.constant 0 : i32
    %dma_start3A_266 = arith.constant 0 : i32
    %dma_start3A_267 = tpu.memref_slice %arg8[%dma_start3A_264, %dma_start3A_265, %dma_start3A_266] : memref<3x80x128xf32, #tpu.memory_space<vmem>> -> memref<1x80x128xf32, #tpu.memory_space<vmem>>
    %dma_start3A_268 = tpu.memref_squeeze %dma_start3A_267 : memref<1x80x128xf32, #tpu.memory_space<vmem>> -> memref<80x128xf32, #tpu.memory_space<vmem>>
    %dma_start3A_269 = arith.constant 9840 : i32
    %dma_start3A_270 = tpu.memref_slice %arg6[%dma_start3A_269] : memref<10000xi32, #tpu.memory_space<vmem>> -> memref<80xi32, #tpu.memory_space<vmem>>
    %dma_start3A_271 = arith.constant 0 : i32
    %dma_start3A_272 = arith.constant 0 : i32
    %dma_start3A_273 = tpu.memref_slice %arg2[%dma_start3A_271, %dma_start3A_272] : memref<10000x128xf32, #tpu.memory_space<hbm>> -> memref<10000x128xf32, #tpu.memory_space<hbm>>
    tpu.enqueue_indirect_dma source(%dma_start3A_273 : memref<10000x128xf32, #tpu.memory_space<hbm>>) target(%dma_start3A_268 : memref<80x128xf32, #tpu.memory_space<vmem>>) offsets(%dma_start3A_270 : memref<80xi32, #tpu.memory_space<vmem>>) semaphore(%arg10 : memref<!tpu.dma_semaphore, #tpu.memory_space<semaphore_mem>>)
    %add3A_274 = arith.constant 9920 : i32
    %add3A_275 = arith.addi %mul3A_4, %add3A_274 : i32
    %dma_start3A_276 = arith.constant 1 : i32
    %dma_start3A_277 = arith.constant 0 : i32
    %dma_start3A_278 = tpu.memref_slice %arg7[%dma_start3A_276, %dma_start3A_277] : memref<3x80xi32, #tpu.memory_space<vmem>> -> memref<1x80xi32, #tpu.memory_space<vmem>>
    %dma_start3A_279 = tpu.memref_squeeze %dma_start3A_278 : memref<1x80xi32, #tpu.memory_space<vmem>> -> memref<80xi32, #tpu.memory_space<vmem>>
    %dma_start3A_280 = tpu.memref_slice %arg4[%add3A_275] : memref<320000xi32, #tpu.memory_space<hbm>> -> memref<80xi32, #tpu.memory_space<hbm>>
    %dma_start3A_281 = arith.constant 0 : i32
    %dma_start3A_282 = tpu.memref_slice %arg7[%dma_start3A_276, %dma_start3A_281] : memref<3x80xi32, #tpu.memory_space<vmem>> -> memref<1x80xi32, #tpu.memory_space<vmem>>
    %dma_start3A_283 = tpu.memref_squeeze %dma_start3A_282 : memref<1x80xi32, #tpu.memory_space<vmem>> -> memref<80xi32, #tpu.memory_space<vmem>>
    %dma_start3A_284 = tpu.memref_slice %arg4[%add3A_275] : memref<320000xi32, #tpu.memory_space<hbm>> -> memref<80xi32, #tpu.memory_space<hbm>>
    tpu.enqueue_dma source(%dma_start3A_284 : memref<80xi32, #tpu.memory_space<hbm>>) target(%dma_start3A_283 : memref<80xi32, #tpu.memory_space<vmem>>) target_semaphore(%arg12 : memref<!tpu.dma_semaphore, #tpu.memory_space<semaphore_mem>>)
    %dma_start3A_285 = arith.constant 1 : i32
    %dma_start3A_286 = arith.constant 0 : i32
    %dma_start3A_287 = arith.constant 0 : i32
    %dma_start3A_288 = tpu.memref_slice %arg8[%dma_start3A_285, %dma_start3A_286, %dma_start3A_287] : memref<3x80x128xf32, #tpu.memory_space<vmem>> -> memref<1x80x128xf32, #tpu.memory_space<vmem>>
    %dma_start3A_289 = tpu.memref_squeeze %dma_start3A_288 : memref<1x80x128xf32, #tpu.memory_space<vmem>> -> memref<80x128xf32, #tpu.memory_space<vmem>>
    %dma_start3A_290 = arith.constant 9920 : i32
    %dma_start3A_291 = tpu.memref_slice %arg6[%dma_start3A_290] : memref<10000xi32, #tpu.memory_space<vmem>> -> memref<80xi32, #tpu.memory_space<vmem>>
    %dma_start3A_292 = arith.constant 0 : i32
    %dma_start3A_293 = arith.constant 0 : i32
    %dma_start3A_294 = tpu.memref_slice %arg2[%dma_start3A_292, %dma_start3A_293] : memref<10000x128xf32, #tpu.memory_space<hbm>> -> memref<10000x128xf32, #tpu.memory_space<hbm>>
    tpu.enqueue_indirect_dma source(%dma_start3A_294 : memref<10000x128xf32, #tpu.memory_space<hbm>>) target(%dma_start3A_289 : memref<80x128xf32, #tpu.memory_space<vmem>>) offsets(%dma_start3A_291 : memref<80xi32, #tpu.memory_space<vmem>>) semaphore(%arg10 : memref<!tpu.dma_semaphore, #tpu.memory_space<semaphore_mem>>)
    %dma_wait3A_295 = arith.constant 0 : i32
    %dma_wait3A_296 = arith.constant 0 : i32
    %dma_wait3A_297 = tpu.memref_slice %arg7[%dma_wait3A_295, %dma_wait3A_296] : memref<3x80xi32, #tpu.memory_space<vmem>> -> memref<1x80xi32, #tpu.memory_space<vmem>>
    %dma_wait3A_298 = tpu.memref_squeeze %dma_wait3A_297 : memref<1x80xi32, #tpu.memory_space<vmem>> -> memref<80xi32, #tpu.memory_space<vmem>>
    %dma_wait3A_299 = arith.constant 0 : i32
    %dma_wait3A_300 = tpu.memref_slice %arg4[%dma_wait3A_299] : memref<320000xi32, #tpu.memory_space<hbm>> -> memref<80xi32, #tpu.memory_space<hbm>>
    %dma_wait3A_301 = arith.constant 0 : i32
    %dma_wait3A_302 = tpu.memref_slice %arg7[%dma_wait3A_295, %dma_wait3A_301] : memref<3x80xi32, #tpu.memory_space<vmem>> -> memref<1x80xi32, #tpu.memory_space<vmem>>
    %dma_wait3A_303 = tpu.memref_squeeze %dma_wait3A_302 : memref<1x80xi32, #tpu.memory_space<vmem>> -> memref<80xi32, #tpu.memory_space<vmem>>
    %dma_wait3A_304 = arith.constant 0 : i32
    %dma_wait3A_305 = tpu.memref_slice %arg4[%dma_wait3A_304] : memref<320000xi32, #tpu.memory_space<hbm>> -> memref<80xi32, #tpu.memory_space<hbm>>
    tpu.wait_dma2 semaphore(%arg12 : memref<!tpu.dma_semaphore, #tpu.memory_space<semaphore_mem>>) src(%dma_wait3A_305 : memref<80xi32, #tpu.memory_space<hbm>>) dst(%dma_wait3A_303 : memref<80xi32, #tpu.memory_space<vmem>>)
    %dma_wait3A_306 = arith.constant 0 : i32
    %dma_wait3A_307 = arith.constant 0 : i32
    %dma_wait3A_308 = arith.constant 0 : i32
    %dma_wait3A_309 = tpu.memref_slice %arg8[%dma_wait3A_306, %dma_wait3A_307, %dma_wait3A_308] : memref<3x80x128xf32, #tpu.memory_space<vmem>> -> memref<1x80x128xf32, #tpu.memory_space<vmem>>
    %dma_wait3A_310 = tpu.memref_squeeze %dma_wait3A_309 : memref<1x80x128xf32, #tpu.memory_space<vmem>> -> memref<80x128xf32, #tpu.memory_space<vmem>>
    %dma_wait3A_311 = arith.constant 0 : i32
    %dma_wait3A_312 = arith.constant 0 : i32
    %dma_wait3A_313 = tpu.memref_slice %arg2[%dma_wait3A_311, %dma_wait3A_312] : memref<10000x128xf32, #tpu.memory_space<hbm>> -> memref<80x128xf32, #tpu.memory_space<hbm>>
    %dma_wait3A_314 = arith.constant 0 : i32
    %dma_wait3A_315 = arith.constant 0 : i32
    %dma_wait3A_316 = tpu.memref_slice %arg8[%dma_wait3A_306, %dma_wait3A_314, %dma_wait3A_315] : memref<3x80x128xf32, #tpu.memory_space<vmem>> -> memref<1x80x128xf32, #tpu.memory_space<vmem>>
    %dma_wait3A_317 = tpu.memref_squeeze %dma_wait3A_316 : memref<1x80x128xf32, #tpu.memory_space<vmem>> -> memref<80x128xf32, #tpu.memory_space<vmem>>
    %dma_wait3A_318 = arith.constant 0 : i32
    %dma_wait3A_319 = arith.constant 0 : i32
    %dma_wait3A_320 = tpu.memref_slice %arg2[%dma_wait3A_318, %dma_wait3A_319] : memref<10000x128xf32, #tpu.memory_space<hbm>> -> memref<80x128xf32, #tpu.memory_space<hbm>>
    tpu.wait_dma2 semaphore(%arg10 : memref<!tpu.dma_semaphore, #tpu.memory_space<semaphore_mem>>) src(%dma_wait3A_320 : memref<80x128xf32, #tpu.memory_space<hbm>>) dst(%dma_wait3A_317 : memref<80x128xf32, #tpu.memory_space<vmem>>)
    %dma_start3A_321 = arith.constant 0 : i32
    %dma_start3A_322 = arith.constant 0 : i32
    %dma_start3A_323 = arith.constant 0 : i32
    %dma_start3A_324 = arith.constant 0 : i32
    %dma_start3A_325 = tpu.memref_slice %arg8[%dma_start3A_321, %dma_start3A_323, %dma_start3A_324] : memref<3x80x128xf32, #tpu.memory_space<vmem>> -> memref<1x80x128xf32, #tpu.memory_space<vmem>>
    %dma_start3A_326 = tpu.memref_squeeze %dma_start3A_325 : memref<1x80x128xf32, #tpu.memory_space<vmem>> -> memref<80x128xf32, #tpu.memory_space<vmem>>
    %dma_start3A_327 = arith.constant 0 : i32
    %dma_start3A_328 = tpu.memref_slice %arg7[%dma_start3A_322, %dma_start3A_327] : memref<3x80xi32, #tpu.memory_space<vmem>> -> memref<1x80xi32, #tpu.memory_space<vmem>>
    %dma_start3A_329 = tpu.memref_squeeze %dma_start3A_328 : memref<1x80xi32, #tpu.memory_space<vmem>> -> memref<80xi32, #tpu.memory_space<vmem>>
    %dma_start3A_330 = arith.constant 0 : i32
    %dma_start3A_331 = arith.constant 0 : i32
    %dma_start3A_332 = tpu.memref_slice %arg9[%dma_start3A_330, %dma_start3A_331] : memref<10000x128xf32, #tpu.memory_space<vmem_shared>> -> memref<10000x128xf32, #tpu.memory_space<vmem_shared>>
    tpu.enqueue_indirect_dma source(%dma_start3A_326 : memref<80x128xf32, #tpu.memory_space<vmem>>) target(%dma_start3A_332 : memref<10000x128xf32, #tpu.memory_space<vmem_shared>>) offsets(%dma_start3A_329 : memref<80xi32, #tpu.memory_space<vmem>>) semaphore(%arg11 : memref<!tpu.dma_semaphore, #tpu.memory_space<semaphore_mem>>) {add = true}
    %dma_wait3A_333 = arith.constant 1 : i32
    %dma_wait3A_334 = arith.constant 0 : i32
    %dma_wait3A_335 = tpu.memref_slice %arg7[%dma_wait3A_333, %dma_wait3A_334] : memref<3x80xi32, #tpu.memory_space<vmem>> -> memref<1x80xi32, #tpu.memory_space<vmem>>
    %dma_wait3A_336 = tpu.memref_squeeze %dma_wait3A_335 : memref<1x80xi32, #tpu.memory_space<vmem>> -> memref<80xi32, #tpu.memory_space<vmem>>
    %dma_wait3A_337 = arith.constant 0 : i32
    %dma_wait3A_338 = tpu.memref_slice %arg4[%dma_wait3A_337] : memref<320000xi32, #tpu.memory_space<hbm>> -> memref<80xi32, #tpu.memory_space<hbm>>
    %dma_wait3A_339 = arith.constant 0 : i32
    %dma_wait3A_340 = tpu.memref_slice %arg7[%dma_wait3A_333, %dma_wait3A_339] : memref<3x80xi32, #tpu.memory_space<vmem>> -> memref<1x80xi32, #tpu.memory_space<vmem>>
    %dma_wait3A_341 = tpu.memref_squeeze %dma_wait3A_340 : memref<1x80xi32, #tpu.memory_space<vmem>> -> memref<80xi32, #tpu.memory_space<vmem>>
    %dma_wait3A_342 = arith.constant 0 : i32
    %dma_wait3A_343 = tpu.memref_slice %arg4[%dma_wait3A_342] : memref<320000xi32, #tpu.memory_space<hbm>> -> memref<80xi32, #tpu.memory_space<hbm>>
    tpu.wait_dma2 semaphore(%arg12 : memref<!tpu.dma_semaphore, #tpu.memory_space<semaphore_mem>>) src(%dma_wait3A_343 : memref<80xi32, #tpu.memory_space<hbm>>) dst(%dma_wait3A_341 : memref<80xi32, #tpu.memory_space<vmem>>)
    %dma_wait3A_344 = arith.constant 1 : i32
    %dma_wait3A_345 = arith.constant 0 : i32
    %dma_wait3A_346 = arith.constant 0 : i32
    %dma_wait3A_347 = tpu.memref_slice %arg8[%dma_wait3A_344, %dma_wait3A_345, %dma_wait3A_346] : memref<3x80x128xf32, #tpu.memory_space<vmem>> -> memref<1x80x128xf32, #tpu.memory_space<vmem>>
    %dma_wait3A_348 = tpu.memref_squeeze %dma_wait3A_347 : memref<1x80x128xf32, #tpu.memory_space<vmem>> -> memref<80x128xf32, #tpu.memory_space<vmem>>
    %dma_wait3A_349 = arith.constant 0 : i32
    %dma_wait3A_350 = arith.constant 0 : i32
    %dma_wait3A_351 = tpu.memref_slice %arg2[%dma_wait3A_349, %dma_wait3A_350] : memref<10000x128xf32, #tpu.memory_space<hbm>> -> memref<80x128xf32, #tpu.memory_space<hbm>>
    %dma_wait3A_352 = arith.constant 0 : i32
    %dma_wait3A_353 = arith.constant 0 : i32
    %dma_wait3A_354 = tpu.memref_slice %arg8[%dma_wait3A_344, %dma_wait3A_352, %dma_wait3A_353] : memref<3x80x128xf32, #tpu.memory_space<vmem>> -> memref<1x80x128xf32, #tpu.memory_space<vmem>>
    %dma_wait3A_355 = tpu.memref_squeeze %dma_wait3A_354 : memref<1x80x128xf32, #tpu.memory_space<vmem>> -> memref<80x128xf32, #tpu.memory_space<vmem>>
    %dma_wait3A_356 = arith.constant 0 : i32
    %dma_wait3A_357 = arith.constant 0 : i32
    %dma_wait3A_358 = tpu.memref_slice %arg2[%dma_wait3A_356, %dma_wait3A_357] : memref<10000x128xf32, #tpu.memory_space<hbm>> -> memref<80x128xf32, #tpu.memory_space<hbm>>
    tpu.wait_dma2 semaphore(%arg10 : memref<!tpu.dma_semaphore, #tpu.memory_space<semaphore_mem>>) src(%dma_wait3A_358 : memref<80x128xf32, #tpu.memory_space<hbm>>) dst(%dma_wait3A_355 : memref<80x128xf32, #tpu.memory_space<vmem>>)
    %dma_start3A_359 = arith.constant 1 : i32
    %dma_start3A_360 = arith.constant 1 : i32
    %dma_start3A_361 = arith.constant 0 : i32
    %dma_start3A_362 = arith.constant 0 : i32
    %dma_start3A_363 = tpu.memref_slice %arg8[%dma_start3A_359, %dma_start3A_361, %dma_start3A_362] : memref<3x80x128xf32, #tpu.memory_space<vmem>> -> memref<1x80x128xf32, #tpu.memory_space<vmem>>
    %dma_start3A_364 = tpu.memref_squeeze %dma_start3A_363 : memref<1x80x128xf32, #tpu.memory_space<vmem>> -> memref<80x128xf32, #tpu.memory_space<vmem>>
    %dma_start3A_365 = arith.constant 0 : i32
    %dma_start3A_366 = tpu.memref_slice %arg7[%dma_start3A_360, %dma_start3A_365] : memref<3x80xi32, #tpu.memory_space<vmem>> -> memref<1x80xi32, #tpu.memory_space<vmem>>
    %dma_start3A_367 = tpu.memref_squeeze %dma_start3A_366 : memref<1x80xi32, #tpu.memory_space<vmem>> -> memref<80xi32, #tpu.memory_space<vmem>>
    %dma_start3A_368 = arith.constant 0 : i32
    %dma_start3A_369 = arith.constant 0 : i32
    %dma_start3A_370 = tpu.memref_slice %arg9[%dma_start3A_368, %dma_start3A_369] : memref<10000x128xf32, #tpu.memory_space<vmem_shared>> -> memref<10000x128xf32, #tpu.memory_space<vmem_shared>>
    tpu.enqueue_indirect_dma source(%dma_start3A_364 : memref<80x128xf32, #tpu.memory_space<vmem>>) target(%dma_start3A_370 : memref<10000x128xf32, #tpu.memory_space<vmem_shared>>) offsets(%dma_start3A_367 : memref<80xi32, #tpu.memory_space<vmem>>) semaphore(%arg11 : memref<!tpu.dma_semaphore, #tpu.memory_space<semaphore_mem>>) {add = true}
    %dma_wait3A_371 = arith.constant 0 : i32
    %dma_wait3A_372 = arith.constant 0 : i32
    %dma_wait3A_373 = arith.constant 0 : i32
    %dma_wait3A_374 = arith.constant 0 : i32
    %dma_wait3A_375 = tpu.memref_slice %arg8[%dma_wait3A_371, %dma_wait3A_373, %dma_wait3A_374] : memref<3x80x128xf32, #tpu.memory_space<vmem>> -> memref<1x80x128xf32, #tpu.memory_space<vmem>>
    %dma_wait3A_376 = tpu.memref_squeeze %dma_wait3A_375 : memref<1x80x128xf32, #tpu.memory_space<vmem>> -> memref<80x128xf32, #tpu.memory_space<vmem>>
    %dma_wait3A_377 = arith.constant 0 : i32
    %dma_wait3A_378 = tpu.memref_slice %arg7[%dma_wait3A_372, %dma_wait3A_377] : memref<3x80xi32, #tpu.memory_space<vmem>> -> memref<1x80xi32, #tpu.memory_space<vmem>>
    %dma_wait3A_379 = tpu.memref_squeeze %dma_wait3A_378 : memref<1x80xi32, #tpu.memory_space<vmem>> -> memref<80xi32, #tpu.memory_space<vmem>>
    %dma_wait3A_380 = arith.constant 0 : i32
    %dma_wait3A_381 = arith.constant 0 : i32
    %dma_wait3A_382 = tpu.memref_slice %arg9[%dma_wait3A_380, %dma_wait3A_381] : memref<10000x128xf32, #tpu.memory_space<vmem_shared>> -> memref<10000x128xf32, #tpu.memory_space<vmem_shared>>
    tpu.wait_indirect_dma semaphore(%arg11 : memref<!tpu.dma_semaphore, #tpu.memory_space<semaphore_mem>>) src(%dma_wait3A_376 : memref<80x128xf32, #tpu.memory_space<vmem>>) dst(%dma_wait3A_382 : memref<10000x128xf32, #tpu.memory_space<vmem_shared>>)
    %dma_wait3A_383 = arith.constant 1 : i32
    %dma_wait3A_384 = arith.constant 1 : i32
    %dma_wait3A_385 = arith.constant 0 : i32
    %dma_wait3A_386 = arith.constant 0 : i32
    %dma_wait3A_387 = tpu.memref_slice %arg8[%dma_wait3A_383, %dma_wait3A_385, %dma_wait3A_386] : memref<3x80x128xf32, #tpu.memory_space<vmem>> -> memref<1x80x128xf32, #tpu.memory_space<vmem>>
    %dma_wait3A_388 = tpu.memref_squeeze %dma_wait3A_387 : memref<1x80x128xf32, #tpu.memory_space<vmem>> -> memref<80x128xf32, #tpu.memory_space<vmem>>
    %dma_wait3A_389 = arith.constant 0 : i32
    %dma_wait3A_390 = tpu.memref_slice %arg7[%dma_wait3A_384, %dma_wait3A_389] : memref<3x80xi32, #tpu.memory_space<vmem>> -> memref<1x80xi32, #tpu.memory_space<vmem>>
    %dma_wait3A_391 = tpu.memref_squeeze %dma_wait3A_390 : memref<1x80xi32, #tpu.memory_space<vmem>> -> memref<80xi32, #tpu.memory_space<vmem>>
    %dma_wait3A_392 = arith.constant 0 : i32
    %dma_wait3A_393 = arith.constant 0 : i32
    %dma_wait3A_394 = tpu.memref_slice %arg9[%dma_wait3A_392, %dma_wait3A_393] : memref<10000x128xf32, #tpu.memory_space<vmem_shared>> -> memref<10000x128xf32, #tpu.memory_space<vmem_shared>>
    tpu.wait_indirect_dma semaphore(%arg11 : memref<!tpu.dma_semaphore, #tpu.memory_space<semaphore_mem>>) src(%dma_wait3A_388 : memref<80x128xf32, #tpu.memory_space<vmem>>) dst(%dma_wait3A_394 : memref<10000x128xf32, #tpu.memory_space<vmem_shared>>)
    %barrier3A_395 = arith.constant 0 : index
    tpu.barrier barrier_id(%barrier3A_395)
    "tpu.region"() ({
      %run_scoped3A_401 = tpu.sem_alloc : memref<!tpu.dma_semaphore, #tpu.memory_space<semaphore_mem>>
      %dma_start3A_402 = arith.constant 0 : i32
      %dma_start3A_403 = tpu.memref_slice %arg5[%arg0, %mul3A_2, %dma_start3A_402] : memref<2x10000x128xf32, #tpu.memory_space<hbm>> -> memref<1x624x128xf32, #tpu.memory_space<hbm>>
      %dma_start3A_404 = tpu.memref_squeeze %dma_start3A_403 : memref<1x624x128xf32, #tpu.memory_space<hbm>> -> memref<624x128xf32, #tpu.memory_space<hbm>>
      %dma_start3A_405 = arith.constant 0 : i32
      %dma_start3A_406 = tpu.memref_slice %arg9[%mul3A_2, %dma_start3A_405] : memref<10000x128xf32, #tpu.memory_space<vmem_shared>> -> memref<624x128xf32, #tpu.memory_space<vmem_shared>>
      tpu.enqueue_dma source(%dma_start3A_406 : memref<624x128xf32, #tpu.memory_space<vmem_shared>>) target(%dma_start3A_404 : memref<624x128xf32, #tpu.memory_space<hbm>>) target_semaphore(%run_scoped3A_401 : memref<!tpu.dma_semaphore, #tpu.memory_space<semaphore_mem>>)
      %dma_wait3A_407 = arith.constant 0 : i32
      %dma_wait3A_408 = tpu.memref_slice %arg5[%arg0, %mul3A_2, %dma_wait3A_407] : memref<2x10000x128xf32, #tpu.memory_space<hbm>> -> memref<1x624x128xf32, #tpu.memory_space<hbm>>
      %dma_wait3A_409 = tpu.memref_squeeze %dma_wait3A_408 : memref<1x624x128xf32, #tpu.memory_space<hbm>> -> memref<624x128xf32, #tpu.memory_space<hbm>>
      %dma_wait3A_410 = arith.constant 0 : i32
      %dma_wait3A_411 = tpu.memref_slice %arg9[%mul3A_2, %dma_wait3A_410] : memref<10000x128xf32, #tpu.memory_space<vmem_shared>> -> memref<624x128xf32, #tpu.memory_space<vmem_shared>>
      tpu.wait_dma2 semaphore(%run_scoped3A_401 : memref<!tpu.dma_semaphore, #tpu.memory_space<semaphore_mem>>) src(%dma_wait3A_411 : memref<624x128xf32, #tpu.memory_space<vmem_shared>>) dst(%dma_wait3A_409 : memref<624x128xf32, #tpu.memory_space<hbm>>)
      tpu.yield
    }) : () -> ()
    %eq3A_396 = arith.constant 15 : i32
    %eq3A_397 = arith.cmpi eq, %arg1, %eq3A_396 : i32
    %convert_element_type3A_398 = arith.extui %eq3A_397 : i1 to i32
    %cond3A_399 = arith.constant 0 : i32
    %cond3A_400 = arith.cmpi ne, %convert_element_type3A_398, %cond3A_399 : i32
    scf.if %cond3A_400 {
      "tpu.region"() ({
        %run_scoped3A_401 = tpu.sem_alloc : memref<!tpu.dma_semaphore, #tpu.memory_space<semaphore_mem>>
        %dma_start3A_402 = arith.constant 9984 : i32
        %dma_start3A_403 = arith.constant 0 : i32
        %dma_start3A_404 = tpu.memref_slice %arg5[%arg0, %dma_start3A_402, %dma_start3A_403] : memref<2x10000x128xf32, #tpu.memory_space<hbm>> -> memref<1x16x128xf32, #tpu.memory_space<hbm>>
        %dma_start3A_405 = tpu.memref_squeeze %dma_start3A_404 : memref<1x16x128xf32, #tpu.memory_space<hbm>> -> memref<16x128xf32, #tpu.memory_space<hbm>>
        %dma_start3A_406 = arith.constant 9984 : i32
        %dma_start3A_407 = arith.constant 0 : i32
        %dma_start3A_408 = tpu.memref_slice %arg9[%dma_start3A_406, %dma_start3A_407] : memref<10000x128xf32, #tpu.memory_space<vmem_shared>> -> memref<16x128xf32, #tpu.memory_space<vmem_shared>>
        tpu.enqueue_dma source(%dma_start3A_408 : memref<16x128xf32, #tpu.memory_space<vmem_shared>>) target(%dma_start3A_405 : memref<16x128xf32, #tpu.memory_space<hbm>>) target_semaphore(%run_scoped3A_401 : memref<!tpu.dma_semaphore, #tpu.memory_space<semaphore_mem>>)
        %dma_wait3A_409 = arith.constant 9984 : i32
        %dma_wait3A_410 = arith.constant 0 : i32
        %dma_wait3A_411 = tpu.memref_slice %arg5[%arg0, %dma_wait3A_409, %dma_wait3A_410] : memref<2x10000x128xf32, #tpu.memory_space<hbm>> -> memref<1x16x128xf32, #tpu.memory_space<hbm>>
        %dma_wait3A_412 = tpu.memref_squeeze %dma_wait3A_411 : memref<1x16x128xf32, #tpu.memory_space<hbm>> -> memref<16x128xf32, #tpu.memory_space<hbm>>
        %dma_wait3A_413 = arith.constant 9984 : i32
        %dma_wait3A_414 = arith.constant 0 : i32
        %dma_wait3A_415 = tpu.memref_slice %arg9[%dma_wait3A_413, %dma_wait3A_414] : memref<10000x128xf32, #tpu.memory_space<vmem_shared>> -> memref<16x128xf32, #tpu.memory_space<vmem_shared>>
        tpu.wait_dma2 semaphore(%run_scoped3A_401 : memref<!tpu.dma_semaphore, #tpu.memory_space<semaphore_mem>>) src(%dma_wait3A_415 : memref<16x128xf32, #tpu.memory_space<vmem_shared>>) dst(%dma_wait3A_412 : memref<16x128xf32, #tpu.memory_space<hbm>>)
        tpu.yield
      }) : () -> ()
    } else {
    }
    return
  }
}

#map = affine_map<(d0, d1) -> (0, 0)>
#map1 = affine_map<(d0, d1) -> (0)>
#map2 = affine_map<(d0, d1) -> (0, 0, 0)>
module attributes {stable_mosaic.version = 14 : i64} {
  func.func @seg_kernel(%arg0: i32, %arg1: i32, %arg2: memref<10000x128xf32, #tpu.memory_space<hbm>>, %arg3: memref<320000xi32, #tpu.memory_space<hbm>>, %arg4: memref<320000xi32, #tpu.memory_space<hbm>>, %arg5: memref<2x10000x128xf32, #tpu.memory_space<hbm>>, %arg6: memref<10000xi32, #tpu.memory_space<vmem>>, %arg7: memref<3x80xi32, #tpu.memory_space<vmem>>, %arg8: memref<3x80x128xf32, #tpu.memory_space<vmem>>, %arg9: memref<10000x128xf32, #tpu.memory_space<vmem_shared>>, %arg10: memref<!tpu.dma_semaphore, #tpu.memory_space<semaphore_mem>>, %arg11: memref<!tpu.dma_semaphore, #tpu.memory_space<semaphore_mem>>, %arg12: memref<!tpu.dma_semaphore, #tpu.memory_space<semaphore_mem>>) attributes {dimension_semantics = [#tpu.dimension_semantics<core_parallel>, #tpu.dimension_semantics<subcore_parallel>], iteration_bounds = array<i64: 2, 16>, scalar_prefetch = 0 : i64, scratch_operands = 7 : i64, tpu.core_type = #tpu.core_type<sc_vector_subcore>, window_params = [{transform_indices = #map}, {transform_indices = #map1}, {transform_indices = #map1}, {transform_indices = #map2}]} {
    %mul3A = arith.constant 2 : i32
    %mul3A_0 = arith.muli %arg1, %mul3A : i32
    %add3A = arith.addi %mul3A_0, %arg0 : i32
    %mul3A_1 = arith.constant 624 : i32
    %mul3A_2 = arith.muli %arg1, %mul3A_1 : i32
    %mul3A_3 = arith.constant 10000 : i32
    %mul3A_4 = arith.muli %add3A, %mul3A_3 : i32
    "tpu.region"() ({
      %run_scoped3A_401 = tpu.sem_alloc : memref<!tpu.dma_semaphore, #tpu.memory_space<semaphore_mem>>
      %dma_start3A_402 = tpu.memref_slice %arg3[%mul3A_4] : memref<320000xi32, #tpu.memory_space<hbm>> -> memref<10000xi32, #tpu.memory_space<hbm>>
      %dma_start3A_403 = tpu.memref_slice %arg3[%mul3A_4] : memref<320000xi32, #tpu.memory_space<hbm>> -> memref<10000xi32, #tpu.memory_space<hbm>>
      tpu.enqueue_dma source(%dma_start3A_403 : memref<10000xi32, #tpu.memory_space<hbm>>) target(%arg6 : memref<10000xi32, #tpu.memory_space<vmem>>) target_semaphore(%run_scoped3A_401 : memref<!tpu.dma_semaphore, #tpu.memory_space<semaphore_mem>>)
      %dma_wait3A_404 = tpu.memref_slice %arg3[%mul3A_4] : memref<320000xi32, #tpu.memory_space<hbm>> -> memref<10000xi32, #tpu.memory_space<hbm>>
      %dma_wait3A_405 = tpu.memref_slice %arg3[%mul3A_4] : memref<320000xi32, #tpu.memory_space<hbm>> -> memref<10000xi32, #tpu.memory_space<hbm>>
      tpu.wait_dma2 semaphore(%run_scoped3A_401 : memref<!tpu.dma_semaphore, #tpu.memory_space<semaphore_mem>>) src(%dma_wait3A_405 : memref<10000xi32, #tpu.memory_space<hbm>>) dst(%arg6 : memref<10000xi32, #tpu.memory_space<vmem>>)
      tpu.yield
    }) : () -> ()
    %broadcast_in_dim3A = arith.constant 0.000000e+00 : f32
    %broadcast_in_dim3A_5 = vector.broadcast %broadcast_in_dim3A : f32 to vector<16xf32>
    %scan3A = arith.constant 0 : i32
    %scan3A_6 = arith.constant 0 : i32
    %scan3A_7 = arith.constant 80 : i32
    %scan3A_8 = arith.addi %scan3A_6, %scan3A_7 : i32
    %scan3A_9 = arith.constant 1 : i32
    scf.for %scan3A_401 = %scan3A_6 to %scan3A_8 step %scan3A_9  : i32 {
      %swap3A = arith.constant 0 : i32
      %swap3A_402 = arith.index_cast %swap3A : i32 to index
      %swap3A_403 = arith.index_cast %scan3A_401 : i32 to index
      %swap3A_404 = arith.constant 0 : index
      %swap3A_405 = tpu.vector_load %arg8[%swap3A_402, %swap3A_403, %swap3A_404] {strides = array<i32>} : memref<3x80x128xf32, #tpu.memory_space<vmem>>, vector<1x1x16xf32>,
      %swap3A_406 = vector.shape_cast %swap3A_405 : vector<1x1x16xf32> to vector<16xf32>
      %swap3A_407 = vector.shape_cast %broadcast_in_dim3A_5 : vector<16xf32> to vector<1x1x16xf32>
      tpu.vector_store %arg8[%swap3A_402, %swap3A_403, %swap3A_404], %swap3A_407 {strides = array<i32>} : memref<3x80x128xf32, #tpu.memory_space<vmem>>, vector<1x1x16xf32>,
      %swap3A_408 = arith.constant 0 : i32
      %swap3A_409 = arith.index_cast %swap3A_408 : i32 to index
      %swap3A_410 = arith.index_cast %scan3A_401 : i32 to index
      %swap3A_411 = arith.constant 16 : index
      %swap3A_412 = tpu.vector_load %arg8[%swap3A_409, %swap3A_410, %swap3A_411] {strides = array<i32>} : memref<3x80x128xf32, #tpu.memory_space<vmem>>, vector<1x1x16xf32>,
      %swap3A_413 = vector.shape_cast %swap3A_412 : vector<1x1x16xf32> to vector<16xf32>
      %swap3A_414 = vector.shape_cast %broadcast_in_dim3A_5 : vector<16xf32> to vector<1x1x16xf32>
      tpu.vector_store %arg8[%swap3A_409, %swap3A_410, %swap3A_411], %swap3A_414 {strides = array<i32>} : memref<3x80x128xf32, #tpu.memory_space<vmem>>, vector<1x1x16xf32>,
      %swap3A_415 = arith.constant 0 : i32
      %swap3A_416 = arith.index_cast %swap3A_415 : i32 to index
      %swap3A_417 = arith.index_cast %scan3A_401 : i32 to index
      %swap3A_418 = arith.constant 32 : index
      %swap3A_419 = tpu.vector_load %arg8[%swap3A_416, %swap3A_417, %swap3A_418] {strides = array<i32>} : memref<3x80x128xf32, #tpu.memory_space<vmem>>, vector<1x1x16xf32>,
      %swap3A_420 = vector.shape_cast %swap3A_419 : vector<1x1x16xf32> to vector<16xf32>
      %swap3A_421 = vector.shape_cast %broadcast_in_dim3A_5 : vector<16xf32> to vector<1x1x16xf32>
      tpu.vector_store %arg8[%swap3A_416, %swap3A_417, %swap3A_418], %swap3A_421 {strides = array<i32>} : memref<3x80x128xf32, #tpu.memory_space<vmem>>, vector<1x1x16xf32>,
      %swap3A_422 = arith.constant 0 : i32
      %swap3A_423 = arith.index_cast %swap3A_422 : i32 to index
      %swap3A_424 = arith.index_cast %scan3A_401 : i32 to index
      %swap3A_425 = arith.constant 48 : index
      %swap3A_426 = tpu.vector_load %arg8[%swap3A_423, %swap3A_424, %swap3A_425] {strides = array<i32>} : memref<3x80x128xf32, #tpu.memory_space<vmem>>, vector<1x1x16xf32>,
      %swap3A_427 = vector.shape_cast %swap3A_426 : vector<1x1x16xf32> to vector<16xf32>
      %swap3A_428 = vector.shape_cast %broadcast_in_dim3A_5 : vector<16xf32> to vector<1x1x16xf32>
      tpu.vector_store %arg8[%swap3A_423, %swap3A_424, %swap3A_425], %swap3A_428 {strides = array<i32>} : memref<3x80x128xf32, #tpu.memory_space<vmem>>, vector<1x1x16xf32>,
      %swap3A_429 = arith.constant 0 : i32
      %swap3A_430 = arith.index_cast %swap3A_429 : i32 to index
      %swap3A_431 = arith.index_cast %scan3A_401 : i32 to index
      %swap3A_432 = arith.constant 64 : index
      %swap3A_433 = tpu.vector_load %arg8[%swap3A_430, %swap3A_431, %swap3A_432] {strides = array<i32>} : memref<3x80x128xf32, #tpu.memory_space<vmem>>, vector<1x1x16xf32>,
      %swap3A_434 = vector.shape_cast %swap3A_433 : vector<1x1x16xf32> to vector<16xf32>
      %swap3A_435 = vector.shape_cast %broadcast_in_dim3A_5 : vector<16xf32> to vector<1x1x16xf32>
      tpu.vector_store %arg8[%swap3A_430, %swap3A_431, %swap3A_432], %swap3A_435 {strides = array<i32>} : memref<3x80x128xf32, #tpu.memory_space<vmem>>, vector<1x1x16xf32>,
      %swap3A_436 = arith.constant 0 : i32
      %swap3A_437 = arith.index_cast %swap3A_436 : i32 to index
      %swap3A_438 = arith.index_cast %scan3A_401 : i32 to index
      %swap3A_439 = arith.constant 80 : index
      %swap3A_440 = tpu.vector_load %arg8[%swap3A_437, %swap3A_438, %swap3A_439] {strides = array<i32>} : memref<3x80x128xf32, #tpu.memory_space<vmem>>, vector<1x1x16xf32>,
      %swap3A_441 = vector.shape_cast %swap3A_440 : vector<1x1x16xf32> to vector<16xf32>
      %swap3A_442 = vector.shape_cast %broadcast_in_dim3A_5 : vector<16xf32> to vector<1x1x16xf32>
      tpu.vector_store %arg8[%swap3A_437, %swap3A_438, %swap3A_439], %swap3A_442 {strides = array<i32>} : memref<3x80x128xf32, #tpu.memory_space<vmem>>, vector<1x1x16xf32>,
      %swap3A_443 = arith.constant 0 : i32
      %swap3A_444 = arith.index_cast %swap3A_443 : i32 to index
      %swap3A_445 = arith.index_cast %scan3A_401 : i32 to index
      %swap3A_446 = arith.constant 96 : index
      %swap3A_447 = tpu.vector_load %arg8[%swap3A_444, %swap3A_445, %swap3A_446] {strides = array<i32>} : memref<3x80x128xf32, #tpu.memory_space<vmem>>, vector<1x1x16xf32>,
      %swap3A_448 = vector.shape_cast %swap3A_447 : vector<1x1x16xf32> to vector<16xf32>
      %swap3A_449 = vector.shape_cast %broadcast_in_dim3A_5 : vector<16xf32> to vector<1x1x16xf32>
      tpu.vector_store %arg8[%swap3A_444, %swap3A_445, %swap3A_446], %swap3A_449 {strides = array<i32>} : memref<3x80x128xf32, #tpu.memory_space<vmem>>, vector<1x1x16xf32>,
      %swap3A_450 = arith.constant 0 : i32
      %swap3A_451 = arith.index_cast %swap3A_450 : i32 to index
      %swap3A_452 = arith.index_cast %scan3A_401 : i32 to index
      %swap3A_453 = arith.constant 112 : index
      %swap3A_454 = tpu.vector_load %arg8[%swap3A_451, %swap3A_452, %swap3A_453] {strides = array<i32>} : memref<3x80x128xf32, #tpu.memory_space<vmem>>, vector<1x1x16xf32>,
      %swap3A_455 = vector.shape_cast %swap3A_454 : vector<1x1x16xf32> to vector<16xf32>
      %swap3A_456 = vector.shape_cast %broadcast_in_dim3A_5 : vector<16xf32> to vector<1x1x16xf32>
      tpu.vector_store %arg8[%swap3A_451, %swap3A_452, %swap3A_453], %swap3A_456 {strides = array<i32>} : memref<3x80x128xf32, #tpu.memory_space<vmem>>, vector<1x1x16xf32>,
      %swap3A_457 = arith.constant 1 : i32
      %swap3A_458 = arith.index_cast %swap3A_457 : i32 to index
      %swap3A_459 = arith.index_cast %scan3A_401 : i32 to index
      %swap3A_460 = arith.constant 0 : index
      %swap3A_461 = tpu.vector_load %arg8[%swap3A_458, %swap3A_459, %swap3A_460] {strides = array<i32>} : memref<3x80x128xf32, #tpu.memory_space<vmem>>, vector<1x1x16xf32>,
      %swap3A_462 = vector.shape_cast %swap3A_461 : vector<1x1x16xf32> to vector<16xf32>
      %swap3A_463 = vector.shape_cast %broadcast_in_dim3A_5 : vector<16xf32> to vector<1x1x16xf32>
      tpu.vector_store %arg8[%swap3A_458, %swap3A_459, %swap3A_460], %swap3A_463 {strides = array<i32>} : memref<3x80x128xf32, #tpu.memory_space<vmem>>, vector<1x1x16xf32>,
      %swap3A_464 = arith.constant 1 : i32
      %swap3A_465 = arith.index_cast %swap3A_464 : i32 to index
      %swap3A_466 = arith.index_cast %scan3A_401 : i32 to index
      %swap3A_467 = arith.constant 16 : index
      %swap3A_468 = tpu.vector_load %arg8[%swap3A_465, %swap3A_466, %swap3A_467] {strides = array<i32>} : memref<3x80x128xf32, #tpu.memory_space<vmem>>, vector<1x1x16xf32>,
      %swap3A_469 = vector.shape_cast %swap3A_468 : vector<1x1x16xf32> to vector<16xf32>
      %swap3A_470 = vector.shape_cast %broadcast_in_dim3A_5 : vector<16xf32> to vector<1x1x16xf32>
      tpu.vector_store %arg8[%swap3A_465, %swap3A_466, %swap3A_467], %swap3A_470 {strides = array<i32>} : memref<3x80x128xf32, #tpu.memory_space<vmem>>, vector<1x1x16xf32>,
      %swap3A_471 = arith.constant 1 : i32
      %swap3A_472 = arith.index_cast %swap3A_471 : i32 to index
      %swap3A_473 = arith.index_cast %scan3A_401 : i32 to index
      %swap3A_474 = arith.constant 32 : index
      %swap3A_475 = tpu.vector_load %arg8[%swap3A_472, %swap3A_473, %swap3A_474] {strides = array<i32>} : memref<3x80x128xf32, #tpu.memory_space<vmem>>, vector<1x1x16xf32>,
      %swap3A_476 = vector.shape_cast %swap3A_475 : vector<1x1x16xf32> to vector<16xf32>
      %swap3A_477 = vector.shape_cast %broadcast_in_dim3A_5 : vector<16xf32> to vector<1x1x16xf32>
      tpu.vector_store %arg8[%swap3A_472, %swap3A_473, %swap3A_474], %swap3A_477 {strides = array<i32>} : memref<3x80x128xf32, #tpu.memory_space<vmem>>, vector<1x1x16xf32>,
      %swap3A_478 = arith.constant 1 : i32
      %swap3A_479 = arith.index_cast %swap3A_478 : i32 to index
      %swap3A_480 = arith.index_cast %scan3A_401 : i32 to index
      %swap3A_481 = arith.constant 48 : index
      %swap3A_482 = tpu.vector_load %arg8[%swap3A_479, %swap3A_480, %swap3A_481] {strides = array<i32>} : memref<3x80x128xf32, #tpu.memory_space<vmem>>, vector<1x1x16xf32>,
      %swap3A_483 = vector.shape_cast %swap3A_482 : vector<1x1x16xf32> to vector<16xf32>
      %swap3A_484 = vector.shape_cast %broadcast_in_dim3A_5 : vector<16xf32> to vector<1x1x16xf32>
      tpu.vector_store %arg8[%swap3A_479, %swap3A_480, %swap3A_481], %swap3A_484 {strides = array<i32>} : memref<3x80x128xf32, #tpu.memory_space<vmem>>, vector<1x1x16xf32>,
      %swap3A_485 = arith.constant 1 : i32
      %swap3A_486 = arith.index_cast %swap3A_485 : i32 to index
      %swap3A_487 = arith.index_cast %scan3A_401 : i32 to index
      %swap3A_488 = arith.constant 64 : index
      %swap3A_489 = tpu.vector_load %arg8[%swap3A_486, %swap3A_487, %swap3A_488] {strides = array<i32>} : memref<3x80x128xf32, #tpu.memory_space<vmem>>, vector<1x1x16xf32>,
      %swap3A_490 = vector.shape_cast %swap3A_489 : vector<1x1x16xf32> to vector<16xf32>
      %swap3A_491 = vector.shape_cast %broadcast_in_dim3A_5 : vector<16xf32> to vector<1x1x16xf32>
      tpu.vector_store %arg8[%swap3A_486, %swap3A_487, %swap3A_488], %swap3A_491 {strides = array<i32>} : memref<3x80x128xf32, #tpu.memory_space<vmem>>, vector<1x1x16xf32>,
      %swap3A_492 = arith.constant 1 : i32
      %swap3A_493 = arith.index_cast %swap3A_492 : i32 to index
      %swap3A_494 = arith.index_cast %scan3A_401 : i32 to index
      %swap3A_495 = arith.constant 80 : index
      %swap3A_496 = tpu.vector_load %arg8[%swap3A_493, %swap3A_494, %swap3A_495] {strides = array<i32>} : memref<3x80x128xf32, #tpu.memory_space<vmem>>, vector<1x1x16xf32>,
      %swap3A_497 = vector.shape_cast %swap3A_496 : vector<1x1x16xf32> to vector<16xf32>
      %swap3A_498 = vector.shape_cast %broadcast_in_dim3A_5 : vector<16xf32> to vector<1x1x16xf32>
      tpu.vector_store %arg8[%swap3A_493, %swap3A_494, %swap3A_495], %swap3A_498 {strides = array<i32>} : memref<3x80x128xf32, #tpu.memory_space<vmem>>, vector<1x1x16xf32>,
      %swap3A_499 = arith.constant 1 : i32
      %swap3A_500 = arith.index_cast %swap3A_499 : i32 to index
      %swap3A_501 = arith.index_cast %scan3A_401 : i32 to index
      %swap3A_502 = arith.constant 96 : index
      %swap3A_503 = tpu.vector_load %arg8[%swap3A_500, %swap3A_501, %swap3A_502] {strides = array<i32>} : memref<3x80x128xf32, #tpu.memory_space<vmem>>, vector<1x1x16xf32>,
      %swap3A_504 = vector.shape_cast %swap3A_503 : vector<1x1x16xf32> to vector<16xf32>
      %swap3A_505 = vector.shape_cast %broadcast_in_dim3A_5 : vector<16xf32> to vector<1x1x16xf32>
      tpu.vector_store %arg8[%swap3A_500, %swap3A_501, %swap3A_502], %swap3A_505 {strides = array<i32>} : memref<3x80x128xf32, #tpu.memory_space<vmem>>, vector<1x1x16xf32>,
      %swap3A_506 = arith.constant 1 : i32
      %swap3A_507 = arith.index_cast %swap3A_506 : i32 to index
      %swap3A_508 = arith.index_cast %scan3A_401 : i32 to index
      %swap3A_509 = arith.constant 112 : index
      %swap3A_510 = tpu.vector_load %arg8[%swap3A_507, %swap3A_508, %swap3A_509] {strides = array<i32>} : memref<3x80x128xf32, #tpu.memory_space<vmem>>, vector<1x1x16xf32>,
      %swap3A_511 = vector.shape_cast %swap3A_510 : vector<1x1x16xf32> to vector<16xf32>
      %swap3A_512 = vector.shape_cast %broadcast_in_dim3A_5 : vector<16xf32> to vector<1x1x16xf32>
      tpu.vector_store %arg8[%swap3A_507, %swap3A_508, %swap3A_509], %swap3A_512 {strides = array<i32>} : memref<3x80x128xf32, #tpu.memory_space<vmem>>, vector<1x1x16xf32>,
      %swap3A_513 = arith.constant 2 : i32
      %swap3A_514 = arith.index_cast %swap3A_513 : i32 to index
      %swap3A_515 = arith.index_cast %scan3A_401 : i32 to index
      %swap3A_516 = arith.constant 0 : index
      %swap3A_517 = tpu.vector_load %arg8[%swap3A_514, %swap3A_515, %swap3A_516] {strides = array<i32>} : memref<3x80x128xf32, #tpu.memory_space<vmem>>, vector<1x1x16xf32>,
      %swap3A_518 = vector.shape_cast %swap3A_517 : vector<1x1x16xf32> to vector<16xf32>
      %swap3A_519 = vector.shape_cast %broadcast_in_dim3A_5 : vector<16xf32> to vector<1x1x16xf32>
      tpu.vector_store %arg8[%swap3A_514, %swap3A_515, %swap3A_516], %swap3A_519 {strides = array<i32>} : memref<3x80x128xf32, #tpu.memory_space<vmem>>, vector<1x1x16xf32>,
      %swap3A_520 = arith.constant 2 : i32
      %swap3A_521 = arith.index_cast %swap3A_520 : i32 to index
      %swap3A_522 = arith.index_cast %scan3A_401 : i32 to index
      %swap3A_523 = arith.constant 16 : index
      %swap3A_524 = tpu.vector_load %arg8[%swap3A_521, %swap3A_522, %swap3A_523] {strides = array<i32>} : memref<3x80x128xf32, #tpu.memory_space<vmem>>, vector<1x1x16xf32>,
      %swap3A_525 = vector.shape_cast %swap3A_524 : vector<1x1x16xf32> to vector<16xf32>
      %swap3A_526 = vector.shape_cast %broadcast_in_dim3A_5 : vector<16xf32> to vector<1x1x16xf32>
      tpu.vector_store %arg8[%swap3A_521, %swap3A_522, %swap3A_523], %swap3A_526 {strides = array<i32>} : memref<3x80x128xf32, #tpu.memory_space<vmem>>, vector<1x1x16xf32>,
      %swap3A_527 = arith.constant 2 : i32
      %swap3A_528 = arith.index_cast %swap3A_527 : i32 to index
      %swap3A_529 = arith.index_cast %scan3A_401 : i32 to index
      %swap3A_530 = arith.constant 32 : index
      %swap3A_531 = tpu.vector_load %arg8[%swap3A_528, %swap3A_529, %swap3A_530] {strides = array<i32>} : memref<3x80x128xf32, #tpu.memory_space<vmem>>, vector<1x1x16xf32>,
      %swap3A_532 = vector.shape_cast %swap3A_531 : vector<1x1x16xf32> to vector<16xf32>
      %swap3A_533 = vector.shape_cast %broadcast_in_dim3A_5 : vector<16xf32> to vector<1x1x16xf32>
      tpu.vector_store %arg8[%swap3A_528, %swap3A_529, %swap3A_530], %swap3A_533 {strides = array<i32>} : memref<3x80x128xf32, #tpu.memory_space<vmem>>, vector<1x1x16xf32>,
      %swap3A_534 = arith.constant 2 : i32
      %swap3A_535 = arith.index_cast %swap3A_534 : i32 to index
      %swap3A_536 = arith.index_cast %scan3A_401 : i32 to index
      %swap3A_537 = arith.constant 48 : index
      %swap3A_538 = tpu.vector_load %arg8[%swap3A_535, %swap3A_536, %swap3A_537] {strides = array<i32>} : memref<3x80x128xf32, #tpu.memory_space<vmem>>, vector<1x1x16xf32>,
      %swap3A_539 = vector.shape_cast %swap3A_538 : vector<1x1x16xf32> to vector<16xf32>
      %swap3A_540 = vector.shape_cast %broadcast_in_dim3A_5 : vector<16xf32> to vector<1x1x16xf32>
      tpu.vector_store %arg8[%swap3A_535, %swap3A_536, %swap3A_537], %swap3A_540 {strides = array<i32>} : memref<3x80x128xf32, #tpu.memory_space<vmem>>, vector<1x1x16xf32>,
      %swap3A_541 = arith.constant 2 : i32
      %swap3A_542 = arith.index_cast %swap3A_541 : i32 to index
      %swap3A_543 = arith.index_cast %scan3A_401 : i32 to index
      %swap3A_544 = arith.constant 64 : index
      %swap3A_545 = tpu.vector_load %arg8[%swap3A_542, %swap3A_543, %swap3A_544] {strides = array<i32>} : memref<3x80x128xf32, #tpu.memory_space<vmem>>, vector<1x1x16xf32>,
      %swap3A_546 = vector.shape_cast %swap3A_545 : vector<1x1x16xf32> to vector<16xf32>
      %swap3A_547 = vector.shape_cast %broadcast_in_dim3A_5 : vector<16xf32> to vector<1x1x16xf32>
      tpu.vector_store %arg8[%swap3A_542, %swap3A_543, %swap3A_544], %swap3A_547 {strides = array<i32>} : memref<3x80x128xf32, #tpu.memory_space<vmem>>, vector<1x1x16xf32>,
      %swap3A_548 = arith.constant 2 : i32
      %swap3A_549 = arith.index_cast %swap3A_548 : i32 to index
      %swap3A_550 = arith.index_cast %scan3A_401 : i32 to index
      %swap3A_551 = arith.constant 80 : index
      %swap3A_552 = tpu.vector_load %arg8[%swap3A_549, %swap3A_550, %swap3A_551] {strides = array<i32>} : memref<3x80x128xf32, #tpu.memory_space<vmem>>, vector<1x1x16xf32>,
      %swap3A_553 = vector.shape_cast %swap3A_552 : vector<1x1x16xf32> to vector<16xf32>
      %swap3A_554 = vector.shape_cast %broadcast_in_dim3A_5 : vector<16xf32> to vector<1x1x16xf32>
      tpu.vector_store %arg8[%swap3A_549, %swap3A_550, %swap3A_551], %swap3A_554 {strides = array<i32>} : memref<3x80x128xf32, #tpu.memory_space<vmem>>, vector<1x1x16xf32>,
      %swap3A_555 = arith.constant 2 : i32
      %swap3A_556 = arith.index_cast %swap3A_555 : i32 to index
      %swap3A_557 = arith.index_cast %scan3A_401 : i32 to index
      %swap3A_558 = arith.constant 96 : index
      %swap3A_559 = tpu.vector_load %arg8[%swap3A_556, %swap3A_557, %swap3A_558] {strides = array<i32>} : memref<3x80x128xf32, #tpu.memory_space<vmem>>, vector<1x1x16xf32>,
      %swap3A_560 = vector.shape_cast %swap3A_559 : vector<1x1x16xf32> to vector<16xf32>
      %swap3A_561 = vector.shape_cast %broadcast_in_dim3A_5 : vector<16xf32> to vector<1x1x16xf32>
      tpu.vector_store %arg8[%swap3A_556, %swap3A_557, %swap3A_558], %swap3A_561 {strides = array<i32>} : memref<3x80x128xf32, #tpu.memory_space<vmem>>, vector<1x1x16xf32>,
      %swap3A_562 = arith.constant 2 : i32
      %swap3A_563 = arith.index_cast %swap3A_562 : i32 to index
      %swap3A_564 = arith.index_cast %scan3A_401 : i32 to index
      %swap3A_565 = arith.constant 112 : index
      %swap3A_566 = tpu.vector_load %arg8[%swap3A_563, %swap3A_564, %swap3A_565] {strides = array<i32>} : memref<3x80x128xf32, #tpu.memory_space<vmem>>, vector<1x1x16xf32>,
      %swap3A_567 = vector.shape_cast %swap3A_566 : vector<1x1x16xf32> to vector<16xf32>
      %swap3A_568 = vector.shape_cast %broadcast_in_dim3A_5 : vector<16xf32> to vector<1x1x16xf32>
      tpu.vector_store %arg8[%swap3A_563, %swap3A_564, %swap3A_565], %swap3A_568 {strides = array<i32>} : memref<3x80x128xf32, #tpu.memory_space<vmem>>, vector<1x1x16xf32>,
    }
    %scan3A_10 = arith.constant 80 : i32
    %add3A_11 = arith.constant 0 : i32
    %add3A_12 = arith.addi %mul3A_2, %add3A_11 : i32
    %run_scoped3A = arith.constant 0 : i32
    "tpu.region"() ({
      %run_scoped3A_401 = tpu.sem_alloc : memref<!tpu.dma_semaphore, #tpu.memory_space<semaphore_mem>>
      %dma_start3A_402 = arith.constant 0 : i32
      %dma_start3A_403 = arith.constant 0 : i32
      %dma_start3A_404 = tpu.memref_slice %arg8[%run_scoped3A, %dma_start3A_402, %dma_start3A_403] : memref<3x80x128xf32, #tpu.memory_space<vmem>> -> memref<1x80x128xf32, #tpu.memory_space<vmem>>
      %dma_start3A_405 = tpu.memref_squeeze %dma_start3A_404 : memref<1x80x128xf32, #tpu.memory_space<vmem>> -> memref<80x128xf32, #tpu.memory_space<vmem>>
      %dma_start3A_406 = arith.constant 0 : i32
      %dma_start3A_407 = tpu.memref_slice %arg9[%add3A_12, %dma_start3A_406] : memref<10000x128xf32, #tpu.memory_space<vmem_shared>> -> memref<80x128xf32, #tpu.memory_space<vmem_shared>>
      %dma_start3A_408 = arith.constant 0 : i32
      %dma_start3A_409 = tpu.memref_slice %arg9[%add3A_12, %dma_start3A_408] : memref<10000x128xf32, #tpu.memory_space<vmem_shared>> -> memref<80x128xf32, #tpu.memory_space<vmem_shared>>
      %dma_start3A_410 = arith.constant 0 : i32
      %dma_start3A_411 = arith.constant 0 : i32
      %dma_start3A_412 = tpu.memref_slice %arg8[%run_scoped3A, %dma_start3A_410, %dma_start3A_411] : memref<3x80x128xf32, #tpu.memory_space<vmem>> -> memref<1x80x128xf32, #tpu.memory_space<vmem>>
      %dma_start3A_413 = tpu.memref_squeeze %dma_start3A_412 : memref<1x80x128xf32, #tpu.memory_space<vmem>> -> memref<80x128xf32, #tpu.memory_space<vmem>>
      tpu.enqueue_dma source(%dma_start3A_413 : memref<80x128xf32, #tpu.memory_space<vmem>>) target(%dma_start3A_409 : memref<80x128xf32, #tpu.memory_space<vmem_shared>>) target_semaphore(%run_scoped3A_401 : memref<!tpu.dma_semaphore, #tpu.memory_space<semaphore_mem>>)
      %dma_wait3A_414 = arith.constant 0 : i32
      %dma_wait3A_415 = arith.constant 0 : i32
      %dma_wait3A_416 = tpu.memref_slice %arg8[%run_scoped3A, %dma_wait3A_414, %dma_wait3A_415] : memref<3x80x128xf32, #tpu.memory_space<vmem>> -> memref<1x80x128xf32, #tpu.memory_space<vmem>>
      %dma_wait3A_417 = tpu.memref_squeeze %dma_wait3A_416 : memref<1x80x128xf32, #tpu.memory_space<vmem>> -> memref<80x128xf32, #tpu.memory_space<vmem>>
      %dma_wait3A_418 = arith.constant 0 : i32
      %dma_wait3A_419 = tpu.memref_slice %arg9[%add3A_12, %dma_wait3A_418] : memref<10000x128xf32, #tpu.memory_space<vmem_shared>> -> memref<80x128xf32, #tpu.memory_space<vmem_shared>>
      %dma_wait3A_420 = arith.constant 0 : i32
      %dma_wait3A_421 = tpu.memref_slice %arg9[%add3A_12, %dma_wait3A_420] : memref<10000x128xf32, #tpu.memory_space<vmem_shared>> -> memref<80x128xf32, #tpu.memory_space<vmem_shared>>
      %dma_wait3A_422 = arith.constant 0 : i32
      %dma_wait3A_423 = arith.constant 0 : i32
      %dma_wait3A_424 = tpu.memref_slice %arg8[%run_scoped3A, %dma_wait3A_422, %dma_wait3A_423] : memref<3x80x128xf32, #tpu.memory_space<vmem>> -> memref<1x80x128xf32, #tpu.memory_space<vmem>>
      %dma_wait3A_425 = tpu.memref_squeeze %dma_wait3A_424 : memref<1x80x128xf32, #tpu.memory_space<vmem>> -> memref<80x128xf32, #tpu.memory_space<vmem>>
      tpu.wait_dma2 semaphore(%run_scoped3A_401 : memref<!tpu.dma_semaphore, #tpu.memory_space<semaphore_mem>>) src(%dma_wait3A_425 : memref<80x128xf32, #tpu.memory_space<vmem>>) dst(%dma_wait3A_421 : memref<80x128xf32, #tpu.memory_space<vmem_shared>>)
      tpu.yield
    }) : () -> ()
    %add3A_13 = arith.constant 80 : i32
    %add3A_14 = arith.addi %mul3A_2, %add3A_13 : i32
    %run_scoped3A_15 = arith.constant 1 : i32
    "tpu.region"() ({
      %run_scoped3A_401 = tpu.sem_alloc : memref<!tpu.dma_semaphore, #tpu.memory_space<semaphore_mem>>
      %dma_start3A_402 = arith.constant 0 : i32
      %dma_start3A_403 = arith.constant 0 : i32
      %dma_start3A_404 = tpu.memref_slice %arg8[%run_scoped3A_15, %dma_start3A_402, %dma_start3A_403] : memref<3x80x128xf32, #tpu.memory_space<vmem>> -> memref<1x80x128xf32, #tpu.memory_space<vmem>>
      %dma_start3A_405 = tpu.memref_squeeze %dma_start3A_404 : memref<1x80x128xf32, #tpu.memory_space<vmem>> -> memref<80x128xf32, #tpu.memory_space<vmem>>
      %dma_start3A_406 = arith.constant 0 : i32
      %dma_start3A_407 = tpu.memref_slice %arg9[%add3A_14, %dma_start3A_406] : memref<10000x128xf32, #tpu.memory_space<vmem_shared>> -> memref<80x128xf32, #tpu.memory_space<vmem_shared>>
      %dma_start3A_408 = arith.constant 0 : i32
      %dma_start3A_409 = tpu.memref_slice %arg9[%add3A_14, %dma_start3A_408] : memref<10000x128xf32, #tpu.memory_space<vmem_shared>> -> memref<80x128xf32, #tpu.memory_space<vmem_shared>>
      %dma_start3A_410 = arith.constant 0 : i32
      %dma_start3A_411 = arith.constant 0 : i32
      %dma_start3A_412 = tpu.memref_slice %arg8[%run_scoped3A_15, %dma_start3A_410, %dma_start3A_411] : memref<3x80x128xf32, #tpu.memory_space<vmem>> -> memref<1x80x128xf32, #tpu.memory_space<vmem>>
      %dma_start3A_413 = tpu.memref_squeeze %dma_start3A_412 : memref<1x80x128xf32, #tpu.memory_space<vmem>> -> memref<80x128xf32, #tpu.memory_space<vmem>>
      tpu.enqueue_dma source(%dma_start3A_413 : memref<80x128xf32, #tpu.memory_space<vmem>>) target(%dma_start3A_409 : memref<80x128xf32, #tpu.memory_space<vmem_shared>>) target_semaphore(%run_scoped3A_401 : memref<!tpu.dma_semaphore, #tpu.memory_space<semaphore_mem>>)
      %dma_wait3A_414 = arith.constant 0 : i32
      %dma_wait3A_415 = arith.constant 0 : i32
      %dma_wait3A_416 = tpu.memref_slice %arg8[%run_scoped3A_15, %dma_wait3A_414, %dma_wait3A_415] : memref<3x80x128xf32, #tpu.memory_space<vmem>> -> memref<1x80x128xf32, #tpu.memory_space<vmem>>
      %dma_wait3A_417 = tpu.memref_squeeze %dma_wait3A_416 : memref<1x80x128xf32, #tpu.memory_space<vmem>> -> memref<80x128xf32, #tpu.memory_space<vmem>>
      %dma_wait3A_418 = arith.constant 0 : i32
      %dma_wait3A_419 = tpu.memref_slice %arg9[%add3A_14, %dma_wait3A_418] : memref<10000x128xf32, #tpu.memory_space<vmem_shared>> -> memref<80x128xf32, #tpu.memory_space<vmem_shared>>
      %dma_wait3A_420 = arith.constant 0 : i32
      %dma_wait3A_421 = tpu.memref_slice %arg9[%add3A_14, %dma_wait3A_420] : memref<10000x128xf32, #tpu.memory_space<vmem_shared>> -> memref<80x128xf32, #tpu.memory_space<vmem_shared>>
      %dma_wait3A_422 = arith.constant 0 : i32
      %dma_wait3A_423 = arith.constant 0 : i32
      %dma_wait3A_424 = tpu.memref_slice %arg8[%run_scoped3A_15, %dma_wait3A_422, %dma_wait3A_423] : memref<3x80x128xf32, #tpu.memory_space<vmem>> -> memref<1x80x128xf32, #tpu.memory_space<vmem>>
      %dma_wait3A_425 = tpu.memref_squeeze %dma_wait3A_424 : memref<1x80x128xf32, #tpu.memory_space<vmem>> -> memref<80x128xf32, #tpu.memory_space<vmem>>
      tpu.wait_dma2 semaphore(%run_scoped3A_401 : memref<!tpu.dma_semaphore, #tpu.memory_space<semaphore_mem>>) src(%dma_wait3A_425 : memref<80x128xf32, #tpu.memory_space<vmem>>) dst(%dma_wait3A_421 : memref<80x128xf32, #tpu.memory_space<vmem_shared>>)
      tpu.yield
    }) : () -> ()
    %add3A_16 = arith.constant 160 : i32
    %add3A_17 = arith.addi %mul3A_2, %add3A_16 : i32
    %run_scoped3A_18 = arith.constant 2 : i32
    "tpu.region"() ({
      %run_scoped3A_401 = tpu.sem_alloc : memref<!tpu.dma_semaphore, #tpu.memory_space<semaphore_mem>>
      %dma_start3A_402 = arith.constant 0 : i32
      %dma_start3A_403 = arith.constant 0 : i32
      %dma_start3A_404 = tpu.memref_slice %arg8[%run_scoped3A_18, %dma_start3A_402, %dma_start3A_403] : memref<3x80x128xf32, #tpu.memory_space<vmem>> -> memref<1x80x128xf32, #tpu.memory_space<vmem>>
      %dma_start3A_405 = tpu.memref_squeeze %dma_start3A_404 : memref<1x80x128xf32, #tpu.memory_space<vmem>> -> memref<80x128xf32, #tpu.memory_space<vmem>>
      %dma_start3A_406 = arith.constant 0 : i32
      %dma_start3A_407 = tpu.memref_slice %arg9[%add3A_17, %dma_start3A_406] : memref<10000x128xf32, #tpu.memory_space<vmem_shared>> -> memref<80x128xf32, #tpu.memory_space<vmem_shared>>
      %dma_start3A_408 = arith.constant 0 : i32
      %dma_start3A_409 = tpu.memref_slice %arg9[%add3A_17, %dma_start3A_408] : memref<10000x128xf32, #tpu.memory_space<vmem_shared>> -> memref<80x128xf32, #tpu.memory_space<vmem_shared>>
      %dma_start3A_410 = arith.constant 0 : i32
      %dma_start3A_411 = arith.constant 0 : i32
      %dma_start3A_412 = tpu.memref_slice %arg8[%run_scoped3A_18, %dma_start3A_410, %dma_start3A_411] : memref<3x80x128xf32, #tpu.memory_space<vmem>> -> memref<1x80x128xf32, #tpu.memory_space<vmem>>
      %dma_start3A_413 = tpu.memref_squeeze %dma_start3A_412 : memref<1x80x128xf32, #tpu.memory_space<vmem>> -> memref<80x128xf32, #tpu.memory_space<vmem>>
      tpu.enqueue_dma source(%dma_start3A_413 : memref<80x128xf32, #tpu.memory_space<vmem>>) target(%dma_start3A_409 : memref<80x128xf32, #tpu.memory_space<vmem_shared>>) target_semaphore(%run_scoped3A_401 : memref<!tpu.dma_semaphore, #tpu.memory_space<semaphore_mem>>)
      %dma_wait3A_414 = arith.constant 0 : i32
      %dma_wait3A_415 = arith.constant 0 : i32
      %dma_wait3A_416 = tpu.memref_slice %arg8[%run_scoped3A_18, %dma_wait3A_414, %dma_wait3A_415] : memref<3x80x128xf32, #tpu.memory_space<vmem>> -> memref<1x80x128xf32, #tpu.memory_space<vmem>>
      %dma_wait3A_417 = tpu.memref_squeeze %dma_wait3A_416 : memref<1x80x128xf32, #tpu.memory_space<vmem>> -> memref<80x128xf32, #tpu.memory_space<vmem>>
      %dma_wait3A_418 = arith.constant 0 : i32
      %dma_wait3A_419 = tpu.memref_slice %arg9[%add3A_17, %dma_wait3A_418] : memref<10000x128xf32, #tpu.memory_space<vmem_shared>> -> memref<80x128xf32, #tpu.memory_space<vmem_shared>>
      %dma_wait3A_420 = arith.constant 0 : i32
      %dma_wait3A_421 = tpu.memref_slice %arg9[%add3A_17, %dma_wait3A_420] : memref<10000x128xf32, #tpu.memory_space<vmem_shared>> -> memref<80x128xf32, #tpu.memory_space<vmem_shared>>
      %dma_wait3A_422 = arith.constant 0 : i32
      %dma_wait3A_423 = arith.constant 0 : i32
      %dma_wait3A_424 = tpu.memref_slice %arg8[%run_scoped3A_18, %dma_wait3A_422, %dma_wait3A_423] : memref<3x80x128xf32, #tpu.memory_space<vmem>> -> memref<1x80x128xf32, #tpu.memory_space<vmem>>
      %dma_wait3A_425 = tpu.memref_squeeze %dma_wait3A_424 : memref<1x80x128xf32, #tpu.memory_space<vmem>> -> memref<80x128xf32, #tpu.memory_space<vmem>>
      tpu.wait_dma2 semaphore(%run_scoped3A_401 : memref<!tpu.dma_semaphore, #tpu.memory_space<semaphore_mem>>) src(%dma_wait3A_425 : memref<80x128xf32, #tpu.memory_space<vmem>>) dst(%dma_wait3A_421 : memref<80x128xf32, #tpu.memory_space<vmem_shared>>)
      tpu.yield
    }) : () -> ()
    %add3A_19 = arith.constant 240 : i32
    %add3A_20 = arith.addi %mul3A_2, %add3A_19 : i32
    %run_scoped3A_21 = arith.constant 0 : i32
    "tpu.region"() ({
      %run_scoped3A_401 = tpu.sem_alloc : memref<!tpu.dma_semaphore, #tpu.memory_space<semaphore_mem>>
      %dma_start3A_402 = arith.constant 0 : i32
      %dma_start3A_403 = arith.constant 0 : i32
      %dma_start3A_404 = tpu.memref_slice %arg8[%run_scoped3A_21, %dma_start3A_402, %dma_start3A_403] : memref<3x80x128xf32, #tpu.memory_space<vmem>> -> memref<1x80x128xf32, #tpu.memory_space<vmem>>
      %dma_start3A_405 = tpu.memref_squeeze %dma_start3A_404 : memref<1x80x128xf32, #tpu.memory_space<vmem>> -> memref<80x128xf32, #tpu.memory_space<vmem>>
      %dma_start3A_406 = arith.constant 0 : i32
      %dma_start3A_407 = tpu.memref_slice %arg9[%add3A_20, %dma_start3A_406] : memref<10000x128xf32, #tpu.memory_space<vmem_shared>> -> memref<80x128xf32, #tpu.memory_space<vmem_shared>>
      %dma_start3A_408 = arith.constant 0 : i32
      %dma_start3A_409 = tpu.memref_slice %arg9[%add3A_20, %dma_start3A_408] : memref<10000x128xf32, #tpu.memory_space<vmem_shared>> -> memref<80x128xf32, #tpu.memory_space<vmem_shared>>
      %dma_start3A_410 = arith.constant 0 : i32
      %dma_start3A_411 = arith.constant 0 : i32
      %dma_start3A_412 = tpu.memref_slice %arg8[%run_scoped3A_21, %dma_start3A_410, %dma_start3A_411] : memref<3x80x128xf32, #tpu.memory_space<vmem>> -> memref<1x80x128xf32, #tpu.memory_space<vmem>>
      %dma_start3A_413 = tpu.memref_squeeze %dma_start3A_412 : memref<1x80x128xf32, #tpu.memory_space<vmem>> -> memref<80x128xf32, #tpu.memory_space<vmem>>
      tpu.enqueue_dma source(%dma_start3A_413 : memref<80x128xf32, #tpu.memory_space<vmem>>) target(%dma_start3A_409 : memref<80x128xf32, #tpu.memory_space<vmem_shared>>) target_semaphore(%run_scoped3A_401 : memref<!tpu.dma_semaphore, #tpu.memory_space<semaphore_mem>>)
      %dma_wait3A_414 = arith.constant 0 : i32
      %dma_wait3A_415 = arith.constant 0 : i32
      %dma_wait3A_416 = tpu.memref_slice %arg8[%run_scoped3A_21, %dma_wait3A_414, %dma_wait3A_415] : memref<3x80x128xf32, #tpu.memory_space<vmem>> -> memref<1x80x128xf32, #tpu.memory_space<vmem>>
      %dma_wait3A_417 = tpu.memref_squeeze %dma_wait3A_416 : memref<1x80x128xf32, #tpu.memory_space<vmem>> -> memref<80x128xf32, #tpu.memory_space<vmem>>
      %dma_wait3A_418 = arith.constant 0 : i32
      %dma_wait3A_419 = tpu.memref_slice %arg9[%add3A_20, %dma_wait3A_418] : memref<10000x128xf32, #tpu.memory_space<vmem_shared>> -> memref<80x128xf32, #tpu.memory_space<vmem_shared>>
      %dma_wait3A_420 = arith.constant 0 : i32
      %dma_wait3A_421 = tpu.memref_slice %arg9[%add3A_20, %dma_wait3A_420] : memref<10000x128xf32, #tpu.memory_space<vmem_shared>> -> memref<80x128xf32, #tpu.memory_space<vmem_shared>>
      %dma_wait3A_422 = arith.constant 0 : i32
      %dma_wait3A_423 = arith.constant 0 : i32
      %dma_wait3A_424 = tpu.memref_slice %arg8[%run_scoped3A_21, %dma_wait3A_422, %dma_wait3A_423] : memref<3x80x128xf32, #tpu.memory_space<vmem>> -> memref<1x80x128xf32, #tpu.memory_space<vmem>>
      %dma_wait3A_425 = tpu.memref_squeeze %dma_wait3A_424 : memref<1x80x128xf32, #tpu.memory_space<vmem>> -> memref<80x128xf32, #tpu.memory_space<vmem>>
      tpu.wait_dma2 semaphore(%run_scoped3A_401 : memref<!tpu.dma_semaphore, #tpu.memory_space<semaphore_mem>>) src(%dma_wait3A_425 : memref<80x128xf32, #tpu.memory_space<vmem>>) dst(%dma_wait3A_421 : memref<80x128xf32, #tpu.memory_space<vmem_shared>>)
      tpu.yield
    }) : () -> ()
    %add3A_22 = arith.constant 320 : i32
    %add3A_23 = arith.addi %mul3A_2, %add3A_22 : i32
    %run_scoped3A_24 = arith.constant 1 : i32
    "tpu.region"() ({
      %run_scoped3A_401 = tpu.sem_alloc : memref<!tpu.dma_semaphore, #tpu.memory_space<semaphore_mem>>
      %dma_start3A_402 = arith.constant 0 : i32
      %dma_start3A_403 = arith.constant 0 : i32
      %dma_start3A_404 = tpu.memref_slice %arg8[%run_scoped3A_24, %dma_start3A_402, %dma_start3A_403] : memref<3x80x128xf32, #tpu.memory_space<vmem>> -> memref<1x80x128xf32, #tpu.memory_space<vmem>>
      %dma_start3A_405 = tpu.memref_squeeze %dma_start3A_404 : memref<1x80x128xf32, #tpu.memory_space<vmem>> -> memref<80x128xf32, #tpu.memory_space<vmem>>
      %dma_start3A_406 = arith.constant 0 : i32
      %dma_start3A_407 = tpu.memref_slice %arg9[%add3A_23, %dma_start3A_406] : memref<10000x128xf32, #tpu.memory_space<vmem_shared>> -> memref<80x128xf32, #tpu.memory_space<vmem_shared>>
      %dma_start3A_408 = arith.constant 0 : i32
      %dma_start3A_409 = tpu.memref_slice %arg9[%add3A_23, %dma_start3A_408] : memref<10000x128xf32, #tpu.memory_space<vmem_shared>> -> memref<80x128xf32, #tpu.memory_space<vmem_shared>>
      %dma_start3A_410 = arith.constant 0 : i32
      %dma_start3A_411 = arith.constant 0 : i32
      %dma_start3A_412 = tpu.memref_slice %arg8[%run_scoped3A_24, %dma_start3A_410, %dma_start3A_411] : memref<3x80x128xf32, #tpu.memory_space<vmem>> -> memref<1x80x128xf32, #tpu.memory_space<vmem>>
      %dma_start3A_413 = tpu.memref_squeeze %dma_start3A_412 : memref<1x80x128xf32, #tpu.memory_space<vmem>> -> memref<80x128xf32, #tpu.memory_space<vmem>>
      tpu.enqueue_dma source(%dma_start3A_413 : memref<80x128xf32, #tpu.memory_space<vmem>>) target(%dma_start3A_409 : memref<80x128xf32, #tpu.memory_space<vmem_shared>>) target_semaphore(%run_scoped3A_401 : memref<!tpu.dma_semaphore, #tpu.memory_space<semaphore_mem>>)
      %dma_wait3A_414 = arith.constant 0 : i32
      %dma_wait3A_415 = arith.constant 0 : i32
      %dma_wait3A_416 = tpu.memref_slice %arg8[%run_scoped3A_24, %dma_wait3A_414, %dma_wait3A_415] : memref<3x80x128xf32, #tpu.memory_space<vmem>> -> memref<1x80x128xf32, #tpu.memory_space<vmem>>
      %dma_wait3A_417 = tpu.memref_squeeze %dma_wait3A_416 : memref<1x80x128xf32, #tpu.memory_space<vmem>> -> memref<80x128xf32, #tpu.memory_space<vmem>>
      %dma_wait3A_418 = arith.constant 0 : i32
      %dma_wait3A_419 = tpu.memref_slice %arg9[%add3A_23, %dma_wait3A_418] : memref<10000x128xf32, #tpu.memory_space<vmem_shared>> -> memref<80x128xf32, #tpu.memory_space<vmem_shared>>
      %dma_wait3A_420 = arith.constant 0 : i32
      %dma_wait3A_421 = tpu.memref_slice %arg9[%add3A_23, %dma_wait3A_420] : memref<10000x128xf32, #tpu.memory_space<vmem_shared>> -> memref<80x128xf32, #tpu.memory_space<vmem_shared>>
      %dma_wait3A_422 = arith.constant 0 : i32
      %dma_wait3A_423 = arith.constant 0 : i32
      %dma_wait3A_424 = tpu.memref_slice %arg8[%run_scoped3A_24, %dma_wait3A_422, %dma_wait3A_423] : memref<3x80x128xf32, #tpu.memory_space<vmem>> -> memref<1x80x128xf32, #tpu.memory_space<vmem>>
      %dma_wait3A_425 = tpu.memref_squeeze %dma_wait3A_424 : memref<1x80x128xf32, #tpu.memory_space<vmem>> -> memref<80x128xf32, #tpu.memory_space<vmem>>
      tpu.wait_dma2 semaphore(%run_scoped3A_401 : memref<!tpu.dma_semaphore, #tpu.memory_space<semaphore_mem>>) src(%dma_wait3A_425 : memref<80x128xf32, #tpu.memory_space<vmem>>) dst(%dma_wait3A_421 : memref<80x128xf32, #tpu.memory_space<vmem_shared>>)
      tpu.yield
    }) : () -> ()
    %add3A_25 = arith.constant 400 : i32
    %add3A_26 = arith.addi %mul3A_2, %add3A_25 : i32
    %run_scoped3A_27 = arith.constant 2 : i32
    "tpu.region"() ({
      %run_scoped3A_401 = tpu.sem_alloc : memref<!tpu.dma_semaphore, #tpu.memory_space<semaphore_mem>>
      %dma_start3A_402 = arith.constant 0 : i32
      %dma_start3A_403 = arith.constant 0 : i32
      %dma_start3A_404 = tpu.memref_slice %arg8[%run_scoped3A_27, %dma_start3A_402, %dma_start3A_403] : memref<3x80x128xf32, #tpu.memory_space<vmem>> -> memref<1x80x128xf32, #tpu.memory_space<vmem>>
      %dma_start3A_405 = tpu.memref_squeeze %dma_start3A_404 : memref<1x80x128xf32, #tpu.memory_space<vmem>> -> memref<80x128xf32, #tpu.memory_space<vmem>>
      %dma_start3A_406 = arith.constant 0 : i32
      %dma_start3A_407 = tpu.memref_slice %arg9[%add3A_26, %dma_start3A_406] : memref<10000x128xf32, #tpu.memory_space<vmem_shared>> -> memref<80x128xf32, #tpu.memory_space<vmem_shared>>
      %dma_start3A_408 = arith.constant 0 : i32
      %dma_start3A_409 = tpu.memref_slice %arg9[%add3A_26, %dma_start3A_408] : memref<10000x128xf32, #tpu.memory_space<vmem_shared>> -> memref<80x128xf32, #tpu.memory_space<vmem_shared>>
      %dma_start3A_410 = arith.constant 0 : i32
      %dma_start3A_411 = arith.constant 0 : i32
      %dma_start3A_412 = tpu.memref_slice %arg8[%run_scoped3A_27, %dma_start3A_410, %dma_start3A_411] : memref<3x80x128xf32, #tpu.memory_space<vmem>> -> memref<1x80x128xf32, #tpu.memory_space<vmem>>
      %dma_start3A_413 = tpu.memref_squeeze %dma_start3A_412 : memref<1x80x128xf32, #tpu.memory_space<vmem>> -> memref<80x128xf32, #tpu.memory_space<vmem>>
      tpu.enqueue_dma source(%dma_start3A_413 : memref<80x128xf32, #tpu.memory_space<vmem>>) target(%dma_start3A_409 : memref<80x128xf32, #tpu.memory_space<vmem_shared>>) target_semaphore(%run_scoped3A_401 : memref<!tpu.dma_semaphore, #tpu.memory_space<semaphore_mem>>)
      %dma_wait3A_414 = arith.constant 0 : i32
      %dma_wait3A_415 = arith.constant 0 : i32
      %dma_wait3A_416 = tpu.memref_slice %arg8[%run_scoped3A_27, %dma_wait3A_414, %dma_wait3A_415] : memref<3x80x128xf32, #tpu.memory_space<vmem>> -> memref<1x80x128xf32, #tpu.memory_space<vmem>>
      %dma_wait3A_417 = tpu.memref_squeeze %dma_wait3A_416 : memref<1x80x128xf32, #tpu.memory_space<vmem>> -> memref<80x128xf32, #tpu.memory_space<vmem>>
      %dma_wait3A_418 = arith.constant 0 : i32
      %dma_wait3A_419 = tpu.memref_slice %arg9[%add3A_26, %dma_wait3A_418] : memref<10000x128xf32, #tpu.memory_space<vmem_shared>> -> memref<80x128xf32, #tpu.memory_space<vmem_shared>>
      %dma_wait3A_420 = arith.constant 0 : i32
      %dma_wait3A_421 = tpu.memref_slice %arg9[%add3A_26, %dma_wait3A_420] : memref<10000x128xf32, #tpu.memory_space<vmem_shared>> -> memref<80x128xf32, #tpu.memory_space<vmem_shared>>
      %dma_wait3A_422 = arith.constant 0 : i32
      %dma_wait3A_423 = arith.constant 0 : i32
      %dma_wait3A_424 = tpu.memref_slice %arg8[%run_scoped3A_27, %dma_wait3A_422, %dma_wait3A_423] : memref<3x80x128xf32, #tpu.memory_space<vmem>> -> memref<1x80x128xf32, #tpu.memory_space<vmem>>
      %dma_wait3A_425 = tpu.memref_squeeze %dma_wait3A_424 : memref<1x80x128xf32, #tpu.memory_space<vmem>> -> memref<80x128xf32, #tpu.memory_space<vmem>>
      tpu.wait_dma2 semaphore(%run_scoped3A_401 : memref<!tpu.dma_semaphore, #tpu.memory_space<semaphore_mem>>) src(%dma_wait3A_425 : memref<80x128xf32, #tpu.memory_space<vmem>>) dst(%dma_wait3A_421 : memref<80x128xf32, #tpu.memory_space<vmem_shared>>)
      tpu.yield
    }) : () -> ()
    %add3A_28 = arith.constant 480 : i32
    %add3A_29 = arith.addi %mul3A_2, %add3A_28 : i32
    %run_scoped3A_30 = arith.constant 0 : i32
    "tpu.region"() ({
      %run_scoped3A_401 = tpu.sem_alloc : memref<!tpu.dma_semaphore, #tpu.memory_space<semaphore_mem>>
      %dma_start3A_402 = arith.constant 0 : i32
      %dma_start3A_403 = arith.constant 0 : i32
      %dma_start3A_404 = tpu.memref_slice %arg8[%run_scoped3A_30, %dma_start3A_402, %dma_start3A_403] : memref<3x80x128xf32, #tpu.memory_space<vmem>> -> memref<1x80x128xf32, #tpu.memory_space<vmem>>
      %dma_start3A_405 = tpu.memref_squeeze %dma_start3A_404 : memref<1x80x128xf32, #tpu.memory_space<vmem>> -> memref<80x128xf32, #tpu.memory_space<vmem>>
      %dma_start3A_406 = arith.constant 0 : i32
      %dma_start3A_407 = tpu.memref_slice %arg9[%add3A_29, %dma_start3A_406] : memref<10000x128xf32, #tpu.memory_space<vmem_shared>> -> memref<80x128xf32, #tpu.memory_space<vmem_shared>>
      %dma_start3A_408 = arith.constant 0 : i32
      %dma_start3A_409 = tpu.memref_slice %arg9[%add3A_29, %dma_start3A_408] : memref<10000x128xf32, #tpu.memory_space<vmem_shared>> -> memref<80x128xf32, #tpu.memory_space<vmem_shared>>
      %dma_start3A_410 = arith.constant 0 : i32
      %dma_start3A_411 = arith.constant 0 : i32
      %dma_start3A_412 = tpu.memref_slice %arg8[%run_scoped3A_30, %dma_start3A_410, %dma_start3A_411] : memref<3x80x128xf32, #tpu.memory_space<vmem>> -> memref<1x80x128xf32, #tpu.memory_space<vmem>>
      %dma_start3A_413 = tpu.memref_squeeze %dma_start3A_412 : memref<1x80x128xf32, #tpu.memory_space<vmem>> -> memref<80x128xf32, #tpu.memory_space<vmem>>
      tpu.enqueue_dma source(%dma_start3A_413 : memref<80x128xf32, #tpu.memory_space<vmem>>) target(%dma_start3A_409 : memref<80x128xf32, #tpu.memory_space<vmem_shared>>) target_semaphore(%run_scoped3A_401 : memref<!tpu.dma_semaphore, #tpu.memory_space<semaphore_mem>>)
      %dma_wait3A_414 = arith.constant 0 : i32
      %dma_wait3A_415 = arith.constant 0 : i32
      %dma_wait3A_416 = tpu.memref_slice %arg8[%run_scoped3A_30, %dma_wait3A_414, %dma_wait3A_415] : memref<3x80x128xf32, #tpu.memory_space<vmem>> -> memref<1x80x128xf32, #tpu.memory_space<vmem>>
      %dma_wait3A_417 = tpu.memref_squeeze %dma_wait3A_416 : memref<1x80x128xf32, #tpu.memory_space<vmem>> -> memref<80x128xf32, #tpu.memory_space<vmem>>
      %dma_wait3A_418 = arith.constant 0 : i32
      %dma_wait3A_419 = tpu.memref_slice %arg9[%add3A_29, %dma_wait3A_418] : memref<10000x128xf32, #tpu.memory_space<vmem_shared>> -> memref<80x128xf32, #tpu.memory_space<vmem_shared>>
      %dma_wait3A_420 = arith.constant 0 : i32
      %dma_wait3A_421 = tpu.memref_slice %arg9[%add3A_29, %dma_wait3A_420] : memref<10000x128xf32, #tpu.memory_space<vmem_shared>> -> memref<80x128xf32, #tpu.memory_space<vmem_shared>>
      %dma_wait3A_422 = arith.constant 0 : i32
      %dma_wait3A_423 = arith.constant 0 : i32
      %dma_wait3A_424 = tpu.memref_slice %arg8[%run_scoped3A_30, %dma_wait3A_422, %dma_wait3A_423] : memref<3x80x128xf32, #tpu.memory_space<vmem>> -> memref<1x80x128xf32, #tpu.memory_space<vmem>>
      %dma_wait3A_425 = tpu.memref_squeeze %dma_wait3A_424 : memref<1x80x128xf32, #tpu.memory_space<vmem>> -> memref<80x128xf32, #tpu.memory_space<vmem>>
      tpu.wait_dma2 semaphore(%run_scoped3A_401 : memref<!tpu.dma_semaphore, #tpu.memory_space<semaphore_mem>>) src(%dma_wait3A_425 : memref<80x128xf32, #tpu.memory_space<vmem>>) dst(%dma_wait3A_421 : memref<80x128xf32, #tpu.memory_space<vmem_shared>>)
      tpu.yield
    }) : () -> ()
    %add3A_31 = arith.constant 560 : i32
    %add3A_32 = arith.addi %mul3A_2, %add3A_31 : i32
    %run_scoped3A_33 = arith.constant 0 : i32
    "tpu.region"() ({
      %run_scoped3A_401 = tpu.sem_alloc : memref<!tpu.dma_semaphore, #tpu.memory_space<semaphore_mem>>
      %dma_start3A_402 = arith.constant 0 : i32
      %dma_start3A_403 = arith.constant 0 : i32
      %dma_start3A_404 = tpu.memref_slice %arg8[%run_scoped3A_33, %dma_start3A_402, %dma_start3A_403] : memref<3x80x128xf32, #tpu.memory_space<vmem>> -> memref<1x64x128xf32, #tpu.memory_space<vmem>>
      %dma_start3A_405 = tpu.memref_squeeze %dma_start3A_404 : memref<1x64x128xf32, #tpu.memory_space<vmem>> -> memref<64x128xf32, #tpu.memory_space<vmem>>
      %dma_start3A_406 = arith.constant 0 : i32
      %dma_start3A_407 = tpu.memref_slice %arg9[%add3A_32, %dma_start3A_406] : memref<10000x128xf32, #tpu.memory_space<vmem_shared>> -> memref<64x128xf32, #tpu.memory_space<vmem_shared>>
      %dma_start3A_408 = arith.constant 0 : i32
      %dma_start3A_409 = tpu.memref_slice %arg9[%add3A_32, %dma_start3A_408] : memref<10000x128xf32, #tpu.memory_space<vmem_shared>> -> memref<64x128xf32, #tpu.memory_space<vmem_shared>>
      %dma_start3A_410 = arith.constant 0 : i32
      %dma_start3A_411 = arith.constant 0 : i32
      %dma_start3A_412 = tpu.memref_slice %arg8[%run_scoped3A_33, %dma_start3A_410, %dma_start3A_411] : memref<3x80x128xf32, #tpu.memory_space<vmem>> -> memref<1x64x128xf32, #tpu.memory_space<vmem>>
      %dma_start3A_413 = tpu.memref_squeeze %dma_start3A_412 : memref<1x64x128xf32, #tpu.memory_space<vmem>> -> memref<64x128xf32, #tpu.memory_space<vmem>>
      tpu.enqueue_dma source(%dma_start3A_413 : memref<64x128xf32, #tpu.memory_space<vmem>>) target(%dma_start3A_409 : memref<64x128xf32, #tpu.memory_space<vmem_shared>>) target_semaphore(%run_scoped3A_401 : memref<!tpu.dma_semaphore, #tpu.memory_space<semaphore_mem>>)
      %dma_wait3A_414 = arith.constant 0 : i32
      %dma_wait3A_415 = arith.constant 0 : i32
      %dma_wait3A_416 = tpu.memref_slice %arg8[%run_scoped3A_33, %dma_wait3A_414, %dma_wait3A_415] : memref<3x80x128xf32, #tpu.memory_space<vmem>> -> memref<1x64x128xf32, #tpu.memory_space<vmem>>
      %dma_wait3A_417 = tpu.memref_squeeze %dma_wait3A_416 : memref<1x64x128xf32, #tpu.memory_space<vmem>> -> memref<64x128xf32, #tpu.memory_space<vmem>>
      %dma_wait3A_418 = arith.constant 0 : i32
      %dma_wait3A_419 = tpu.memref_slice %arg9[%add3A_32, %dma_wait3A_418] : memref<10000x128xf32, #tpu.memory_space<vmem_shared>> -> memref<64x128xf32, #tpu.memory_space<vmem_shared>>
      %dma_wait3A_420 = arith.constant 0 : i32
      %dma_wait3A_421 = tpu.memref_slice %arg9[%add3A_32, %dma_wait3A_420] : memref<10000x128xf32, #tpu.memory_space<vmem_shared>> -> memref<64x128xf32, #tpu.memory_space<vmem_shared>>
      %dma_wait3A_422 = arith.constant 0 : i32
      %dma_wait3A_423 = arith.constant 0 : i32
      %dma_wait3A_424 = tpu.memref_slice %arg8[%run_scoped3A_33, %dma_wait3A_422, %dma_wait3A_423] : memref<3x80x128xf32, #tpu.memory_space<vmem>> -> memref<1x64x128xf32, #tpu.memory_space<vmem>>
      %dma_wait3A_425 = tpu.memref_squeeze %dma_wait3A_424 : memref<1x64x128xf32, #tpu.memory_space<vmem>> -> memref<64x128xf32, #tpu.memory_space<vmem>>
      tpu.wait_dma2 semaphore(%run_scoped3A_401 : memref<!tpu.dma_semaphore, #tpu.memory_space<semaphore_mem>>) src(%dma_wait3A_425 : memref<64x128xf32, #tpu.memory_space<vmem>>) dst(%dma_wait3A_421 : memref<64x128xf32, #tpu.memory_space<vmem_shared>>)
      tpu.yield
    }) : () -> ()
    %eq3A = arith.constant 15 : i32
    %eq3A_34 = arith.cmpi eq, %arg1, %eq3A : i32
    %convert_element_type3A = arith.extui %eq3A_34 : i1 to i32
    %cond3A = arith.constant 0 : i32
    %cond3A_35 = arith.cmpi ne, %convert_element_type3A, %cond3A : i32
    scf.if %cond3A_35 {
      %run_scoped3A_401 = arith.constant 1 : i32
      "tpu.region"() ({
        %run_scoped3A_402 = tpu.sem_alloc : memref<!tpu.dma_semaphore, #tpu.memory_space<semaphore_mem>>
        %dma_start3A_403 = arith.constant 0 : i32
        %dma_start3A_404 = arith.constant 0 : i32
        %dma_start3A_405 = tpu.memref_slice %arg8[%run_scoped3A_401, %dma_start3A_403, %dma_start3A_404] : memref<3x80x128xf32, #tpu.memory_space<vmem>> -> memref<1x16x128xf32, #tpu.memory_space<vmem>>
        %dma_start3A_406 = tpu.memref_squeeze %dma_start3A_405 : memref<1x16x128xf32, #tpu.memory_space<vmem>> -> memref<16x128xf32, #tpu.memory_space<vmem>>
        %dma_start3A_407 = arith.constant 9984 : i32
        %dma_start3A_408 = arith.constant 0 : i32
        %dma_start3A_409 = tpu.memref_slice %arg9[%dma_start3A_407, %dma_start3A_408] : memref<10000x128xf32, #tpu.memory_space<vmem_shared>> -> memref<16x128xf32, #tpu.memory_space<vmem_shared>>
        %dma_start3A_410 = arith.constant 9984 : i32
        %dma_start3A_411 = arith.constant 0 : i32
        %dma_start3A_412 = tpu.memref_slice %arg9[%dma_start3A_410, %dma_start3A_411] : memref<10000x128xf32, #tpu.memory_space<vmem_shared>> -> memref<16x128xf32, #tpu.memory_space<vmem_shared>>
        %dma_start3A_413 = arith.constant 0 : i32
        %dma_start3A_414 = arith.constant 0 : i32
        %dma_start3A_415 = tpu.memref_slice %arg8[%run_scoped3A_401, %dma_start3A_413, %dma_start3A_414] : memref<3x80x128xf32, #tpu.memory_space<vmem>> -> memref<1x16x128xf32, #tpu.memory_space<vmem>>
        %dma_start3A_416 = tpu.memref_squeeze %dma_start3A_415 : memref<1x16x128xf32, #tpu.memory_space<vmem>> -> memref<16x128xf32, #tpu.memory_space<vmem>>
        tpu.enqueue_dma source(%dma_start3A_416 : memref<16x128xf32, #tpu.memory_space<vmem>>) target(%dma_start3A_412 : memref<16x128xf32, #tpu.memory_space<vmem_shared>>) target_semaphore(%run_scoped3A_402 : memref<!tpu.dma_semaphore, #tpu.memory_space<semaphore_mem>>)
        %dma_wait3A_417 = arith.constant 0 : i32
        %dma_wait3A_418 = arith.constant 0 : i32
        %dma_wait3A_419 = tpu.memref_slice %arg8[%run_scoped3A_401, %dma_wait3A_417, %dma_wait3A_418] : memref<3x80x128xf32, #tpu.memory_space<vmem>> -> memref<1x16x128xf32, #tpu.memory_space<vmem>>
        %dma_wait3A_420 = tpu.memref_squeeze %dma_wait3A_419 : memref<1x16x128xf32, #tpu.memory_space<vmem>> -> memref<16x128xf32, #tpu.memory_space<vmem>>
        %dma_wait3A_421 = arith.constant 9984 : i32
        %dma_wait3A_422 = arith.constant 0 : i32
        %dma_wait3A_423 = tpu.memref_slice %arg9[%dma_wait3A_421, %dma_wait3A_422] : memref<10000x128xf32, #tpu.memory_space<vmem_shared>> -> memref<16x128xf32, #tpu.memory_space<vmem_shared>>
        %dma_wait3A_424 = arith.constant 9984 : i32
        %dma_wait3A_425 = arith.constant 0 : i32
        %dma_wait3A_426 = tpu.memref_slice %arg9[%dma_wait3A_424, %dma_wait3A_425] : memref<10000x128xf32, #tpu.memory_space<vmem_shared>> -> memref<16x128xf32, #tpu.memory_space<vmem_shared>>
        %dma_wait3A_427 = arith.constant 0 : i32
        %dma_wait3A_428 = arith.constant 0 : i32
        %dma_wait3A_429 = tpu.memref_slice %arg8[%run_scoped3A_401, %dma_wait3A_427, %dma_wait3A_428] : memref<3x80x128xf32, #tpu.memory_space<vmem>> -> memref<1x16x128xf32, #tpu.memory_space<vmem>>
        %dma_wait3A_430 = tpu.memref_squeeze %dma_wait3A_429 : memref<1x16x128xf32, #tpu.memory_space<vmem>> -> memref<16x128xf32, #tpu.memory_space<vmem>>
        tpu.wait_dma2 semaphore(%run_scoped3A_402 : memref<!tpu.dma_semaphore, #tpu.memory_space<semaphore_mem>>) src(%dma_wait3A_430 : memref<16x128xf32, #tpu.memory_space<vmem>>) dst(%dma_wait3A_426 : memref<16x128xf32, #tpu.memory_space<vmem_shared>>)
        tpu.yield
      }) : () -> ()
    } else {
    }
    %barrier3A = arith.constant 0 : index
    tpu.barrier barrier_id(%barrier3A)
    %add3A_36 = arith.constant 0 : i32
    %add3A_37 = arith.addi %mul3A_4, %add3A_36 : i32
    %dma_start3A = arith.constant 0 : i32
    %dma_start3A_38 = arith.constant 0 : i32
    %dma_start3A_39 = tpu.memref_slice %arg7[%dma_start3A, %dma_start3A_38] : memref<3x80xi32, #tpu.memory_space<vmem>> -> memref<1x80xi32, #tpu.memory_space<vmem>>
    %dma_start3A_40 = tpu.memref_squeeze %dma_start3A_39 : memref<1x80xi32, #tpu.memory_space<vmem>> -> memref<80xi32, #tpu.memory_space<vmem>>
    %dma_start3A_41 = tpu.memref_slice %arg4[%add3A_37] : memref<320000xi32, #tpu.memory_space<hbm>> -> memref<80xi32, #tpu.memory_space<hbm>>
    %dma_start3A_42 = arith.constant 0 : i32
    %dma_start3A_43 = tpu.memref_slice %arg7[%dma_start3A, %dma_start3A_42] : memref<3x80xi32, #tpu.memory_space<vmem>> -> memref<1x80xi32, #tpu.memory_space<vmem>>
    %dma_start3A_44 = tpu.memref_squeeze %dma_start3A_43 : memref<1x80xi32, #tpu.memory_space<vmem>> -> memref<80xi32, #tpu.memory_space<vmem>>
    %dma_start3A_45 = tpu.memref_slice %arg4[%add3A_37] : memref<320000xi32, #tpu.memory_space<hbm>> -> memref<80xi32, #tpu.memory_space<hbm>>
    tpu.enqueue_dma source(%dma_start3A_45 : memref<80xi32, #tpu.memory_space<hbm>>) target(%dma_start3A_44 : memref<80xi32, #tpu.memory_space<vmem>>) target_semaphore(%arg12 : memref<!tpu.dma_semaphore, #tpu.memory_space<semaphore_mem>>)
    %dma_start3A_46 = arith.constant 0 : i32
    %dma_start3A_47 = arith.constant 0 : i32
    %dma_start3A_48 = arith.constant 0 : i32
    %dma_start3A_49 = tpu.memref_slice %arg8[%dma_start3A_46, %dma_start3A_47, %dma_start3A_48] : memref<3x80x128xf32, #tpu.memory_space<vmem>> -> memref<1x80x128xf32, #tpu.memory_space<vmem>>
    %dma_start3A_50 = tpu.memref_squeeze %dma_start3A_49 : memref<1x80x128xf32, #tpu.memory_space<vmem>> -> memref<80x128xf32, #tpu.memory_space<vmem>>
    %dma_start3A_51 = arith.constant 0 : i32
    %dma_start3A_52 = tpu.memref_slice %arg6[%dma_start3A_51] : memref<10000xi32, #tpu.memory_space<vmem>> -> memref<80xi32, #tpu.memory_space<vmem>>
    %dma_start3A_53 = arith.constant 0 : i32
    %dma_start3A_54 = arith.constant 0 : i32
    %dma_start3A_55 = tpu.memref_slice %arg2[%dma_start3A_53, %dma_start3A_54] : memref<10000x128xf32, #tpu.memory_space<hbm>> -> memref<10000x128xf32, #tpu.memory_space<hbm>>
    tpu.enqueue_indirect_dma source(%dma_start3A_55 : memref<10000x128xf32, #tpu.memory_space<hbm>>) target(%dma_start3A_50 : memref<80x128xf32, #tpu.memory_space<vmem>>) offsets(%dma_start3A_52 : memref<80xi32, #tpu.memory_space<vmem>>) semaphore(%arg10 : memref<!tpu.dma_semaphore, #tpu.memory_space<semaphore_mem>>)
    %add3A_56 = arith.constant 80 : i32
    %add3A_57 = arith.addi %mul3A_4, %add3A_56 : i32
    %dma_start3A_58 = arith.constant 1 : i32
    %dma_start3A_59 = arith.constant 0 : i32
    %dma_start3A_60 = tpu.memref_slice %arg7[%dma_start3A_58, %dma_start3A_59] : memref<3x80xi32, #tpu.memory_space<vmem>> -> memref<1x80xi32, #tpu.memory_space<vmem>>
    %dma_start3A_61 = tpu.memref_squeeze %dma_start3A_60 : memref<1x80xi32, #tpu.memory_space<vmem>> -> memref<80xi32, #tpu.memory_space<vmem>>
    %dma_start3A_62 = tpu.memref_slice %arg4[%add3A_57] : memref<320000xi32, #tpu.memory_space<hbm>> -> memref<80xi32, #tpu.memory_space<hbm>>
    %dma_start3A_63 = arith.constant 0 : i32
    %dma_start3A_64 = tpu.memref_slice %arg7[%dma_start3A_58, %dma_start3A_63] : memref<3x80xi32, #tpu.memory_space<vmem>> -> memref<1x80xi32, #tpu.memory_space<vmem>>
    %dma_start3A_65 = tpu.memref_squeeze %dma_start3A_64 : memref<1x80xi32, #tpu.memory_space<vmem>> -> memref<80xi32, #tpu.memory_space<vmem>>
    %dma_start3A_66 = tpu.memref_slice %arg4[%add3A_57] : memref<320000xi32, #tpu.memory_space<hbm>> -> memref<80xi32, #tpu.memory_space<hbm>>
    tpu.enqueue_dma source(%dma_start3A_66 : memref<80xi32, #tpu.memory_space<hbm>>) target(%dma_start3A_65 : memref<80xi32, #tpu.memory_space<vmem>>) target_semaphore(%arg12 : memref<!tpu.dma_semaphore, #tpu.memory_space<semaphore_mem>>)
    %dma_start3A_67 = arith.constant 1 : i32
    %dma_start3A_68 = arith.constant 0 : i32
    %dma_start3A_69 = arith.constant 0 : i32
    %dma_start3A_70 = tpu.memref_slice %arg8[%dma_start3A_67, %dma_start3A_68, %dma_start3A_69] : memref<3x80x128xf32, #tpu.memory_space<vmem>> -> memref<1x80x128xf32, #tpu.memory_space<vmem>>
    %dma_start3A_71 = tpu.memref_squeeze %dma_start3A_70 : memref<1x80x128xf32, #tpu.memory_space<vmem>> -> memref<80x128xf32, #tpu.memory_space<vmem>>
    %dma_start3A_72 = arith.constant 80 : i32
    %dma_start3A_73 = tpu.memref_slice %arg6[%dma_start3A_72] : memref<10000xi32, #tpu.memory_space<vmem>> -> memref<80xi32, #tpu.memory_space<vmem>>
    %dma_start3A_74 = arith.constant 0 : i32
    %dma_start3A_75 = arith.constant 0 : i32
    %dma_start3A_76 = tpu.memref_slice %arg2[%dma_start3A_74, %dma_start3A_75] : memref<10000x128xf32, #tpu.memory_space<hbm>> -> memref<10000x128xf32, #tpu.memory_space<hbm>>
    tpu.enqueue_indirect_dma source(%dma_start3A_76 : memref<10000x128xf32, #tpu.memory_space<hbm>>) target(%dma_start3A_71 : memref<80x128xf32, #tpu.memory_space<vmem>>) offsets(%dma_start3A_73 : memref<80xi32, #tpu.memory_space<vmem>>) semaphore(%arg10 : memref<!tpu.dma_semaphore, #tpu.memory_space<semaphore_mem>>)
    %add3A_77 = arith.constant 160 : i32
    %add3A_78 = arith.addi %mul3A_4, %add3A_77 : i32
    %dma_start3A_79 = arith.constant 2 : i32
    %dma_start3A_80 = arith.constant 0 : i32
    %dma_start3A_81 = tpu.memref_slice %arg7[%dma_start3A_79, %dma_start3A_80] : memref<3x80xi32, #tpu.memory_space<vmem>> -> memref<1x80xi32, #tpu.memory_space<vmem>>
    %dma_start3A_82 = tpu.memref_squeeze %dma_start3A_81 : memref<1x80xi32, #tpu.memory_space<vmem>> -> memref<80xi32, #tpu.memory_space<vmem>>
    %dma_start3A_83 = tpu.memref_slice %arg4[%add3A_78] : memref<320000xi32, #tpu.memory_space<hbm>> -> memref<80xi32, #tpu.memory_space<hbm>>
    %dma_start3A_84 = arith.constant 0 : i32
    %dma_start3A_85 = tpu.memref_slice %arg7[%dma_start3A_79, %dma_start3A_84] : memref<3x80xi32, #tpu.memory_space<vmem>> -> memref<1x80xi32, #tpu.memory_space<vmem>>
    %dma_start3A_86 = tpu.memref_squeeze %dma_start3A_85 : memref<1x80xi32, #tpu.memory_space<vmem>> -> memref<80xi32, #tpu.memory_space<vmem>>
    %dma_start3A_87 = tpu.memref_slice %arg4[%add3A_78] : memref<320000xi32, #tpu.memory_space<hbm>> -> memref<80xi32, #tpu.memory_space<hbm>>
    tpu.enqueue_dma source(%dma_start3A_87 : memref<80xi32, #tpu.memory_space<hbm>>) target(%dma_start3A_86 : memref<80xi32, #tpu.memory_space<vmem>>) target_semaphore(%arg12 : memref<!tpu.dma_semaphore, #tpu.memory_space<semaphore_mem>>)
    %dma_start3A_88 = arith.constant 2 : i32
    %dma_start3A_89 = arith.constant 0 : i32
    %dma_start3A_90 = arith.constant 0 : i32
    %dma_start3A_91 = tpu.memref_slice %arg8[%dma_start3A_88, %dma_start3A_89, %dma_start3A_90] : memref<3x80x128xf32, #tpu.memory_space<vmem>> -> memref<1x80x128xf32, #tpu.memory_space<vmem>>
    %dma_start3A_92 = tpu.memref_squeeze %dma_start3A_91 : memref<1x80x128xf32, #tpu.memory_space<vmem>> -> memref<80x128xf32, #tpu.memory_space<vmem>>
    %dma_start3A_93 = arith.constant 160 : i32
    %dma_start3A_94 = tpu.memref_slice %arg6[%dma_start3A_93] : memref<10000xi32, #tpu.memory_space<vmem>> -> memref<80xi32, #tpu.memory_space<vmem>>
    %dma_start3A_95 = arith.constant 0 : i32
    %dma_start3A_96 = arith.constant 0 : i32
    %dma_start3A_97 = tpu.memref_slice %arg2[%dma_start3A_95, %dma_start3A_96] : memref<10000x128xf32, #tpu.memory_space<hbm>> -> memref<10000x128xf32, #tpu.memory_space<hbm>>
    tpu.enqueue_indirect_dma source(%dma_start3A_97 : memref<10000x128xf32, #tpu.memory_space<hbm>>) target(%dma_start3A_92 : memref<80x128xf32, #tpu.memory_space<vmem>>) offsets(%dma_start3A_94 : memref<80xi32, #tpu.memory_space<vmem>>) semaphore(%arg10 : memref<!tpu.dma_semaphore, #tpu.memory_space<semaphore_mem>>)
    %scan3A_98 = arith.constant 0 : i32
    %scan3A_99 = arith.constant 0 : i32
    %scan3A_100 = arith.constant 40 : i32
    %scan3A_101 = arith.addi %scan3A_99, %scan3A_100 : i32
    %scan3A_102 = arith.constant 1 : i32
    scf.for %scan3A_401 = %scan3A_99 to %scan3A_101 step %scan3A_102  : i32 {
      %dma_wait3A_402 = arith.constant 0 : i32
      %dma_wait3A_403 = arith.constant 0 : i32
      %dma_wait3A_404 = tpu.memref_slice %arg7[%dma_wait3A_402, %dma_wait3A_403] : memref<3x80xi32, #tpu.memory_space<vmem>> -> memref<1x80xi32, #tpu.memory_space<vmem>>
      %dma_wait3A_405 = tpu.memref_squeeze %dma_wait3A_404 : memref<1x80xi32, #tpu.memory_space<vmem>> -> memref<80xi32, #tpu.memory_space<vmem>>
      %dma_wait3A_406 = arith.constant 0 : i32
      %dma_wait3A_407 = tpu.memref_slice %arg4[%dma_wait3A_406] : memref<320000xi32, #tpu.memory_space<hbm>> -> memref<80xi32, #tpu.memory_space<hbm>>
      %dma_wait3A_408 = arith.constant 0 : i32
      %dma_wait3A_409 = tpu.memref_slice %arg7[%dma_wait3A_402, %dma_wait3A_408] : memref<3x80xi32, #tpu.memory_space<vmem>> -> memref<1x80xi32, #tpu.memory_space<vmem>>
      %dma_wait3A_410 = tpu.memref_squeeze %dma_wait3A_409 : memref<1x80xi32, #tpu.memory_space<vmem>> -> memref<80xi32, #tpu.memory_space<vmem>>
      %dma_wait3A_411 = arith.constant 0 : i32
      %dma_wait3A_412 = tpu.memref_slice %arg4[%dma_wait3A_411] : memref<320000xi32, #tpu.memory_space<hbm>> -> memref<80xi32, #tpu.memory_space<hbm>>
      tpu.wait_dma2 semaphore(%arg12 : memref<!tpu.dma_semaphore, #tpu.memory_space<semaphore_mem>>) src(%dma_wait3A_412 : memref<80xi32, #tpu.memory_space<hbm>>) dst(%dma_wait3A_410 : memref<80xi32, #tpu.memory_space<vmem>>)
      %dma_wait3A_413 = arith.constant 0 : i32
      %dma_wait3A_414 = arith.constant 0 : i32
      %dma_wait3A_415 = arith.constant 0 : i32
      %dma_wait3A_416 = tpu.memref_slice %arg8[%dma_wait3A_413, %dma_wait3A_414, %dma_wait3A_415] : memref<3x80x128xf32, #tpu.memory_space<vmem>> -> memref<1x80x128xf32, #tpu.memory_space<vmem>>
      %dma_wait3A_417 = tpu.memref_squeeze %dma_wait3A_416 : memref<1x80x128xf32, #tpu.memory_space<vmem>> -> memref<80x128xf32, #tpu.memory_space<vmem>>
      %dma_wait3A_418 = arith.constant 0 : i32
      %dma_wait3A_419 = arith.constant 0 : i32
      %dma_wait3A_420 = tpu.memref_slice %arg2[%dma_wait3A_418, %dma_wait3A_419] : memref<10000x128xf32, #tpu.memory_space<hbm>> -> memref<80x128xf32, #tpu.memory_space<hbm>>
      %dma_wait3A_421 = arith.constant 0 : i32
      %dma_wait3A_422 = arith.constant 0 : i32
      %dma_wait3A_423 = tpu.memref_slice %arg8[%dma_wait3A_413, %dma_wait3A_421, %dma_wait3A_422] : memref<3x80x128xf32, #tpu.memory_space<vmem>> -> memref<1x80x128xf32, #tpu.memory_space<vmem>>
      %dma_wait3A_424 = tpu.memref_squeeze %dma_wait3A_423 : memref<1x80x128xf32, #tpu.memory_space<vmem>> -> memref<80x128xf32, #tpu.memory_space<vmem>>
      %dma_wait3A_425 = arith.constant 0 : i32
      %dma_wait3A_426 = arith.constant 0 : i32
      %dma_wait3A_427 = tpu.memref_slice %arg2[%dma_wait3A_425, %dma_wait3A_426] : memref<10000x128xf32, #tpu.memory_space<hbm>> -> memref<80x128xf32, #tpu.memory_space<hbm>>
      tpu.wait_dma2 semaphore(%arg10 : memref<!tpu.dma_semaphore, #tpu.memory_space<semaphore_mem>>) src(%dma_wait3A_427 : memref<80x128xf32, #tpu.memory_space<hbm>>) dst(%dma_wait3A_424 : memref<80x128xf32, #tpu.memory_space<vmem>>)
      %dma_start3A_428 = arith.constant 0 : i32
      %dma_start3A_429 = arith.constant 0 : i32
      %dma_start3A_430 = arith.constant 0 : i32
      %dma_start3A_431 = arith.constant 0 : i32
      %dma_start3A_432 = tpu.memref_slice %arg8[%dma_start3A_428, %dma_start3A_430, %dma_start3A_431] : memref<3x80x128xf32, #tpu.memory_space<vmem>> -> memref<1x80x128xf32, #tpu.memory_space<vmem>>
      %dma_start3A_433 = tpu.memref_squeeze %dma_start3A_432 : memref<1x80x128xf32, #tpu.memory_space<vmem>> -> memref<80x128xf32, #tpu.memory_space<vmem>>
      %dma_start3A_434 = arith.constant 0 : i32
      %dma_start3A_435 = tpu.memref_slice %arg7[%dma_start3A_429, %dma_start3A_434] : memref<3x80xi32, #tpu.memory_space<vmem>> -> memref<1x80xi32, #tpu.memory_space<vmem>>
      %dma_start3A_436 = tpu.memref_squeeze %dma_start3A_435 : memref<1x80xi32, #tpu.memory_space<vmem>> -> memref<80xi32, #tpu.memory_space<vmem>>
      %dma_start3A_437 = arith.constant 0 : i32
      %dma_start3A_438 = arith.constant 0 : i32
      %dma_start3A_439 = tpu.memref_slice %arg9[%dma_start3A_437, %dma_start3A_438] : memref<10000x128xf32, #tpu.memory_space<vmem_shared>> -> memref<10000x128xf32, #tpu.memory_space<vmem_shared>>
      tpu.enqueue_indirect_dma source(%dma_start3A_433 : memref<80x128xf32, #tpu.memory_space<vmem>>) target(%dma_start3A_439 : memref<10000x128xf32, #tpu.memory_space<vmem_shared>>) offsets(%dma_start3A_436 : memref<80xi32, #tpu.memory_space<vmem>>) semaphore(%arg11 : memref<!tpu.dma_semaphore, #tpu.memory_space<semaphore_mem>>) {add = true}
      %dma_wait3A_440 = arith.constant 1 : i32
      %dma_wait3A_441 = arith.constant 0 : i32
      %dma_wait3A_442 = tpu.memref_slice %arg7[%dma_wait3A_440, %dma_wait3A_441] : memref<3x80xi32, #tpu.memory_space<vmem>> -> memref<1x80xi32, #tpu.memory_space<vmem>>
      %dma_wait3A_443 = tpu.memref_squeeze %dma_wait3A_442 : memref<1x80xi32, #tpu.memory_space<vmem>> -> memref<80xi32, #tpu.memory_space<vmem>>
      %dma_wait3A_444 = arith.constant 0 : i32
      %dma_wait3A_445 = tpu.memref_slice %arg4[%dma_wait3A_444] : memref<320000xi32, #tpu.memory_space<hbm>> -> memref<80xi32, #tpu.memory_space<hbm>>
      %dma_wait3A_446 = arith.constant 0 : i32
      %dma_wait3A_447 = tpu.memref_slice %arg7[%dma_wait3A_440, %dma_wait3A_446] : memref<3x80xi32, #tpu.memory_space<vmem>> -> memref<1x80xi32, #tpu.memory_space<vmem>>
      %dma_wait3A_448 = tpu.memref_squeeze %dma_wait3A_447 : memref<1x80xi32, #tpu.memory_space<vmem>> -> memref<80xi32, #tpu.memory_space<vmem>>
      %dma_wait3A_449 = arith.constant 0 : i32
      %dma_wait3A_450 = tpu.memref_slice %arg4[%dma_wait3A_449] : memref<320000xi32, #tpu.memory_space<hbm>> -> memref<80xi32, #tpu.memory_space<hbm>>
      tpu.wait_dma2 semaphore(%arg12 : memref<!tpu.dma_semaphore, #tpu.memory_space<semaphore_mem>>) src(%dma_wait3A_450 : memref<80xi32, #tpu.memory_space<hbm>>) dst(%dma_wait3A_448 : memref<80xi32, #tpu.memory_space<vmem>>)
      %dma_wait3A_451 = arith.constant 1 : i32
      %dma_wait3A_452 = arith.constant 0 : i32
      %dma_wait3A_453 = arith.constant 0 : i32
      %dma_wait3A_454 = tpu.memref_slice %arg8[%dma_wait3A_451, %dma_wait3A_452, %dma_wait3A_453] : memref<3x80x128xf32, #tpu.memory_space<vmem>> -> memref<1x80x128xf32, #tpu.memory_space<vmem>>
      %dma_wait3A_455 = tpu.memref_squeeze %dma_wait3A_454 : memref<1x80x128xf32, #tpu.memory_space<vmem>> -> memref<80x128xf32, #tpu.memory_space<vmem>>
      %dma_wait3A_456 = arith.constant 0 : i32
      %dma_wait3A_457 = arith.constant 0 : i32
      %dma_wait3A_458 = tpu.memref_slice %arg2[%dma_wait3A_456, %dma_wait3A_457] : memref<10000x128xf32, #tpu.memory_space<hbm>> -> memref<80x128xf32, #tpu.memory_space<hbm>>
      %dma_wait3A_459 = arith.constant 0 : i32
      %dma_wait3A_460 = arith.constant 0 : i32
      %dma_wait3A_461 = tpu.memref_slice %arg8[%dma_wait3A_451, %dma_wait3A_459, %dma_wait3A_460] : memref<3x80x128xf32, #tpu.memory_space<vmem>> -> memref<1x80x128xf32, #tpu.memory_space<vmem>>
      %dma_wait3A_462 = tpu.memref_squeeze %dma_wait3A_461 : memref<1x80x128xf32, #tpu.memory_space<vmem>> -> memref<80x128xf32, #tpu.memory_space<vmem>>
      %dma_wait3A_463 = arith.constant 0 : i32
      %dma_wait3A_464 = arith.constant 0 : i32
      %dma_wait3A_465 = tpu.memref_slice %arg2[%dma_wait3A_463, %dma_wait3A_464] : memref<10000x128xf32, #tpu.memory_space<hbm>> -> memref<80x128xf32, #tpu.memory_space<hbm>>
      tpu.wait_dma2 semaphore(%arg10 : memref<!tpu.dma_semaphore, #tpu.memory_space<semaphore_mem>>) src(%dma_wait3A_465 : memref<80x128xf32, #tpu.memory_space<hbm>>) dst(%dma_wait3A_462 : memref<80x128xf32, #tpu.memory_space<vmem>>)
      %dma_start3A_466 = arith.constant 1 : i32
      %dma_start3A_467 = arith.constant 1 : i32
      %dma_start3A_468 = arith.constant 0 : i32
      %dma_start3A_469 = arith.constant 0 : i32
      %dma_start3A_470 = tpu.memref_slice %arg8[%dma_start3A_466, %dma_start3A_468, %dma_start3A_469] : memref<3x80x128xf32, #tpu.memory_space<vmem>> -> memref<1x80x128xf32, #tpu.memory_space<vmem>>
      %dma_start3A_471 = tpu.memref_squeeze %dma_start3A_470 : memref<1x80x128xf32, #tpu.memory_space<vmem>> -> memref<80x128xf32, #tpu.memory_space<vmem>>
      %dma_start3A_472 = arith.constant 0 : i32
      %dma_start3A_473 = tpu.memref_slice %arg7[%dma_start3A_467, %dma_start3A_472] : memref<3x80xi32, #tpu.memory_space<vmem>> -> memref<1x80xi32, #tpu.memory_space<vmem>>
      %dma_start3A_474 = tpu.memref_squeeze %dma_start3A_473 : memref<1x80xi32, #tpu.memory_space<vmem>> -> memref<80xi32, #tpu.memory_space<vmem>>
      %dma_start3A_475 = arith.constant 0 : i32
      %dma_start3A_476 = arith.constant 0 : i32
      %dma_start3A_477 = tpu.memref_slice %arg9[%dma_start3A_475, %dma_start3A_476] : memref<10000x128xf32, #tpu.memory_space<vmem_shared>> -> memref<10000x128xf32, #tpu.memory_space<vmem_shared>>
      tpu.enqueue_indirect_dma source(%dma_start3A_471 : memref<80x128xf32, #tpu.memory_space<vmem>>) target(%dma_start3A_477 : memref<10000x128xf32, #tpu.memory_space<vmem_shared>>) offsets(%dma_start3A_474 : memref<80xi32, #tpu.memory_space<vmem>>) semaphore(%arg11 : memref<!tpu.dma_semaphore, #tpu.memory_space<semaphore_mem>>) {add = true}
      %dma_wait3A_478 = arith.constant 2 : i32
      %dma_wait3A_479 = arith.constant 0 : i32
      %dma_wait3A_480 = tpu.memref_slice %arg7[%dma_wait3A_478, %dma_wait3A_479] : memref<3x80xi32, #tpu.memory_space<vmem>> -> memref<1x80xi32, #tpu.memory_space<vmem>>
      %dma_wait3A_481 = tpu.memref_squeeze %dma_wait3A_480 : memref<1x80xi32, #tpu.memory_space<vmem>> -> memref<80xi32, #tpu.memory_space<vmem>>
      %dma_wait3A_482 = arith.constant 0 : i32
      %dma_wait3A_483 = tpu.memref_slice %arg4[%dma_wait3A_482] : memref<320000xi32, #tpu.memory_space<hbm>> -> memref<80xi32, #tpu.memory_space<hbm>>
      %dma_wait3A_484 = arith.constant 0 : i32
      %dma_wait3A_485 = tpu.memref_slice %arg7[%dma_wait3A_478, %dma_wait3A_484] : memref<3x80xi32, #tpu.memory_space<vmem>> -> memref<1x80xi32, #tpu.memory_space<vmem>>
      %dma_wait3A_486 = tpu.memref_squeeze %dma_wait3A_485 : memref<1x80xi32, #tpu.memory_space<vmem>> -> memref<80xi32, #tpu.memory_space<vmem>>
      %dma_wait3A_487 = arith.constant 0 : i32
      %dma_wait3A_488 = tpu.memref_slice %arg4[%dma_wait3A_487] : memref<320000xi32, #tpu.memory_space<hbm>> -> memref<80xi32, #tpu.memory_space<hbm>>
      tpu.wait_dma2 semaphore(%arg12 : memref<!tpu.dma_semaphore, #tpu.memory_space<semaphore_mem>>) src(%dma_wait3A_488 : memref<80xi32, #tpu.memory_space<hbm>>) dst(%dma_wait3A_486 : memref<80xi32, #tpu.memory_space<vmem>>)
      %dma_wait3A_489 = arith.constant 2 : i32
      %dma_wait3A_490 = arith.constant 0 : i32
      %dma_wait3A_491 = arith.constant 0 : i32
      %dma_wait3A_492 = tpu.memref_slice %arg8[%dma_wait3A_489, %dma_wait3A_490, %dma_wait3A_491] : memref<3x80x128xf32, #tpu.memory_space<vmem>> -> memref<1x80x128xf32, #tpu.memory_space<vmem>>
      %dma_wait3A_493 = tpu.memref_squeeze %dma_wait3A_492 : memref<1x80x128xf32, #tpu.memory_space<vmem>> -> memref<80x128xf32, #tpu.memory_space<vmem>>
      %dma_wait3A_494 = arith.constant 0 : i32
      %dma_wait3A_495 = arith.constant 0 : i32
      %dma_wait3A_496 = tpu.memref_slice %arg2[%dma_wait3A_494, %dma_wait3A_495] : memref<10000x128xf32, #tpu.memory_space<hbm>> -> memref<80x128xf32, #tpu.memory_space<hbm>>
      %dma_wait3A_497 = arith.constant 0 : i32
      %dma_wait3A_498 = arith.constant 0 : i32
      %dma_wait3A_499 = tpu.memref_slice %arg8[%dma_wait3A_489, %dma_wait3A_497, %dma_wait3A_498] : memref<3x80x128xf32, #tpu.memory_space<vmem>> -> memref<1x80x128xf32, #tpu.memory_space<vmem>>
      %dma_wait3A_500 = tpu.memref_squeeze %dma_wait3A_499 : memref<1x80x128xf32, #tpu.memory_space<vmem>> -> memref<80x128xf32, #tpu.memory_space<vmem>>
      %dma_wait3A_501 = arith.constant 0 : i32
      %dma_wait3A_502 = arith.constant 0 : i32
      %dma_wait3A_503 = tpu.memref_slice %arg2[%dma_wait3A_501, %dma_wait3A_502] : memref<10000x128xf32, #tpu.memory_space<hbm>> -> memref<80x128xf32, #tpu.memory_space<hbm>>
      tpu.wait_dma2 semaphore(%arg10 : memref<!tpu.dma_semaphore, #tpu.memory_space<semaphore_mem>>) src(%dma_wait3A_503 : memref<80x128xf32, #tpu.memory_space<hbm>>) dst(%dma_wait3A_500 : memref<80x128xf32, #tpu.memory_space<vmem>>)
      %dma_start3A_504 = arith.constant 2 : i32
      %dma_start3A_505 = arith.constant 2 : i32
      %dma_start3A_506 = arith.constant 0 : i32
      %dma_start3A_507 = arith.constant 0 : i32
      %dma_start3A_508 = tpu.memref_slice %arg8[%dma_start3A_504, %dma_start3A_506, %dma_start3A_507] : memref<3x80x128xf32, #tpu.memory_space<vmem>> -> memref<1x80x128xf32, #tpu.memory_space<vmem>>
      %dma_start3A_509 = tpu.memref_squeeze %dma_start3A_508 : memref<1x80x128xf32, #tpu.memory_space<vmem>> -> memref<80x128xf32, #tpu.memory_space<vmem>>
      %dma_start3A_510 = arith.constant 0 : i32
      %dma_start3A_511 = tpu.memref_slice %arg7[%dma_start3A_505, %dma_start3A_510] : memref<3x80xi32, #tpu.memory_space<vmem>> -> memref<1x80xi32, #tpu.memory_space<vmem>>
      %dma_start3A_512 = tpu.memref_squeeze %dma_start3A_511 : memref<1x80xi32, #tpu.memory_space<vmem>> -> memref<80xi32, #tpu.memory_space<vmem>>
      %dma_start3A_513 = arith.constant 0 : i32
      %dma_start3A_514 = arith.constant 0 : i32
      %dma_start3A_515 = tpu.memref_slice %arg9[%dma_start3A_513, %dma_start3A_514] : memref<10000x128xf32, #tpu.memory_space<vmem_shared>> -> memref<10000x128xf32, #tpu.memory_space<vmem_shared>>
      tpu.enqueue_indirect_dma source(%dma_start3A_509 : memref<80x128xf32, #tpu.memory_space<vmem>>) target(%dma_start3A_515 : memref<10000x128xf32, #tpu.memory_space<vmem_shared>>) offsets(%dma_start3A_512 : memref<80xi32, #tpu.memory_space<vmem>>) semaphore(%arg11 : memref<!tpu.dma_semaphore, #tpu.memory_space<semaphore_mem>>) {add = true}
      %dma_wait3A_516 = arith.constant 0 : i32
      %dma_wait3A_517 = arith.constant 0 : i32
      %dma_wait3A_518 = arith.constant 0 : i32
      %dma_wait3A_519 = arith.constant 0 : i32
      %dma_wait3A_520 = tpu.memref_slice %arg8[%dma_wait3A_516, %dma_wait3A_518, %dma_wait3A_519] : memref<3x80x128xf32, #tpu.memory_space<vmem>> -> memref<1x80x128xf32, #tpu.memory_space<vmem>>
      %dma_wait3A_521 = tpu.memref_squeeze %dma_wait3A_520 : memref<1x80x128xf32, #tpu.memory_space<vmem>> -> memref<80x128xf32, #tpu.memory_space<vmem>>
      %dma_wait3A_522 = arith.constant 0 : i32
      %dma_wait3A_523 = tpu.memref_slice %arg7[%dma_wait3A_517, %dma_wait3A_522] : memref<3x80xi32, #tpu.memory_space<vmem>> -> memref<1x80xi32, #tpu.memory_space<vmem>>
      %dma_wait3A_524 = tpu.memref_squeeze %dma_wait3A_523 : memref<1x80xi32, #tpu.memory_space<vmem>> -> memref<80xi32, #tpu.memory_space<vmem>>
      %dma_wait3A_525 = arith.constant 0 : i32
      %dma_wait3A_526 = arith.constant 0 : i32
      %dma_wait3A_527 = tpu.memref_slice %arg9[%dma_wait3A_525, %dma_wait3A_526] : memref<10000x128xf32, #tpu.memory_space<vmem_shared>> -> memref<10000x128xf32, #tpu.memory_space<vmem_shared>>
      tpu.wait_indirect_dma semaphore(%arg11 : memref<!tpu.dma_semaphore, #tpu.memory_space<semaphore_mem>>) src(%dma_wait3A_521 : memref<80x128xf32, #tpu.memory_space<vmem>>) dst(%dma_wait3A_527 : memref<10000x128xf32, #tpu.memory_space<vmem_shared>>)
      %add3A_528 = arith.constant 1 : i32
      %add3A_529 = arith.addi %scan3A_401, %add3A_528 : i32
      %mul3A_530 = arith.constant 3 : i32
      %mul3A_531 = arith.muli %add3A_529, %mul3A_530 : i32
      %add3A_532 = arith.constant 0 : i32
      %add3A_533 = arith.addi %mul3A_531, %add3A_532 : i32
      %mul3A_534 = arith.constant 80 : i32
      %mul3A_535 = arith.muli %add3A_533, %mul3A_534 : i32
      %add3A_536 = arith.addi %mul3A_4, %mul3A_535 : i32
      %dma_start3A_537 = arith.constant 0 : i32
      %dma_start3A_538 = arith.constant 0 : i32
      %dma_start3A_539 = tpu.memref_slice %arg7[%dma_start3A_537, %dma_start3A_538] : memref<3x80xi32, #tpu.memory_space<vmem>> -> memref<1x80xi32, #tpu.memory_space<vmem>>
      %dma_start3A_540 = tpu.memref_squeeze %dma_start3A_539 : memref<1x80xi32, #tpu.memory_space<vmem>> -> memref<80xi32, #tpu.memory_space<vmem>>
      %dma_start3A_541 = tpu.memref_slice %arg4[%add3A_536] : memref<320000xi32, #tpu.memory_space<hbm>> -> memref<80xi32, #tpu.memory_space<hbm>>
      %dma_start3A_542 = arith.constant 0 : i32
      %dma_start3A_543 = tpu.memref_slice %arg7[%dma_start3A_537, %dma_start3A_542] : memref<3x80xi32, #tpu.memory_space<vmem>> -> memref<1x80xi32, #tpu.memory_space<vmem>>
      %dma_start3A_544 = tpu.memref_squeeze %dma_start3A_543 : memref<1x80xi32, #tpu.memory_space<vmem>> -> memref<80xi32, #tpu.memory_space<vmem>>
      %dma_start3A_545 = tpu.memref_slice %arg4[%add3A_536] : memref<320000xi32, #tpu.memory_space<hbm>> -> memref<80xi32, #tpu.memory_space<hbm>>
      tpu.enqueue_dma source(%dma_start3A_545 : memref<80xi32, #tpu.memory_space<hbm>>) target(%dma_start3A_544 : memref<80xi32, #tpu.memory_space<vmem>>) target_semaphore(%arg12 : memref<!tpu.dma_semaphore, #tpu.memory_space<semaphore_mem>>)
      %mul3A_546 = arith.constant 80 : i32
      %mul3A_547 = arith.muli %add3A_533, %mul3A_546 : i32
      %dma_start3A_548 = arith.constant 0 : i32
      %dma_start3A_549 = arith.constant 0 : i32
      %dma_start3A_550 = arith.constant 0 : i32
      %dma_start3A_551 = tpu.memref_slice %arg8[%dma_start3A_548, %dma_start3A_549, %dma_start3A_550] : memref<3x80x128xf32, #tpu.memory_space<vmem>> -> memref<1x80x128xf32, #tpu.memory_space<vmem>>
      %dma_start3A_552 = tpu.memref_squeeze %dma_start3A_551 : memref<1x80x128xf32, #tpu.memory_space<vmem>> -> memref<80x128xf32, #tpu.memory_space<vmem>>
      %dma_start3A_553 = tpu.memref_slice %arg6[%mul3A_547] : memref<10000xi32, #tpu.memory_space<vmem>> -> memref<80xi32, #tpu.memory_space<vmem>>
      %dma_start3A_554 = arith.constant 0 : i32
      %dma_start3A_555 = arith.constant 0 : i32
      %dma_start3A_556 = tpu.memref_slice %arg2[%dma_start3A_554, %dma_start3A_555] : memref<10000x128xf32, #tpu.memory_space<hbm>> -> memref<10000x128xf32, #tpu.memory_space<hbm>>
      tpu.enqueue_indirect_dma source(%dma_start3A_556 : memref<10000x128xf32, #tpu.memory_space<hbm>>) target(%dma_start3A_552 : memref<80x128xf32, #tpu.memory_space<vmem>>) offsets(%dma_start3A_553 : memref<80xi32, #tpu.memory_space<vmem>>) semaphore(%arg10 : memref<!tpu.dma_semaphore, #tpu.memory_space<semaphore_mem>>)
      %dma_wait3A_557 = arith.constant 1 : i32
      %dma_wait3A_558 = arith.constant 1 : i32
      %dma_wait3A_559 = arith.constant 0 : i32
      %dma_wait3A_560 = arith.constant 0 : i32
      %dma_wait3A_561 = tpu.memref_slice %arg8[%dma_wait3A_557, %dma_wait3A_559, %dma_wait3A_560] : memref<3x80x128xf32, #tpu.memory_space<vmem>> -> memref<1x80x128xf32, #tpu.memory_space<vmem>>
      %dma_wait3A_562 = tpu.memref_squeeze %dma_wait3A_561 : memref<1x80x128xf32, #tpu.memory_space<vmem>> -> memref<80x128xf32, #tpu.memory_space<vmem>>
      %dma_wait3A_563 = arith.constant 0 : i32
      %dma_wait3A_564 = tpu.memref_slice %arg7[%dma_wait3A_558, %dma_wait3A_563] : memref<3x80xi32, #tpu.memory_space<vmem>> -> memref<1x80xi32, #tpu.memory_space<vmem>>
      %dma_wait3A_565 = tpu.memref_squeeze %dma_wait3A_564 : memref<1x80xi32, #tpu.memory_space<vmem>> -> memref<80xi32, #tpu.memory_space<vmem>>
      %dma_wait3A_566 = arith.constant 0 : i32
      %dma_wait3A_567 = arith.constant 0 : i32
      %dma_wait3A_568 = tpu.memref_slice %arg9[%dma_wait3A_566, %dma_wait3A_567] : memref<10000x128xf32, #tpu.memory_space<vmem_shared>> -> memref<10000x128xf32, #tpu.memory_space<vmem_shared>>
      tpu.wait_indirect_dma semaphore(%arg11 : memref<!tpu.dma_semaphore, #tpu.memory_space<semaphore_mem>>) src(%dma_wait3A_562 : memref<80x128xf32, #tpu.memory_space<vmem>>) dst(%dma_wait3A_568 : memref<10000x128xf32, #tpu.memory_space<vmem_shared>>)
      %add3A_569 = arith.constant 1 : i32
      %add3A_570 = arith.addi %scan3A_401, %add3A_569 : i32
      %mul3A_571 = arith.constant 3 : i32
      %mul3A_572 = arith.muli %add3A_570, %mul3A_571 : i32
      %add3A_573 = arith.constant 1 : i32
      %add3A_574 = arith.addi %mul3A_572, %add3A_573 : i32
      %mul3A_575 = arith.constant 80 : i32
      %mul3A_576 = arith.muli %add3A_574, %mul3A_575 : i32
      %add3A_577 = arith.addi %mul3A_4, %mul3A_576 : i32
      %dma_start3A_578 = arith.constant 1 : i32
      %dma_start3A_579 = arith.constant 0 : i32
      %dma_start3A_580 = tpu.memref_slice %arg7[%dma_start3A_578, %dma_start3A_579] : memref<3x80xi32, #tpu.memory_space<vmem>> -> memref<1x80xi32, #tpu.memory_space<vmem>>
      %dma_start3A_581 = tpu.memref_squeeze %dma_start3A_580 : memref<1x80xi32, #tpu.memory_space<vmem>> -> memref<80xi32, #tpu.memory_space<vmem>>
      %dma_start3A_582 = tpu.memref_slice %arg4[%add3A_577] : memref<320000xi32, #tpu.memory_space<hbm>> -> memref<80xi32, #tpu.memory_space<hbm>>
      %dma_start3A_583 = arith.constant 0 : i32
      %dma_start3A_584 = tpu.memref_slice %arg7[%dma_start3A_578, %dma_start3A_583] : memref<3x80xi32, #tpu.memory_space<vmem>> -> memref<1x80xi32, #tpu.memory_space<vmem>>
      %dma_start3A_585 = tpu.memref_squeeze %dma_start3A_584 : memref<1x80xi32, #tpu.memory_space<vmem>> -> memref<80xi32, #tpu.memory_space<vmem>>
      %dma_start3A_586 = tpu.memref_slice %arg4[%add3A_577] : memref<320000xi32, #tpu.memory_space<hbm>> -> memref<80xi32, #tpu.memory_space<hbm>>
      tpu.enqueue_dma source(%dma_start3A_586 : memref<80xi32, #tpu.memory_space<hbm>>) target(%dma_start3A_585 : memref<80xi32, #tpu.memory_space<vmem>>) target_semaphore(%arg12 : memref<!tpu.dma_semaphore, #tpu.memory_space<semaphore_mem>>)
      %mul3A_587 = arith.constant 80 : i32
      %mul3A_588 = arith.muli %add3A_574, %mul3A_587 : i32
      %dma_start3A_589 = arith.constant 1 : i32
      %dma_start3A_590 = arith.constant 0 : i32
      %dma_start3A_591 = arith.constant 0 : i32
      %dma_start3A_592 = tpu.memref_slice %arg8[%dma_start3A_589, %dma_start3A_590, %dma_start3A_591] : memref<3x80x128xf32, #tpu.memory_space<vmem>> -> memref<1x80x128xf32, #tpu.memory_space<vmem>>
      %dma_start3A_593 = tpu.memref_squeeze %dma_start3A_592 : memref<1x80x128xf32, #tpu.memory_space<vmem>> -> memref<80x128xf32, #tpu.memory_space<vmem>>
      %dma_start3A_594 = tpu.memref_slice %arg6[%mul3A_588] : memref<10000xi32, #tpu.memory_space<vmem>> -> memref<80xi32, #tpu.memory_space<vmem>>
      %dma_start3A_595 = arith.constant 0 : i32
      %dma_start3A_596 = arith.constant 0 : i32
      %dma_start3A_597 = tpu.memref_slice %arg2[%dma_start3A_595, %dma_start3A_596] : memref<10000x128xf32, #tpu.memory_space<hbm>> -> memref<10000x128xf32, #tpu.memory_space<hbm>>
      tpu.enqueue_indirect_dma source(%dma_start3A_597 : memref<10000x128xf32, #tpu.memory_space<hbm>>) target(%dma_start3A_593 : memref<80x128xf32, #tpu.memory_space<vmem>>) offsets(%dma_start3A_594 : memref<80xi32, #tpu.memory_space<vmem>>) semaphore(%arg10 : memref<!tpu.dma_semaphore, #tpu.memory_space<semaphore_mem>>)
      %dma_wait3A_598 = arith.constant 2 : i32
      %dma_wait3A_599 = arith.constant 2 : i32
      %dma_wait3A_600 = arith.constant 0 : i32
      %dma_wait3A_601 = arith.constant 0 : i32
      %dma_wait3A_602 = tpu.memref_slice %arg8[%dma_wait3A_598, %dma_wait3A_600, %dma_wait3A_601] : memref<3x80x128xf32, #tpu.memory_space<vmem>> -> memref<1x80x128xf32, #tpu.memory_space<vmem>>
      %dma_wait3A_603 = tpu.memref_squeeze %dma_wait3A_602 : memref<1x80x128xf32, #tpu.memory_space<vmem>> -> memref<80x128xf32, #tpu.memory_space<vmem>>
      %dma_wait3A_604 = arith.constant 0 : i32
      %dma_wait3A_605 = tpu.memref_slice %arg7[%dma_wait3A_599, %dma_wait3A_604] : memref<3x80xi32, #tpu.memory_space<vmem>> -> memref<1x80xi32, #tpu.memory_space<vmem>>
      %dma_wait3A_606 = tpu.memref_squeeze %dma_wait3A_605 : memref<1x80xi32, #tpu.memory_space<vmem>> -> memref<80xi32, #tpu.memory_space<vmem>>
      %dma_wait3A_607 = arith.constant 0 : i32
      %dma_wait3A_608 = arith.constant 0 : i32
      %dma_wait3A_609 = tpu.memref_slice %arg9[%dma_wait3A_607, %dma_wait3A_608] : memref<10000x128xf32, #tpu.memory_space<vmem_shared>> -> memref<10000x128xf32, #tpu.memory_space<vmem_shared>>
      tpu.wait_indirect_dma semaphore(%arg11 : memref<!tpu.dma_semaphore, #tpu.memory_space<semaphore_mem>>) src(%dma_wait3A_603 : memref<80x128xf32, #tpu.memory_space<vmem>>) dst(%dma_wait3A_609 : memref<10000x128xf32, #tpu.memory_space<vmem_shared>>)
      %add3A_610 = arith.constant 1 : i32
      %add3A_611 = arith.addi %scan3A_401, %add3A_610 : i32
      %mul3A_612 = arith.constant 3 : i32
      %mul3A_613 = arith.muli %add3A_611, %mul3A_612 : i32
      %add3A_614 = arith.constant 2 : i32
      %add3A_615 = arith.addi %mul3A_613, %add3A_614 : i32
      %mul3A_616 = arith.constant 80 : i32
      %mul3A_617 = arith.muli %add3A_615, %mul3A_616 : i32
      %add3A_618 = arith.addi %mul3A_4, %mul3A_617 : i32
      %dma_start3A_619 = arith.constant 2 : i32
      %dma_start3A_620 = arith.constant 0 : i32
      %dma_start3A_621 = tpu.memref_slice %arg7[%dma_start3A_619, %dma_start3A_620] : memref<3x80xi32, #tpu.memory_space<vmem>> -> memref<1x80xi32, #tpu.memory_space<vmem>>
      %dma_start3A_622 = tpu.memref_squeeze %dma_start3A_621 : memref<1x80xi32, #tpu.memory_space<vmem>> -> memref<80xi32, #tpu.memory_space<vmem>>
      %dma_start3A_623 = tpu.memref_slice %arg4[%add3A_618] : memref<320000xi32, #tpu.memory_space<hbm>> -> memref<80xi32, #tpu.memory_space<hbm>>
      %dma_start3A_624 = arith.constant 0 : i32
      %dma_start3A_625 = tpu.memref_slice %arg7[%dma_start3A_619, %dma_start3A_624] : memref<3x80xi32, #tpu.memory_space<vmem>> -> memref<1x80xi32, #tpu.memory_space<vmem>>
      %dma_start3A_626 = tpu.memref_squeeze %dma_start3A_625 : memref<1x80xi32, #tpu.memory_space<vmem>> -> memref<80xi32, #tpu.memory_space<vmem>>
      %dma_start3A_627 = tpu.memref_slice %arg4[%add3A_618] : memref<320000xi32, #tpu.memory_space<hbm>> -> memref<80xi32, #tpu.memory_space<hbm>>
      tpu.enqueue_dma source(%dma_start3A_627 : memref<80xi32, #tpu.memory_space<hbm>>) target(%dma_start3A_626 : memref<80xi32, #tpu.memory_space<vmem>>) target_semaphore(%arg12 : memref<!tpu.dma_semaphore, #tpu.memory_space<semaphore_mem>>)
      %mul3A_628 = arith.constant 80 : i32
      %mul3A_629 = arith.muli %add3A_615, %mul3A_628 : i32
      %dma_start3A_630 = arith.constant 2 : i32
      %dma_start3A_631 = arith.constant 0 : i32
      %dma_start3A_632 = arith.constant 0 : i32
      %dma_start3A_633 = tpu.memref_slice %arg8[%dma_start3A_630, %dma_start3A_631, %dma_start3A_632] : memref<3x80x128xf32, #tpu.memory_space<vmem>> -> memref<1x80x128xf32, #tpu.memory_space<vmem>>
      %dma_start3A_634 = tpu.memref_squeeze %dma_start3A_633 : memref<1x80x128xf32, #tpu.memory_space<vmem>> -> memref<80x128xf32, #tpu.memory_space<vmem>>
      %dma_start3A_635 = tpu.memref_slice %arg6[%mul3A_629] : memref<10000xi32, #tpu.memory_space<vmem>> -> memref<80xi32, #tpu.memory_space<vmem>>
      %dma_start3A_636 = arith.constant 0 : i32
      %dma_start3A_637 = arith.constant 0 : i32
      %dma_start3A_638 = tpu.memref_slice %arg2[%dma_start3A_636, %dma_start3A_637] : memref<10000x128xf32, #tpu.memory_space<hbm>> -> memref<10000x128xf32, #tpu.memory_space<hbm>>
      tpu.enqueue_indirect_dma source(%dma_start3A_638 : memref<10000x128xf32, #tpu.memory_space<hbm>>) target(%dma_start3A_634 : memref<80x128xf32, #tpu.memory_space<vmem>>) offsets(%dma_start3A_635 : memref<80xi32, #tpu.memory_space<vmem>>) semaphore(%arg10 : memref<!tpu.dma_semaphore, #tpu.memory_space<semaphore_mem>>)
    }
    %scan3A_103 = arith.constant 40 : i32
    %dma_wait3A = arith.constant 0 : i32
    %dma_wait3A_104 = arith.constant 0 : i32
    %dma_wait3A_105 = tpu.memref_slice %arg7[%dma_wait3A, %dma_wait3A_104] : memref<3x80xi32, #tpu.memory_space<vmem>> -> memref<1x80xi32, #tpu.memory_space<vmem>>
    %dma_wait3A_106 = tpu.memref_squeeze %dma_wait3A_105 : memref<1x80xi32, #tpu.memory_space<vmem>> -> memref<80xi32, #tpu.memory_space<vmem>>
    %dma_wait3A_107 = arith.constant 0 : i32
    %dma_wait3A_108 = tpu.memref_slice %arg4[%dma_wait3A_107] : memref<320000xi32, #tpu.memory_space<hbm>> -> memref<80xi32, #tpu.memory_space<hbm>>
    %dma_wait3A_109 = arith.constant 0 : i32
    %dma_wait3A_110 = tpu.memref_slice %arg7[%dma_wait3A, %dma_wait3A_109] : memref<3x80xi32, #tpu.memory_space<vmem>> -> memref<1x80xi32, #tpu.memory_space<vmem>>
    %dma_wait3A_111 = tpu.memref_squeeze %dma_wait3A_110 : memref<1x80xi32, #tpu.memory_space<vmem>> -> memref<80xi32, #tpu.memory_space<vmem>>
    %dma_wait3A_112 = arith.constant 0 : i32
    %dma_wait3A_113 = tpu.memref_slice %arg4[%dma_wait3A_112] : memref<320000xi32, #tpu.memory_space<hbm>> -> memref<80xi32, #tpu.memory_space<hbm>>
    tpu.wait_dma2 semaphore(%arg12 : memref<!tpu.dma_semaphore, #tpu.memory_space<semaphore_mem>>) src(%dma_wait3A_113 : memref<80xi32, #tpu.memory_space<hbm>>) dst(%dma_wait3A_111 : memref<80xi32, #tpu.memory_space<vmem>>)
    %dma_wait3A_114 = arith.constant 0 : i32
    %dma_wait3A_115 = arith.constant 0 : i32
    %dma_wait3A_116 = arith.constant 0 : i32
    %dma_wait3A_117 = tpu.memref_slice %arg8[%dma_wait3A_114, %dma_wait3A_115, %dma_wait3A_116] : memref<3x80x128xf32, #tpu.memory_space<vmem>> -> memref<1x80x128xf32, #tpu.memory_space<vmem>>
    %dma_wait3A_118 = tpu.memref_squeeze %dma_wait3A_117 : memref<1x80x128xf32, #tpu.memory_space<vmem>> -> memref<80x128xf32, #tpu.memory_space<vmem>>
    %dma_wait3A_119 = arith.constant 0 : i32
    %dma_wait3A_120 = arith.constant 0 : i32
    %dma_wait3A_121 = tpu.memref_slice %arg2[%dma_wait3A_119, %dma_wait3A_120] : memref<10000x128xf32, #tpu.memory_space<hbm>> -> memref<80x128xf32, #tpu.memory_space<hbm>>
    %dma_wait3A_122 = arith.constant 0 : i32
    %dma_wait3A_123 = arith.constant 0 : i32
    %dma_wait3A_124 = tpu.memref_slice %arg8[%dma_wait3A_114, %dma_wait3A_122, %dma_wait3A_123] : memref<3x80x128xf32, #tpu.memory_space<vmem>> -> memref<1x80x128xf32, #tpu.memory_space<vmem>>
    %dma_wait3A_125 = tpu.memref_squeeze %dma_wait3A_124 : memref<1x80x128xf32, #tpu.memory_space<vmem>> -> memref<80x128xf32, #tpu.memory_space<vmem>>
    %dma_wait3A_126 = arith.constant 0 : i32
    %dma_wait3A_127 = arith.constant 0 : i32
    %dma_wait3A_128 = tpu.memref_slice %arg2[%dma_wait3A_126, %dma_wait3A_127] : memref<10000x128xf32, #tpu.memory_space<hbm>> -> memref<80x128xf32, #tpu.memory_space<hbm>>
    tpu.wait_dma2 semaphore(%arg10 : memref<!tpu.dma_semaphore, #tpu.memory_space<semaphore_mem>>) src(%dma_wait3A_128 : memref<80x128xf32, #tpu.memory_space<hbm>>) dst(%dma_wait3A_125 : memref<80x128xf32, #tpu.memory_space<vmem>>)
    %dma_start3A_129 = arith.constant 0 : i32
    %dma_start3A_130 = arith.constant 0 : i32
    %dma_start3A_131 = arith.constant 0 : i32
    %dma_start3A_132 = arith.constant 0 : i32
    %dma_start3A_133 = tpu.memref_slice %arg8[%dma_start3A_129, %dma_start3A_131, %dma_start3A_132] : memref<3x80x128xf32, #tpu.memory_space<vmem>> -> memref<1x80x128xf32, #tpu.memory_space<vmem>>
    %dma_start3A_134 = tpu.memref_squeeze %dma_start3A_133 : memref<1x80x128xf32, #tpu.memory_space<vmem>> -> memref<80x128xf32, #tpu.memory_space<vmem>>
    %dma_start3A_135 = arith.constant 0 : i32
    %dma_start3A_136 = tpu.memref_slice %arg7[%dma_start3A_130, %dma_start3A_135] : memref<3x80xi32, #tpu.memory_space<vmem>> -> memref<1x80xi32, #tpu.memory_space<vmem>>
    %dma_start3A_137 = tpu.memref_squeeze %dma_start3A_136 : memref<1x80xi32, #tpu.memory_space<vmem>> -> memref<80xi32, #tpu.memory_space<vmem>>
    %dma_start3A_138 = arith.constant 0 : i32
    %dma_start3A_139 = arith.constant 0 : i32
    %dma_start3A_140 = tpu.memref_slice %arg9[%dma_start3A_138, %dma_start3A_139] : memref<10000x128xf32, #tpu.memory_space<vmem_shared>> -> memref<10000x128xf32, #tpu.memory_space<vmem_shared>>
    tpu.enqueue_indirect_dma source(%dma_start3A_134 : memref<80x128xf32, #tpu.memory_space<vmem>>) target(%dma_start3A_140 : memref<10000x128xf32, #tpu.memory_space<vmem_shared>>) offsets(%dma_start3A_137 : memref<80xi32, #tpu.memory_space<vmem>>) semaphore(%arg11 : memref<!tpu.dma_semaphore, #tpu.memory_space<semaphore_mem>>) {add = true}
    %dma_wait3A_141 = arith.constant 1 : i32
    %dma_wait3A_142 = arith.constant 0 : i32
    %dma_wait3A_143 = tpu.memref_slice %arg7[%dma_wait3A_141, %dma_wait3A_142] : memref<3x80xi32, #tpu.memory_space<vmem>> -> memref<1x80xi32, #tpu.memory_space<vmem>>
    %dma_wait3A_144 = tpu.memref_squeeze %dma_wait3A_143 : memref<1x80xi32, #tpu.memory_space<vmem>> -> memref<80xi32, #tpu.memory_space<vmem>>
    %dma_wait3A_145 = arith.constant 0 : i32
    %dma_wait3A_146 = tpu.memref_slice %arg4[%dma_wait3A_145] : memref<320000xi32, #tpu.memory_space<hbm>> -> memref<80xi32, #tpu.memory_space<hbm>>
    %dma_wait3A_147 = arith.constant 0 : i32
    %dma_wait3A_148 = tpu.memref_slice %arg7[%dma_wait3A_141, %dma_wait3A_147] : memref<3x80xi32, #tpu.memory_space<vmem>> -> memref<1x80xi32, #tpu.memory_space<vmem>>
    %dma_wait3A_149 = tpu.memref_squeeze %dma_wait3A_148 : memref<1x80xi32, #tpu.memory_space<vmem>> -> memref<80xi32, #tpu.memory_space<vmem>>
    %dma_wait3A_150 = arith.constant 0 : i32
    %dma_wait3A_151 = tpu.memref_slice %arg4[%dma_wait3A_150] : memref<320000xi32, #tpu.memory_space<hbm>> -> memref<80xi32, #tpu.memory_space<hbm>>
    tpu.wait_dma2 semaphore(%arg12 : memref<!tpu.dma_semaphore, #tpu.memory_space<semaphore_mem>>) src(%dma_wait3A_151 : memref<80xi32, #tpu.memory_space<hbm>>) dst(%dma_wait3A_149 : memref<80xi32, #tpu.memory_space<vmem>>)
    %dma_wait3A_152 = arith.constant 1 : i32
    %dma_wait3A_153 = arith.constant 0 : i32
    %dma_wait3A_154 = arith.constant 0 : i32
    %dma_wait3A_155 = tpu.memref_slice %arg8[%dma_wait3A_152, %dma_wait3A_153, %dma_wait3A_154] : memref<3x80x128xf32, #tpu.memory_space<vmem>> -> memref<1x80x128xf32, #tpu.memory_space<vmem>>
    %dma_wait3A_156 = tpu.memref_squeeze %dma_wait3A_155 : memref<1x80x128xf32, #tpu.memory_space<vmem>> -> memref<80x128xf32, #tpu.memory_space<vmem>>
    %dma_wait3A_157 = arith.constant 0 : i32
    %dma_wait3A_158 = arith.constant 0 : i32
    %dma_wait3A_159 = tpu.memref_slice %arg2[%dma_wait3A_157, %dma_wait3A_158] : memref<10000x128xf32, #tpu.memory_space<hbm>> -> memref<80x128xf32, #tpu.memory_space<hbm>>
    %dma_wait3A_160 = arith.constant 0 : i32
    %dma_wait3A_161 = arith.constant 0 : i32
    %dma_wait3A_162 = tpu.memref_slice %arg8[%dma_wait3A_152, %dma_wait3A_160, %dma_wait3A_161] : memref<3x80x128xf32, #tpu.memory_space<vmem>> -> memref<1x80x128xf32, #tpu.memory_space<vmem>>
    %dma_wait3A_163 = tpu.memref_squeeze %dma_wait3A_162 : memref<1x80x128xf32, #tpu.memory_space<vmem>> -> memref<80x128xf32, #tpu.memory_space<vmem>>
    %dma_wait3A_164 = arith.constant 0 : i32
    %dma_wait3A_165 = arith.constant 0 : i32
    %dma_wait3A_166 = tpu.memref_slice %arg2[%dma_wait3A_164, %dma_wait3A_165] : memref<10000x128xf32, #tpu.memory_space<hbm>> -> memref<80x128xf32, #tpu.memory_space<hbm>>
    tpu.wait_dma2 semaphore(%arg10 : memref<!tpu.dma_semaphore, #tpu.memory_space<semaphore_mem>>) src(%dma_wait3A_166 : memref<80x128xf32, #tpu.memory_space<hbm>>) dst(%dma_wait3A_163 : memref<80x128xf32, #tpu.memory_space<vmem>>)
    %dma_start3A_167 = arith.constant 1 : i32
    %dma_start3A_168 = arith.constant 1 : i32
    %dma_start3A_169 = arith.constant 0 : i32
    %dma_start3A_170 = arith.constant 0 : i32
    %dma_start3A_171 = tpu.memref_slice %arg8[%dma_start3A_167, %dma_start3A_169, %dma_start3A_170] : memref<3x80x128xf32, #tpu.memory_space<vmem>> -> memref<1x80x128xf32, #tpu.memory_space<vmem>>
    %dma_start3A_172 = tpu.memref_squeeze %dma_start3A_171 : memref<1x80x128xf32, #tpu.memory_space<vmem>> -> memref<80x128xf32, #tpu.memory_space<vmem>>
    %dma_start3A_173 = arith.constant 0 : i32
    %dma_start3A_174 = tpu.memref_slice %arg7[%dma_start3A_168, %dma_start3A_173] : memref<3x80xi32, #tpu.memory_space<vmem>> -> memref<1x80xi32, #tpu.memory_space<vmem>>
    %dma_start3A_175 = tpu.memref_squeeze %dma_start3A_174 : memref<1x80xi32, #tpu.memory_space<vmem>> -> memref<80xi32, #tpu.memory_space<vmem>>
    %dma_start3A_176 = arith.constant 0 : i32
    %dma_start3A_177 = arith.constant 0 : i32
    %dma_start3A_178 = tpu.memref_slice %arg9[%dma_start3A_176, %dma_start3A_177] : memref<10000x128xf32, #tpu.memory_space<vmem_shared>> -> memref<10000x128xf32, #tpu.memory_space<vmem_shared>>
    tpu.enqueue_indirect_dma source(%dma_start3A_172 : memref<80x128xf32, #tpu.memory_space<vmem>>) target(%dma_start3A_178 : memref<10000x128xf32, #tpu.memory_space<vmem_shared>>) offsets(%dma_start3A_175 : memref<80xi32, #tpu.memory_space<vmem>>) semaphore(%arg11 : memref<!tpu.dma_semaphore, #tpu.memory_space<semaphore_mem>>) {add = true}
    %dma_wait3A_179 = arith.constant 2 : i32
    %dma_wait3A_180 = arith.constant 0 : i32
    %dma_wait3A_181 = tpu.memref_slice %arg7[%dma_wait3A_179, %dma_wait3A_180] : memref<3x80xi32, #tpu.memory_space<vmem>> -> memref<1x80xi32, #tpu.memory_space<vmem>>
    %dma_wait3A_182 = tpu.memref_squeeze %dma_wait3A_181 : memref<1x80xi32, #tpu.memory_space<vmem>> -> memref<80xi32, #tpu.memory_space<vmem>>
    %dma_wait3A_183 = arith.constant 0 : i32
    %dma_wait3A_184 = tpu.memref_slice %arg4[%dma_wait3A_183] : memref<320000xi32, #tpu.memory_space<hbm>> -> memref<80xi32, #tpu.memory_space<hbm>>
    %dma_wait3A_185 = arith.constant 0 : i32
    %dma_wait3A_186 = tpu.memref_slice %arg7[%dma_wait3A_179, %dma_wait3A_185] : memref<3x80xi32, #tpu.memory_space<vmem>> -> memref<1x80xi32, #tpu.memory_space<vmem>>
    %dma_wait3A_187 = tpu.memref_squeeze %dma_wait3A_186 : memref<1x80xi32, #tpu.memory_space<vmem>> -> memref<80xi32, #tpu.memory_space<vmem>>
    %dma_wait3A_188 = arith.constant 0 : i32
    %dma_wait3A_189 = tpu.memref_slice %arg4[%dma_wait3A_188] : memref<320000xi32, #tpu.memory_space<hbm>> -> memref<80xi32, #tpu.memory_space<hbm>>
    tpu.wait_dma2 semaphore(%arg12 : memref<!tpu.dma_semaphore, #tpu.memory_space<semaphore_mem>>) src(%dma_wait3A_189 : memref<80xi32, #tpu.memory_space<hbm>>) dst(%dma_wait3A_187 : memref<80xi32, #tpu.memory_space<vmem>>)
    %dma_wait3A_190 = arith.constant 2 : i32
    %dma_wait3A_191 = arith.constant 0 : i32
    %dma_wait3A_192 = arith.constant 0 : i32
    %dma_wait3A_193 = tpu.memref_slice %arg8[%dma_wait3A_190, %dma_wait3A_191, %dma_wait3A_192] : memref<3x80x128xf32, #tpu.memory_space<vmem>> -> memref<1x80x128xf32, #tpu.memory_space<vmem>>
    %dma_wait3A_194 = tpu.memref_squeeze %dma_wait3A_193 : memref<1x80x128xf32, #tpu.memory_space<vmem>> -> memref<80x128xf32, #tpu.memory_space<vmem>>
    %dma_wait3A_195 = arith.constant 0 : i32
    %dma_wait3A_196 = arith.constant 0 : i32
    %dma_wait3A_197 = tpu.memref_slice %arg2[%dma_wait3A_195, %dma_wait3A_196] : memref<10000x128xf32, #tpu.memory_space<hbm>> -> memref<80x128xf32, #tpu.memory_space<hbm>>
    %dma_wait3A_198 = arith.constant 0 : i32
    %dma_wait3A_199 = arith.constant 0 : i32
    %dma_wait3A_200 = tpu.memref_slice %arg8[%dma_wait3A_190, %dma_wait3A_198, %dma_wait3A_199] : memref<3x80x128xf32, #tpu.memory_space<vmem>> -> memref<1x80x128xf32, #tpu.memory_space<vmem>>
    %dma_wait3A_201 = tpu.memref_squeeze %dma_wait3A_200 : memref<1x80x128xf32, #tpu.memory_space<vmem>> -> memref<80x128xf32, #tpu.memory_space<vmem>>
    %dma_wait3A_202 = arith.constant 0 : i32
    %dma_wait3A_203 = arith.constant 0 : i32
    %dma_wait3A_204 = tpu.memref_slice %arg2[%dma_wait3A_202, %dma_wait3A_203] : memref<10000x128xf32, #tpu.memory_space<hbm>> -> memref<80x128xf32, #tpu.memory_space<hbm>>
    tpu.wait_dma2 semaphore(%arg10 : memref<!tpu.dma_semaphore, #tpu.memory_space<semaphore_mem>>) src(%dma_wait3A_204 : memref<80x128xf32, #tpu.memory_space<hbm>>) dst(%dma_wait3A_201 : memref<80x128xf32, #tpu.memory_space<vmem>>)
    %dma_start3A_205 = arith.constant 2 : i32
    %dma_start3A_206 = arith.constant 2 : i32
    %dma_start3A_207 = arith.constant 0 : i32
    %dma_start3A_208 = arith.constant 0 : i32
    %dma_start3A_209 = tpu.memref_slice %arg8[%dma_start3A_205, %dma_start3A_207, %dma_start3A_208] : memref<3x80x128xf32, #tpu.memory_space<vmem>> -> memref<1x80x128xf32, #tpu.memory_space<vmem>>
    %dma_start3A_210 = tpu.memref_squeeze %dma_start3A_209 : memref<1x80x128xf32, #tpu.memory_space<vmem>> -> memref<80x128xf32, #tpu.memory_space<vmem>>
    %dma_start3A_211 = arith.constant 0 : i32
    %dma_start3A_212 = tpu.memref_slice %arg7[%dma_start3A_206, %dma_start3A_211] : memref<3x80xi32, #tpu.memory_space<vmem>> -> memref<1x80xi32, #tpu.memory_space<vmem>>
    %dma_start3A_213 = tpu.memref_squeeze %dma_start3A_212 : memref<1x80xi32, #tpu.memory_space<vmem>> -> memref<80xi32, #tpu.memory_space<vmem>>
    %dma_start3A_214 = arith.constant 0 : i32
    %dma_start3A_215 = arith.constant 0 : i32
    %dma_start3A_216 = tpu.memref_slice %arg9[%dma_start3A_214, %dma_start3A_215] : memref<10000x128xf32, #tpu.memory_space<vmem_shared>> -> memref<10000x128xf32, #tpu.memory_space<vmem_shared>>
    tpu.enqueue_indirect_dma source(%dma_start3A_210 : memref<80x128xf32, #tpu.memory_space<vmem>>) target(%dma_start3A_216 : memref<10000x128xf32, #tpu.memory_space<vmem_shared>>) offsets(%dma_start3A_213 : memref<80xi32, #tpu.memory_space<vmem>>) semaphore(%arg11 : memref<!tpu.dma_semaphore, #tpu.memory_space<semaphore_mem>>) {add = true}
    %dma_wait3A_217 = arith.constant 0 : i32
    %dma_wait3A_218 = arith.constant 0 : i32
    %dma_wait3A_219 = arith.constant 0 : i32
    %dma_wait3A_220 = arith.constant 0 : i32
    %dma_wait3A_221 = tpu.memref_slice %arg8[%dma_wait3A_217, %dma_wait3A_219, %dma_wait3A_220] : memref<3x80x128xf32, #tpu.memory_space<vmem>> -> memref<1x80x128xf32, #tpu.memory_space<vmem>>
    %dma_wait3A_222 = tpu.memref_squeeze %dma_wait3A_221 : memref<1x80x128xf32, #tpu.memory_space<vmem>> -> memref<80x128xf32, #tpu.memory_space<vmem>>
    %dma_wait3A_223 = arith.constant 0 : i32
    %dma_wait3A_224 = tpu.memref_slice %arg7[%dma_wait3A_218, %dma_wait3A_223] : memref<3x80xi32, #tpu.memory_space<vmem>> -> memref<1x80xi32, #tpu.memory_space<vmem>>
    %dma_wait3A_225 = tpu.memref_squeeze %dma_wait3A_224 : memref<1x80xi32, #tpu.memory_space<vmem>> -> memref<80xi32, #tpu.memory_space<vmem>>
    %dma_wait3A_226 = arith.constant 0 : i32
    %dma_wait3A_227 = arith.constant 0 : i32
    %dma_wait3A_228 = tpu.memref_slice %arg9[%dma_wait3A_226, %dma_wait3A_227] : memref<10000x128xf32, #tpu.memory_space<vmem_shared>> -> memref<10000x128xf32, #tpu.memory_space<vmem_shared>>
    tpu.wait_indirect_dma semaphore(%arg11 : memref<!tpu.dma_semaphore, #tpu.memory_space<semaphore_mem>>) src(%dma_wait3A_222 : memref<80x128xf32, #tpu.memory_space<vmem>>) dst(%dma_wait3A_228 : memref<10000x128xf32, #tpu.memory_space<vmem_shared>>)
    %dma_wait3A_229 = arith.constant 1 : i32
    %dma_wait3A_230 = arith.constant 1 : i32
    %dma_wait3A_231 = arith.constant 0 : i32
    %dma_wait3A_232 = arith.constant 0 : i32
    %dma_wait3A_233 = tpu.memref_slice %arg8[%dma_wait3A_229, %dma_wait3A_231, %dma_wait3A_232] : memref<3x80x128xf32, #tpu.memory_space<vmem>> -> memref<1x80x128xf32, #tpu.memory_space<vmem>>
    %dma_wait3A_234 = tpu.memref_squeeze %dma_wait3A_233 : memref<1x80x128xf32, #tpu.memory_space<vmem>> -> memref<80x128xf32, #tpu.memory_space<vmem>>
    %dma_wait3A_235 = arith.constant 0 : i32
    %dma_wait3A_236 = tpu.memref_slice %arg7[%dma_wait3A_230, %dma_wait3A_235] : memref<3x80xi32, #tpu.memory_space<vmem>> -> memref<1x80xi32, #tpu.memory_space<vmem>>
    %dma_wait3A_237 = tpu.memref_squeeze %dma_wait3A_236 : memref<1x80xi32, #tpu.memory_space<vmem>> -> memref<80xi32, #tpu.memory_space<vmem>>
    %dma_wait3A_238 = arith.constant 0 : i32
    %dma_wait3A_239 = arith.constant 0 : i32
    %dma_wait3A_240 = tpu.memref_slice %arg9[%dma_wait3A_238, %dma_wait3A_239] : memref<10000x128xf32, #tpu.memory_space<vmem_shared>> -> memref<10000x128xf32, #tpu.memory_space<vmem_shared>>
    tpu.wait_indirect_dma semaphore(%arg11 : memref<!tpu.dma_semaphore, #tpu.memory_space<semaphore_mem>>) src(%dma_wait3A_234 : memref<80x128xf32, #tpu.memory_space<vmem>>) dst(%dma_wait3A_240 : memref<10000x128xf32, #tpu.memory_space<vmem_shared>>)
    %dma_wait3A_241 = arith.constant 2 : i32
    %dma_wait3A_242 = arith.constant 2 : i32
    %dma_wait3A_243 = arith.constant 0 : i32
    %dma_wait3A_244 = arith.constant 0 : i32
    %dma_wait3A_245 = tpu.memref_slice %arg8[%dma_wait3A_241, %dma_wait3A_243, %dma_wait3A_244] : memref<3x80x128xf32, #tpu.memory_space<vmem>> -> memref<1x80x128xf32, #tpu.memory_space<vmem>>
    %dma_wait3A_246 = tpu.memref_squeeze %dma_wait3A_245 : memref<1x80x128xf32, #tpu.memory_space<vmem>> -> memref<80x128xf32, #tpu.memory_space<vmem>>
    %dma_wait3A_247 = arith.constant 0 : i32
    %dma_wait3A_248 = tpu.memref_slice %arg7[%dma_wait3A_242, %dma_wait3A_247] : memref<3x80xi32, #tpu.memory_space<vmem>> -> memref<1x80xi32, #tpu.memory_space<vmem>>
    %dma_wait3A_249 = tpu.memref_squeeze %dma_wait3A_248 : memref<1x80xi32, #tpu.memory_space<vmem>> -> memref<80xi32, #tpu.memory_space<vmem>>
    %dma_wait3A_250 = arith.constant 0 : i32
    %dma_wait3A_251 = arith.constant 0 : i32
    %dma_wait3A_252 = tpu.memref_slice %arg9[%dma_wait3A_250, %dma_wait3A_251] : memref<10000x128xf32, #tpu.memory_space<vmem_shared>> -> memref<10000x128xf32, #tpu.memory_space<vmem_shared>>
    tpu.wait_indirect_dma semaphore(%arg11 : memref<!tpu.dma_semaphore, #tpu.memory_space<semaphore_mem>>) src(%dma_wait3A_246 : memref<80x128xf32, #tpu.memory_space<vmem>>) dst(%dma_wait3A_252 : memref<10000x128xf32, #tpu.memory_space<vmem_shared>>)
    %add3A_253 = arith.constant 9840 : i32
    %add3A_254 = arith.addi %mul3A_4, %add3A_253 : i32
    %dma_start3A_255 = arith.constant 0 : i32
    %dma_start3A_256 = arith.constant 0 : i32
    %dma_start3A_257 = tpu.memref_slice %arg7[%dma_start3A_255, %dma_start3A_256] : memref<3x80xi32, #tpu.memory_space<vmem>> -> memref<1x80xi32, #tpu.memory_space<vmem>>
    %dma_start3A_258 = tpu.memref_squeeze %dma_start3A_257 : memref<1x80xi32, #tpu.memory_space<vmem>> -> memref<80xi32, #tpu.memory_space<vmem>>
    %dma_start3A_259 = tpu.memref_slice %arg4[%add3A_254] : memref<320000xi32, #tpu.memory_space<hbm>> -> memref<80xi32, #tpu.memory_space<hbm>>
    %dma_start3A_260 = arith.constant 0 : i32
    %dma_start3A_261 = tpu.memref_slice %arg7[%dma_start3A_255, %dma_start3A_260] : memref<3x80xi32, #tpu.memory_space<vmem>> -> memref<1x80xi32, #tpu.memory_space<vmem>>
    %dma_start3A_262 = tpu.memref_squeeze %dma_start3A_261 : memref<1x80xi32, #tpu.memory_space<vmem>> -> memref<80xi32, #tpu.memory_space<vmem>>
    %dma_start3A_263 = tpu.memref_slice %arg4[%add3A_254] : memref<320000xi32, #tpu.memory_space<hbm>> -> memref<80xi32, #tpu.memory_space<hbm>>
    tpu.enqueue_dma source(%dma_start3A_263 : memref<80xi32, #tpu.memory_space<hbm>>) target(%dma_start3A_262 : memref<80xi32, #tpu.memory_space<vmem>>) target_semaphore(%arg12 : memref<!tpu.dma_semaphore, #tpu.memory_space<semaphore_mem>>)
    %dma_start3A_264 = arith.constant 0 : i32
    %dma_start3A_265 = arith.constant 0 : i32
    %dma_start3A_266 = arith.constant 0 : i32
    %dma_start3A_267 = tpu.memref_slice %arg8[%dma_start3A_264, %dma_start3A_265, %dma_start3A_266] : memref<3x80x128xf32, #tpu.memory_space<vmem>> -> memref<1x80x128xf32, #tpu.memory_space<vmem>>
    %dma_start3A_268 = tpu.memref_squeeze %dma_start3A_267 : memref<1x80x128xf32, #tpu.memory_space<vmem>> -> memref<80x128xf32, #tpu.memory_space<vmem>>
    %dma_start3A_269 = arith.constant 9840 : i32
    %dma_start3A_270 = tpu.memref_slice %arg6[%dma_start3A_269] : memref<10000xi32, #tpu.memory_space<vmem>> -> memref<80xi32, #tpu.memory_space<vmem>>
    %dma_start3A_271 = arith.constant 0 : i32
    %dma_start3A_272 = arith.constant 0 : i32
    %dma_start3A_273 = tpu.memref_slice %arg2[%dma_start3A_271, %dma_start3A_272] : memref<10000x128xf32, #tpu.memory_space<hbm>> -> memref<10000x128xf32, #tpu.memory_space<hbm>>
    tpu.enqueue_indirect_dma source(%dma_start3A_273 : memref<10000x128xf32, #tpu.memory_space<hbm>>) target(%dma_start3A_268 : memref<80x128xf32, #tpu.memory_space<vmem>>) offsets(%dma_start3A_270 : memref<80xi32, #tpu.memory_space<vmem>>) semaphore(%arg10 : memref<!tpu.dma_semaphore, #tpu.memory_space<semaphore_mem>>)
    %add3A_274 = arith.constant 9920 : i32
    %add3A_275 = arith.addi %mul3A_4, %add3A_274 : i32
    %dma_start3A_276 = arith.constant 1 : i32
    %dma_start3A_277 = arith.constant 0 : i32
    %dma_start3A_278 = tpu.memref_slice %arg7[%dma_start3A_276, %dma_start3A_277] : memref<3x80xi32, #tpu.memory_space<vmem>> -> memref<1x80xi32, #tpu.memory_space<vmem>>
    %dma_start3A_279 = tpu.memref_squeeze %dma_start3A_278 : memref<1x80xi32, #tpu.memory_space<vmem>> -> memref<80xi32, #tpu.memory_space<vmem>>
    %dma_start3A_280 = tpu.memref_slice %arg4[%add3A_275] : memref<320000xi32, #tpu.memory_space<hbm>> -> memref<80xi32, #tpu.memory_space<hbm>>
    %dma_start3A_281 = arith.constant 0 : i32
    %dma_start3A_282 = tpu.memref_slice %arg7[%dma_start3A_276, %dma_start3A_281] : memref<3x80xi32, #tpu.memory_space<vmem>> -> memref<1x80xi32, #tpu.memory_space<vmem>>
    %dma_start3A_283 = tpu.memref_squeeze %dma_start3A_282 : memref<1x80xi32, #tpu.memory_space<vmem>> -> memref<80xi32, #tpu.memory_space<vmem>>
    %dma_start3A_284 = tpu.memref_slice %arg4[%add3A_275] : memref<320000xi32, #tpu.memory_space<hbm>> -> memref<80xi32, #tpu.memory_space<hbm>>
    tpu.enqueue_dma source(%dma_start3A_284 : memref<80xi32, #tpu.memory_space<hbm>>) target(%dma_start3A_283 : memref<80xi32, #tpu.memory_space<vmem>>) target_semaphore(%arg12 : memref<!tpu.dma_semaphore, #tpu.memory_space<semaphore_mem>>)
    %dma_start3A_285 = arith.constant 1 : i32
    %dma_start3A_286 = arith.constant 0 : i32
    %dma_start3A_287 = arith.constant 0 : i32
    %dma_start3A_288 = tpu.memref_slice %arg8[%dma_start3A_285, %dma_start3A_286, %dma_start3A_287] : memref<3x80x128xf32, #tpu.memory_space<vmem>> -> memref<1x80x128xf32, #tpu.memory_space<vmem>>
    %dma_start3A_289 = tpu.memref_squeeze %dma_start3A_288 : memref<1x80x128xf32, #tpu.memory_space<vmem>> -> memref<80x128xf32, #tpu.memory_space<vmem>>
    %dma_start3A_290 = arith.constant 9920 : i32
    %dma_start3A_291 = tpu.memref_slice %arg6[%dma_start3A_290] : memref<10000xi32, #tpu.memory_space<vmem>> -> memref<80xi32, #tpu.memory_space<vmem>>
    %dma_start3A_292 = arith.constant 0 : i32
    %dma_start3A_293 = arith.constant 0 : i32
    %dma_start3A_294 = tpu.memref_slice %arg2[%dma_start3A_292, %dma_start3A_293] : memref<10000x128xf32, #tpu.memory_space<hbm>> -> memref<10000x128xf32, #tpu.memory_space<hbm>>
    tpu.enqueue_indirect_dma source(%dma_start3A_294 : memref<10000x128xf32, #tpu.memory_space<hbm>>) target(%dma_start3A_289 : memref<80x128xf32, #tpu.memory_space<vmem>>) offsets(%dma_start3A_291 : memref<80xi32, #tpu.memory_space<vmem>>) semaphore(%arg10 : memref<!tpu.dma_semaphore, #tpu.memory_space<semaphore_mem>>)
    %dma_wait3A_295 = arith.constant 0 : i32
    %dma_wait3A_296 = arith.constant 0 : i32
    %dma_wait3A_297 = tpu.memref_slice %arg7[%dma_wait3A_295, %dma_wait3A_296] : memref<3x80xi32, #tpu.memory_space<vmem>> -> memref<1x80xi32, #tpu.memory_space<vmem>>
    %dma_wait3A_298 = tpu.memref_squeeze %dma_wait3A_297 : memref<1x80xi32, #tpu.memory_space<vmem>> -> memref<80xi32, #tpu.memory_space<vmem>>
    %dma_wait3A_299 = arith.constant 0 : i32
    %dma_wait3A_300 = tpu.memref_slice %arg4[%dma_wait3A_299] : memref<320000xi32, #tpu.memory_space<hbm>> -> memref<80xi32, #tpu.memory_space<hbm>>
    %dma_wait3A_301 = arith.constant 0 : i32
    %dma_wait3A_302 = tpu.memref_slice %arg7[%dma_wait3A_295, %dma_wait3A_301] : memref<3x80xi32, #tpu.memory_space<vmem>> -> memref<1x80xi32, #tpu.memory_space<vmem>>
    %dma_wait3A_303 = tpu.memref_squeeze %dma_wait3A_302 : memref<1x80xi32, #tpu.memory_space<vmem>> -> memref<80xi32, #tpu.memory_space<vmem>>
    %dma_wait3A_304 = arith.constant 0 : i32
    %dma_wait3A_305 = tpu.memref_slice %arg4[%dma_wait3A_304] : memref<320000xi32, #tpu.memory_space<hbm>> -> memref<80xi32, #tpu.memory_space<hbm>>
    tpu.wait_dma2 semaphore(%arg12 : memref<!tpu.dma_semaphore, #tpu.memory_space<semaphore_mem>>) src(%dma_wait3A_305 : memref<80xi32, #tpu.memory_space<hbm>>) dst(%dma_wait3A_303 : memref<80xi32, #tpu.memory_space<vmem>>)
    %dma_wait3A_306 = arith.constant 0 : i32
    %dma_wait3A_307 = arith.constant 0 : i32
    %dma_wait3A_308 = arith.constant 0 : i32
    %dma_wait3A_309 = tpu.memref_slice %arg8[%dma_wait3A_306, %dma_wait3A_307, %dma_wait3A_308] : memref<3x80x128xf32, #tpu.memory_space<vmem>> -> memref<1x80x128xf32, #tpu.memory_space<vmem>>
    %dma_wait3A_310 = tpu.memref_squeeze %dma_wait3A_309 : memref<1x80x128xf32, #tpu.memory_space<vmem>> -> memref<80x128xf32, #tpu.memory_space<vmem>>
    %dma_wait3A_311 = arith.constant 0 : i32
    %dma_wait3A_312 = arith.constant 0 : i32
    %dma_wait3A_313 = tpu.memref_slice %arg2[%dma_wait3A_311, %dma_wait3A_312] : memref<10000x128xf32, #tpu.memory_space<hbm>> -> memref<80x128xf32, #tpu.memory_space<hbm>>
    %dma_wait3A_314 = arith.constant 0 : i32
    %dma_wait3A_315 = arith.constant 0 : i32
    %dma_wait3A_316 = tpu.memref_slice %arg8[%dma_wait3A_306, %dma_wait3A_314, %dma_wait3A_315] : memref<3x80x128xf32, #tpu.memory_space<vmem>> -> memref<1x80x128xf32, #tpu.memory_space<vmem>>
    %dma_wait3A_317 = tpu.memref_squeeze %dma_wait3A_316 : memref<1x80x128xf32, #tpu.memory_space<vmem>> -> memref<80x128xf32, #tpu.memory_space<vmem>>
    %dma_wait3A_318 = arith.constant 0 : i32
    %dma_wait3A_319 = arith.constant 0 : i32
    %dma_wait3A_320 = tpu.memref_slice %arg2[%dma_wait3A_318, %dma_wait3A_319] : memref<10000x128xf32, #tpu.memory_space<hbm>> -> memref<80x128xf32, #tpu.memory_space<hbm>>
    tpu.wait_dma2 semaphore(%arg10 : memref<!tpu.dma_semaphore, #tpu.memory_space<semaphore_mem>>) src(%dma_wait3A_320 : memref<80x128xf32, #tpu.memory_space<hbm>>) dst(%dma_wait3A_317 : memref<80x128xf32, #tpu.memory_space<vmem>>)
    %dma_start3A_321 = arith.constant 0 : i32
    %dma_start3A_322 = arith.constant 0 : i32
    %dma_start3A_323 = arith.constant 0 : i32
    %dma_start3A_324 = arith.constant 0 : i32
    %dma_start3A_325 = tpu.memref_slice %arg8[%dma_start3A_321, %dma_start3A_323, %dma_start3A_324] : memref<3x80x128xf32, #tpu.memory_space<vmem>> -> memref<1x80x128xf32, #tpu.memory_space<vmem>>
    %dma_start3A_326 = tpu.memref_squeeze %dma_start3A_325 : memref<1x80x128xf32, #tpu.memory_space<vmem>> -> memref<80x128xf32, #tpu.memory_space<vmem>>
    %dma_start3A_327 = arith.constant 0 : i32
    %dma_start3A_328 = tpu.memref_slice %arg7[%dma_start3A_322, %dma_start3A_327] : memref<3x80xi32, #tpu.memory_space<vmem>> -> memref<1x80xi32, #tpu.memory_space<vmem>>
    %dma_start3A_329 = tpu.memref_squeeze %dma_start3A_328 : memref<1x80xi32, #tpu.memory_space<vmem>> -> memref<80xi32, #tpu.memory_space<vmem>>
    %dma_start3A_330 = arith.constant 0 : i32
    %dma_start3A_331 = arith.constant 0 : i32
    %dma_start3A_332 = tpu.memref_slice %arg9[%dma_start3A_330, %dma_start3A_331] : memref<10000x128xf32, #tpu.memory_space<vmem_shared>> -> memref<10000x128xf32, #tpu.memory_space<vmem_shared>>
    tpu.enqueue_indirect_dma source(%dma_start3A_326 : memref<80x128xf32, #tpu.memory_space<vmem>>) target(%dma_start3A_332 : memref<10000x128xf32, #tpu.memory_space<vmem_shared>>) offsets(%dma_start3A_329 : memref<80xi32, #tpu.memory_space<vmem>>) semaphore(%arg11 : memref<!tpu.dma_semaphore, #tpu.memory_space<semaphore_mem>>) {add = true}
    %dma_wait3A_333 = arith.constant 1 : i32
    %dma_wait3A_334 = arith.constant 0 : i32
    %dma_wait3A_335 = tpu.memref_slice %arg7[%dma_wait3A_333, %dma_wait3A_334] : memref<3x80xi32, #tpu.memory_space<vmem>> -> memref<1x80xi32, #tpu.memory_space<vmem>>
    %dma_wait3A_336 = tpu.memref_squeeze %dma_wait3A_335 : memref<1x80xi32, #tpu.memory_space<vmem>> -> memref<80xi32, #tpu.memory_space<vmem>>
    %dma_wait3A_337 = arith.constant 0 : i32
    %dma_wait3A_338 = tpu.memref_slice %arg4[%dma_wait3A_337] : memref<320000xi32, #tpu.memory_space<hbm>> -> memref<80xi32, #tpu.memory_space<hbm>>
    %dma_wait3A_339 = arith.constant 0 : i32
    %dma_wait3A_340 = tpu.memref_slice %arg7[%dma_wait3A_333, %dma_wait3A_339] : memref<3x80xi32, #tpu.memory_space<vmem>> -> memref<1x80xi32, #tpu.memory_space<vmem>>
    %dma_wait3A_341 = tpu.memref_squeeze %dma_wait3A_340 : memref<1x80xi32, #tpu.memory_space<vmem>> -> memref<80xi32, #tpu.memory_space<vmem>>
    %dma_wait3A_342 = arith.constant 0 : i32
    %dma_wait3A_343 = tpu.memref_slice %arg4[%dma_wait3A_342] : memref<320000xi32, #tpu.memory_space<hbm>> -> memref<80xi32, #tpu.memory_space<hbm>>
    tpu.wait_dma2 semaphore(%arg12 : memref<!tpu.dma_semaphore, #tpu.memory_space<semaphore_mem>>) src(%dma_wait3A_343 : memref<80xi32, #tpu.memory_space<hbm>>) dst(%dma_wait3A_341 : memref<80xi32, #tpu.memory_space<vmem>>)
    %dma_wait3A_344 = arith.constant 1 : i32
    %dma_wait3A_345 = arith.constant 0 : i32
    %dma_wait3A_346 = arith.constant 0 : i32
    %dma_wait3A_347 = tpu.memref_slice %arg8[%dma_wait3A_344, %dma_wait3A_345, %dma_wait3A_346] : memref<3x80x128xf32, #tpu.memory_space<vmem>> -> memref<1x80x128xf32, #tpu.memory_space<vmem>>
    %dma_wait3A_348 = tpu.memref_squeeze %dma_wait3A_347 : memref<1x80x128xf32, #tpu.memory_space<vmem>> -> memref<80x128xf32, #tpu.memory_space<vmem>>
    %dma_wait3A_349 = arith.constant 0 : i32
    %dma_wait3A_350 = arith.constant 0 : i32
    %dma_wait3A_351 = tpu.memref_slice %arg2[%dma_wait3A_349, %dma_wait3A_350] : memref<10000x128xf32, #tpu.memory_space<hbm>> -> memref<80x128xf32, #tpu.memory_space<hbm>>
    %dma_wait3A_352 = arith.constant 0 : i32
    %dma_wait3A_353 = arith.constant 0 : i32
    %dma_wait3A_354 = tpu.memref_slice %arg8[%dma_wait3A_344, %dma_wait3A_352, %dma_wait3A_353] : memref<3x80x128xf32, #tpu.memory_space<vmem>> -> memref<1x80x128xf32, #tpu.memory_space<vmem>>
    %dma_wait3A_355 = tpu.memref_squeeze %dma_wait3A_354 : memref<1x80x128xf32, #tpu.memory_space<vmem>> -> memref<80x128xf32, #tpu.memory_space<vmem>>
    %dma_wait3A_356 = arith.constant 0 : i32
    %dma_wait3A_357 = arith.constant 0 : i32
    %dma_wait3A_358 = tpu.memref_slice %arg2[%dma_wait3A_356, %dma_wait3A_357] : memref<10000x128xf32, #tpu.memory_space<hbm>> -> memref<80x128xf32, #tpu.memory_space<hbm>>
    tpu.wait_dma2 semaphore(%arg10 : memref<!tpu.dma_semaphore, #tpu.memory_space<semaphore_mem>>) src(%dma_wait3A_358 : memref<80x128xf32, #tpu.memory_space<hbm>>) dst(%dma_wait3A_355 : memref<80x128xf32, #tpu.memory_space<vmem>>)
    %dma_start3A_359 = arith.constant 1 : i32
    %dma_start3A_360 = arith.constant 1 : i32
    %dma_start3A_361 = arith.constant 0 : i32
    %dma_start3A_362 = arith.constant 0 : i32
    %dma_start3A_363 = tpu.memref_slice %arg8[%dma_start3A_359, %dma_start3A_361, %dma_start3A_362] : memref<3x80x128xf32, #tpu.memory_space<vmem>> -> memref<1x80x128xf32, #tpu.memory_space<vmem>>
    %dma_start3A_364 = tpu.memref_squeeze %dma_start3A_363 : memref<1x80x128xf32, #tpu.memory_space<vmem>> -> memref<80x128xf32, #tpu.memory_space<vmem>>
    %dma_start3A_365 = arith.constant 0 : i32
    %dma_start3A_366 = tpu.memref_slice %arg7[%dma_start3A_360, %dma_start3A_365] : memref<3x80xi32, #tpu.memory_space<vmem>> -> memref<1x80xi32, #tpu.memory_space<vmem>>
    %dma_start3A_367 = tpu.memref_squeeze %dma_start3A_366 : memref<1x80xi32, #tpu.memory_space<vmem>> -> memref<80xi32, #tpu.memory_space<vmem>>
    %dma_start3A_368 = arith.constant 0 : i32
    %dma_start3A_369 = arith.constant 0 : i32
    %dma_start3A_370 = tpu.memref_slice %arg9[%dma_start3A_368, %dma_start3A_369] : memref<10000x128xf32, #tpu.memory_space<vmem_shared>> -> memref<10000x128xf32, #tpu.memory_space<vmem_shared>>
    tpu.enqueue_indirect_dma source(%dma_start3A_364 : memref<80x128xf32, #tpu.memory_space<vmem>>) target(%dma_start3A_370 : memref<10000x128xf32, #tpu.memory_space<vmem_shared>>) offsets(%dma_start3A_367 : memref<80xi32, #tpu.memory_space<vmem>>) semaphore(%arg11 : memref<!tpu.dma_semaphore, #tpu.memory_space<semaphore_mem>>) {add = true}
    %dma_wait3A_371 = arith.constant 0 : i32
    %dma_wait3A_372 = arith.constant 0 : i32
    %dma_wait3A_373 = arith.constant 0 : i32
    %dma_wait3A_374 = arith.constant 0 : i32
    %dma_wait3A_375 = tpu.memref_slice %arg8[%dma_wait3A_371, %dma_wait3A_373, %dma_wait3A_374] : memref<3x80x128xf32, #tpu.memory_space<vmem>> -> memref<1x80x128xf32, #tpu.memory_space<vmem>>
    %dma_wait3A_376 = tpu.memref_squeeze %dma_wait3A_375 : memref<1x80x128xf32, #tpu.memory_space<vmem>> -> memref<80x128xf32, #tpu.memory_space<vmem>>
    %dma_wait3A_377 = arith.constant 0 : i32
    %dma_wait3A_378 = tpu.memref_slice %arg7[%dma_wait3A_372, %dma_wait3A_377] : memref<3x80xi32, #tpu.memory_space<vmem>> -> memref<1x80xi32, #tpu.memory_space<vmem>>
    %dma_wait3A_379 = tpu.memref_squeeze %dma_wait3A_378 : memref<1x80xi32, #tpu.memory_space<vmem>> -> memref<80xi32, #tpu.memory_space<vmem>>
    %dma_wait3A_380 = arith.constant 0 : i32
    %dma_wait3A_381 = arith.constant 0 : i32
    %dma_wait3A_382 = tpu.memref_slice %arg9[%dma_wait3A_380, %dma_wait3A_381] : memref<10000x128xf32, #tpu.memory_space<vmem_shared>> -> memref<10000x128xf32, #tpu.memory_space<vmem_shared>>
    tpu.wait_indirect_dma semaphore(%arg11 : memref<!tpu.dma_semaphore, #tpu.memory_space<semaphore_mem>>) src(%dma_wait3A_376 : memref<80x128xf32, #tpu.memory_space<vmem>>) dst(%dma_wait3A_382 : memref<10000x128xf32, #tpu.memory_space<vmem_shared>>)
    %dma_wait3A_383 = arith.constant 1 : i32
    %dma_wait3A_384 = arith.constant 1 : i32
    %dma_wait3A_385 = arith.constant 0 : i32
    %dma_wait3A_386 = arith.constant 0 : i32
    %dma_wait3A_387 = tpu.memref_slice %arg8[%dma_wait3A_383, %dma_wait3A_385, %dma_wait3A_386] : memref<3x80x128xf32, #tpu.memory_space<vmem>> -> memref<1x80x128xf32, #tpu.memory_space<vmem>>
    %dma_wait3A_388 = tpu.memref_squeeze %dma_wait3A_387 : memref<1x80x128xf32, #tpu.memory_space<vmem>> -> memref<80x128xf32, #tpu.memory_space<vmem>>
    %dma_wait3A_389 = arith.constant 0 : i32
    %dma_wait3A_390 = tpu.memref_slice %arg7[%dma_wait3A_384, %dma_wait3A_389] : memref<3x80xi32, #tpu.memory_space<vmem>> -> memref<1x80xi32, #tpu.memory_space<vmem>>
    %dma_wait3A_391 = tpu.memref_squeeze %dma_wait3A_390 : memref<1x80xi32, #tpu.memory_space<vmem>> -> memref<80xi32, #tpu.memory_space<vmem>>
    %dma_wait3A_392 = arith.constant 0 : i32
    %dma_wait3A_393 = arith.constant 0 : i32
    %dma_wait3A_394 = tpu.memref_slice %arg9[%dma_wait3A_392, %dma_wait3A_393] : memref<10000x128xf32, #tpu.memory_space<vmem_shared>> -> memref<10000x128xf32, #tpu.memory_space<vmem_shared>>
    tpu.wait_indirect_dma semaphore(%arg11 : memref<!tpu.dma_semaphore, #tpu.memory_space<semaphore_mem>>) src(%dma_wait3A_388 : memref<80x128xf32, #tpu.memory_space<vmem>>) dst(%dma_wait3A_394 : memref<10000x128xf32, #tpu.memory_space<vmem_shared>>)
    %barrier3A_395 = arith.constant 0 : index
    tpu.barrier barrier_id(%barrier3A_395)
    "tpu.region"() ({
      %run_scoped3A_401 = tpu.sem_alloc : memref<!tpu.dma_semaphore, #tpu.memory_space<semaphore_mem>>
      %dma_start3A_402 = arith.constant 0 : i32
      %dma_start3A_403 = tpu.memref_slice %arg5[%arg0, %mul3A_2, %dma_start3A_402] : memref<2x10000x128xf32, #tpu.memory_space<hbm>> -> memref<1x624x128xf32, #tpu.memory_space<hbm>>
      %dma_start3A_404 = tpu.memref_squeeze %dma_start3A_403 : memref<1x624x128xf32, #tpu.memory_space<hbm>> -> memref<624x128xf32, #tpu.memory_space<hbm>>
      %dma_start3A_405 = arith.constant 0 : i32
      %dma_start3A_406 = tpu.memref_slice %arg9[%mul3A_2, %dma_start3A_405] : memref<10000x128xf32, #tpu.memory_space<vmem_shared>> -> memref<624x128xf32, #tpu.memory_space<vmem_shared>>
      tpu.enqueue_dma source(%dma_start3A_406 : memref<624x128xf32, #tpu.memory_space<vmem_shared>>) target(%dma_start3A_404 : memref<624x128xf32, #tpu.memory_space<hbm>>) target_semaphore(%run_scoped3A_401 : memref<!tpu.dma_semaphore, #tpu.memory_space<semaphore_mem>>)
      %dma_wait3A_407 = arith.constant 0 : i32
      %dma_wait3A_408 = tpu.memref_slice %arg5[%arg0, %mul3A_2, %dma_wait3A_407] : memref<2x10000x128xf32, #tpu.memory_space<hbm>> -> memref<1x624x128xf32, #tpu.memory_space<hbm>>
      %dma_wait3A_409 = tpu.memref_squeeze %dma_wait3A_408 : memref<1x624x128xf32, #tpu.memory_space<hbm>> -> memref<624x128xf32, #tpu.memory_space<hbm>>
      %dma_wait3A_410 = arith.constant 0 : i32
      %dma_wait3A_411 = tpu.memref_slice %arg9[%mul3A_2, %dma_wait3A_410] : memref<10000x128xf32, #tpu.memory_space<vmem_shared>> -> memref<624x128xf32, #tpu.memory_space<vmem_shared>>
      tpu.wait_dma2 semaphore(%run_scoped3A_401 : memref<!tpu.dma_semaphore, #tpu.memory_space<semaphore_mem>>) src(%dma_wait3A_411 : memref<624x128xf32, #tpu.memory_space<vmem_shared>>) dst(%dma_wait3A_409 : memref<624x128xf32, #tpu.memory_space<hbm>>)
      tpu.yield
    }) : () -> ()
    %eq3A_396 = arith.constant 15 : i32
    %eq3A_397 = arith.cmpi eq, %arg1, %eq3A_396 : i32
    %convert_element_type3A_398 = arith.extui %eq3A_397 : i1 to i32
    %cond3A_399 = arith.constant 0 : i32
    %cond3A_400 = arith.cmpi ne, %convert_element_type3A_398, %cond3A_399 : i32
    scf.if %cond3A_400 {
      "tpu.region"() ({
        %run_scoped3A_401 = tpu.sem_alloc : memref<!tpu.dma_semaphore, #tpu.memory_space<semaphore_mem>>
        %dma_start3A_402 = arith.constant 9984 : i32
        %dma_start3A_403 = arith.constant 0 : i32
        %dma_start3A_404 = tpu.memref_slice %arg5[%arg0, %dma_start3A_402, %dma_start3A_403] : memref<2x10000x128xf32, #tpu.memory_space<hbm>> -> memref<1x16x128xf32, #tpu.memory_space<hbm>>
        %dma_start3A_405 = tpu.memref_squeeze %dma_start3A_404 : memref<1x16x128xf32, #tpu.memory_space<hbm>> -> memref<16x128xf32, #tpu.memory_space<hbm>>
        %dma_start3A_406 = arith.constant 9984 : i32
        %dma_start3A_407 = arith.constant 0 : i32
        %dma_start3A_408 = tpu.memref_slice %arg9[%dma_start3A_406, %dma_start3A_407] : memref<10000x128xf32, #tpu.memory_space<vmem_shared>> -> memref<16x128xf32, #tpu.memory_space<vmem_shared>>
        tpu.enqueue_dma source(%dma_start3A_408 : memref<16x128xf32, #tpu.memory_space<vmem_shared>>) target(%dma_start3A_405 : memref<16x128xf32, #tpu.memory_space<hbm>>) target_semaphore(%run_scoped3A_401 : memref<!tpu.dma_semaphore, #tpu.memory_space<semaphore_mem>>)
        %dma_wait3A_409 = arith.constant 9984 : i32
        %dma_wait3A_410 = arith.constant 0 : i32
        %dma_wait3A_411 = tpu.memref_slice %arg5[%arg0, %dma_wait3A_409, %dma_wait3A_410] : memref<2x10000x128xf32, #tpu.memory_space<hbm>> -> memref<1x16x128xf32, #tpu.memory_space<hbm>>
        %dma_wait3A_412 = tpu.memref_squeeze %dma_wait3A_411 : memref<1x16x128xf32, #tpu.memory_space<hbm>> -> memref<16x128xf32, #tpu.memory_space<hbm>>
        %dma_wait3A_413 = arith.constant 9984 : i32
        %dma_wait3A_414 = arith.constant 0 : i32
        %dma_wait3A_415 = tpu.memref_slice %arg9[%dma_wait3A_413, %dma_wait3A_414] : memref<10000x128xf32, #tpu.memory_space<vmem_shared>> -> memref<16x128xf32, #tpu.memory_space<vmem_shared>>
        tpu.wait_dma2 semaphore(%run_scoped3A_401 : memref<!tpu.dma_semaphore, #tpu.memory_space<semaphore_mem>>) src(%dma_wait3A_415 : memref<16x128xf32, #tpu.memory_space<vmem_shared>>) dst(%dma_wait3A_412 : memref<16x128xf32, #tpu.memory_space<hbm>>)
        tpu.yield
      }) : () -> ()
    } else {
    }
    return
  }
}

module attributes {stable_mosaic.version = 14 : i64} {
  func.func @body(%arg0: i32, %arg1: memref<2x5000x128xf32, #tpu.memory_space<vmem>>, %arg2: memref<5000x128xf32, #tpu.memory_space<vmem>>, %arg3: memref<128x128xf32, #tpu.memory_space<vmem>>, %arg4: memref<1x128xf32, #tpu.memory_space<vmem>>, %arg5: memref<128x128xf32, #tpu.memory_space<vmem>>, %arg6: memref<1x128xf32, #tpu.memory_space<vmem>>, %arg7: memref<1x128xf32, #tpu.memory_space<vmem>>, %arg8: memref<5000x128xf32, #tpu.memory_space<vmem>>) attributes {dimension_semantics = [#tpu.dimension_semantics<arbitrary>], iteration_bounds = array<i64: 2>, scalar_prefetch = 0 : i64, scratch_operands = 0 : i64, tpu.core_type = #tpu.core_type<tc>, window_params = [{transform_indices = @transform_0, window_bounds = array<i64: 2, 5000, 128>}, {transform_indices = @transform_1, window_bounds = array<i64: 5000, 128>}, {pipeline_mode = #tpu.pipeline_mode<synchronous>, transform_indices = @transform_2, window_bounds = array<i64: 128, 128>}, {pipeline_mode = #tpu.pipeline_mode<synchronous>, transform_indices = @transform_3, window_bounds = array<i64: 1, 128>}, {pipeline_mode = #tpu.pipeline_mode<synchronous>, transform_indices = @transform_4, window_bounds = array<i64: 128, 128>}, {pipeline_mode = #tpu.pipeline_mode<synchronous>, transform_indices = @transform_5, window_bounds = array<i64: 1, 128>}, {pipeline_mode = #tpu.pipeline_mode<synchronous>, transform_indices = @transform_6, window_bounds = array<i64: 1, 128>}, {transform_indices = @transform_7, window_bounds = array<i64: 5000, 128>}]} {
    %get3A = arith.constant 0 : index
    %get3A_0 = arith.constant 0 : index
    %get3A_1 = arith.constant 0 : index
    %get3A_2 = vector.load %arg1[%get3A, %get3A_0, %get3A_1] : memref<2x5000x128xf32, #tpu.memory_space<vmem>>, vector<1x5000x128xf32>
    %get3A_3 = vector.shape_cast %get3A_2 : vector<1x5000x128xf32> to vector<5000x128xf32>
    %get3A_4 = arith.constant 1 : index
    %get3A_5 = arith.constant 0 : index
    %get3A_6 = arith.constant 0 : index
    %get3A_7 = vector.load %arg1[%get3A_4, %get3A_5, %get3A_6] : memref<2x5000x128xf32, #tpu.memory_space<vmem>>, vector<1x5000x128xf32>
    %get3A_8 = vector.shape_cast %get3A_7 : vector<1x5000x128xf32> to vector<5000x128xf32>
    %add3A = arith.addf %get3A_3, %get3A_8 : vector<5000x128xf32>
    %get3A_9 = arith.constant 0 : index
    %get3A_10 = arith.constant 0 : index
    %get3A_11 = vector.load %arg2[%get3A_9, %get3A_10] : memref<5000x128xf32, #tpu.memory_space<vmem>>, vector<5000x128xf32>
    %convert_element_type3A = arith.truncf %add3A : vector<5000x128xf32> to vector<5000x128xbf16>
    %get3A_12 = arith.constant 0 : index
    %get3A_13 = arith.constant 0 : index
    %get3A_14 = vector.load %arg3[%get3A_12, %get3A_13] : memref<128x128xf32, #tpu.memory_space<vmem>>, vector<128x128xf32>
    %convert_element_type3A_15 = arith.truncf %get3A_14 : vector<128x128xf32> to vector<128x128xbf16>
    %dot_general3A = arith.constant dense<0.000000e+00> : vector<5000x128xf32>
    %dot_general3A_16 = tpu.matmul %convert_element_type3A, %convert_element_type3A_15, %dot_general3A {dimension_numbers = #tpu.dot_dimension_numbers<[1], [0], [0], [1], [0, 0, 1, 1], [], []>, transpose_lhs_hint = false} : vector<5000x128xbf16>, vector<128x128xbf16>, vector<5000x128xf32> -> vector<5000x128xf32>
    %convert_element_type3A_17 = arith.truncf %get3A_11 : vector<5000x128xf32> to vector<5000x128xbf16>
    %get3A_18 = arith.constant 0 : index
    %get3A_19 = arith.constant 0 : index
    %get3A_20 = vector.load %arg5[%get3A_18, %get3A_19] : memref<128x128xf32, #tpu.memory_space<vmem>>, vector<128x128xf32>
    %convert_element_type3A_21 = arith.truncf %get3A_20 : vector<128x128xf32> to vector<128x128xbf16>
    %dot_general3A_22 = arith.constant dense<0.000000e+00> : vector<5000x128xf32>
    %dot_general3A_23 = tpu.matmul %convert_element_type3A_17, %convert_element_type3A_21, %dot_general3A_22 {dimension_numbers = #tpu.dot_dimension_numbers<[1], [0], [0], [1], [0, 0, 1, 1], [], []>, transpose_lhs_hint = false} : vector<5000x128xbf16>, vector<128x128xbf16>, vector<5000x128xf32> -> vector<5000x128xf32>
    %add3A_24 = arith.addf %dot_general3A_16, %dot_general3A_23 : vector<5000x128xf32>
    %get3A_25 = arith.constant 0 : index
    %get3A_26 = arith.constant 0 : index
    %get3A_27 = vector.load %arg4[%get3A_25, %get3A_26] : memref<1x128xf32, #tpu.memory_space<vmem>>, vector<1x128xf32>
    %add3A_28 = vector.broadcast %get3A_27 : vector<1x128xf32> to vector<5000x128xf32>
    %add3A_29 = arith.addf %add3A_24, %add3A_28 : vector<5000x128xf32>
    %max3A = arith.constant 0.000000e+00 : f32
    %max3A_30 = vector.broadcast %max3A : f32 to vector<5000x128xf32>
    %max3A_31 = arith.maximumf %add3A_29, %max3A_30 : vector<5000x128xf32>
    %add3A_32 = arith.addf %get3A_11, %max3A_31 : vector<5000x128xf32>
    %reduce_sum3A = arith.constant dense<0.000000e+00> : vector<5000xf32>
    %reduce_sum3A_33 = vector.multi_reduction <add>, %add3A_32, %reduce_sum3A [1] : vector<5000x128xf32> to vector<5000xf32>
    %broadcast_in_dim3A = vector.shape_cast %reduce_sum3A_33 : vector<5000xf32> to vector<5000x1xf32>
    %div3A = arith.constant 1.280000e+02 : f32
    %div3A_34 = vector.broadcast %div3A : f32 to vector<5000x1xf32>
    %div3A_35 = arith.divf %broadcast_in_dim3A, %div3A_34 : vector<5000x1xf32>
    %sub3A = vector.broadcast %div3A_35 : vector<5000x1xf32> to vector<5000x128xf32>
    %sub3A_36 = arith.subf %add3A_32, %sub3A : vector<5000x128xf32>
    %integer_pow3A = arith.mulf %sub3A_36, %sub3A_36 : vector<5000x128xf32>
    %reduce_sum3A_37 = arith.constant dense<0.000000e+00> : vector<5000xf32>
    %reduce_sum3A_38 = vector.multi_reduction <add>, %integer_pow3A, %reduce_sum3A_37 [1] : vector<5000x128xf32> to vector<5000xf32>
    %broadcast_in_dim3A_39 = vector.shape_cast %reduce_sum3A_38 : vector<5000xf32> to vector<5000x1xf32>
    %div3A_40 = arith.constant 1.280000e+02 : f32
    %div3A_41 = vector.broadcast %div3A_40 : f32 to vector<5000x1xf32>
    %div3A_42 = arith.divf %broadcast_in_dim3A_39, %div3A_41 : vector<5000x1xf32>
    %sub3A_43 = vector.broadcast %div3A_35 : vector<5000x1xf32> to vector<5000x128xf32>
    %sub3A_44 = arith.subf %add3A_32, %sub3A_43 : vector<5000x128xf32>
    %add3A_45 = arith.constant 9.99999974E-6 : f32
    %add3A_46 = vector.broadcast %add3A_45 : f32 to vector<5000x1xf32>
    %add3A_47 = arith.addf %div3A_42, %add3A_46 : vector<5000x1xf32>
    %rsqrt3A = math.rsqrt %add3A_47 : vector<5000x1xf32>
    %mul3A = vector.broadcast %rsqrt3A : vector<5000x1xf32> to vector<5000x128xf32>
    %mul3A_48 = arith.mulf %sub3A_44, %mul3A : vector<5000x128xf32>
    %get3A_49 = arith.constant 0 : index
    %get3A_50 = arith.constant 0 : index
    %get3A_51 = vector.load %arg6[%get3A_49, %get3A_50] : memref<1x128xf32, #tpu.memory_space<vmem>>, vector<1x128xf32>
    %mul3A_52 = vector.broadcast %get3A_51 : vector<1x128xf32> to vector<5000x128xf32>
    %mul3A_53 = arith.mulf %mul3A_48, %mul3A_52 : vector<5000x128xf32>
    %get3A_54 = arith.constant 0 : index
    %get3A_55 = arith.constant 0 : index
    %get3A_56 = vector.load %arg7[%get3A_54, %get3A_55] : memref<1x128xf32, #tpu.memory_space<vmem>>, vector<1x128xf32>
    %add3A_57 = vector.broadcast %get3A_56 : vector<1x128xf32> to vector<5000x128xf32>
    %add3A_58 = arith.addf %mul3A_53, %add3A_57 : vector<5000x128xf32>
    %swap3A = arith.constant 0 : index
    %swap3A_59 = arith.constant 0 : index
    %swap3A_60 = vector.load %arg8[%swap3A, %swap3A_59] : memref<5000x128xf32, #tpu.memory_space<vmem>>, vector<5000x128xf32>
    tpu.vector_store %arg8[%swap3A, %swap3A_59], %add3A_58 {strides = array<i32>} : memref<5000x128xf32, #tpu.memory_space<vmem>>, vector<5000x128xf32>,
    return
  }
  func.func @transform_0(%arg0: i32) -> (i32, i32, i32) {
    %c0_i32 = arith.constant 0 : i32
    %c0_i32_0 = arith.constant 0 : i32
    %c0_i32_1 = arith.constant 0 : i32
    return %c0_i32, %arg0, %c0_i32_0 : i32, i32, i32
  }
  func.func @transform_1(%arg0: i32) -> (i32, i32) {
    %c0_i32 = arith.constant 0 : i32
    %c0_i32_0 = arith.constant 0 : i32
    return %arg0, %c0_i32 : i32, i32
  }
  func.func @transform_2(%arg0: i32) -> (i32, i32) {
    %c0_i32 = arith.constant 0 : i32
    %c0_i32_0 = arith.constant 0 : i32
    %c0_i32_1 = arith.constant 0 : i32
    return %c0_i32, %c0_i32_0 : i32, i32
  }
  func.func @transform_3(%arg0: i32) -> (i32, i32) {
    %c0_i32 = arith.constant 0 : i32
    %c0_i32_0 = arith.constant 0 : i32
    %c0_i32_1 = arith.constant 0 : i32
    return %c0_i32, %c0_i32_0 : i32, i32
  }
  func.func @transform_4(%arg0: i32) -> (i32, i32) {
    %c0_i32 = arith.constant 0 : i32
    %c0_i32_0 = arith.constant 0 : i32
    %c0_i32_1 = arith.constant 0 : i32
    return %c0_i32, %c0_i32_0 : i32, i32
  }
  func.func @transform_5(%arg0: i32) -> (i32, i32) {
    %c0_i32 = arith.constant 0 : i32
    %c0_i32_0 = arith.constant 0 : i32
    %c0_i32_1 = arith.constant 0 : i32
    return %c0_i32, %c0_i32_0 : i32, i32
  }
  func.func @transform_6(%arg0: i32) -> (i32, i32) {
    %c0_i32 = arith.constant 0 : i32
    %c0_i32_0 = arith.constant 0 : i32
    %c0_i32_1 = arith.constant 0 : i32
    return %c0_i32, %c0_i32_0 : i32, i32
  }
  func.func @transform_7(%arg0: i32) -> (i32, i32) {
    %c0_i32 = arith.constant 0 : i32
    %c0_i32_0 = arith.constant 0 : i32
    return %arg0, %c0_i32 : i32, i32
  }
}

module attributes {stable_mosaic.version = 14 : i64} {
  func.func @body(%arg0: i32, %arg1: memref<5000x128xf32, #tpu.memory_space<vmem>>, %arg2: memref<1x128xf32, #tpu.memory_space<vmem>>, %arg3: memref<1x128xf32, #tpu.memory_space<vmem>>, %arg4: memref<5000x128xf32, #tpu.memory_space<vmem>>) attributes {dimension_semantics = [#tpu.dimension_semantics<arbitrary>], iteration_bounds = array<i64: 2>, scalar_prefetch = 0 : i64, scratch_operands = 0 : i64, tpu.core_type = #tpu.core_type<tc>, window_params = [{transform_indices = @transform_0, window_bounds = array<i64: 5000, 128>}, {pipeline_mode = #tpu.pipeline_mode<synchronous>, transform_indices = @transform_1, window_bounds = array<i64: 1, 128>}, {pipeline_mode = #tpu.pipeline_mode<synchronous>, transform_indices = @transform_2, window_bounds = array<i64: 1, 128>}, {transform_indices = @transform_3, window_bounds = array<i64: 5000, 128>}]} {
    %get3A = arith.constant 0 : index
    %get3A_0 = arith.constant 0 : index
    %get3A_1 = vector.load %arg1[%get3A, %get3A_0] : memref<5000x128xf32, #tpu.memory_space<vmem>>, vector<5000x128xf32>
    %reduce_sum3A = arith.constant dense<0.000000e+00> : vector<5000xf32>
    %reduce_sum3A_2 = vector.multi_reduction <add>, %get3A_1, %reduce_sum3A [1] : vector<5000x128xf32> to vector<5000xf32>
    %broadcast_in_dim3A = vector.shape_cast %reduce_sum3A_2 : vector<5000xf32> to vector<5000x1xf32>
    %div3A = arith.constant 1.280000e+02 : f32
    %div3A_3 = vector.broadcast %div3A : f32 to vector<5000x1xf32>
    %div3A_4 = arith.divf %broadcast_in_dim3A, %div3A_3 : vector<5000x1xf32>
    %sub3A = vector.broadcast %div3A_4 : vector<5000x1xf32> to vector<5000x128xf32>
    %sub3A_5 = arith.subf %get3A_1, %sub3A : vector<5000x128xf32>
    %integer_pow3A = arith.mulf %sub3A_5, %sub3A_5 : vector<5000x128xf32>
    %reduce_sum3A_6 = arith.constant dense<0.000000e+00> : vector<5000xf32>
    %reduce_sum3A_7 = vector.multi_reduction <add>, %integer_pow3A, %reduce_sum3A_6 [1] : vector<5000x128xf32> to vector<5000xf32>
    %broadcast_in_dim3A_8 = vector.shape_cast %reduce_sum3A_7 : vector<5000xf32> to vector<5000x1xf32>
    %div3A_9 = arith.constant 1.280000e+02 : f32
    %div3A_10 = vector.broadcast %div3A_9 : f32 to vector<5000x1xf32>
    %div3A_11 = arith.divf %broadcast_in_dim3A_8, %div3A_10 : vector<5000x1xf32>
    %sub3A_12 = vector.broadcast %div3A_4 : vector<5000x1xf32> to vector<5000x128xf32>
    %sub3A_13 = arith.subf %get3A_1, %sub3A_12 : vector<5000x128xf32>
    %add3A = arith.constant 9.99999974E-6 : f32
    %add3A_14 = vector.broadcast %add3A : f32 to vector<5000x1xf32>
    %add3A_15 = arith.addf %div3A_11, %add3A_14 : vector<5000x1xf32>
    %rsqrt3A = math.rsqrt %add3A_15 : vector<5000x1xf32>
    %mul3A = vector.broadcast %rsqrt3A : vector<5000x1xf32> to vector<5000x128xf32>
    %mul3A_16 = arith.mulf %sub3A_13, %mul3A : vector<5000x128xf32>
    %get3A_17 = arith.constant 0 : index
    %get3A_18 = arith.constant 0 : index
    %get3A_19 = vector.load %arg2[%get3A_17, %get3A_18] : memref<1x128xf32, #tpu.memory_space<vmem>>, vector<1x128xf32>
    %mul3A_20 = vector.broadcast %get3A_19 : vector<1x128xf32> to vector<5000x128xf32>
    %mul3A_21 = arith.mulf %mul3A_16, %mul3A_20 : vector<5000x128xf32>
    %get3A_22 = arith.constant 0 : index
    %get3A_23 = arith.constant 0 : index
    %get3A_24 = vector.load %arg3[%get3A_22, %get3A_23] : memref<1x128xf32, #tpu.memory_space<vmem>>, vector<1x128xf32>
    %add3A_25 = vector.broadcast %get3A_24 : vector<1x128xf32> to vector<5000x128xf32>
    %add3A_26 = arith.addf %mul3A_21, %add3A_25 : vector<5000x128xf32>
    %max3A = arith.constant 0.000000e+00 : f32
    %max3A_27 = vector.broadcast %max3A : f32 to vector<5000x128xf32>
    %max3A_28 = arith.maximumf %add3A_26, %max3A_27 : vector<5000x128xf32>
    %swap3A = arith.constant 0 : index
    %swap3A_29 = arith.constant 0 : index
    %swap3A_30 = vector.load %arg4[%swap3A, %swap3A_29] : memref<5000x128xf32, #tpu.memory_space<vmem>>, vector<5000x128xf32>
    tpu.vector_store %arg4[%swap3A, %swap3A_29], %max3A_28 {strides = array<i32>} : memref<5000x128xf32, #tpu.memory_space<vmem>>, vector<5000x128xf32>,
    return
  }
  func.func @transform_0(%arg0: i32) -> (i32, i32) {
    %c0_i32 = arith.constant 0 : i32
    %c0_i32_0 = arith.constant 0 : i32
    return %arg0, %c0_i32 : i32, i32
  }
  func.func @transform_1(%arg0: i32) -> (i32, i32) {
    %c0_i32 = arith.constant 0 : i32
    %c0_i32_0 = arith.constant 0 : i32
    %c0_i32_1 = arith.constant 0 : i32
    return %c0_i32, %c0_i32_0 : i32, i32
  }
  func.func @transform_2(%arg0: i32) -> (i32, i32) {
    %c0_i32 = arith.constant 0 : i32
    %c0_i32_0 = arith.constant 0 : i32
    %c0_i32_1 = arith.constant 0 : i32
    return %c0_i32, %c0_i32_0 : i32, i32
  }
  func.func @transform_3(%arg0: i32) -> (i32, i32) {
    %c0_i32 = arith.constant 0 : i32
    %c0_i32_0 = arith.constant 0 : i32
    return %arg0, %c0_i32 : i32, i32
  }
}

module attributes {stable_mosaic.version = 14 : i64} {
  func.func @body(%arg0: i32, %arg1: memref<2x5000x128xf32, #tpu.memory_space<vmem>>, %arg2: memref<5000x128xf32, #tpu.memory_space<vmem>>, %arg3: memref<128x128xf32, #tpu.memory_space<vmem>>, %arg4: memref<1x128xf32, #tpu.memory_space<vmem>>, %arg5: memref<128x128xf32, #tpu.memory_space<vmem>>, %arg6: memref<1x128xf32, #tpu.memory_space<vmem>>, %arg7: memref<1x128xf32, #tpu.memory_space<vmem>>, %arg8: memref<128x64xf32, #tpu.memory_space<vmem>>, %arg9: memref<1x64xf32, #tpu.memory_space<vmem>>, %arg10: memref<1x64xf32, #tpu.memory_space<vmem>>, %arg11: memref<1x64xf32, #tpu.memory_space<vmem>>, %arg12: memref<64x40xf32, #tpu.memory_space<vmem>>, %arg13: memref<1x40xf32, #tpu.memory_space<vmem>>, %arg14: memref<5000x40xf32, #tpu.memory_space<vmem>>, %arg15: memref<5000x128xf32, #tpu.memory_space<vmem>>) attributes {dimension_semantics = [#tpu.dimension_semantics<arbitrary>], iteration_bounds = array<i64: 2>, scalar_prefetch = 0 : i64, scratch_operands = 0 : i64, tpu.core_type = #tpu.core_type<tc>, window_params = [{transform_indices = @transform_0, window_bounds = array<i64: 2, 5000, 128>}, {transform_indices = @transform_1, window_bounds = array<i64: 5000, 128>}, {pipeline_mode = #tpu.pipeline_mode<synchronous>, transform_indices = @transform_2, window_bounds = array<i64: 128, 128>}, {pipeline_mode = #tpu.pipeline_mode<synchronous>, transform_indices = @transform_3, window_bounds = array<i64: 1, 128>}, {pipeline_mode = #tpu.pipeline_mode<synchronous>, transform_indices = @transform_4, window_bounds = array<i64: 128, 128>}, {pipeline_mode = #tpu.pipeline_mode<synchronous>, transform_indices = @transform_5, window_bounds = array<i64: 1, 128>}, {pipeline_mode = #tpu.pipeline_mode<synchronous>, transform_indices = @transform_6, window_bounds = array<i64: 1, 128>}, {pipeline_mode = #tpu.pipeline_mode<synchronous>, transform_indices = @transform_7, window_bounds = array<i64: 128, 64>}, {pipeline_mode = #tpu.pipeline_mode<synchronous>, transform_indices = @transform_8, window_bounds = array<i64: 1, 64>}, {pipeline_mode = #tpu.pipeline_mode<synchronous>, transform_indices = @transform_9, window_bounds = array<i64: 1, 64>}, {pipeline_mode = #tpu.pipeline_mode<synchronous>, transform_indices = @transform_10, window_bounds = array<i64: 1, 64>}, {pipeline_mode = #tpu.pipeline_mode<synchronous>, transform_indices = @transform_11, window_bounds = array<i64: 64, 40>}, {pipeline_mode = #tpu.pipeline_mode<synchronous>, transform_indices = @transform_12, window_bounds = array<i64: 1, 40>}, {transform_indices = @transform_13, window_bounds = array<i64: 5000, 40>}, {transform_indices = @transform_14, window_bounds = array<i64: 5000, 128>}]} {
    %get3A = arith.constant 0 : index
    %get3A_0 = arith.constant 0 : index
    %get3A_1 = arith.constant 0 : index
    %get3A_2 = vector.load %arg1[%get3A, %get3A_0, %get3A_1] : memref<2x5000x128xf32, #tpu.memory_space<vmem>>, vector<1x5000x128xf32>
    %get3A_3 = vector.shape_cast %get3A_2 : vector<1x5000x128xf32> to vector<5000x128xf32>
    %get3A_4 = arith.constant 1 : index
    %get3A_5 = arith.constant 0 : index
    %get3A_6 = arith.constant 0 : index
    %get3A_7 = vector.load %arg1[%get3A_4, %get3A_5, %get3A_6] : memref<2x5000x128xf32, #tpu.memory_space<vmem>>, vector<1x5000x128xf32>
    %get3A_8 = vector.shape_cast %get3A_7 : vector<1x5000x128xf32> to vector<5000x128xf32>
    %add3A = arith.addf %get3A_3, %get3A_8 : vector<5000x128xf32>
    %get3A_9 = arith.constant 0 : index
    %get3A_10 = arith.constant 0 : index
    %get3A_11 = vector.load %arg2[%get3A_9, %get3A_10] : memref<5000x128xf32, #tpu.memory_space<vmem>>, vector<5000x128xf32>
    %convert_element_type3A = arith.truncf %add3A : vector<5000x128xf32> to vector<5000x128xbf16>
    %get3A_12 = arith.constant 0 : index
    %get3A_13 = arith.constant 0 : index
    %get3A_14 = vector.load %arg3[%get3A_12, %get3A_13] : memref<128x128xf32, #tpu.memory_space<vmem>>, vector<128x128xf32>
    %convert_element_type3A_15 = arith.truncf %get3A_14 : vector<128x128xf32> to vector<128x128xbf16>
    %dot_general3A = arith.constant dense<0.000000e+00> : vector<5000x128xf32>
    %dot_general3A_16 = tpu.matmul %convert_element_type3A, %convert_element_type3A_15, %dot_general3A {dimension_numbers = #tpu.dot_dimension_numbers<[1], [0], [0], [1], [0, 0, 1, 1], [], []>, transpose_lhs_hint = false} : vector<5000x128xbf16>, vector<128x128xbf16>, vector<5000x128xf32> -> vector<5000x128xf32>
    %convert_element_type3A_17 = arith.truncf %get3A_11 : vector<5000x128xf32> to vector<5000x128xbf16>
    %get3A_18 = arith.constant 0 : index
    %get3A_19 = arith.constant 0 : index
    %get3A_20 = vector.load %arg5[%get3A_18, %get3A_19] : memref<128x128xf32, #tpu.memory_space<vmem>>, vector<128x128xf32>
    %convert_element_type3A_21 = arith.truncf %get3A_20 : vector<128x128xf32> to vector<128x128xbf16>
    %dot_general3A_22 = arith.constant dense<0.000000e+00> : vector<5000x128xf32>
    %dot_general3A_23 = tpu.matmul %convert_element_type3A_17, %convert_element_type3A_21, %dot_general3A_22 {dimension_numbers = #tpu.dot_dimension_numbers<[1], [0], [0], [1], [0, 0, 1, 1], [], []>, transpose_lhs_hint = false} : vector<5000x128xbf16>, vector<128x128xbf16>, vector<5000x128xf32> -> vector<5000x128xf32>
    %add3A_24 = arith.addf %dot_general3A_16, %dot_general3A_23 : vector<5000x128xf32>
    %get3A_25 = arith.constant 0 : index
    %get3A_26 = arith.constant 0 : index
    %get3A_27 = vector.load %arg4[%get3A_25, %get3A_26] : memref<1x128xf32, #tpu.memory_space<vmem>>, vector<1x128xf32>
    %add3A_28 = vector.broadcast %get3A_27 : vector<1x128xf32> to vector<5000x128xf32>
    %add3A_29 = arith.addf %add3A_24, %add3A_28 : vector<5000x128xf32>
    %max3A = arith.constant 0.000000e+00 : f32
    %max3A_30 = vector.broadcast %max3A : f32 to vector<5000x128xf32>
    %max3A_31 = arith.maximumf %add3A_29, %max3A_30 : vector<5000x128xf32>
    %reduce_sum3A = arith.constant dense<0.000000e+00> : vector<5000xf32>
    %reduce_sum3A_32 = vector.multi_reduction <add>, %max3A_31, %reduce_sum3A [1] : vector<5000x128xf32> to vector<5000xf32>
    %broadcast_in_dim3A = vector.shape_cast %reduce_sum3A_32 : vector<5000xf32> to vector<5000x1xf32>
    %div3A = arith.constant 1.280000e+02 : f32
    %div3A_33 = vector.broadcast %div3A : f32 to vector<5000x1xf32>
    %div3A_34 = arith.divf %broadcast_in_dim3A, %div3A_33 : vector<5000x1xf32>
    %sub3A = vector.broadcast %div3A_34 : vector<5000x1xf32> to vector<5000x128xf32>
    %sub3A_35 = arith.subf %max3A_31, %sub3A : vector<5000x128xf32>
    %integer_pow3A = arith.mulf %sub3A_35, %sub3A_35 : vector<5000x128xf32>
    %reduce_sum3A_36 = arith.constant dense<0.000000e+00> : vector<5000xf32>
    %reduce_sum3A_37 = vector.multi_reduction <add>, %integer_pow3A, %reduce_sum3A_36 [1] : vector<5000x128xf32> to vector<5000xf32>
    %broadcast_in_dim3A_38 = vector.shape_cast %reduce_sum3A_37 : vector<5000xf32> to vector<5000x1xf32>
    %div3A_39 = arith.constant 1.280000e+02 : f32
    %div3A_40 = vector.broadcast %div3A_39 : f32 to vector<5000x1xf32>
    %div3A_41 = arith.divf %broadcast_in_dim3A_38, %div3A_40 : vector<5000x1xf32>
    %sub3A_42 = vector.broadcast %div3A_34 : vector<5000x1xf32> to vector<5000x128xf32>
    %sub3A_43 = arith.subf %max3A_31, %sub3A_42 : vector<5000x128xf32>
    %add3A_44 = arith.constant 9.99999974E-6 : f32
    %add3A_45 = vector.broadcast %add3A_44 : f32 to vector<5000x1xf32>
    %add3A_46 = arith.addf %div3A_41, %add3A_45 : vector<5000x1xf32>
    %rsqrt3A = math.rsqrt %add3A_46 : vector<5000x1xf32>
    %mul3A = vector.broadcast %rsqrt3A : vector<5000x1xf32> to vector<5000x128xf32>
    %mul3A_47 = arith.mulf %sub3A_43, %mul3A : vector<5000x128xf32>
    %get3A_48 = arith.constant 0 : index
    %get3A_49 = arith.constant 0 : index
    %get3A_50 = vector.load %arg6[%get3A_48, %get3A_49] : memref<1x128xf32, #tpu.memory_space<vmem>>, vector<1x128xf32>
    %mul3A_51 = vector.broadcast %get3A_50 : vector<1x128xf32> to vector<5000x128xf32>
    %mul3A_52 = arith.mulf %mul3A_47, %mul3A_51 : vector<5000x128xf32>
    %get3A_53 = arith.constant 0 : index
    %get3A_54 = arith.constant 0 : index
    %get3A_55 = vector.load %arg7[%get3A_53, %get3A_54] : memref<1x128xf32, #tpu.memory_space<vmem>>, vector<1x128xf32>
    %add3A_56 = vector.broadcast %get3A_55 : vector<1x128xf32> to vector<5000x128xf32>
    %add3A_57 = arith.addf %mul3A_52, %add3A_56 : vector<5000x128xf32>
    %swap3A = arith.constant 0 : index
    %swap3A_58 = arith.constant 0 : index
    %swap3A_59 = vector.load %arg15[%swap3A, %swap3A_58] : memref<5000x128xf32, #tpu.memory_space<vmem>>, vector<5000x128xf32>
    tpu.vector_store %arg15[%swap3A, %swap3A_58], %add3A_57 {strides = array<i32>} : memref<5000x128xf32, #tpu.memory_space<vmem>>, vector<5000x128xf32>,
    %convert_element_type3A_60 = arith.truncf %add3A_57 : vector<5000x128xf32> to vector<5000x128xbf16>
    %get3A_61 = arith.constant 0 : index
    %get3A_62 = arith.constant 0 : index
    %get3A_63 = vector.load %arg8[%get3A_61, %get3A_62] : memref<128x64xf32, #tpu.memory_space<vmem>>, vector<128x64xf32>
    %convert_element_type3A_64 = arith.truncf %get3A_63 : vector<128x64xf32> to vector<128x64xbf16>
    %dot_general3A_65 = arith.constant dense<0.000000e+00> : vector<5000x64xf32>
    %dot_general3A_66 = tpu.matmul %convert_element_type3A_60, %convert_element_type3A_64, %dot_general3A_65 {dimension_numbers = #tpu.dot_dimension_numbers<[1], [0], [0], [1], [0, 0, 1, 1], [], []>, transpose_lhs_hint = false} : vector<5000x128xbf16>, vector<128x64xbf16>, vector<5000x64xf32> -> vector<5000x64xf32>
    %get3A_67 = arith.constant 0 : index
    %get3A_68 = arith.constant 0 : index
    %get3A_69 = vector.load %arg9[%get3A_67, %get3A_68] : memref<1x64xf32, #tpu.memory_space<vmem>>, vector<1x64xf32>
    %add3A_70 = vector.broadcast %get3A_69 : vector<1x64xf32> to vector<5000x64xf32>
    %add3A_71 = arith.addf %dot_general3A_66, %add3A_70 : vector<5000x64xf32>
    %max3A_72 = arith.constant 0.000000e+00 : f32
    %max3A_73 = vector.broadcast %max3A_72 : f32 to vector<5000x64xf32>
    %max3A_74 = arith.maximumf %add3A_71, %max3A_73 : vector<5000x64xf32>
    %reduce_sum3A_75 = arith.constant dense<0.000000e+00> : vector<5000xf32>
    %reduce_sum3A_76 = vector.multi_reduction <add>, %max3A_74, %reduce_sum3A_75 [1] : vector<5000x64xf32> to vector<5000xf32>
    %broadcast_in_dim3A_77 = vector.shape_cast %reduce_sum3A_76 : vector<5000xf32> to vector<5000x1xf32>
    %div3A_78 = arith.constant 6.400000e+01 : f32
    %div3A_79 = vector.broadcast %div3A_78 : f32 to vector<5000x1xf32>
    %div3A_80 = arith.divf %broadcast_in_dim3A_77, %div3A_79 : vector<5000x1xf32>
    %sub3A_81 = vector.broadcast %div3A_80 : vector<5000x1xf32> to vector<5000x64xf32>
    %sub3A_82 = arith.subf %max3A_74, %sub3A_81 : vector<5000x64xf32>
    %integer_pow3A_83 = arith.mulf %sub3A_82, %sub3A_82 : vector<5000x64xf32>
    %reduce_sum3A_84 = arith.constant dense<0.000000e+00> : vector<5000xf32>
    %reduce_sum3A_85 = vector.multi_reduction <add>, %integer_pow3A_83, %reduce_sum3A_84 [1] : vector<5000x64xf32> to vector<5000xf32>
    %broadcast_in_dim3A_86 = vector.shape_cast %reduce_sum3A_85 : vector<5000xf32> to vector<5000x1xf32>
    %div3A_87 = arith.constant 6.400000e+01 : f32
    %div3A_88 = vector.broadcast %div3A_87 : f32 to vector<5000x1xf32>
    %div3A_89 = arith.divf %broadcast_in_dim3A_86, %div3A_88 : vector<5000x1xf32>
    %sub3A_90 = vector.broadcast %div3A_80 : vector<5000x1xf32> to vector<5000x64xf32>
    %sub3A_91 = arith.subf %max3A_74, %sub3A_90 : vector<5000x64xf32>
    %add3A_92 = arith.constant 9.99999974E-6 : f32
    %add3A_93 = vector.broadcast %add3A_92 : f32 to vector<5000x1xf32>
    %add3A_94 = arith.addf %div3A_89, %add3A_93 : vector<5000x1xf32>
    %rsqrt3A_95 = math.rsqrt %add3A_94 : vector<5000x1xf32>
    %mul3A_96 = vector.broadcast %rsqrt3A_95 : vector<5000x1xf32> to vector<5000x64xf32>
    %mul3A_97 = arith.mulf %sub3A_91, %mul3A_96 : vector<5000x64xf32>
    %get3A_98 = arith.constant 0 : index
    %get3A_99 = arith.constant 0 : index
    %get3A_100 = vector.load %arg10[%get3A_98, %get3A_99] : memref<1x64xf32, #tpu.memory_space<vmem>>, vector<1x64xf32>
    %mul3A_101 = vector.broadcast %get3A_100 : vector<1x64xf32> to vector<5000x64xf32>
    %mul3A_102 = arith.mulf %mul3A_97, %mul3A_101 : vector<5000x64xf32>
    %get3A_103 = arith.constant 0 : index
    %get3A_104 = arith.constant 0 : index
    %get3A_105 = vector.load %arg11[%get3A_103, %get3A_104] : memref<1x64xf32, #tpu.memory_space<vmem>>, vector<1x64xf32>
    %add3A_106 = vector.broadcast %get3A_105 : vector<1x64xf32> to vector<5000x64xf32>
    %add3A_107 = arith.addf %mul3A_102, %add3A_106 : vector<5000x64xf32>
    %convert_element_type3A_108 = arith.truncf %add3A_107 : vector<5000x64xf32> to vector<5000x64xbf16>
    %get3A_109 = arith.constant 0 : index
    %get3A_110 = arith.constant 0 : index
    %get3A_111 = vector.load %arg12[%get3A_109, %get3A_110] : memref<64x40xf32, #tpu.memory_space<vmem>>, vector<64x40xf32>
    %convert_element_type3A_112 = arith.truncf %get3A_111 : vector<64x40xf32> to vector<64x40xbf16>
    %dot_general3A_113 = arith.constant dense<0.000000e+00> : vector<5000x40xf32>
    %dot_general3A_114 = tpu.matmul %convert_element_type3A_108, %convert_element_type3A_112, %dot_general3A_113 {dimension_numbers = #tpu.dot_dimension_numbers<[1], [0], [0], [1], [0, 0, 1, 1], [], []>, transpose_lhs_hint = false} : vector<5000x64xbf16>, vector<64x40xbf16>, vector<5000x40xf32> -> vector<5000x40xf32>
    %get3A_115 = arith.constant 0 : index
    %get3A_116 = arith.constant 0 : index
    %get3A_117 = vector.load %arg13[%get3A_115, %get3A_116] : memref<1x40xf32, #tpu.memory_space<vmem>>, vector<1x40xf32>
    %add3A_118 = vector.broadcast %get3A_117 : vector<1x40xf32> to vector<5000x40xf32>
    %add3A_119 = arith.addf %dot_general3A_114, %add3A_118 : vector<5000x40xf32>
    %reduce_max3A = arith.constant dense<0xFF800000> : vector<5000xf32>
    %reduce_max3A_120 = vector.multi_reduction <maximumf>, %add3A_119, %reduce_max3A [1] : vector<5000x40xf32> to vector<5000xf32>
    %broadcast_in_dim3A_121 = vector.shape_cast %reduce_max3A_120 : vector<5000xf32> to vector<5000x1xf32>
    %sub3A_122 = vector.broadcast %broadcast_in_dim3A_121 : vector<5000x1xf32> to vector<5000x40xf32>
    %sub3A_123 = arith.subf %add3A_119, %sub3A_122 : vector<5000x40xf32>
    %exp3A = math.exp %sub3A_123 : vector<5000x40xf32>
    %sub3A_124 = vector.broadcast %broadcast_in_dim3A_121 : vector<5000x1xf32> to vector<5000x40xf32>
    %sub3A_125 = arith.subf %add3A_119, %sub3A_124 : vector<5000x40xf32>
    %reduce_sum3A_126 = arith.constant dense<0.000000e+00> : vector<5000xf32>
    %reduce_sum3A_127 = vector.multi_reduction <add>, %exp3A, %reduce_sum3A_126 [1] : vector<5000x40xf32> to vector<5000xf32>
    %broadcast_in_dim3A_128 = vector.shape_cast %reduce_sum3A_127 : vector<5000xf32> to vector<5000x1xf32>
    %log3A = math.log %broadcast_in_dim3A_128 : vector<5000x1xf32>
    %sub3A_129 = vector.broadcast %log3A : vector<5000x1xf32> to vector<5000x40xf32>
    %sub3A_130 = arith.subf %sub3A_125, %sub3A_129 : vector<5000x40xf32>
    %swap3A_131 = arith.constant 0 : index
    %swap3A_132 = arith.constant 0 : index
    %swap3A_133 = vector.load %arg14[%swap3A_131, %swap3A_132] : memref<5000x40xf32, #tpu.memory_space<vmem>>, vector<5000x40xf32>
    tpu.vector_store %arg14[%swap3A_131, %swap3A_132], %sub3A_130 {strides = array<i32>} : memref<5000x40xf32, #tpu.memory_space<vmem>>, vector<5000x40xf32>,
    return
  }
  func.func @transform_0(%arg0: i32) -> (i32, i32, i32) {
    %c0_i32 = arith.constant 0 : i32
    %c0_i32_0 = arith.constant 0 : i32
    %c0_i32_1 = arith.constant 0 : i32
    return %c0_i32, %arg0, %c0_i32_0 : i32, i32, i32
  }
  func.func @transform_1(%arg0: i32) -> (i32, i32) {
    %c0_i32 = arith.constant 0 : i32
    %c0_i32_0 = arith.constant 0 : i32
    return %arg0, %c0_i32 : i32, i32
  }
  func.func @transform_2(%arg0: i32) -> (i32, i32) {
    %c0_i32 = arith.constant 0 : i32
    %c0_i32_0 = arith.constant 0 : i32
    %c0_i32_1 = arith.constant 0 : i32
    return %c0_i32, %c0_i32_0 : i32, i32
  }
  func.func @transform_3(%arg0: i32) -> (i32, i32) {
    %c0_i32 = arith.constant 0 : i32
    %c0_i32_0 = arith.constant 0 : i32
    %c0_i32_1 = arith.constant 0 : i32
    return %c0_i32, %c0_i32_0 : i32, i32
  }
  func.func @transform_4(%arg0: i32) -> (i32, i32) {
    %c0_i32 = arith.constant 0 : i32
    %c0_i32_0 = arith.constant 0 : i32
    %c0_i32_1 = arith.constant 0 : i32
    return %c0_i32, %c0_i32_0 : i32, i32
  }
  func.func @transform_5(%arg0: i32) -> (i32, i32) {
    %c0_i32 = arith.constant 0 : i32
    %c0_i32_0 = arith.constant 0 : i32
    %c0_i32_1 = arith.constant 0 : i32
    return %c0_i32, %c0_i32_0 : i32, i32
  }
  func.func @transform_6(%arg0: i32) -> (i32, i32) {
    %c0_i32 = arith.constant 0 : i32
    %c0_i32_0 = arith.constant 0 : i32
    %c0_i32_1 = arith.constant 0 : i32
    return %c0_i32, %c0_i32_0 : i32, i32
  }
  func.func @transform_7(%arg0: i32) -> (i32, i32) {
    %c0_i32 = arith.constant 0 : i32
    %c0_i32_0 = arith.constant 0 : i32
    %c0_i32_1 = arith.constant 0 : i32
    return %c0_i32, %c0_i32_0 : i32, i32
  }
  func.func @transform_8(%arg0: i32) -> (i32, i32) {
    %c0_i32 = arith.constant 0 : i32
    %c0_i32_0 = arith.constant 0 : i32
    %c0_i32_1 = arith.constant 0 : i32
    return %c0_i32, %c0_i32_0 : i32, i32
  }
  func.func @transform_9(%arg0: i32) -> (i32, i32) {
    %c0_i32 = arith.constant 0 : i32
    %c0_i32_0 = arith.constant 0 : i32
    %c0_i32_1 = arith.constant 0 : i32
    return %c0_i32, %c0_i32_0 : i32, i32
  }
  func.func @transform_10(%arg0: i32) -> (i32, i32) {
    %c0_i32 = arith.constant 0 : i32
    %c0_i32_0 = arith.constant 0 : i32
    %c0_i32_1 = arith.constant 0 : i32
    return %c0_i32, %c0_i32_0 : i32, i32
  }
  func.func @transform_11(%arg0: i32) -> (i32, i32) {
    %c0_i32 = arith.constant 0 : i32
    %c0_i32_0 = arith.constant 0 : i32
    %c0_i32_1 = arith.constant 0 : i32
    return %c0_i32, %c0_i32_0 : i32, i32
  }
  func.func @transform_12(%arg0: i32) -> (i32, i32) {
    %c0_i32 = arith.constant 0 : i32
    %c0_i32_0 = arith.constant 0 : i32
    %c0_i32_1 = arith.constant 0 : i32
    return %c0_i32, %c0_i32_0 : i32, i32
  }
  func.func @transform_13(%arg0: i32) -> (i32, i32) {
    %c0_i32 = arith.constant 0 : i32
    %c0_i32_0 = arith.constant 0 : i32
    return %arg0, %c0_i32 : i32, i32
  }
  func.func @transform_14(%arg0: i32) -> (i32, i32) {
    %c0_i32 = arith.constant 0 : i32
    %c0_i32_0 = arith.constant 0 : i32
    return %arg0, %c0_i32 : i32, i32
  }
}

</mosaic_0001>

<sc_bundles>
// kernel: kernel.12.cloned.1.call-start
scs
__scs_entry_jumppad:
0x0: {  	(pc) =	sbr.rel $0x88, $3  }
0x1: {  	(tag) =	ssettag $0x0;
	lr =	simm.s32 $0x1  }
0x2: {  	[smem:$0x3F88] =	sst lr;
	_ =	strace $0xD0000000  }
0x3: {  	_ = 	snop  }
0x4: {  	_ = 	snop  }
0x5: {  	_ = 	snop  }
0x6: {  	_ = 	snop  }
0x7: {  	_ = 	snop  }
__scs_overlays_trampoline_lowered:
0x8: {  	[smem:$0x3F97] =	sst s0  }
0x9: {  	[smem:$0x3F98] =	sst s1  }
0xa: {  	[smem:$0x3F99] =	sst s2  }
0xb: {  	[smem:$0x3F9A] =	sst s3  }
0xc: {  	[smem:$0x3F9B] =	sst s4  }
0xd: {  	[smem:$0x3F9C] =	sst s5  }
0xe: {  	[smem:$0x3F9D] =	sst s6  }
0xf: {  	[smem:$0x3F9E] =	sst s7  }
0x10: {  	[smem:$0x3F9F] =	sst s8  }
0x11: {  	[smem:$0x3FA0] =	sst s9;
	s0 =	simm.s32 @!p0 $0x0  }
0x12: {  	s1 =	sld [smem:$0x3F86];
	s0 =	simm.s32 @p0 $0x1  }
0x13: {  	[smem:$0x3FA1] =	sst s0;
	s0 =	simm.s32 @!p1 $0x0  }
0x14: {  	s2 =	sld [smem:$0x3F85];
	s0 =	simm.s32 @p1 $0x1  }
0x15: {  	[smem:$0x3FA2] =	sst s0;
	s0 =	simm.s32 @!p2 $0x0  }
0x16: {  	s3 =	sld [smem:$0x3FDB];
	s0 =	simm.s32 @p2 $0x1  }
0x17: {  	s4 =	simm.s32 $0x1BF5;
	[smem:$0x3FA4] =	sst s0  }
0x18: {  	s0 =	sld [smem:$0x3F87];
	_ =	swait.ge [sflag:s4], $0x0  }
0x19: {  	s7 =	sld [smem:$0x3F88]  }
0x1a: {  	s8 =	sadd.s32 $0xFFFFE003, lr  }
0x1b: {  	s9 =	sadd.s32 $0xFFFFFEF7, lr;
	s5 =	simm.s32 $0xFFFFFFFF;
	p2 =	slt.u32 s8, $0xFFFFF086  }
0x1c: {  	p1 =	slt.u32 s9, $0xF7A;
	s5 =	simm.s32 @!p2 $0x0  }
0x1d: {  	s5 =	simm.s32 @p1 $0x1;
	p0 =	seq.s32 s7, s2  }
0x1e: {  	s7 =	smul.u32 @!p0 $0xF7A, s2;
	p2 =	seq.s32 @!p0 s5, $0x0  }
0x1f: {  	s9 =	smul.u32 $0xF7A, s1;
	s8 =	simm.s32 @!p0 $0x1BF5;
	p2 =	por !p2, p0  }
0x20: {  	[sflag:s8] =	ssyncset.s32 @!p0 $0xFFFFF086;
	s6 =	sadd.s32 @!p0 s3, s7;
	s7 =	simm.s32 @!p0 $0x108  }
0x21: {  	s3 =	sadd.s32 s3, s9;
	s6 =	sadd.s32 @!p0 $0x88, s6;
	s7 =	simm.s32 @p2 $0x1082  }
0x22: {  	[simem:s7], [sflag:s8] =	dma.local @!p0 [hbm:s6], $0xF7A  }
0x23: {  	s9 =	sor.u32 $0xD0000000, s2;
	s6 =	simm.s32 $0x108;
	_ =	swait.ge @!p0 [sflag:s8], $0x0  }
0x24: {  	s3 =	sadd.s32 $0x88, s3;
	s6 =	simm.s32 @!p1 $0x1082;
	[sflag:s4] =	ssyncset.s32 $0xFFFFF086  }
0x25: {  	[simem:s6], [sflag:s4] =	dma.local [hbm:s3], $0xF7A  }
0x26: {  	[smem:$0x3F88] =	sst s1;
	(tag) =	ssettag s2;
	_ =	strace s9  }
0x27: {  	s1 =	sld [smem:$0x3F98]  }
0x28: {  	s2 =	sld [smem:$0x3F99]  }
0x29: {  	s4 =	sld [smem:$0x3F9B]  }
0x2a: {  	p0 =	seq.s32 s5, $0x0;
	s5 =	sld [smem:$0x3F9C]  }
0x2b: {  	s6 =	sld [smem:$0x3F9D]  }
0x2c: {  	s7 =	sld [smem:$0x3F9E]  }
0x2d: {  	s3 =	simm.s32 $0x108;
	s8 =	sld [smem:$0x3F9F]  }
0x2e: {  	s3 =	simm.s32 @!p0 $0x1082;
	s9 =	sld [smem:$0x3FA0]  }
0x2f: {  	lr =	sadd.s32 s0, s3;
	s0 =	sld [smem:$0x3F97]  }
0x30: {  	s3 =	sld [smem:$0x3F9A]  }
0x31: {  	[smem:$0x3FA3] =	sst s10  }
0x32: {  	s10 =	sld [smem:$0x3FA1];
	_ =	sdelay $0x3  }
0x33: {  	p0 =	seq.s32 s10, $0x1;
	s10 =	sld [smem:$0x3FA3];
	_ =	sdelay $0x3  }
0x34: {  	[smem:$0x3FA3] =	sst s10  }
0x35: {  	s10 =	sld [smem:$0x3FA2];
	_ =	sdelay $0x3  }
0x36: {  	p1 =	seq.s32 s10, $0x1;
	s10 =	sld [smem:$0x3FA3];
	_ =	sdelay $0x3  }
0x37: {  	[smem:$0x3FA3] =	sst s10  }
0x38: {  	s10 =	sld [smem:$0x3FA4]  }
0x39: {  	_ = 	snop;
	(pc) =	sbr.ind lr, $3  }
0x3a: {  	_ = 	snop  }
0x3b: {  	_ = 	snop  }
0x3c: {  	p2 =	seq.s32 s10, $0x1;
	s10 =	sld [smem:$0x3FA3]  }
0x3d: {  	_ =	shalt  }
0x3e: {  	_ =	shalt  }
0x3f: {  	_ =	shalt  }
0x40: {  	_ =	shalt  }
0x41: {  	_ =	shalt  }
0x42: {  	_ =	shalt  }
0x43: {  	_ =	shalt  }
0x44: {  	_ =	shalt  }
0x45: {  	_ =	shalt  }
0x46: {  	_ =	shalt  }
0x47: {  	_ =	shalt  }
0x48: {  	_ =	shalt  }
0x49: {  	_ =	shalt  }
0x4a: {  	_ =	shalt  }
0x4b: {  	_ =	shalt  }
0x4c: {  	_ =	shalt  }
0x4d: {  	_ =	shalt  }
0x4e: {  	_ =	shalt  }
0x4f: {  	_ =	shalt  }
0x50: {  	_ =	shalt  }
0x51: {  	_ =	shalt  }
0x52: {  	_ =	shalt  }
0x53: {  	_ =	shalt  }
0x54: {  	_ =	shalt  }
0x55: {  	_ =	shalt  }
0x56: {  	_ =	shalt  }
0x57: {  	_ =	shalt  }
0x58: {  	_ =	shalt  }
0x59: {  	_ =	shalt  }
0x5a: {  	_ =	shalt  }
0x5b: {  	_ =	shalt  }
0x5c: {  	_ =	shalt  }
0x5d: {  	_ =	shalt  }
0x5e: {  	_ =	shalt  }
0x5f: {  	_ =	shalt  }
0x60: {  	_ =	shalt  }
0x61: {  	_ =	shalt  }
0x62: {  	_ =	shalt  }
0x63: {  	_ =	shalt  }
0x64: {  	_ =	shalt  }
0x65: {  	_ =	shalt  }
0x66: {  	_ =	shalt  }
0x67: {  	_ =	shalt  }
0x68: {  	_ =	shalt  }
0x69: {  	_ =	shalt  }
0x6a: {  	_ =	shalt  }
0x6b: {  	_ =	shalt  }
0x6c: {  	_ =	shalt  }
0x6d: {  	_ =	shalt  }
0x6e: {  	_ =	shalt  }
0x6f: {  	_ =	shalt  }
0x70: {  	_ =	shalt  }
0x71: {  	_ =	shalt  }
0x72: {  	_ =	shalt  }
0x73: {  	_ =	shalt  }
0x74: {  	_ =	shalt  }
0x75: {  	_ =	shalt  }
0x76: {  	_ =	shalt  }
0x77: {  	_ =	shalt  }
0x78: {  	_ =	shalt  }
0x79: {  	_ =	shalt  }
0x7a: {  	_ =	shalt  }
0x7b: {  	_ =	shalt  }
0x7c: {  	_ =	shalt  }
0x7d: {  	_ =	shalt  }
0x7e: {  	_ =	shalt  }
0x7f: {  	_ =	shalt  }
0x80: {  	_ =	shalt  }
0x81: {  	_ =	shalt  }
0x82: {  	_ =	shalt  }
0x83: {  	_ =	shalt  }
0x84: {  	_ =	shalt  }
0x85: {  	_ =	shalt  }
0x86: {  	_ =	shalt  }
0x87: {  	_ =	shalt  }
.Lfunc_end0:
.L_simem_size_0:
called_computation.1_lowered:
.L_overlay_start_0:
0x88: {  	s2 =	sld [smem:$0x3FD9]  }
0x89: {  	s3 =	sld [smem:$0x3FFE];
	_ =	sdelay $0x1  }
0x8a: {  	s1 =	srdreg.scid  }
0x8b: {  	s0 =	sand.u32 $0x1, s1  }
0x8c: {  	s14 =	sshll.u32 s0, $0xA;
	s2 =	sadd.s32 s3, s2  }
0x8d: {  	s2 =	sadd.s32 s2, s14  }
0x8e: {  	[smem:$0x3FAF] =	sst s2  }
0x8f: {  	_ = 	snop  }
0x90: {  	s2 =	sld [smem:$0x3FD0];
	_ =	sdelay $0x2  }
0x91: {  	s15 =	simm.s32 $0xA;
	s4 =	simm.s32 $0x10  }
0x92: {  	[smem:s4], [sflag:s15] =	dma.local [hbm:s2], $0x1  }
0x93: {  	_ =	swait.eq [sflag:s15], $0x1  }
0x94: {  	[sflag:s15] =	ssyncset.done $0x0  }
0x95: {  	s16 =	sld [smem:$0x10];
	[sflag:s15] =	ssyncadd.s32 $0xFFFFFFFF  }
0x96: {  	s17 =	sld [smem:$0x11];
	(tm) =	ssettm $0x1  }
0x97: {  	s18 =	sld [smem:$0x3FFB];
	_ =	sdelay $0x3  }
0x98: {  	_ =	strace s18  }
0x99: {  	s4 =	sld [smem:$0x3FFC];
	_ =	sdelay $0x3  }
0x9a: {  	_ =	strace s4  }
0x9b: {  	s4 =	sld [smem:$0x3FFD];
	_ =	sdelay $0x3  }
0x9c: {  	_ =	strace s4  }
0x9d: {  	_ =	strace $0x8FFFFFFF  }
0x9e: {  	s19 =	sld [smem:$0x3FDB];
	_ =	sdelay $0x1  }
0x9f: {  	s5 =	simm.s32 $_scs_section_size  }
0xa0: {  	s6 =	simm.s32 $_size__tile_overlayer_lowered;
	s7 =	simm.s32 $_tile_overlayer_lowered  }
0xa1: {  	s22 =	simm.s32 $0x1BFF;
	s21 =	sshll.u32 s7, $0x1;
	s4 =	sadd.s32 s5, s19  }
0xa2: {  	s8 =	simm.s32 $0x0;
	s20 =	sshll.u32 s6, $0x1;
	s6 =	sadd.s32 s21, s4  }
0xa3: {  	[timem:s8], [sflag:s22] =	dma.local [hbm:s6], s20  }
0xa4: {  	_ =	swait.ge [sflag:s22], s20  }
0xa5: {  	s5 =	ssub.s32 $0x0, s20;
	[sflag:s22] =	ssyncset.done $0x0  }
0xa6: {  	[sflag:s22] =	ssyncadd.s32 s5;
	_ =	sdelay $0x1  }
0xa7: {  	s23 =	simm.s32 $0x1B8B  }
0xa8: {  	_ =	swait.ge [sflag:s23], $0x1  }
0xa9: {  	[sflag:s23] =	ssyncset.done $0x0  }
0xaa: {  	s25 =	simm.s32 $0x1B8E;
	s24 =	sld [smem:$0x3FFE];
	[sflag:s23] =	ssyncadd.s32 $0xFFFFFFFF  }
0xab: {  	s26 =	simm.s32 $execute0_lowered;
	[smem:$0x3FD2] =	sst s25  }
0xac: {  	s6 =	sshll.u32 s26, $0x1;
	_ =	strace $0x80000049;
	[dreg:$0x1] =	wrdreg $0xFFFFFFFF  }
0xad: {  	s28 =	simm.s32 $_size_execute0_lowered;
	s4 =	sadd.s32 s4, s6;
	[dreg:$0x0] =	wrdreg $0x0  }
0xae: {  	s6 =	sshll.u32 s28, $0x1;
	[dreg:$0x2] =	wrdreg s4  }
0xaf: {  	[dreg:$0x3] =	wrdreg s6  }
0xb0: {  	[dreg:$0x4] =	wrdreg $0xC0  }
0xb1: {  	_ =	task [dreg:s8], $0x5FFFF  }
0xb2: {  	[dreg:$0x1] =	wrdreg $0xFFFFFFFF  }
0xb3: {  	[dreg:$0x0] =	wrdreg $0x60  }
0xb4: {  	[dreg:$0x2] =	wrdreg s17  }
0xb5: {  	[dreg:$0x3] =	wrdreg s24  }
0xb6: {  	[dreg:$0x4] =	wrdreg s16  }
0xb7: {  	[dreg:$0x5] =	wrdreg $0xA1800  }
0xb8: {  	[dreg:$0x6] =	wrdreg $0x9  }
0xb9: {  	_ =	task.clear_ibuf [dreg:s8], $0x7FFFF;
	_ =	strace $0x90000049  }
0xba: {  	s29 =	simm.s32 $0x9;
	_ =	strace $0x8000004B  }
0xbb: {  	_ =	swait.ge [sflag:s29], $0x1  }
0xbc: {  	[sflag:s29] =	ssyncadd.s32 $0xFFFFFFFF  }
0xbd: {  	_ =	strace $0x9000004B  }
0xbe: {  	_ =	sfence  }
0xbf: {  	s30 =	sld [smem:$0x0];
	_ =	sdelay $0x2  }
0xc0: {  	s31 =	sshll.u32 s1, $0xD;
	s1 =	sshrl.u32 s1, $0x2  }
0xc1: {  	s3 =	sand.u32 $0x4000, s31;
	s1 =	sadd.s32 s1, s30  }
0xc2: {  	s0 =	sor.u32 s3, s0;
	s1 =	sshll.u32 s1, $0x11  }
0xc3: {  	s0 =	sor.u32 s1, s0  }
0xc4: {  	s0 =	sadd.s32 $0x8F2B, s0  }
0xc5: {  	[sflag:s0] =	ssyncadd.remote.s32 $0x1  }
0xc6: {  	_ =	sfence.sel $0xFFFF  }
0xc7: {  	[dreg:$0x0] =	wrdreg $0xFFFFFFFF;
	(pc) =	sbr.abs _section_cstart, $3  }
0xc8: {  	[dreg:$0x1] =	wrdreg $0xFFFFFFFF  }
0xc9: {  	_ =	task.clear_ibuf [dreg:s8], $0x2FFFF;
	_ =	strace $0x9FFFFFFF  }
0xca: {  	(tm) =	ssettm $0x7FFFFFFF  }
0xcb: {  	_ =	shalt  }
tec
execute0_lowered:
.L_overlay_start_1:
0x0: {  	(tag) =	ssettag $0x1  }
0x1: {  	s1 =	rddreg [dreg:$0x0]  }
0x2: {  	s0 =	srdreg.scid;
	s2 =	rddreg [dreg:$0x1]  }
0x3: {  	s11 =	stileid.u32;
	s3 =	rddreg [dreg:$0x2]  }
0x4: {  	s28 =	simm.s32 $0x4;
	s29 =	simm.s32 $0x2980;
	s7 =	smul.u32 $0x4E000, s11  }
0x5: {  	s30 =	simm.s32 $0x5180;
	s31 =	simm.s32 $0x7980;
	s20 =	smul.u32 $0x13800, s11  }
0x6: {  	s0 =	sand.u32 $0x1, s0;
	s4 =	sshll.u32 s11, $0x1;
	s21 =	smul.u32 $0x4E20, s11  }
0x7: {  	p0 =	sne.s32 s11, $0xF;
	s11 =	simm.s32 $0x2;
	s17 =	smul.u32 $0x138800, s0  }
0x8: {  	s5 =	sor.u32 s0, s4;
	s9 =	ssub.s32 $0x2, s0;
	s0 =	smul.u32 $0x2710, s0  }
0x9: {  	s4 =	rddreg [dreg:$0x3];
	s6 =	smul.u32 $0x2710, s5;
	s7 =	sshrl.u32 s7, $0x2  }
0xa: {  	s5 =	simm.s32 $0x0;
	s10 =	sshrl.u32 s9, $0x1;
	s7 =	sadd.s32 s7, s4  }
0xb: {  	[smem:$0x7FF] =	sst s5;
	s9 =	ssub.s32 s9, s10;
	s12 =	sadd.s32 $0x2800, s7  }
0xc: {  	_ =	strace $0x8000004A;
	s13 =	sadd.s32 $0x5000, s7;
	[dreg:$0x6] =	wrdreg s12  }
0xd: {  	s10 =	sadd.s32 s20, s17;
	s14 =	sadd.s32 $0x7800, s7;
	[dreg:$0x7] =	wrdreg s13  }
0xe: {  	s0 =	sadd.s32 s0, s21;
	s15 =	sadd.s32 $0xA000, s7;
	[dreg:$0x8] =	wrdreg s14  }
0xf: {  	s6 =	sshrl.u32 s6, $0x3;
	s16 =	sadd.s32 $0xC800, s7;
	[dreg:$0x9] =	wrdreg s15  }
0x10: {  	s18 =	sadd.s32 $0xF000, s7;
	s19 =	sadd.s32 $0x11800, s7;
	[dreg:$0xa] =	wrdreg s16  }
0x11: {  	s10 =	sshrl.u32 s10, $0x3;
	s24 =	sadd.s32 $0x140, s0;
	[dreg:$0xb] =	wrdreg s18  }
0x12: {  	s8 =	sadd.s32 s6, s2;
	s2 =	sadd.s32 $0xE600, s2;
	[dreg:$0xc] =	wrdreg s19  }
0x13: {  	s15 =	sadd.s32 $0x138000, s4;
	s16 =	sadd.s32 s3, s6;
	s8 =	sadd.s32 $0x4800, s8  }
0x14: {  	s6 =	sadd.s32 $0x190, s0;
	s12 =	sadd.s32 $0xA, s16;
	[dreg:$0x5] =	wrdreg s8  }
0x15: {  	s26 =	sshrl.u32 s24, $0x3;
	s22 =	sadd.s32 $0x14, s16;
	[dreg:$0xd] =	wrdreg s12  }
0x16: {  	s23 =	sadd.s32 $0x4CE, s16;
	s10 =	sadd.s32 s2, s10;
	[dreg:$0xe] =	wrdreg s22  }
0x17: {  	s25 =	sshrl.u32 s6, $0x3;
	s24 =	sadd.s32 s26, s3;
	[dreg:$0xf] =	wrdreg s23  }
0x18: {  	s26 =	sadd.s32 $0x4D8, s16;
	s6 =	simm.s32 $0x2800;
	[dreg:$0x10] =	wrdreg s10  }
0x19: {  	s8 =	sshrl.u32 s17, $0x3;
	s22 =	smax.u32 s9, $0x1;
	s23 =	sadd.s32 s25, s3  }
0x1a: {  	s25 =	sadd.s32 $0xF0, s0;
	s0 =	simm.s32 $0x50;
	s9 =	simm.s32 $0x3  }
0x1b: {  	s10 =	simm.s32 $0x1;
	s12 =	simm.s32 $0x0;
	s2 =	sadd.s32 s2, s8  }
0x1c: {  	v0 =	vimm.f32 $0.0e+00;
	s8 =	simm.s32 $0x2880;
	s21 =	sadd.s32 $0x27000, s2;
	s2 =	simm.s32 $0x2780  }
.LBB2_1:
0x1d: {  	s13 =	rddreg [dreg:$0x5]  }
0x1e: {  	[tilespmem:s5], [sflag:$0x4] =	stream.linear.gather [hbm4b:s13+s5], $0x2710, $0x38;
	[tilespmem:$0x1DA00] =	vst v63  }
0x1f: {  	_ =	swait.ge [sflag:s28], $0x2710  }
0x20: {  	[sflag:s28] =	ssyncset.done $0x0  }
0x21: {  	s14 =	simm.s32 $0x200;
	s13 =	simm.s32 $0x0;
	[sflag:s28] =	ssyncadd.s32 $0xFFFFD8F0  }
.LBB2_2:
0x22: {  	p1 =	sne.s32 s14, $0x9E00;
	[tilespmem:s13+$0x79F0] =	vst v0  }
0x23: {  	[tilespmem:s13+$0x2980] =	vst v0  }
0x24: {  	[tilespmem:s13+$0x2990] =	vst v0  }
0x25: {  	[tilespmem:s13+$0x29A0] =	vst v0  }
0x26: {  	[tilespmem:s13+$0x29B0] =	vst v0  }
0x27: {  	[tilespmem:s13+$0x29C0] =	vst v0  }
0x28: {  	[tilespmem:s13+$0x29D0] =	vst v0  }
0x29: {  	[tilespmem:s13+$0x29E0] =	vst v0  }
0x2a: {  	[tilespmem:s13+$0x29F0] =	vst v0  }
0x2b: {  	[tilespmem:s13+$0x5180] =	vst v0  }
0x2c: {  	[tilespmem:s13+$0x5190] =	vst v0  }
0x2d: {  	[tilespmem:s13+$0x51A0] =	vst v0  }
0x2e: {  	[tilespmem:s13+$0x51B0] =	vst v0  }
0x2f: {  	[tilespmem:s13+$0x51C0] =	vst v0  }
0x30: {  	[tilespmem:s13+$0x51D0] =	vst v0  }
0x31: {  	[tilespmem:s13+$0x51E0] =	vst v0  }
0x32: {  	[tilespmem:s13+$0x51F0] =	vst v0  }
0x33: {  	[tilespmem:s13+$0x7980] =	vst v0  }
0x34: {  	[tilespmem:s13+$0x7990] =	vst v0  }
.Ltmp0:
0x35: {  	[tilespmem:s13+$0x79A0] =	vst v0;
	(pc) =	sbr.rel @p1 .LBB2_2-.Ltmp0, $4  }
0x36: {  	[tilespmem:s13+$0x79B0] =	vst v0  }
0x37: {  	[tilespmem:s13+$0x79C0] =	vst v0  }
0x38: {  	[tilespmem:s13+$0x79D0] =	vst v0  }
0x39: {  	[tilespmem:s13+$0x79E0] =	vst v0;
	s13 =	sshra.s32 s14, $0x2;
	s14 =	sadd.s32 $0x200, s14  }
0x3a: {  	[tilespmem:s13+$0x79F0] =	vst v0  }
0x3b: {  	[tilespmem:s13+$0x2980] =	vst v0  }
0x3c: {  	[tilespmem:s13+$0x2990] =	vst v0  }
0x3d: {  	[tilespmem:s13+$0x29A0] =	vst v0  }
0x3e: {  	[tilespmem:s13+$0x29B0] =	vst v0  }
0x3f: {  	[tilespmem:s13+$0x29C0] =	vst v0  }
0x40: {  	[tilespmem:s13+$0x29D0] =	vst v0  }
0x41: {  	[tilespmem:s13+$0x29E0] =	vst v0  }
0x42: {  	[tilespmem:s13+$0x29F0] =	vst v0  }
0x43: {  	[tilespmem:s13+$0x5180] =	vst v0  }
0x44: {  	[tilespmem:s13+$0x5190] =	vst v0  }
0x45: {  	[tilespmem:s13+$0x51A0] =	vst v0  }
0x46: {  	[tilespmem:s13+$0x51B0] =	vst v0  }
0x47: {  	[tilespmem:s13+$0x51C0] =	vst v0  }
0x48: {  	[tilespmem:s13+$0x51D0] =	vst v0  }
0x49: {  	[tilespmem:s13+$0x51E0] =	vst v0  }
0x4a: {  	[tilespmem:s13+$0x51F0] =	vst v0  }
0x4b: {  	[tilespmem:s13+$0x7980] =	vst v0  }
0x4c: {  	[tilespmem:s13+$0x7990] =	vst v0  }
0x4d: {  	[tilespmem:s13+$0x79A0] =	vst v0  }
0x4e: {  	[tilespmem:s13+$0x79B0] =	vst v0  }
0x4f: {  	[tilespmem:s13+$0x79C0] =	vst v0  }
0x50: {  	[tilespmem:s13+$0x79D0] =	vst v0  }
0x51: {  	[tilespmem:s13+$0x79E0] =	vst v0  }
0x52: {  	[spmem:s7] =	stream.linear.scatter [tilespmem:s29], [sflag:$0x4], $0x2800, $0x38;
	[tilespmem:$0x1DA00] =	vst v63  }
0x53: {  	_ =	swait.ge [sflag:s28], $0x2800  }
0x54: {  	[sflag:s28] =	ssyncset.done $0x0  }
0x55: {  	s17 =	rddreg [dreg:$0x6];
	[sflag:s28] =	ssyncadd.s32 $0xFFFFD800  }
0x56: {  	[spmem:s17] =	stream.linear.scatter [tilespmem:s30], [sflag:$0x4], $0x2800, $0x38;
	[tilespmem:$0x1DA00] =	vst v63  }
0x57: {  	_ =	swait.ge [sflag:s28], $0x2800  }
0x58: {  	[sflag:s28] =	ssyncset.done $0x0  }
0x59: {  	s18 =	rddreg [dreg:$0x7];
	[sflag:s28] =	ssyncadd.s32 $0xFFFFD800  }
0x5a: {  	[spmem:s18] =	stream.linear.scatter [tilespmem:s31], [sflag:$0x4], $0x2800, $0x38;
	[tilespmem:$0x1DA00] =	vst v63  }
0x5b: {  	_ =	swait.ge [sflag:s28], $0x2800  }
0x5c: {  	[sflag:s28] =	ssyncset.done $0x0  }
0x5d: {  	s19 =	rddreg [dreg:$0x8];
	[sflag:s28] =	ssyncadd.s32 $0xFFFFD800  }
0x5e: {  	[spmem:s19] =	stream.linear.scatter [tilespmem:s29], [sflag:$0x4], $0x2800, $0x38;
	[tilespmem:$0x1DA00] =	vst v63  }
0x5f: {  	_ =	swait.ge [sflag:s28], $0x2800  }
0x60: {  	[sflag:s28] =	ssyncset.done $0x0  }
0x61: {  	s20 =	rddreg [dreg:$0x9];
	[sflag:s28] =	ssyncadd.s32 $0xFFFFD800  }
0x62: {  	[spmem:s20] =	stream.linear.scatter [tilespmem:s30], [sflag:$0x4], $0x2800, $0x38;
	[tilespmem:$0x1DA00] =	vst v63  }
0x63: {  	_ =	swait.ge [sflag:s28], $0x2800  }
0x64: {  	[sflag:s28] =	ssyncset.done $0x0  }
0x65: {  	s14 =	rddreg [dreg:$0xa];
	[sflag:s28] =	ssyncadd.s32 $0xFFFFD800  }
0x66: {  	[spmem:s14] =	stream.linear.scatter [tilespmem:s31], [sflag:$0x4], $0x2800, $0x38;
	[tilespmem:$0x1DA00] =	vst v63  }
0x67: {  	_ =	swait.ge [sflag:s28], $0x2800  }
0x68: {  	[sflag:s28] =	ssyncset.done $0x0  }
0x69: {  	s17 =	rddreg [dreg:$0xb];
	[sflag:s28] =	ssyncadd.s32 $0xFFFFD800  }
0x6a: {  	[spmem:s17] =	stream.linear.scatter [tilespmem:s29], [sflag:$0x4], $0x2800, $0x38;
	[tilespmem:$0x1DA00] =	vst v63  }
0x6b: {  	_ =	swait.ge [sflag:s28], $0x2800  }
0x6c: {  	[sflag:s28] =	ssyncset.done $0x0  }
0x6d: {  	s18 =	rddreg [dreg:$0xc];
	[sflag:s28] =	ssyncadd.s32 $0xFFFFD800  }
0x6e: {  	[spmem:s18] =	stream.linear.scatter [tilespmem:s29], [sflag:$0x4], $0x2000, $0x38;
	[tilespmem:$0x1DA00] =	vst v63  }
0x6f: {  	_ =	swait.ge [sflag:s28], $0x2000  }
0x70: {  	[sflag:s28] =	ssyncset.done $0x0  }
0x71: {  	s13 =	simm.s32 @!p0 $0x5180;
	[sflag:s28] =	ssyncadd.s32 $0xFFFFE000  }
0x72: {  	[spmem:s15] =	stream.linear.scatter @!p0 [tilespmem:s13], [sflag:$0x4], $0x800, $0x38;
	[tilespmem:$0x1DA00] =	vst v63  }
0x73: {  	s13 =	simm.s32 @!p0 $0x4  }
0x74: {  	_ =	swait.ge @!p0 [sflag:s13], $0x800  }
0x75: {  	[sflag:s13] =	ssyncset.done @!p0 $0x0  }
0x76: {  	[sflag:s13] =	ssyncadd.s32 @!p0 $0xFFFFF800  }
0x77: {  	s19 =	simm.s32 $0x0;
	[bflag:$0x0] =	sbarrier.arrive $0xFFFF  }
0x78: {  	[tilespmem:s2], [sflag:$0x3] =	stream.linear.gather [hbm4b:s16+s19], $0x50, $0x38;
	[tilespmem:$0x1DA00] =	vst v63  }
0x79: {  	_ = 	snop  }
0x7a: {  	[tilespmem:s29], [sflag:$0x1] =	stream.indirect.gather [hbm4b:s1+s0], $0x80, s19, s0, $0xb8;
	[tilespmem:$0x1DA00] =	vst v63  }
0x7b: {  	s14 =	rddreg [dreg:$0xd]  }
0x7c: {  	[tilespmem:s6], [sflag:$0x3] =	stream.linear.gather [hbm4b:s14+s19], $0x50, $0x38;
	[tilespmem:$0x1DA00] =	vst v63  }
0x7d: {  	_ = 	snop  }
0x7e: {  	[tilespmem:s30], [sflag:$0x1] =	stream.indirect.gather [hbm4b:s1+s0], $0x80, s0, s0, $0xb8;
	[tilespmem:$0x1DA00] =	vst v63  }
0x7f: {  	s20 =	rddreg [dreg:$0xe]  }
0x80: {  	[tilespmem:s8], [sflag:$0x3] =	stream.linear.gather [hbm4b:s20+s19], $0x50, $0x38;
	[tilespmem:$0x1DA00] =	vst v63  }
0x81: {  	s17 =	simm.s32 $0xA0  }
0x82: {  	[tilespmem:s31], [sflag:$0x1] =	stream.indirect.gather [hbm4b:s1+s0], $0x80, s17, s0, $0xb8;
	[tilespmem:$0x1DA00] =	vst v63  }
0x83: {  	_ =	swait.ge [sflag:s9], $0x50  }
0x84: {  	[sflag:s9] =	ssyncset.done $0x0  }
0x85: {  	[sflag:s9] =	ssyncadd.s32 $0xFFFFFFB0  }
0x86: {  	_ =	swait.ge [sflag:s10], $0x2800  }
0x87: {  	[sflag:s10] =	ssyncset.done $0x0  }
0x88: {  	[sflag:s10] =	ssyncadd.s32 $0xFFFFD800  }
0x89: {  	[spmem:s4] =	stream.indirect.scatter.add.f32 [tilespmem:s29], [sflag:$0x2], $0x80, s2, s0, $0xb8;
	[tilespmem:$0x1DA00] =	vst v63  }
0x8a: {  	_ =	swait.ge [sflag:s9], $0x50  }
0x8b: {  	[sflag:s9] =	ssyncset.done $0x0  }
0x8c: {  	[sflag:s9] =	ssyncadd.s32 $0xFFFFFFB0  }
0x8d: {  	_ =	swait.ge [sflag:s10], $0x2800  }
0x8e: {  	[sflag:s10] =	ssyncset.done $0x0  }
0x8f: {  	[sflag:s10] =	ssyncadd.s32 $0xFFFFD800  }
0x90: {  	[spmem:s4] =	stream.indirect.scatter.add.f32 [tilespmem:s30], [sflag:$0x2], $0x80, s6, s0, $0xb8;
	[tilespmem:$0x1DA00] =	vst v63  }
0x91: {  	_ =	swait.ge [sflag:s9], $0x50  }
0x92: {  	[sflag:s9] =	ssyncset.done $0x0  }
0x93: {  	[sflag:s9] =	ssyncadd.s32 $0xFFFFFFB0  }
0x94: {  	_ =	swait.ge [sflag:s10], $0x2800  }
0x95: {  	[sflag:s10] =	ssyncset.done $0x0  }
0x96: {  	[sflag:s10] =	ssyncadd.s32 $0xFFFFD800  }
0x97: {  	[spmem:s4] =	stream.indirect.scatter.add.f32 [tilespmem:s31], [sflag:$0x2], $0x80, s8, s0, $0xb8;
	[tilespmem:$0x1DA00] =	vst v63  }
0x98: {  	_ =	swait.ge [sflag:s11], $0x2800  }
0x99: {  	s18 =	sshrl.u32 s25, $0x3;
	[sflag:s11] =	ssyncset.done $0x0  }
0x9a: {  	s13 =	sadd.s32 s3, s18;
	[sflag:s11] =	ssyncadd.s32 $0xFFFFD800  }
0x9b: {  	[tilespmem:s2], [sflag:$0x3] =	stream.linear.gather [hbm4b:s13+s5], $0x50, $0x38;
	[tilespmem:$0x1DA00] =	vst v63  }
0x9c: {  	s19 =	simm.s32 $0xF0  }
0x9d: {  	[tilespmem:s29], [sflag:$0x1] =	stream.indirect.gather [hbm4b:s1+s0], $0x80, s19, s0, $0xb8;
	[tilespmem:$0x1DA00] =	vst v63  }
0x9e: {  	_ =	swait.ge [sflag:s11], $0x2800  }
0x9f: {  	[sflag:s11] =	ssyncset.done $0x0  }
0xa0: {  	[sflag:s11] =	ssyncadd.s32 $0xFFFFD800  }
0xa1: {  	[tilespmem:s6], [sflag:$0x3] =	stream.linear.gather [hbm4b:s24+s5], $0x50, $0x38;
	[tilespmem:$0x1DA00] =	vst v63  }
0xa2: {  	s20 =	simm.s32 $0x140  }
0xa3: {  	[tilespmem:s30], [sflag:$0x1] =	stream.indirect.gather [hbm4b:s1+s0], $0x80, s20, s0, $0xb8;
	[tilespmem:$0x1DA00] =	vst v63  }
0xa4: {  	s18 =	sadd.s32 $0x1E, s24;
	_ =	swait.ge [sflag:s11], $0x2800  }
0xa5: {  	s14 =	sadd.s32 $0xF0, s25;
	s17 =	sadd.s32 $0x1E, s23;
	[sflag:s11] =	ssyncset.done $0x0  }
0xa6: {  	s13 =	simm.s32 $0x3C0;
	s19 =	simm.s32 $0x190;
	[sflag:s11] =	ssyncadd.s32 $0xFFFFD800  }
0xa7: {  	[tilespmem:s8], [sflag:$0x3] =	stream.linear.gather [hbm4b:s23+s5], $0x50, $0x38;
	[tilespmem:$0x1DA00] =	vst v63  }
.LBB2_4:
0xa8: {  	[tilespmem:s31], [sflag:$0x1] =	stream.indirect.gather [hbm4b:s1+s0], $0x80, s19, s0, $0xb8;
	[tilespmem:$0x1DA00] =	vst v63  }
0xa9: {  	s19 =	smov.u32 s13  }
0xaa: {  	p1 =	sne.s32 s13, $0x9240;
	s13 =	sadd.s32 $0x3C0, s13;
	_ =	swait.ge [sflag:s9], $0x50  }
0xab: {  	[sflag:s9] =	ssyncset.done $0x0  }
0xac: {  	[sflag:s9] =	ssyncadd.s32 $0xFFFFFFB0  }
0xad: {  	_ =	swait.ge [sflag:s10], $0x2800  }
0xae: {  	[sflag:s10] =	ssyncset.done $0x0  }
0xaf: {  	[sflag:s10] =	ssyncadd.s32 $0xFFFFD800  }
0xb0: {  	[spmem:s4] =	stream.indirect.scatter.add.f32 [tilespmem:s29], [sflag:$0x2], $0x80, s2, s0, $0xb8;
	[tilespmem:$0x1DA00] =	vst v63  }
0xb1: {  	_ =	swait.ge [sflag:s9], $0x50  }
0xb2: {  	[sflag:s9] =	ssyncset.done $0x0  }
0xb3: {  	[sflag:s9] =	ssyncadd.s32 $0xFFFFFFB0  }
0xb4: {  	_ =	swait.ge [sflag:s10], $0x2800  }
0xb5: {  	[sflag:s10] =	ssyncset.done $0x0  }
0xb6: {  	[sflag:s10] =	ssyncadd.s32 $0xFFFFD800  }
0xb7: {  	[spmem:s4] =	stream.indirect.scatter.add.f32 [tilespmem:s30], [sflag:$0x2], $0x80, s6, s0, $0xb8;
	[tilespmem:$0x1DA00] =	vst v63  }
0xb8: {  	_ =	swait.ge [sflag:s9], $0x50  }
0xb9: {  	[sflag:s9] =	ssyncset.done $0x0  }
0xba: {  	[sflag:s9] =	ssyncadd.s32 $0xFFFFFFB0  }
0xbb: {  	_ =	swait.ge [sflag:s10], $0x2800  }
0xbc: {  	[sflag:s10] =	ssyncset.done $0x0  }
0xbd: {  	[sflag:s10] =	ssyncadd.s32 $0xFFFFD800  }
0xbe: {  	[spmem:s4] =	stream.indirect.scatter.add.f32 [tilespmem:s31], [sflag:$0x2], $0x80, s8, s0, $0xb8;
	[tilespmem:$0x1DA00] =	vst v63  }
0xbf: {  	_ =	swait.ge [sflag:s11], $0x2800  }
0xc0: {  	s20 =	sshrl.u32 s14, $0x3;
	[sflag:s11] =	ssyncset.done $0x0  }
0xc1: {  	s20 =	sadd.s32 s3, s20;
	s19 =	sshra.s32 s19, $0x2;
	[sflag:s11] =	ssyncadd.s32 $0xFFFFD800  }
0xc2: {  	[tilespmem:s2], [sflag:$0x3] =	stream.linear.gather [hbm4b:s20+s5], $0x50, $0x38;
	[tilespmem:$0x1DA00] =	vst v63  }
0xc3: {  	s20 =	sadd.s32 $0xF0, s19  }
0xc4: {  	[tilespmem:s29], [sflag:$0x1] =	stream.indirect.gather [hbm4b:s1+s0], $0x80, s20, s0, $0xb8;
	[tilespmem:$0x1DA00] =	vst v63  }
0xc5: {  	_ =	swait.ge [sflag:s11], $0x2800  }
0xc6: {  	[sflag:s11] =	ssyncset.done $0x0  }
0xc7: {  	[sflag:s11] =	ssyncadd.s32 $0xFFFFD800  }
0xc8: {  	[tilespmem:s6], [sflag:$0x3] =	stream.linear.gather [hbm4b:s18+s5], $0x50, $0x38;
	[tilespmem:$0x1DA00] =	vst v63  }
0xc9: {  	s20 =	sadd.s32 $0x140, s19  }
0xca: {  	[tilespmem:s30], [sflag:$0x1] =	stream.indirect.gather [hbm4b:s1+s0], $0x80, s20, s0, $0xb8;
	[tilespmem:$0x1DA00] =	vst v63  }
.Ltmp1:
0xcb: {  	_ =	swait.ge [sflag:s11], $0x2800;
	(pc) =	sbr.rel @p1 .LBB2_4-.Ltmp1, $4  }
0xcc: {  	[sflag:s11] =	ssyncset.done $0x0  }
0xcd: {  	s14 =	sadd.s32 $0xF0, s14;
	[sflag:s11] =	ssyncadd.s32 $0xFFFFD800  }
0xce: {  	[tilespmem:s8], [sflag:$0x3] =	stream.linear.gather [hbm4b:s17+s5], $0x50, $0x38;
	[tilespmem:$0x1DA00] =	vst v63  }
0xcf: {  	s19 =	sadd.s32 $0x190, s19;
	s18 =	sadd.s32 $0x1E, s18;
	s17 =	sadd.s32 $0x1E, s17  }
0xd0: {  	[tilespmem:s31], [sflag:$0x1] =	stream.indirect.gather [hbm4b:s1+s0], $0x80, s19, s0, $0xb8;
	[tilespmem:$0x1DA00] =	vst v63  }
0xd1: {  	_ =	swait.ge [sflag:s9], $0x50  }
0xd2: {  	[sflag:s9] =	ssyncset.done $0x0  }
0xd3: {  	[sflag:s9] =	ssyncadd.s32 $0xFFFFFFB0  }
0xd4: {  	_ =	swait.ge [sflag:s10], $0x2800  }
0xd5: {  	[sflag:s10] =	ssyncset.done $0x0  }
0xd6: {  	[sflag:s10] =	ssyncadd.s32 $0xFFFFD800  }
0xd7: {  	[spmem:s4] =	stream.indirect.scatter.add.f32 [tilespmem:s29], [sflag:$0x2], $0x80, s2, s0, $0xb8;
	[tilespmem:$0x1DA00] =	vst v63  }
0xd8: {  	_ =	swait.ge [sflag:s9], $0x50  }
0xd9: {  	[sflag:s9] =	ssyncset.done $0x0  }
0xda: {  	[sflag:s9] =	ssyncadd.s32 $0xFFFFFFB0  }
0xdb: {  	_ =	swait.ge [sflag:s10], $0x2800  }
0xdc: {  	[sflag:s10] =	ssyncset.done $0x0  }
0xdd: {  	[sflag:s10] =	ssyncadd.s32 $0xFFFFD800  }
0xde: {  	[spmem:s4] =	stream.indirect.scatter.add.f32 [tilespmem:s30], [sflag:$0x2], $0x80, s6, s0, $0xb8;
	[tilespmem:$0x1DA00] =	vst v63  }
0xdf: {  	_ =	swait.ge [sflag:s9], $0x50  }
0xe0: {  	[sflag:s9] =	ssyncset.done $0x0  }
0xe1: {  	[sflag:s9] =	ssyncadd.s32 $0xFFFFFFB0  }
0xe2: {  	_ =	swait.ge [sflag:s10], $0x2800  }
0xe3: {  	[sflag:s10] =	ssyncset.done $0x0  }
0xe4: {  	[sflag:s10] =	ssyncadd.s32 $0xFFFFD800  }
0xe5: {  	[spmem:s4] =	stream.indirect.scatter.add.f32 [tilespmem:s31], [sflag:$0x2], $0x80, s8, s0, $0xb8;
	[tilespmem:$0x1DA00] =	vst v63  }
0xe6: {  	_ =	swait.ge [sflag:s11], $0x2800  }
0xe7: {  	[sflag:s11] =	ssyncset.done $0x0  }
0xe8: {  	[sflag:s11] =	ssyncadd.s32 $0xFFFFD800  }
0xe9: {  	_ =	swait.ge [sflag:s11], $0x2800  }
0xea: {  	[sflag:s11] =	ssyncset.done $0x0  }
0xeb: {  	[sflag:s11] =	ssyncadd.s32 $0xFFFFD800  }
0xec: {  	_ =	swait.ge [sflag:s11], $0x2800  }
0xed: {  	[sflag:s11] =	ssyncset.done $0x0  }
0xee: {  	s13 =	rddreg [dreg:$0xf];
	[sflag:s11] =	ssyncadd.s32 $0xFFFFD800  }
0xef: {  	[tilespmem:s2], [sflag:$0x3] =	stream.linear.gather [hbm4b:s13+s5], $0x50, $0x38;
	[tilespmem:$0x1DA00] =	vst v63  }
0xf0: {  	s18 =	simm.s32 $0x2670  }
0xf1: {  	[tilespmem:s29], [sflag:$0x1] =	stream.indirect.gather [hbm4b:s1+s0], $0x80, s18, s0, $0xb8;
	[tilespmem:$0x1DA00] =	vst v63  }
0xf2: {  	_ = 	snop  }
0xf3: {  	[tilespmem:s6], [sflag:$0x3] =	stream.linear.gather [hbm4b:s26+s5], $0x50, $0x38;
	[tilespmem:$0x1DA00] =	vst v63  }
0xf4: {  	s19 =	simm.s32 $0x26C0  }
0xf5: {  	[tilespmem:s30], [sflag:$0x1] =	stream.indirect.gather [hbm4b:s1+s0], $0x80, s19, s0, $0xb8;
	[tilespmem:$0x1DA00] =	vst v63  }
0xf6: {  	_ =	swait.ge [sflag:s9], $0x50  }
0xf7: {  	[sflag:s9] =	ssyncset.done $0x0  }
0xf8: {  	[sflag:s9] =	ssyncadd.s32 $0xFFFFFFB0  }
0xf9: {  	_ =	swait.ge [sflag:s10], $0x2800  }
0xfa: {  	[sflag:s10] =	ssyncset.done $0x0  }
0xfb: {  	[sflag:s10] =	ssyncadd.s32 $0xFFFFD800  }
0xfc: {  	[spmem:s4] =	stream.indirect.scatter.add.f32 [tilespmem:s29], [sflag:$0x2], $0x80, s2, s0, $0xb8;
	[tilespmem:$0x1DA00] =	vst v63  }
0xfd: {  	_ =	swait.ge [sflag:s9], $0x50  }
0xfe: {  	[sflag:s9] =	ssyncset.done $0x0  }
0xff: {  	[sflag:s9] =	ssyncadd.s32 $0xFFFFFFB0  }
0x100: {  	_ =	swait.ge [sflag:s10], $0x2800  }
0x101: {  	[sflag:s10] =	ssyncset.done $0x0  }
0x102: {  	[sflag:s10] =	ssyncadd.s32 $0xFFFFD800  }
0x103: {  	[spmem:s4] =	stream.indirect.scatter.add.f32 [tilespmem:s30], [sflag:$0x2], $0x80, s6, s0, $0xb8;
	[tilespmem:$0x1DA00] =	vst v63  }
0x104: {  	_ =	swait.ge [sflag:s11], $0x2800  }
0x105: {  	[sflag:s11] =	ssyncset.done $0x0  }
0x106: {  	[sflag:s11] =	ssyncadd.s32 $0xFFFFD800  }
0x107: {  	_ =	swait.ge [sflag:s11], $0x2800  }
0x108: {  	[sflag:s11] =	ssyncset.done $0x0  }
0x109: {  	s20 =	stileid.u32;
	[sflag:s11] =	ssyncadd.s32 $0xFFFFD800  }
0x10a: {  	s13 =	sshll.u32 s20, $0x6;
	[bflag:$0x0] =	sbarrier.arrive $0xFFFF  }
0x10b: {  	s14 =	sshrl.u32 s7, $0x3;
	s13 =	sor.u32 $0x1C04, s13;
	s17 =	rddreg [dreg:$0x10]  }
0x10c: {  	[hbm:s17], [sflag:s13] =	dma.local [spmem:s14], $0x2700  }
0x10d: {  	_ =	swait.ge [sflag:s28], $0x2700  }
0x10e: {  	s12 =	sadd.s32 $0x1, s12;
	[sflag:s28] =	ssyncset.done $0x0  }
0x10f: {  	p1 =	sne.s32 s12, s22;
	s14 =	sshrl.u32 @!p0 s15, $0x3;
	[sflag:s28] =	ssyncadd.s32 $0xFFFFD900  }
0x110: {  	[hbm:s21], [sflag:s13] =	dma.local @!p0 [spmem:s14], $0x100  }
.Ltmp2:
0x111: {  	_ = 	snop;
	(pc) =	sbr.rel @p1 .LBB2_1-.Ltmp2, $4  }
0x112: {  	s13 =	simm.s32 @!p0 $0x4  }
0x113: {  	_ =	swait.ge @!p0 [sflag:s13], $0x100  }
0x114: {  	[sflag:s13] =	ssyncset.done @!p0 $0x0  }
0x115: {  	[sflag:s13] =	ssyncadd.s32 @!p0 $0xFFFFFF00  }
0x116: {  	_ =	sfence.sel $0x180000  }
0x117: {  	[bflag:$0x0] =	sbarrier.arrive $0xFFFF  }
0x118: {  	_ =	strace $0x9000004A  }
0x119: {  	s0 =	stileid.u32;
	[bflag:$0x2] =	sbarrier.arrive $0xFFFF  }
0x11a: {  	p0 =	sne.s32 s0, $0x0;
	s0 =	rddreg [dreg:$0x4]  }
0x11b: {  	s0 =	sadd.s32 @!p0 $0x100000, s0  }
0x11c: {  	[sflag:s0] =	ssyncadd.tile.s32 @!p0 $0x1;
	_ =	shalt  }
.Lfunc_end2:
_tile_overlayer_lowered:
.L_overlay_start_2:
0x11d: {  	(tag) =	ssettag $0x2  }
0x11e: {  	s0 =	rddreg [dreg:$0x0];
	s2 =	stileid.u32  }
0x11f: {  	s1 =	rddreg [dreg:$0x1];
	p0 =	sne.s32 s2, $0x0  }
0x120: {  	s3 =	rddreg [dreg:$0x2];
	[bflag:$0x3] =	sbarrier.arrive $0xFFFF;
	s2 =	simm.s32 @!p0 $0x1C04  }
0x121: {  	[timem:s3], [sflag:s2] =	dma.local @!p0 [hbm:s0], s1  }
0x122: {  	s0 =	simm.s32 @!p0 $0x4  }
0x123: {  	_ =	swait.ge @!p0 [sflag:s0], s1  }
0x124: {  	s1 =	ssub.s32 @!p0 $0x0, s1;
	[sflag:s0] =	ssyncset.done @!p0 $0x0  }
0x125: {  	[sflag:s0] =	ssyncadd.s32 @!p0 s1  }
0x126: {  	[bflag:$0x3] =	sbarrier.arrive $0xFFFF  }
0x127: {  	_ =	shalt  }

// kernel: kernel.15.cloned.1.call-start
scs
__scs_entry_jumppad:
0x0: {  	(pc) =	sbr.rel $0x88, $3  }
0x1: {  	(tag) =	ssettag $0x0;
	lr =	simm.s32 $0x1  }
0x2: {  	[smem:$0x3F88] =	sst lr;
	_ =	strace $0xD0000000  }
0x3: {  	_ = 	snop  }
0x4: {  	_ = 	snop  }
0x5: {  	_ = 	snop  }
0x6: {  	_ = 	snop  }
0x7: {  	_ = 	snop  }
__scs_overlays_trampoline_lowered:
0x8: {  	[smem:$0x3F97] =	sst s0  }
0x9: {  	[smem:$0x3F98] =	sst s1  }
0xa: {  	[smem:$0x3F99] =	sst s2  }
0xb: {  	[smem:$0x3F9A] =	sst s3  }
0xc: {  	[smem:$0x3F9B] =	sst s4  }
0xd: {  	[smem:$0x3F9C] =	sst s5  }
0xe: {  	[smem:$0x3F9D] =	sst s6  }
0xf: {  	[smem:$0x3F9E] =	sst s7  }
0x10: {  	[smem:$0x3F9F] =	sst s8  }
0x11: {  	[smem:$0x3FA0] =	sst s9;
	s0 =	simm.s32 @!p0 $0x0  }
0x12: {  	s1 =	sld [smem:$0x3F86];
	s0 =	simm.s32 @p0 $0x1  }
0x13: {  	[smem:$0x3FA1] =	sst s0;
	s0 =	simm.s32 @!p1 $0x0  }
0x14: {  	s2 =	sld [smem:$0x3F85];
	s0 =	simm.s32 @p1 $0x1  }
0x15: {  	[smem:$0x3FA2] =	sst s0;
	s0 =	simm.s32 @!p2 $0x0  }
0x16: {  	s3 =	sld [smem:$0x3FDB];
	s0 =	simm.s32 @p2 $0x1  }
0x17: {  	s4 =	simm.s32 $0x1BF5;
	[smem:$0x3FA4] =	sst s0  }
0x18: {  	s0 =	sld [smem:$0x3F87];
	_ =	swait.ge [sflag:s4], $0x0  }
0x19: {  	s7 =	sld [smem:$0x3F88]  }
0x1a: {  	s8 =	sadd.s32 $0xFFFFE003, lr  }
0x1b: {  	s9 =	sadd.s32 $0xFFFFFEF7, lr;
	s5 =	simm.s32 $0xFFFFFFFF;
	p2 =	slt.u32 s8, $0xFFFFF086  }
0x1c: {  	p1 =	slt.u32 s9, $0xF7A;
	s5 =	simm.s32 @!p2 $0x0  }
0x1d: {  	s5 =	simm.s32 @p1 $0x1;
	p0 =	seq.s32 s7, s2  }
0x1e: {  	s7 =	smul.u32 @!p0 $0xF7A, s2;
	p2 =	seq.s32 @!p0 s5, $0x0  }
0x1f: {  	s9 =	smul.u32 $0xF7A, s1;
	s8 =	simm.s32 @!p0 $0x1BF5;
	p2 =	por !p2, p0  }
0x20: {  	[sflag:s8] =	ssyncset.s32 @!p0 $0xFFFFF086;
	s6 =	sadd.s32 @!p0 s3, s7;
	s7 =	simm.s32 @!p0 $0x108  }
0x21: {  	s3 =	sadd.s32 s3, s9;
	s6 =	sadd.s32 @!p0 $0x88, s6;
	s7 =	simm.s32 @p2 $0x1082  }
0x22: {  	[simem:s7], [sflag:s8] =	dma.local @!p0 [hbm:s6], $0xF7A  }
0x23: {  	s9 =	sor.u32 $0xD0000000, s2;
	s6 =	simm.s32 $0x108;
	_ =	swait.ge @!p0 [sflag:s8], $0x0  }
0x24: {  	s3 =	sadd.s32 $0x88, s3;
	s6 =	simm.s32 @!p1 $0x1082;
	[sflag:s4] =	ssyncset.s32 $0xFFFFF086  }
0x25: {  	[simem:s6], [sflag:s4] =	dma.local [hbm:s3], $0xF7A  }
0x26: {  	[smem:$0x3F88] =	sst s1;
	(tag) =	ssettag s2;
	_ =	strace s9  }
0x27: {  	s1 =	sld [smem:$0x3F98]  }
0x28: {  	s2 =	sld [smem:$0x3F99]  }
0x29: {  	s4 =	sld [smem:$0x3F9B]  }
0x2a: {  	p0 =	seq.s32 s5, $0x0;
	s5 =	sld [smem:$0x3F9C]  }
0x2b: {  	s6 =	sld [smem:$0x3F9D]  }
0x2c: {  	s7 =	sld [smem:$0x3F9E]  }
0x2d: {  	s3 =	simm.s32 $0x108;
	s8 =	sld [smem:$0x3F9F]  }
0x2e: {  	s3 =	simm.s32 @!p0 $0x1082;
	s9 =	sld [smem:$0x3FA0]  }
0x2f: {  	lr =	sadd.s32 s0, s3;
	s0 =	sld [smem:$0x3F97]  }
0x30: {  	s3 =	sld [smem:$0x3F9A]  }
0x31: {  	[smem:$0x3FA3] =	sst s10  }
0x32: {  	s10 =	sld [smem:$0x3FA1];
	_ =	sdelay $0x3  }
0x33: {  	p0 =	seq.s32 s10, $0x1;
	s10 =	sld [smem:$0x3FA3];
	_ =	sdelay $0x3  }
0x34: {  	[smem:$0x3FA3] =	sst s10  }
0x35: {  	s10 =	sld [smem:$0x3FA2];
	_ =	sdelay $0x3  }
0x36: {  	p1 =	seq.s32 s10, $0x1;
	s10 =	sld [smem:$0x3FA3];
	_ =	sdelay $0x3  }
0x37: {  	[smem:$0x3FA3] =	sst s10  }
0x38: {  	s10 =	sld [smem:$0x3FA4]  }
0x39: {  	_ = 	snop;
	(pc) =	sbr.ind lr, $3  }
0x3a: {  	_ = 	snop  }
0x3b: {  	_ = 	snop  }
0x3c: {  	p2 =	seq.s32 s10, $0x1;
	s10 =	sld [smem:$0x3FA3]  }
0x3d: {  	_ =	shalt  }
0x3e: {  	_ =	shalt  }
0x3f: {  	_ =	shalt  }
0x40: {  	_ =	shalt  }
0x41: {  	_ =	shalt  }
0x42: {  	_ =	shalt  }
0x43: {  	_ =	shalt  }
0x44: {  	_ =	shalt  }
0x45: {  	_ =	shalt  }
0x46: {  	_ =	shalt  }
0x47: {  	_ =	shalt  }
0x48: {  	_ =	shalt  }
0x49: {  	_ =	shalt  }
0x4a: {  	_ =	shalt  }
0x4b: {  	_ =	shalt  }
0x4c: {  	_ =	shalt  }
0x4d: {  	_ =	shalt  }
0x4e: {  	_ =	shalt  }
0x4f: {  	_ =	shalt  }
0x50: {  	_ =	shalt  }
0x51: {  	_ =	shalt  }
0x52: {  	_ =	shalt  }
0x53: {  	_ =	shalt  }
0x54: {  	_ =	shalt  }
0x55: {  	_ =	shalt  }
0x56: {  	_ =	shalt  }
0x57: {  	_ =	shalt  }
0x58: {  	_ =	shalt  }
0x59: {  	_ =	shalt  }
0x5a: {  	_ =	shalt  }
0x5b: {  	_ =	shalt  }
0x5c: {  	_ =	shalt  }
0x5d: {  	_ =	shalt  }
0x5e: {  	_ =	shalt  }
0x5f: {  	_ =	shalt  }
0x60: {  	_ =	shalt  }
0x61: {  	_ =	shalt  }
0x62: {  	_ =	shalt  }
0x63: {  	_ =	shalt  }
0x64: {  	_ =	shalt  }
0x65: {  	_ =	shalt  }
0x66: {  	_ =	shalt  }
0x67: {  	_ =	shalt  }
0x68: {  	_ =	shalt  }
0x69: {  	_ =	shalt  }
0x6a: {  	_ =	shalt  }
0x6b: {  	_ =	shalt  }
0x6c: {  	_ =	shalt  }
0x6d: {  	_ =	shalt  }
0x6e: {  	_ =	shalt  }
0x6f: {  	_ =	shalt  }
0x70: {  	_ =	shalt  }
0x71: {  	_ =	shalt  }
0x72: {  	_ =	shalt  }
0x73: {  	_ =	shalt  }
0x74: {  	_ =	shalt  }
0x75: {  	_ =	shalt  }
0x76: {  	_ =	shalt  }
0x77: {  	_ =	shalt  }
0x78: {  	_ =	shalt  }
0x79: {  	_ =	shalt  }
0x7a: {  	_ =	shalt  }
0x7b: {  	_ =	shalt  }
0x7c: {  	_ =	shalt  }
0x7d: {  	_ =	shalt  }
0x7e: {  	_ =	shalt  }
0x7f: {  	_ =	shalt  }
0x80: {  	_ =	shalt  }
0x81: {  	_ =	shalt  }
0x82: {  	_ =	shalt  }
0x83: {  	_ =	shalt  }
0x84: {  	_ =	shalt  }
0x85: {  	_ =	shalt  }
0x86: {  	_ =	shalt  }
0x87: {  	_ =	shalt  }
.Lfunc_end0:
.L_simem_size_0:
called_computation.2_lowered:
.L_overlay_start_0:
0x88: {  	s2 =	sld [smem:$0x3FD9]  }
0x89: {  	s3 =	sld [smem:$0x3FFE];
	_ =	sdelay $0x1  }
0x8a: {  	s1 =	srdreg.scid  }
0x8b: {  	s0 =	sand.u32 $0x1, s1  }
0x8c: {  	s14 =	sshll.u32 s0, $0xA;
	s2 =	sadd.s32 s3, s2  }
0x8d: {  	s2 =	sadd.s32 s2, s14  }
0x8e: {  	[smem:$0x3FAF] =	sst s2  }
0x8f: {  	_ = 	snop  }
0x90: {  	s2 =	sld [smem:$0x3FD0];
	_ =	sdelay $0x2  }
0x91: {  	s15 =	simm.s32 $0xA;
	s4 =	simm.s32 $0x10  }
0x92: {  	[smem:s4], [sflag:s15] =	dma.local [hbm:s2], $0x1  }
0x93: {  	_ =	swait.eq [sflag:s15], $0x1  }
0x94: {  	[sflag:s15] =	ssyncset.done $0x0  }
0x95: {  	s16 =	sld [smem:$0x10];
	[sflag:s15] =	ssyncadd.s32 $0xFFFFFFFF  }
0x96: {  	s17 =	sld [smem:$0x11];
	(tm) =	ssettm $0x1  }
0x97: {  	s18 =	sld [smem:$0x3FFB];
	_ =	sdelay $0x3  }
0x98: {  	_ =	strace s18  }
0x99: {  	s4 =	sld [smem:$0x3FFC];
	_ =	sdelay $0x3  }
0x9a: {  	_ =	strace s4  }
0x9b: {  	s4 =	sld [smem:$0x3FFD];
	_ =	sdelay $0x3  }
0x9c: {  	_ =	strace s4  }
0x9d: {  	_ =	strace $0x8FFFFFFF  }
0x9e: {  	s19 =	sld [smem:$0x3FDB];
	_ =	sdelay $0x1  }
0x9f: {  	s5 =	simm.s32 $_scs_section_size  }
0xa0: {  	s6 =	simm.s32 $_size__tile_overlayer_lowered;
	s7 =	simm.s32 $_tile_overlayer_lowered  }
0xa1: {  	s22 =	simm.s32 $0x1BFF;
	s21 =	sshll.u32 s7, $0x1;
	s4 =	sadd.s32 s5, s19  }
0xa2: {  	s8 =	simm.s32 $0x0;
	s20 =	sshll.u32 s6, $0x1;
	s6 =	sadd.s32 s21, s4  }
0xa3: {  	[timem:s8], [sflag:s22] =	dma.local [hbm:s6], s20  }
0xa4: {  	_ =	swait.ge [sflag:s22], s20  }
0xa5: {  	s5 =	ssub.s32 $0x0, s20;
	[sflag:s22] =	ssyncset.done $0x0  }
0xa6: {  	[sflag:s22] =	ssyncadd.s32 s5;
	_ =	sdelay $0x1  }
0xa7: {  	s23 =	simm.s32 $0x1B8B  }
0xa8: {  	_ =	swait.ge [sflag:s23], $0x1  }
0xa9: {  	[sflag:s23] =	ssyncset.done $0x0  }
0xaa: {  	s25 =	simm.s32 $0x1B8E;
	s24 =	sld [smem:$0x3FFE];
	[sflag:s23] =	ssyncadd.s32 $0xFFFFFFFF  }
0xab: {  	s26 =	simm.s32 $execute0_lowered;
	[smem:$0x3FD2] =	sst s25  }
0xac: {  	s6 =	sshll.u32 s26, $0x1;
	_ =	strace $0x8000004C;
	[dreg:$0x1] =	wrdreg $0xFFFFFFFF  }
0xad: {  	s28 =	simm.s32 $_size_execute0_lowered;
	s4 =	sadd.s32 s4, s6;
	[dreg:$0x0] =	wrdreg $0x0  }
0xae: {  	s6 =	sshll.u32 s28, $0x1;
	[dreg:$0x2] =	wrdreg s4  }
0xaf: {  	[dreg:$0x3] =	wrdreg s6  }
0xb0: {  	[dreg:$0x4] =	wrdreg $0xC0  }
0xb1: {  	_ =	task [dreg:s8], $0x5FFFF  }
0xb2: {  	[dreg:$0x1] =	wrdreg $0xFFFFFFFF  }
0xb3: {  	[dreg:$0x0] =	wrdreg $0x60  }
0xb4: {  	[dreg:$0x2] =	wrdreg s17  }
0xb5: {  	[dreg:$0x3] =	wrdreg s24  }
0xb6: {  	[dreg:$0x4] =	wrdreg s16  }
0xb7: {  	[dreg:$0x5] =	wrdreg $0xA1800  }
0xb8: {  	[dreg:$0x6] =	wrdreg $0x9  }
0xb9: {  	_ =	task.clear_ibuf [dreg:s8], $0x7FFFF;
	_ =	strace $0x9000004C  }
0xba: {  	s29 =	simm.s32 $0x9;
	_ =	strace $0x8000004E  }
0xbb: {  	_ =	swait.ge [sflag:s29], $0x1  }
0xbc: {  	[sflag:s29] =	ssyncadd.s32 $0xFFFFFFFF  }
0xbd: {  	_ =	strace $0x9000004E  }
0xbe: {  	_ =	sfence  }
0xbf: {  	s30 =	sld [smem:$0x0];
	_ =	sdelay $0x2  }
0xc0: {  	s31 =	sshll.u32 s1, $0xD;
	s1 =	sshrl.u32 s1, $0x2  }
0xc1: {  	s3 =	sand.u32 $0x4000, s31;
	s1 =	sadd.s32 s1, s30  }
0xc2: {  	s0 =	sor.u32 s3, s0;
	s1 =	sshll.u32 s1, $0x11  }
0xc3: {  	s0 =	sor.u32 s1, s0  }
0xc4: {  	s0 =	sadd.s32 $0x8F2B, s0  }
0xc5: {  	[sflag:s0] =	ssyncadd.remote.s32 $0x1  }
0xc6: {  	_ =	sfence.sel $0xFFFF  }
0xc7: {  	[dreg:$0x0] =	wrdreg $0xFFFFFFFF;
	(pc) =	sbr.abs _section_cstart, $3  }
0xc8: {  	[dreg:$0x1] =	wrdreg $0xFFFFFFFF  }
0xc9: {  	_ =	task.clear_ibuf [dreg:s8], $0x2FFFF;
	_ =	strace $0x9FFFFFFF  }
0xca: {  	(tm) =	ssettm $0x7FFFFFFF  }
0xcb: {  	_ =	shalt  }
tec
execute0_lowered:
.L_overlay_start_1:
0x0: {  	(tag) =	ssettag $0x1  }
0x1: {  	s1 =	rddreg [dreg:$0x0]  }
0x2: {  	s0 =	srdreg.scid;
	s2 =	rddreg [dreg:$0x1]  }
0x3: {  	s11 =	stileid.u32;
	s3 =	rddreg [dreg:$0x2]  }
0x4: {  	s28 =	simm.s32 $0x4;
	s29 =	simm.s32 $0x2980;
	s7 =	smul.u32 $0x4E000, s11  }
0x5: {  	s30 =	simm.s32 $0x5180;
	s31 =	simm.s32 $0x7980;
	s20 =	smul.u32 $0x13800, s11  }
0x6: {  	s0 =	sand.u32 $0x1, s0;
	s4 =	sshll.u32 s11, $0x1;
	s21 =	smul.u32 $0x4E20, s11  }
0x7: {  	p0 =	sne.s32 s11, $0xF;
	s11 =	simm.s32 $0x2;
	s17 =	smul.u32 $0x138800, s0  }
0x8: {  	s5 =	sor.u32 s0, s4;
	s9 =	ssub.s32 $0x2, s0;
	s0 =	smul.u32 $0x2710, s0  }
0x9: {  	s4 =	rddreg [dreg:$0x3];
	s6 =	smul.u32 $0x2710, s5;
	s7 =	sshrl.u32 s7, $0x2  }
0xa: {  	s5 =	simm.s32 $0x0;
	s10 =	sshrl.u32 s9, $0x1;
	s7 =	sadd.s32 s7, s4  }
0xb: {  	[smem:$0x7FF] =	sst s5;
	s9 =	ssub.s32 s9, s10;
	s12 =	sadd.s32 $0x2800, s7  }
0xc: {  	_ =	strace $0x8000004D;
	s13 =	sadd.s32 $0x5000, s7;
	[dreg:$0x6] =	wrdreg s12  }
0xd: {  	s10 =	sadd.s32 s20, s17;
	s14 =	sadd.s32 $0x7800, s7;
	[dreg:$0x7] =	wrdreg s13  }
0xe: {  	s0 =	sadd.s32 s0, s21;
	s15 =	sadd.s32 $0xA000, s7;
	[dreg:$0x8] =	wrdreg s14  }
0xf: {  	s6 =	sshrl.u32 s6, $0x3;
	s16 =	sadd.s32 $0xC800, s7;
	[dreg:$0x9] =	wrdreg s15  }
0x10: {  	s18 =	sadd.s32 $0xF000, s7;
	s19 =	sadd.s32 $0x11800, s7;
	[dreg:$0xa] =	wrdreg s16  }
0x11: {  	s10 =	sshrl.u32 s10, $0x3;
	s24 =	sadd.s32 $0x140, s0;
	[dreg:$0xb] =	wrdreg s18  }
0x12: {  	s8 =	sadd.s32 s6, s2;
	s2 =	sadd.s32 $0xE600, s2;
	[dreg:$0xc] =	wrdreg s19  }
0x13: {  	s15 =	sadd.s32 $0x138000, s4;
	s16 =	sadd.s32 s3, s6;
	s8 =	sadd.s32 $0x4800, s8  }
0x14: {  	s6 =	sadd.s32 $0x190, s0;
	s12 =	sadd.s32 $0xA, s16;
	[dreg:$0x5] =	wrdreg s8  }
0x15: {  	s26 =	sshrl.u32 s24, $0x3;
	s22 =	sadd.s32 $0x14, s16;
	[dreg:$0xd] =	wrdreg s12  }
0x16: {  	s23 =	sadd.s32 $0x4CE, s16;
	s10 =	sadd.s32 s2, s10;
	[dreg:$0xe] =	wrdreg s22  }
0x17: {  	s25 =	sshrl.u32 s6, $0x3;
	s24 =	sadd.s32 s26, s3;
	[dreg:$0xf] =	wrdreg s23  }
0x18: {  	s26 =	sadd.s32 $0x4D8, s16;
	s6 =	simm.s32 $0x2800;
	[dreg:$0x10] =	wrdreg s10  }
0x19: {  	s8 =	sshrl.u32 s17, $0x3;
	s22 =	smax.u32 s9, $0x1;
	s23 =	sadd.s32 s25, s3  }
0x1a: {  	s25 =	sadd.s32 $0xF0, s0;
	s0 =	simm.s32 $0x50;
	s9 =	simm.s32 $0x3  }
0x1b: {  	s10 =	simm.s32 $0x1;
	s12 =	simm.s32 $0x0;
	s2 =	sadd.s32 s2, s8  }
0x1c: {  	v0 =	vimm.f32 $0.0e+00;
	s8 =	simm.s32 $0x2880;
	s21 =	sadd.s32 $0x27000, s2;
	s2 =	simm.s32 $0x2780  }
.LBB2_1:
0x1d: {  	s13 =	rddreg [dreg:$0x5]  }
0x1e: {  	[tilespmem:s5], [sflag:$0x4] =	stream.linear.gather [hbm4b:s13+s5], $0x2710, $0x38;
	[tilespmem:$0x1DA00] =	vst v63  }
0x1f: {  	_ =	swait.ge [sflag:s28], $0x2710  }
0x20: {  	[sflag:s28] =	ssyncset.done $0x0  }
0x21: {  	s14 =	simm.s32 $0x200;
	s13 =	simm.s32 $0x0;
	[sflag:s28] =	ssyncadd.s32 $0xFFFFD8F0  }
.LBB2_2:
0x22: {  	p1 =	sne.s32 s14, $0x9E00;
	[tilespmem:s13+$0x79F0] =	vst v0  }
0x23: {  	[tilespmem:s13+$0x2980] =	vst v0  }
0x24: {  	[tilespmem:s13+$0x2990] =	vst v0  }
0x25: {  	[tilespmem:s13+$0x29A0] =	vst v0  }
0x26: {  	[tilespmem:s13+$0x29B0] =	vst v0  }
0x27: {  	[tilespmem:s13+$0x29C0] =	vst v0  }
0x28: {  	[tilespmem:s13+$0x29D0] =	vst v0  }
0x29: {  	[tilespmem:s13+$0x29E0] =	vst v0  }
0x2a: {  	[tilespmem:s13+$0x29F0] =	vst v0  }
0x2b: {  	[tilespmem:s13+$0x5180] =	vst v0  }
0x2c: {  	[tilespmem:s13+$0x5190] =	vst v0  }
0x2d: {  	[tilespmem:s13+$0x51A0] =	vst v0  }
0x2e: {  	[tilespmem:s13+$0x51B0] =	vst v0  }
0x2f: {  	[tilespmem:s13+$0x51C0] =	vst v0  }
0x30: {  	[tilespmem:s13+$0x51D0] =	vst v0  }
0x31: {  	[tilespmem:s13+$0x51E0] =	vst v0  }
0x32: {  	[tilespmem:s13+$0x51F0] =	vst v0  }
0x33: {  	[tilespmem:s13+$0x7980] =	vst v0  }
0x34: {  	[tilespmem:s13+$0x7990] =	vst v0  }
.Ltmp0:
0x35: {  	[tilespmem:s13+$0x79A0] =	vst v0;
	(pc) =	sbr.rel @p1 .LBB2_2-.Ltmp0, $4  }
0x36: {  	[tilespmem:s13+$0x79B0] =	vst v0  }
0x37: {  	[tilespmem:s13+$0x79C0] =	vst v0  }
0x38: {  	[tilespmem:s13+$0x79D0] =	vst v0  }
0x39: {  	[tilespmem:s13+$0x79E0] =	vst v0;
	s13 =	sshra.s32 s14, $0x2;
	s14 =	sadd.s32 $0x200, s14  }
0x3a: {  	[tilespmem:s13+$0x79F0] =	vst v0  }
0x3b: {  	[tilespmem:s13+$0x2980] =	vst v0  }
0x3c: {  	[tilespmem:s13+$0x2990] =	vst v0  }
0x3d: {  	[tilespmem:s13+$0x29A0] =	vst v0  }
0x3e: {  	[tilespmem:s13+$0x29B0] =	vst v0  }
0x3f: {  	[tilespmem:s13+$0x29C0] =	vst v0  }
0x40: {  	[tilespmem:s13+$0x29D0] =	vst v0  }
0x41: {  	[tilespmem:s13+$0x29E0] =	vst v0  }
0x42: {  	[tilespmem:s13+$0x29F0] =	vst v0  }
0x43: {  	[tilespmem:s13+$0x5180] =	vst v0  }
0x44: {  	[tilespmem:s13+$0x5190] =	vst v0  }
0x45: {  	[tilespmem:s13+$0x51A0] =	vst v0  }
0x46: {  	[tilespmem:s13+$0x51B0] =	vst v0  }
0x47: {  	[tilespmem:s13+$0x51C0] =	vst v0  }
0x48: {  	[tilespmem:s13+$0x51D0] =	vst v0  }
0x49: {  	[tilespmem:s13+$0x51E0] =	vst v0  }
0x4a: {  	[tilespmem:s13+$0x51F0] =	vst v0  }
0x4b: {  	[tilespmem:s13+$0x7980] =	vst v0  }
0x4c: {  	[tilespmem:s13+$0x7990] =	vst v0  }
0x4d: {  	[tilespmem:s13+$0x79A0] =	vst v0  }
0x4e: {  	[tilespmem:s13+$0x79B0] =	vst v0  }
0x4f: {  	[tilespmem:s13+$0x79C0] =	vst v0  }
0x50: {  	[tilespmem:s13+$0x79D0] =	vst v0  }
0x51: {  	[tilespmem:s13+$0x79E0] =	vst v0  }
0x52: {  	[spmem:s7] =	stream.linear.scatter [tilespmem:s29], [sflag:$0x4], $0x2800, $0x38;
	[tilespmem:$0x1DA00] =	vst v63  }
0x53: {  	_ =	swait.ge [sflag:s28], $0x2800  }
0x54: {  	[sflag:s28] =	ssyncset.done $0x0  }
0x55: {  	s17 =	rddreg [dreg:$0x6];
	[sflag:s28] =	ssyncadd.s32 $0xFFFFD800  }
0x56: {  	[spmem:s17] =	stream.linear.scatter [tilespmem:s30], [sflag:$0x4], $0x2800, $0x38;
	[tilespmem:$0x1DA00] =	vst v63  }
0x57: {  	_ =	swait.ge [sflag:s28], $0x2800  }
0x58: {  	[sflag:s28] =	ssyncset.done $0x0  }
0x59: {  	s18 =	rddreg [dreg:$0x7];
	[sflag:s28] =	ssyncadd.s32 $0xFFFFD800  }
0x5a: {  	[spmem:s18] =	stream.linear.scatter [tilespmem:s31], [sflag:$0x4], $0x2800, $0x38;
	[tilespmem:$0x1DA00] =	vst v63  }
0x5b: {  	_ =	swait.ge [sflag:s28], $0x2800  }
0x5c: {  	[sflag:s28] =	ssyncset.done $0x0  }
0x5d: {  	s19 =	rddreg [dreg:$0x8];
	[sflag:s28] =	ssyncadd.s32 $0xFFFFD800  }
0x5e: {  	[spmem:s19] =	stream.linear.scatter [tilespmem:s29], [sflag:$0x4], $0x2800, $0x38;
	[tilespmem:$0x1DA00] =	vst v63  }
0x5f: {  	_ =	swait.ge [sflag:s28], $0x2800  }
0x60: {  	[sflag:s28] =	ssyncset.done $0x0  }
0x61: {  	s20 =	rddreg [dreg:$0x9];
	[sflag:s28] =	ssyncadd.s32 $0xFFFFD800  }
0x62: {  	[spmem:s20] =	stream.linear.scatter [tilespmem:s30], [sflag:$0x4], $0x2800, $0x38;
	[tilespmem:$0x1DA00] =	vst v63  }
0x63: {  	_ =	swait.ge [sflag:s28], $0x2800  }
0x64: {  	[sflag:s28] =	ssyncset.done $0x0  }
0x65: {  	s14 =	rddreg [dreg:$0xa];
	[sflag:s28] =	ssyncadd.s32 $0xFFFFD800  }
0x66: {  	[spmem:s14] =	stream.linear.scatter [tilespmem:s31], [sflag:$0x4], $0x2800, $0x38;
	[tilespmem:$0x1DA00] =	vst v63  }
0x67: {  	_ =	swait.ge [sflag:s28], $0x2800  }
0x68: {  	[sflag:s28] =	ssyncset.done $0x0  }
0x69: {  	s17 =	rddreg [dreg:$0xb];
	[sflag:s28] =	ssyncadd.s32 $0xFFFFD800  }
0x6a: {  	[spmem:s17] =	stream.linear.scatter [tilespmem:s29], [sflag:$0x4], $0x2800, $0x38;
	[tilespmem:$0x1DA00] =	vst v63  }
0x6b: {  	_ =	swait.ge [sflag:s28], $0x2800  }
0x6c: {  	[sflag:s28] =	ssyncset.done $0x0  }
0x6d: {  	s18 =	rddreg [dreg:$0xc];
	[sflag:s28] =	ssyncadd.s32 $0xFFFFD800  }
0x6e: {  	[spmem:s18] =	stream.linear.scatter [tilespmem:s29], [sflag:$0x4], $0x2000, $0x38;
	[tilespmem:$0x1DA00] =	vst v63  }
0x6f: {  	_ =	swait.ge [sflag:s28], $0x2000  }
0x70: {  	[sflag:s28] =	ssyncset.done $0x0  }
0x71: {  	s13 =	simm.s32 @!p0 $0x5180;
	[sflag:s28] =	ssyncadd.s32 $0xFFFFE000  }
0x72: {  	[spmem:s15] =	stream.linear.scatter @!p0 [tilespmem:s13], [sflag:$0x4], $0x800, $0x38;
	[tilespmem:$0x1DA00] =	vst v63  }
0x73: {  	s13 =	simm.s32 @!p0 $0x4  }
0x74: {  	_ =	swait.ge @!p0 [sflag:s13], $0x800  }
0x75: {  	[sflag:s13] =	ssyncset.done @!p0 $0x0  }
0x76: {  	[sflag:s13] =	ssyncadd.s32 @!p0 $0xFFFFF800  }
0x77: {  	s19 =	simm.s32 $0x0;
	[bflag:$0x0] =	sbarrier.arrive $0xFFFF  }
0x78: {  	[tilespmem:s2], [sflag:$0x3] =	stream.linear.gather [hbm4b:s16+s19], $0x50, $0x38;
	[tilespmem:$0x1DA00] =	vst v63  }
0x79: {  	_ = 	snop  }
0x7a: {  	[tilespmem:s29], [sflag:$0x1] =	stream.indirect.gather [hbm4b:s1+s0], $0x80, s19, s0, $0xb8;
	[tilespmem:$0x1DA00] =	vst v63  }
0x7b: {  	s14 =	rddreg [dreg:$0xd]  }
0x7c: {  	[tilespmem:s6], [sflag:$0x3] =	stream.linear.gather [hbm4b:s14+s19], $0x50, $0x38;
	[tilespmem:$0x1DA00] =	vst v63  }
0x7d: {  	_ = 	snop  }
0x7e: {  	[tilespmem:s30], [sflag:$0x1] =	stream.indirect.gather [hbm4b:s1+s0], $0x80, s0, s0, $0xb8;
	[tilespmem:$0x1DA00] =	vst v63  }
0x7f: {  	s20 =	rddreg [dreg:$0xe]  }
0x80: {  	[tilespmem:s8], [sflag:$0x3] =	stream.linear.gather [hbm4b:s20+s19], $0x50, $0x38;
	[tilespmem:$0x1DA00] =	vst v63  }
0x81: {  	s17 =	simm.s32 $0xA0  }
0x82: {  	[tilespmem:s31], [sflag:$0x1] =	stream.indirect.gather [hbm4b:s1+s0], $0x80, s17, s0, $0xb8;
	[tilespmem:$0x1DA00] =	vst v63  }
0x83: {  	_ =	swait.ge [sflag:s9], $0x50  }
0x84: {  	[sflag:s9] =	ssyncset.done $0x0  }
0x85: {  	[sflag:s9] =	ssyncadd.s32 $0xFFFFFFB0  }
0x86: {  	_ =	swait.ge [sflag:s10], $0x2800  }
0x87: {  	[sflag:s10] =	ssyncset.done $0x0  }
0x88: {  	[sflag:s10] =	ssyncadd.s32 $0xFFFFD800  }
0x89: {  	[spmem:s4] =	stream.indirect.scatter.add.f32 [tilespmem:s29], [sflag:$0x2], $0x80, s2, s0, $0xb8;
	[tilespmem:$0x1DA00] =	vst v63  }
0x8a: {  	_ =	swait.ge [sflag:s9], $0x50  }
0x8b: {  	[sflag:s9] =	ssyncset.done $0x0  }
0x8c: {  	[sflag:s9] =	ssyncadd.s32 $0xFFFFFFB0  }
0x8d: {  	_ =	swait.ge [sflag:s10], $0x2800  }
0x8e: {  	[sflag:s10] =	ssyncset.done $0x0  }
0x8f: {  	[sflag:s10] =	ssyncadd.s32 $0xFFFFD800  }
0x90: {  	[spmem:s4] =	stream.indirect.scatter.add.f32 [tilespmem:s30], [sflag:$0x2], $0x80, s6, s0, $0xb8;
	[tilespmem:$0x1DA00] =	vst v63  }
0x91: {  	_ =	swait.ge [sflag:s9], $0x50  }
0x92: {  	[sflag:s9] =	ssyncset.done $0x0  }
0x93: {  	[sflag:s9] =	ssyncadd.s32 $0xFFFFFFB0  }
0x94: {  	_ =	swait.ge [sflag:s10], $0x2800  }
0x95: {  	[sflag:s10] =	ssyncset.done $0x0  }
0x96: {  	[sflag:s10] =	ssyncadd.s32 $0xFFFFD800  }
0x97: {  	[spmem:s4] =	stream.indirect.scatter.add.f32 [tilespmem:s31], [sflag:$0x2], $0x80, s8, s0, $0xb8;
	[tilespmem:$0x1DA00] =	vst v63  }
0x98: {  	_ =	swait.ge [sflag:s11], $0x2800  }
0x99: {  	s18 =	sshrl.u32 s25, $0x3;
	[sflag:s11] =	ssyncset.done $0x0  }
0x9a: {  	s13 =	sadd.s32 s3, s18;
	[sflag:s11] =	ssyncadd.s32 $0xFFFFD800  }
0x9b: {  	[tilespmem:s2], [sflag:$0x3] =	stream.linear.gather [hbm4b:s13+s5], $0x50, $0x38;
	[tilespmem:$0x1DA00] =	vst v63  }
0x9c: {  	s19 =	simm.s32 $0xF0  }
0x9d: {  	[tilespmem:s29], [sflag:$0x1] =	stream.indirect.gather [hbm4b:s1+s0], $0x80, s19, s0, $0xb8;
	[tilespmem:$0x1DA00] =	vst v63  }
0x9e: {  	_ =	swait.ge [sflag:s11], $0x2800  }
0x9f: {  	[sflag:s11] =	ssyncset.done $0x0  }
0xa0: {  	[sflag:s11] =	ssyncadd.s32 $0xFFFFD800  }
0xa1: {  	[tilespmem:s6], [sflag:$0x3] =	stream.linear.gather [hbm4b:s24+s5], $0x50, $0x38;
	[tilespmem:$0x1DA00] =	vst v63  }
0xa2: {  	s20 =	simm.s32 $0x140  }
0xa3: {  	[tilespmem:s30], [sflag:$0x1] =	stream.indirect.gather [hbm4b:s1+s0], $0x80, s20, s0, $0xb8;
	[tilespmem:$0x1DA00] =	vst v63  }
0xa4: {  	s18 =	sadd.s32 $0x1E, s24;
	_ =	swait.ge [sflag:s11], $0x2800  }
0xa5: {  	s14 =	sadd.s32 $0xF0, s25;
	s17 =	sadd.s32 $0x1E, s23;
	[sflag:s11] =	ssyncset.done $0x0  }
0xa6: {  	s13 =	simm.s32 $0x3C0;
	s19 =	simm.s32 $0x190;
	[sflag:s11] =	ssyncadd.s32 $0xFFFFD800  }
0xa7: {  	[tilespmem:s8], [sflag:$0x3] =	stream.linear.gather [hbm4b:s23+s5], $0x50, $0x38;
	[tilespmem:$0x1DA00] =	vst v63  }
.LBB2_4:
0xa8: {  	[tilespmem:s31], [sflag:$0x1] =	stream.indirect.gather [hbm4b:s1+s0], $0x80, s19, s0, $0xb8;
	[tilespmem:$0x1DA00] =	vst v63  }
0xa9: {  	s19 =	smov.u32 s13  }
0xaa: {  	p1 =	sne.s32 s13, $0x9240;
	s13 =	sadd.s32 $0x3C0, s13;
	_ =	swait.ge [sflag:s9], $0x50  }
0xab: {  	[sflag:s9] =	ssyncset.done $0x0  }
0xac: {  	[sflag:s9] =	ssyncadd.s32 $0xFFFFFFB0  }
0xad: {  	_ =	swait.ge [sflag:s10], $0x2800  }
0xae: {  	[sflag:s10] =	ssyncset.done $0x0  }
0xaf: {  	[sflag:s10] =	ssyncadd.s32 $0xFFFFD800  }
0xb0: {  	[spmem:s4] =	stream.indirect.scatter.add.f32 [tilespmem:s29], [sflag:$0x2], $0x80, s2, s0, $0xb8;
	[tilespmem:$0x1DA00] =	vst v63  }
0xb1: {  	_ =	swait.ge [sflag:s9], $0x50  }
0xb2: {  	[sflag:s9] =	ssyncset.done $0x0  }
0xb3: {  	[sflag:s9] =	ssyncadd.s32 $0xFFFFFFB0  }
0xb4: {  	_ =	swait.ge [sflag:s10], $0x2800  }
0xb5: {  	[sflag:s10] =	ssyncset.done $0x0  }
0xb6: {  	[sflag:s10] =	ssyncadd.s32 $0xFFFFD800  }
0xb7: {  	[spmem:s4] =	stream.indirect.scatter.add.f32 [tilespmem:s30], [sflag:$0x2], $0x80, s6, s0, $0xb8;
	[tilespmem:$0x1DA00] =	vst v63  }
0xb8: {  	_ =	swait.ge [sflag:s9], $0x50  }
0xb9: {  	[sflag:s9] =	ssyncset.done $0x0  }
0xba: {  	[sflag:s9] =	ssyncadd.s32 $0xFFFFFFB0  }
0xbb: {  	_ =	swait.ge [sflag:s10], $0x2800  }
0xbc: {  	[sflag:s10] =	ssyncset.done $0x0  }
0xbd: {  	[sflag:s10] =	ssyncadd.s32 $0xFFFFD800  }
0xbe: {  	[spmem:s4] =	stream.indirect.scatter.add.f32 [tilespmem:s31], [sflag:$0x2], $0x80, s8, s0, $0xb8;
	[tilespmem:$0x1DA00] =	vst v63  }
0xbf: {  	_ =	swait.ge [sflag:s11], $0x2800  }
0xc0: {  	s20 =	sshrl.u32 s14, $0x3;
	[sflag:s11] =	ssyncset.done $0x0  }
0xc1: {  	s20 =	sadd.s32 s3, s20;
	s19 =	sshra.s32 s19, $0x2;
	[sflag:s11] =	ssyncadd.s32 $0xFFFFD800  }
0xc2: {  	[tilespmem:s2], [sflag:$0x3] =	stream.linear.gather [hbm4b:s20+s5], $0x50, $0x38;
	[tilespmem:$0x1DA00] =	vst v63  }
0xc3: {  	s20 =	sadd.s32 $0xF0, s19  }
0xc4: {  	[tilespmem:s29], [sflag:$0x1] =	stream.indirect.gather [hbm4b:s1+s0], $0x80, s20, s0, $0xb8;
	[tilespmem:$0x1DA00] =	vst v63  }
0xc5: {  	_ =	swait.ge [sflag:s11], $0x2800  }
0xc6: {  	[sflag:s11] =	ssyncset.done $0x0  }
0xc7: {  	[sflag:s11] =	ssyncadd.s32 $0xFFFFD800  }
0xc8: {  	[tilespmem:s6], [sflag:$0x3] =	stream.linear.gather [hbm4b:s18+s5], $0x50, $0x38;
	[tilespmem:$0x1DA00] =	vst v63  }
0xc9: {  	s20 =	sadd.s32 $0x140, s19  }
0xca: {  	[tilespmem:s30], [sflag:$0x1] =	stream.indirect.gather [hbm4b:s1+s0], $0x80, s20, s0, $0xb8;
	[tilespmem:$0x1DA00] =	vst v63  }
.Ltmp1:
0xcb: {  	_ =	swait.ge [sflag:s11], $0x2800;
	(pc) =	sbr.rel @p1 .LBB2_4-.Ltmp1, $4  }
0xcc: {  	[sflag:s11] =	ssyncset.done $0x0  }
0xcd: {  	s14 =	sadd.s32 $0xF0, s14;
	[sflag:s11] =	ssyncadd.s32 $0xFFFFD800  }
0xce: {  	[tilespmem:s8], [sflag:$0x3] =	stream.linear.gather [hbm4b:s17+s5], $0x50, $0x38;
	[tilespmem:$0x1DA00] =	vst v63  }
0xcf: {  	s19 =	sadd.s32 $0x190, s19;
	s18 =	sadd.s32 $0x1E, s18;
	s17 =	sadd.s32 $0x1E, s17  }
0xd0: {  	[tilespmem:s31], [sflag:$0x1] =	stream.indirect.gather [hbm4b:s1+s0], $0x80, s19, s0, $0xb8;
	[tilespmem:$0x1DA00] =	vst v63  }
0xd1: {  	_ =	swait.ge [sflag:s9], $0x50  }
0xd2: {  	[sflag:s9] =	ssyncset.done $0x0  }
0xd3: {  	[sflag:s9] =	ssyncadd.s32 $0xFFFFFFB0  }
0xd4: {  	_ =	swait.ge [sflag:s10], $0x2800  }
0xd5: {  	[sflag:s10] =	ssyncset.done $0x0  }
0xd6: {  	[sflag:s10] =	ssyncadd.s32 $0xFFFFD800  }
0xd7: {  	[spmem:s4] =	stream.indirect.scatter.add.f32 [tilespmem:s29], [sflag:$0x2], $0x80, s2, s0, $0xb8;
	[tilespmem:$0x1DA00] =	vst v63  }
0xd8: {  	_ =	swait.ge [sflag:s9], $0x50  }
0xd9: {  	[sflag:s9] =	ssyncset.done $0x0  }
0xda: {  	[sflag:s9] =	ssyncadd.s32 $0xFFFFFFB0  }
0xdb: {  	_ =	swait.ge [sflag:s10], $0x2800  }
0xdc: {  	[sflag:s10] =	ssyncset.done $0x0  }
0xdd: {  	[sflag:s10] =	ssyncadd.s32 $0xFFFFD800  }
0xde: {  	[spmem:s4] =	stream.indirect.scatter.add.f32 [tilespmem:s30], [sflag:$0x2], $0x80, s6, s0, $0xb8;
	[tilespmem:$0x1DA00] =	vst v63  }
0xdf: {  	_ =	swait.ge [sflag:s9], $0x50  }
0xe0: {  	[sflag:s9] =	ssyncset.done $0x0  }
0xe1: {  	[sflag:s9] =	ssyncadd.s32 $0xFFFFFFB0  }
0xe2: {  	_ =	swait.ge [sflag:s10], $0x2800  }
0xe3: {  	[sflag:s10] =	ssyncset.done $0x0  }
0xe4: {  	[sflag:s10] =	ssyncadd.s32 $0xFFFFD800  }
0xe5: {  	[spmem:s4] =	stream.indirect.scatter.add.f32 [tilespmem:s31], [sflag:$0x2], $0x80, s8, s0, $0xb8;
	[tilespmem:$0x1DA00] =	vst v63  }
0xe6: {  	_ =	swait.ge [sflag:s11], $0x2800  }
0xe7: {  	[sflag:s11] =	ssyncset.done $0x0  }
0xe8: {  	[sflag:s11] =	ssyncadd.s32 $0xFFFFD800  }
0xe9: {  	_ =	swait.ge [sflag:s11], $0x2800  }
0xea: {  	[sflag:s11] =	ssyncset.done $0x0  }
0xeb: {  	[sflag:s11] =	ssyncadd.s32 $0xFFFFD800  }
0xec: {  	_ =	swait.ge [sflag:s11], $0x2800  }
0xed: {  	[sflag:s11] =	ssyncset.done $0x0  }
0xee: {  	s13 =	rddreg [dreg:$0xf];
	[sflag:s11] =	ssyncadd.s32 $0xFFFFD800  }
0xef: {  	[tilespmem:s2], [sflag:$0x3] =	stream.linear.gather [hbm4b:s13+s5], $0x50, $0x38;
	[tilespmem:$0x1DA00] =	vst v63  }
0xf0: {  	s18 =	simm.s32 $0x2670  }
0xf1: {  	[tilespmem:s29], [sflag:$0x1] =	stream.indirect.gather [hbm4b:s1+s0], $0x80, s18, s0, $0xb8;
	[tilespmem:$0x1DA00] =	vst v63  }
0xf2: {  	_ = 	snop  }
0xf3: {  	[tilespmem:s6], [sflag:$0x3] =	stream.linear.gather [hbm4b:s26+s5], $0x50, $0x38;
	[tilespmem:$0x1DA00] =	vst v63  }
0xf4: {  	s19 =	simm.s32 $0x26C0  }
0xf5: {  	[tilespmem:s30], [sflag:$0x1] =	stream.indirect.gather [hbm4b:s1+s0], $0x80, s19, s0, $0xb8;
	[tilespmem:$0x1DA00] =	vst v63  }
0xf6: {  	_ =	swait.ge [sflag:s9], $0x50  }
0xf7: {  	[sflag:s9] =	ssyncset.done $0x0  }
0xf8: {  	[sflag:s9] =	ssyncadd.s32 $0xFFFFFFB0  }
0xf9: {  	_ =	swait.ge [sflag:s10], $0x2800  }
0xfa: {  	[sflag:s10] =	ssyncset.done $0x0  }
0xfb: {  	[sflag:s10] =	ssyncadd.s32 $0xFFFFD800  }
0xfc: {  	[spmem:s4] =	stream.indirect.scatter.add.f32 [tilespmem:s29], [sflag:$0x2], $0x80, s2, s0, $0xb8;
	[tilespmem:$0x1DA00] =	vst v63  }
0xfd: {  	_ =	swait.ge [sflag:s9], $0x50  }
0xfe: {  	[sflag:s9] =	ssyncset.done $0x0  }
0xff: {  	[sflag:s9] =	ssyncadd.s32 $0xFFFFFFB0  }
0x100: {  	_ =	swait.ge [sflag:s10], $0x2800  }
0x101: {  	[sflag:s10] =	ssyncset.done $0x0  }
0x102: {  	[sflag:s10] =	ssyncadd.s32 $0xFFFFD800  }
0x103: {  	[spmem:s4] =	stream.indirect.scatter.add.f32 [tilespmem:s30], [sflag:$0x2], $0x80, s6, s0, $0xb8;
	[tilespmem:$0x1DA00] =	vst v63  }
0x104: {  	_ =	swait.ge [sflag:s11], $0x2800  }
0x105: {  	[sflag:s11] =	ssyncset.done $0x0  }
0x106: {  	[sflag:s11] =	ssyncadd.s32 $0xFFFFD800  }
0x107: {  	_ =	swait.ge [sflag:s11], $0x2800  }
0x108: {  	[sflag:s11] =	ssyncset.done $0x0  }
0x109: {  	s20 =	stileid.u32;
	[sflag:s11] =	ssyncadd.s32 $0xFFFFD800  }
0x10a: {  	s13 =	sshll.u32 s20, $0x6;
	[bflag:$0x0] =	sbarrier.arrive $0xFFFF  }
0x10b: {  	s14 =	sshrl.u32 s7, $0x3;
	s13 =	sor.u32 $0x1C04, s13;
	s17 =	rddreg [dreg:$0x10]  }
0x10c: {  	[hbm:s17], [sflag:s13] =	dma.local [spmem:s14], $0x2700  }
0x10d: {  	_ =	swait.ge [sflag:s28], $0x2700  }
0x10e: {  	s12 =	sadd.s32 $0x1, s12;
	[sflag:s28] =	ssyncset.done $0x0  }
0x10f: {  	p1 =	sne.s32 s12, s22;
	s14 =	sshrl.u32 @!p0 s15, $0x3;
	[sflag:s28] =	ssyncadd.s32 $0xFFFFD900  }
0x110: {  	[hbm:s21], [sflag:s13] =	dma.local @!p0 [spmem:s14], $0x100  }
.Ltmp2:
0x111: {  	_ = 	snop;
	(pc) =	sbr.rel @p1 .LBB2_1-.Ltmp2, $4  }
0x112: {  	s13 =	simm.s32 @!p0 $0x4  }
0x113: {  	_ =	swait.ge @!p0 [sflag:s13], $0x100  }
0x114: {  	[sflag:s13] =	ssyncset.done @!p0 $0x0  }
0x115: {  	[sflag:s13] =	ssyncadd.s32 @!p0 $0xFFFFFF00  }
0x116: {  	_ =	sfence.sel $0x180000  }
0x117: {  	[bflag:$0x0] =	sbarrier.arrive $0xFFFF  }
0x118: {  	_ =	strace $0x9000004D  }
0x119: {  	s0 =	stileid.u32;
	[bflag:$0x2] =	sbarrier.arrive $0xFFFF  }
0x11a: {  	p0 =	sne.s32 s0, $0x0;
	s0 =	rddreg [dreg:$0x4]  }
0x11b: {  	s0 =	sadd.s32 @!p0 $0x100000, s0  }
0x11c: {  	[sflag:s0] =	ssyncadd.tile.s32 @!p0 $0x1;
	_ =	shalt  }
.Lfunc_end2:
_tile_overlayer_lowered:
.L_overlay_start_2:
0x11d: {  	(tag) =	ssettag $0x2  }
0x11e: {  	s0 =	rddreg [dreg:$0x0];
	s2 =	stileid.u32  }
0x11f: {  	s1 =	rddreg [dreg:$0x1];
	p0 =	sne.s32 s2, $0x0  }
0x120: {  	s3 =	rddreg [dreg:$0x2];
	[bflag:$0x3] =	sbarrier.arrive $0xFFFF;
	s2 =	simm.s32 @!p0 $0x1C04  }
0x121: {  	[timem:s3], [sflag:s2] =	dma.local @!p0 [hbm:s0], s1  }
0x122: {  	s0 =	simm.s32 @!p0 $0x4  }
0x123: {  	_ =	swait.ge @!p0 [sflag:s0], s1  }
0x124: {  	s1 =	ssub.s32 @!p0 $0x0, s1;
	[sflag:s0] =	ssyncset.done @!p0 $0x0  }
0x125: {  	[sflag:s0] =	ssyncadd.s32 @!p0 s1  }
0x126: {  	[bflag:$0x3] =	sbarrier.arrive $0xFFFF  }
0x127: {  	_ =	shalt  }

// kernel: kernel.9.cloned.1.call-start
scs
__scs_entry_jumppad:
0x0: {  	(pc) =	sbr.rel $0x88, $3  }
0x1: {  	(tag) =	ssettag $0x0;
	lr =	simm.s32 $0x1  }
0x2: {  	[smem:$0x3F88] =	sst lr;
	_ =	strace $0xD0000000  }
0x3: {  	_ = 	snop  }
0x4: {  	_ = 	snop  }
0x5: {  	_ = 	snop  }
0x6: {  	_ = 	snop  }
0x7: {  	_ = 	snop  }
__scs_overlays_trampoline_lowered:
0x8: {  	[smem:$0x3F97] =	sst s0  }
0x9: {  	[smem:$0x3F98] =	sst s1  }
0xa: {  	[smem:$0x3F99] =	sst s2  }
0xb: {  	[smem:$0x3F9A] =	sst s3  }
0xc: {  	[smem:$0x3F9B] =	sst s4  }
0xd: {  	[smem:$0x3F9C] =	sst s5  }
0xe: {  	[smem:$0x3F9D] =	sst s6  }
0xf: {  	[smem:$0x3F9E] =	sst s7  }
0x10: {  	[smem:$0x3F9F] =	sst s8  }
0x11: {  	[smem:$0x3FA0] =	sst s9;
	s0 =	simm.s32 @!p0 $0x0  }
0x12: {  	s1 =	sld [smem:$0x3F86];
	s0 =	simm.s32 @p0 $0x1  }
0x13: {  	[smem:$0x3FA1] =	sst s0;
	s0 =	simm.s32 @!p1 $0x0  }
0x14: {  	s2 =	sld [smem:$0x3F85];
	s0 =	simm.s32 @p1 $0x1  }
0x15: {  	[smem:$0x3FA2] =	sst s0;
	s0 =	simm.s32 @!p2 $0x0  }
0x16: {  	s3 =	sld [smem:$0x3FDB];
	s0 =	simm.s32 @p2 $0x1  }
0x17: {  	s4 =	simm.s32 $0x1BF5;
	[smem:$0x3FA4] =	sst s0  }
0x18: {  	s0 =	sld [smem:$0x3F87];
	_ =	swait.ge [sflag:s4], $0x0  }
0x19: {  	s7 =	sld [smem:$0x3F88]  }
0x1a: {  	s8 =	sadd.s32 $0xFFFFE003, lr  }
0x1b: {  	s9 =	sadd.s32 $0xFFFFFEF7, lr;
	s5 =	simm.s32 $0xFFFFFFFF;
	p2 =	slt.u32 s8, $0xFFFFF086  }
0x1c: {  	p1 =	slt.u32 s9, $0xF7A;
	s5 =	simm.s32 @!p2 $0x0  }
0x1d: {  	s5 =	simm.s32 @p1 $0x1;
	p0 =	seq.s32 s7, s2  }
0x1e: {  	s7 =	smul.u32 @!p0 $0xF7A, s2;
	p2 =	seq.s32 @!p0 s5, $0x0  }
0x1f: {  	s9 =	smul.u32 $0xF7A, s1;
	s8 =	simm.s32 @!p0 $0x1BF5;
	p2 =	por !p2, p0  }
0x20: {  	[sflag:s8] =	ssyncset.s32 @!p0 $0xFFFFF086;
	s6 =	sadd.s32 @!p0 s3, s7;
	s7 =	simm.s32 @!p0 $0x108  }
0x21: {  	s3 =	sadd.s32 s3, s9;
	s6 =	sadd.s32 @!p0 $0x88, s6;
	s7 =	simm.s32 @p2 $0x1082  }
0x22: {  	[simem:s7], [sflag:s8] =	dma.local @!p0 [hbm:s6], $0xF7A  }
0x23: {  	s9 =	sor.u32 $0xD0000000, s2;
	s6 =	simm.s32 $0x108;
	_ =	swait.ge @!p0 [sflag:s8], $0x0  }
0x24: {  	s3 =	sadd.s32 $0x88, s3;
	s6 =	simm.s32 @!p1 $0x1082;
	[sflag:s4] =	ssyncset.s32 $0xFFFFF086  }
0x25: {  	[simem:s6], [sflag:s4] =	dma.local [hbm:s3], $0xF7A  }
0x26: {  	[smem:$0x3F88] =	sst s1;
	(tag) =	ssettag s2;
	_ =	strace s9  }
0x27: {  	s1 =	sld [smem:$0x3F98]  }
0x28: {  	s2 =	sld [smem:$0x3F99]  }
0x29: {  	s4 =	sld [smem:$0x3F9B]  }
0x2a: {  	p0 =	seq.s32 s5, $0x0;
	s5 =	sld [smem:$0x3F9C]  }
0x2b: {  	s6 =	sld [smem:$0x3F9D]  }
0x2c: {  	s7 =	sld [smem:$0x3F9E]  }
0x2d: {  	s3 =	simm.s32 $0x108;
	s8 =	sld [smem:$0x3F9F]  }
0x2e: {  	s3 =	simm.s32 @!p0 $0x1082;
	s9 =	sld [smem:$0x3FA0]  }
0x2f: {  	lr =	sadd.s32 s0, s3;
	s0 =	sld [smem:$0x3F97]  }
0x30: {  	s3 =	sld [smem:$0x3F9A]  }
0x31: {  	[smem:$0x3FA3] =	sst s10  }
0x32: {  	s10 =	sld [smem:$0x3FA1];
	_ =	sdelay $0x3  }
0x33: {  	p0 =	seq.s32 s10, $0x1;
	s10 =	sld [smem:$0x3FA3];
	_ =	sdelay $0x3  }
0x34: {  	[smem:$0x3FA3] =	sst s10  }
0x35: {  	s10 =	sld [smem:$0x3FA2];
	_ =	sdelay $0x3  }
0x36: {  	p1 =	seq.s32 s10, $0x1;
	s10 =	sld [smem:$0x3FA3];
	_ =	sdelay $0x3  }
0x37: {  	[smem:$0x3FA3] =	sst s10  }
0x38: {  	s10 =	sld [smem:$0x3FA4]  }
0x39: {  	_ = 	snop;
	(pc) =	sbr.ind lr, $3  }
0x3a: {  	_ = 	snop  }
0x3b: {  	_ = 	snop  }
0x3c: {  	p2 =	seq.s32 s10, $0x1;
	s10 =	sld [smem:$0x3FA3]  }
0x3d: {  	_ =	shalt  }
0x3e: {  	_ =	shalt  }
0x3f: {  	_ =	shalt  }
0x40: {  	_ =	shalt  }
0x41: {  	_ =	shalt  }
0x42: {  	_ =	shalt  }
0x43: {  	_ =	shalt  }
0x44: {  	_ =	shalt  }
0x45: {  	_ =	shalt  }
0x46: {  	_ =	shalt  }
0x47: {  	_ =	shalt  }
0x48: {  	_ =	shalt  }
0x49: {  	_ =	shalt  }
0x4a: {  	_ =	shalt  }
0x4b: {  	_ =	shalt  }
0x4c: {  	_ =	shalt  }
0x4d: {  	_ =	shalt  }
0x4e: {  	_ =	shalt  }
0x4f: {  	_ =	shalt  }
0x50: {  	_ =	shalt  }
0x51: {  	_ =	shalt  }
0x52: {  	_ =	shalt  }
0x53: {  	_ =	shalt  }
0x54: {  	_ =	shalt  }
0x55: {  	_ =	shalt  }
0x56: {  	_ =	shalt  }
0x57: {  	_ =	shalt  }
0x58: {  	_ =	shalt  }
0x59: {  	_ =	shalt  }
0x5a: {  	_ =	shalt  }
0x5b: {  	_ =	shalt  }
0x5c: {  	_ =	shalt  }
0x5d: {  	_ =	shalt  }
0x5e: {  	_ =	shalt  }
0x5f: {  	_ =	shalt  }
0x60: {  	_ =	shalt  }
0x61: {  	_ =	shalt  }
0x62: {  	_ =	shalt  }
0x63: {  	_ =	shalt  }
0x64: {  	_ =	shalt  }
0x65: {  	_ =	shalt  }
0x66: {  	_ =	shalt  }
0x67: {  	_ =	shalt  }
0x68: {  	_ =	shalt  }
0x69: {  	_ =	shalt  }
0x6a: {  	_ =	shalt  }
0x6b: {  	_ =	shalt  }
0x6c: {  	_ =	shalt  }
0x6d: {  	_ =	shalt  }
0x6e: {  	_ =	shalt  }
0x6f: {  	_ =	shalt  }
0x70: {  	_ =	shalt  }
0x71: {  	_ =	shalt  }
0x72: {  	_ =	shalt  }
0x73: {  	_ =	shalt  }
0x74: {  	_ =	shalt  }
0x75: {  	_ =	shalt  }
0x76: {  	_ =	shalt  }
0x77: {  	_ =	shalt  }
0x78: {  	_ =	shalt  }
0x79: {  	_ =	shalt  }
0x7a: {  	_ =	shalt  }
0x7b: {  	_ =	shalt  }
0x7c: {  	_ =	shalt  }
0x7d: {  	_ =	shalt  }
0x7e: {  	_ =	shalt  }
0x7f: {  	_ =	shalt  }
0x80: {  	_ =	shalt  }
0x81: {  	_ =	shalt  }
0x82: {  	_ =	shalt  }
0x83: {  	_ =	shalt  }
0x84: {  	_ =	shalt  }
0x85: {  	_ =	shalt  }
0x86: {  	_ =	shalt  }
0x87: {  	_ =	shalt  }
.Lfunc_end0:
.L_simem_size_0:
called_computation_lowered:
.L_overlay_start_0:
0x88: {  	s2 =	sld [smem:$0x3FD9]  }
0x89: {  	s3 =	sld [smem:$0x3FFE];
	_ =	sdelay $0x1  }
0x8a: {  	s1 =	srdreg.scid  }
0x8b: {  	s0 =	sand.u32 $0x1, s1  }
0x8c: {  	s14 =	sshll.u32 s0, $0xA;
	s2 =	sadd.s32 s3, s2  }
0x8d: {  	s2 =	sadd.s32 s2, s14  }
0x8e: {  	[smem:$0x3FAF] =	sst s2  }
0x8f: {  	_ = 	snop  }
0x90: {  	s2 =	sld [smem:$0x3FD0];
	_ =	sdelay $0x2  }
0x91: {  	s15 =	simm.s32 $0xA;
	s4 =	simm.s32 $0x10  }
0x92: {  	[smem:s4], [sflag:s15] =	dma.local [hbm:s2], $0x1  }
0x93: {  	_ =	swait.eq [sflag:s15], $0x1  }
0x94: {  	[sflag:s15] =	ssyncset.done $0x0  }
0x95: {  	s16 =	sld [smem:$0x10];
	[sflag:s15] =	ssyncadd.s32 $0xFFFFFFFF  }
0x96: {  	s17 =	sld [smem:$0x11];
	(tm) =	ssettm $0x1  }
0x97: {  	s18 =	sld [smem:$0x3FFB];
	_ =	sdelay $0x3  }
0x98: {  	_ =	strace s18  }
0x99: {  	s4 =	sld [smem:$0x3FFC];
	_ =	sdelay $0x3  }
0x9a: {  	_ =	strace s4  }
0x9b: {  	s4 =	sld [smem:$0x3FFD];
	_ =	sdelay $0x3  }
0x9c: {  	_ =	strace s4  }
0x9d: {  	_ =	strace $0x8FFFFFFF  }
0x9e: {  	s19 =	sld [smem:$0x3FDB];
	_ =	sdelay $0x1  }
0x9f: {  	s5 =	simm.s32 $_scs_section_size  }
0xa0: {  	s6 =	simm.s32 $_size__tile_overlayer_lowered;
	s7 =	simm.s32 $_tile_overlayer_lowered  }
0xa1: {  	s22 =	simm.s32 $0x1BFF;
	s21 =	sshll.u32 s7, $0x1;
	s4 =	sadd.s32 s5, s19  }
0xa2: {  	s8 =	simm.s32 $0x0;
	s20 =	sshll.u32 s6, $0x1;
	s6 =	sadd.s32 s21, s4  }
0xa3: {  	[timem:s8], [sflag:s22] =	dma.local [hbm:s6], s20  }
0xa4: {  	_ =	swait.ge [sflag:s22], s20  }
0xa5: {  	s5 =	ssub.s32 $0x0, s20;
	[sflag:s22] =	ssyncset.done $0x0  }
0xa6: {  	[sflag:s22] =	ssyncadd.s32 s5;
	_ =	sdelay $0x1  }
0xa7: {  	s23 =	simm.s32 $0x1B8B  }
0xa8: {  	_ =	swait.ge [sflag:s23], $0x1  }
0xa9: {  	[sflag:s23] =	ssyncset.done $0x0  }
0xaa: {  	s25 =	simm.s32 $0x1B8E;
	s24 =	sld [smem:$0x3FFE];
	[sflag:s23] =	ssyncadd.s32 $0xFFFFFFFF  }
0xab: {  	s26 =	simm.s32 $execute0_lowered;
	[smem:$0x3FD2] =	sst s25  }
0xac: {  	s6 =	sshll.u32 s26, $0x1;
	_ =	strace $0x80000046;
	[dreg:$0x1] =	wrdreg $0xFFFFFFFF  }
0xad: {  	s28 =	simm.s32 $_size_execute0_lowered;
	s4 =	sadd.s32 s4, s6;
	[dreg:$0x0] =	wrdreg $0x0  }
0xae: {  	s6 =	sshll.u32 s28, $0x1;
	[dreg:$0x2] =	wrdreg s4  }
0xaf: {  	[dreg:$0x3] =	wrdreg s6  }
0xb0: {  	[dreg:$0x4] =	wrdreg $0xC0  }
0xb1: {  	_ =	task [dreg:s8], $0x5FFFF  }
0xb2: {  	[dreg:$0x1] =	wrdreg $0xFFFFFFFF  }
0xb3: {  	[dreg:$0x0] =	wrdreg $0x60  }
0xb4: {  	[dreg:$0x2] =	wrdreg s17  }
0xb5: {  	[dreg:$0x3] =	wrdreg s24  }
0xb6: {  	[dreg:$0x4] =	wrdreg s16  }
0xb7: {  	[dreg:$0x5] =	wrdreg $0xA1800  }
0xb8: {  	[dreg:$0x6] =	wrdreg $0x9  }
0xb9: {  	_ =	task.clear_ibuf [dreg:s8], $0x7FFFF;
	_ =	strace $0x90000046  }
0xba: {  	s29 =	simm.s32 $0x9;
	_ =	strace $0x80000048  }
0xbb: {  	_ =	swait.ge [sflag:s29], $0x1  }
0xbc: {  	[sflag:s29] =	ssyncadd.s32 $0xFFFFFFFF  }
0xbd: {  	_ =	strace $0x90000048  }
0xbe: {  	_ =	sfence  }
0xbf: {  	s30 =	sld [smem:$0x0];
	_ =	sdelay $0x2  }
0xc0: {  	s31 =	sshll.u32 s1, $0xD;
	s1 =	sshrl.u32 s1, $0x2  }
0xc1: {  	s3 =	sand.u32 $0x4000, s31;
	s1 =	sadd.s32 s1, s30  }
0xc2: {  	s0 =	sor.u32 s3, s0;
	s1 =	sshll.u32 s1, $0x11  }
0xc3: {  	s0 =	sor.u32 s1, s0  }
0xc4: {  	s0 =	sadd.s32 $0x8F2B, s0  }
0xc5: {  	[sflag:s0] =	ssyncadd.remote.s32 $0x1  }
0xc6: {  	_ =	sfence.sel $0xFFFF  }
0xc7: {  	[dreg:$0x0] =	wrdreg $0xFFFFFFFF;
	(pc) =	sbr.abs _section_cstart, $3  }
0xc8: {  	[dreg:$0x1] =	wrdreg $0xFFFFFFFF  }
0xc9: {  	_ =	task.clear_ibuf [dreg:s8], $0x2FFFF;
	_ =	strace $0x9FFFFFFF  }
0xca: {  	(tm) =	ssettm $0x7FFFFFFF  }
0xcb: {  	_ =	shalt  }
tec
execute0_lowered:
.L_overlay_start_1:
0x0: {  	(tag) =	ssettag $0x1  }
0x1: {  	s1 =	rddreg [dreg:$0x0]  }
0x2: {  	s0 =	srdreg.scid;
	s2 =	rddreg [dreg:$0x1]  }
0x3: {  	s11 =	stileid.u32;
	s3 =	rddreg [dreg:$0x2]  }
0x4: {  	s28 =	simm.s32 $0x4;
	s29 =	simm.s32 $0x2980;
	s7 =	smul.u32 $0x4E000, s11  }
0x5: {  	s30 =	simm.s32 $0x5180;
	s31 =	simm.s32 $0x7980;
	s20 =	smul.u32 $0x13800, s11  }
0x6: {  	s0 =	sand.u32 $0x1, s0;
	s4 =	sshll.u32 s11, $0x1;
	s21 =	smul.u32 $0x4E20, s11  }
0x7: {  	p0 =	sne.s32 s11, $0xF;
	s11 =	simm.s32 $0x2;
	s17 =	smul.u32 $0x138800, s0  }
0x8: {  	s5 =	sor.u32 s0, s4;
	s9 =	ssub.s32 $0x2, s0;
	s0 =	smul.u32 $0x2710, s0  }
0x9: {  	s4 =	rddreg [dreg:$0x3];
	s6 =	smul.u32 $0x2710, s5;
	s7 =	sshrl.u32 s7, $0x2  }
0xa: {  	s5 =	simm.s32 $0x0;
	s10 =	sshrl.u32 s9, $0x1;
	s7 =	sadd.s32 s7, s4  }
0xb: {  	[smem:$0x7FF] =	sst s5;
	s9 =	ssub.s32 s9, s10;
	s12 =	sadd.s32 $0x2800, s7  }
0xc: {  	_ =	strace $0x80000047;
	s13 =	sadd.s32 $0x5000, s7;
	[dreg:$0x6] =	wrdreg s12  }
0xd: {  	s10 =	sadd.s32 s20, s17;
	s14 =	sadd.s32 $0x7800, s7;
	[dreg:$0x7] =	wrdreg s13  }
0xe: {  	s0 =	sadd.s32 s0, s21;
	s15 =	sadd.s32 $0xA000, s7;
	[dreg:$0x8] =	wrdreg s14  }
0xf: {  	s6 =	sshrl.u32 s6, $0x3;
	s16 =	sadd.s32 $0xC800, s7;
	[dreg:$0x9] =	wrdreg s15  }
0x10: {  	s18 =	sadd.s32 $0xF000, s7;
	s19 =	sadd.s32 $0x11800, s7;
	[dreg:$0xa] =	wrdreg s16  }
0x11: {  	s10 =	sshrl.u32 s10, $0x3;
	s24 =	sadd.s32 $0x140, s0;
	[dreg:$0xb] =	wrdreg s18  }
0x12: {  	s8 =	sadd.s32 s6, s2;
	s2 =	sadd.s32 $0xE600, s2;
	[dreg:$0xc] =	wrdreg s19  }
0x13: {  	s15 =	sadd.s32 $0x138000, s4;
	s16 =	sadd.s32 s3, s6;
	s8 =	sadd.s32 $0x4800, s8  }
0x14: {  	s6 =	sadd.s32 $0x190, s0;
	s12 =	sadd.s32 $0xA, s16;
	[dreg:$0x5] =	wrdreg s8  }
0x15: {  	s26 =	sshrl.u32 s24, $0x3;
	s22 =	sadd.s32 $0x14, s16;
	[dreg:$0xd] =	wrdreg s12  }
0x16: {  	s23 =	sadd.s32 $0x4CE, s16;
	s10 =	sadd.s32 s2, s10;
	[dreg:$0xe] =	wrdreg s22  }
0x17: {  	s25 =	sshrl.u32 s6, $0x3;
	s24 =	sadd.s32 s26, s3;
	[dreg:$0xf] =	wrdreg s23  }
0x18: {  	s26 =	sadd.s32 $0x4D8, s16;
	s6 =	simm.s32 $0x2800;
	[dreg:$0x10] =	wrdreg s10  }
0x19: {  	s8 =	sshrl.u32 s17, $0x3;
	s22 =	smax.u32 s9, $0x1;
	s23 =	sadd.s32 s25, s3  }
0x1a: {  	s25 =	sadd.s32 $0xF0, s0;
	s0 =	simm.s32 $0x50;
	s9 =	simm.s32 $0x3  }
0x1b: {  	s10 =	simm.s32 $0x1;
	s12 =	simm.s32 $0x0;
	s2 =	sadd.s32 s2, s8  }
0x1c: {  	v0 =	vimm.f32 $0.0e+00;
	s8 =	simm.s32 $0x2880;
	s21 =	sadd.s32 $0x27000, s2;
	s2 =	simm.s32 $0x2780  }
.LBB2_1:
0x1d: {  	s13 =	rddreg [dreg:$0x5]  }
0x1e: {  	[tilespmem:s5], [sflag:$0x4] =	stream.linear.gather [hbm4b:s13+s5], $0x2710, $0x38;
	[tilespmem:$0x1DA00] =	vst v63  }
0x1f: {  	_ =	swait.ge [sflag:s28], $0x2710  }
0x20: {  	[sflag:s28] =	ssyncset.done $0x0  }
0x21: {  	s14 =	simm.s32 $0x200;
	s13 =	simm.s32 $0x0;
	[sflag:s28] =	ssyncadd.s32 $0xFFFFD8F0  }
.LBB2_2:
0x22: {  	p1 =	sne.s32 s14, $0x9E00;
	[tilespmem:s13+$0x79F0] =	vst v0  }
0x23: {  	[tilespmem:s13+$0x2980] =	vst v0  }
0x24: {  	[tilespmem:s13+$0x2990] =	vst v0  }
0x25: {  	[tilespmem:s13+$0x29A0] =	vst v0  }
0x26: {  	[tilespmem:s13+$0x29B0] =	vst v0  }
0x27: {  	[tilespmem:s13+$0x29C0] =	vst v0  }
0x28: {  	[tilespmem:s13+$0x29D0] =	vst v0  }
0x29: {  	[tilespmem:s13+$0x29E0] =	vst v0  }
0x2a: {  	[tilespmem:s13+$0x29F0] =	vst v0  }
0x2b: {  	[tilespmem:s13+$0x5180] =	vst v0  }
0x2c: {  	[tilespmem:s13+$0x5190] =	vst v0  }
0x2d: {  	[tilespmem:s13+$0x51A0] =	vst v0  }
0x2e: {  	[tilespmem:s13+$0x51B0] =	vst v0  }
0x2f: {  	[tilespmem:s13+$0x51C0] =	vst v0  }
0x30: {  	[tilespmem:s13+$0x51D0] =	vst v0  }
0x31: {  	[tilespmem:s13+$0x51E0] =	vst v0  }
0x32: {  	[tilespmem:s13+$0x51F0] =	vst v0  }
0x33: {  	[tilespmem:s13+$0x7980] =	vst v0  }
0x34: {  	[tilespmem:s13+$0x7990] =	vst v0  }
.Ltmp0:
0x35: {  	[tilespmem:s13+$0x79A0] =	vst v0;
	(pc) =	sbr.rel @p1 .LBB2_2-.Ltmp0, $4  }
0x36: {  	[tilespmem:s13+$0x79B0] =	vst v0  }
0x37: {  	[tilespmem:s13+$0x79C0] =	vst v0  }
0x38: {  	[tilespmem:s13+$0x79D0] =	vst v0  }
0x39: {  	[tilespmem:s13+$0x79E0] =	vst v0;
	s13 =	sshra.s32 s14, $0x2;
	s14 =	sadd.s32 $0x200, s14  }
0x3a: {  	[tilespmem:s13+$0x79F0] =	vst v0  }
0x3b: {  	[tilespmem:s13+$0x2980] =	vst v0  }
0x3c: {  	[tilespmem:s13+$0x2990] =	vst v0  }
0x3d: {  	[tilespmem:s13+$0x29A0] =	vst v0  }
0x3e: {  	[tilespmem:s13+$0x29B0] =	vst v0  }
0x3f: {  	[tilespmem:s13+$0x29C0] =	vst v0  }
0x40: {  	[tilespmem:s13+$0x29D0] =	vst v0  }
0x41: {  	[tilespmem:s13+$0x29E0] =	vst v0  }
0x42: {  	[tilespmem:s13+$0x29F0] =	vst v0  }
0x43: {  	[tilespmem:s13+$0x5180] =	vst v0  }
0x44: {  	[tilespmem:s13+$0x5190] =	vst v0  }
0x45: {  	[tilespmem:s13+$0x51A0] =	vst v0  }
0x46: {  	[tilespmem:s13+$0x51B0] =	vst v0  }
0x47: {  	[tilespmem:s13+$0x51C0] =	vst v0  }
0x48: {  	[tilespmem:s13+$0x51D0] =	vst v0  }
0x49: {  	[tilespmem:s13+$0x51E0] =	vst v0  }
0x4a: {  	[tilespmem:s13+$0x51F0] =	vst v0  }
0x4b: {  	[tilespmem:s13+$0x7980] =	vst v0  }
0x4c: {  	[tilespmem:s13+$0x7990] =	vst v0  }
0x4d: {  	[tilespmem:s13+$0x79A0] =	vst v0  }
0x4e: {  	[tilespmem:s13+$0x79B0] =	vst v0  }
0x4f: {  	[tilespmem:s13+$0x79C0] =	vst v0  }
0x50: {  	[tilespmem:s13+$0x79D0] =	vst v0  }
0x51: {  	[tilespmem:s13+$0x79E0] =	vst v0  }
0x52: {  	[spmem:s7] =	stream.linear.scatter [tilespmem:s29], [sflag:$0x4], $0x2800, $0x38;
	[tilespmem:$0x1DA00] =	vst v63  }
0x53: {  	_ =	swait.ge [sflag:s28], $0x2800  }
0x54: {  	[sflag:s28] =	ssyncset.done $0x0  }
0x55: {  	s17 =	rddreg [dreg:$0x6];
	[sflag:s28] =	ssyncadd.s32 $0xFFFFD800  }
0x56: {  	[spmem:s17] =	stream.linear.scatter [tilespmem:s30], [sflag:$0x4], $0x2800, $0x38;
	[tilespmem:$0x1DA00] =	vst v63  }
0x57: {  	_ =	swait.ge [sflag:s28], $0x2800  }
0x58: {  	[sflag:s28] =	ssyncset.done $0x0  }
0x59: {  	s18 =	rddreg [dreg:$0x7];
	[sflag:s28] =	ssyncadd.s32 $0xFFFFD800  }
0x5a: {  	[spmem:s18] =	stream.linear.scatter [tilespmem:s31], [sflag:$0x4], $0x2800, $0x38;
	[tilespmem:$0x1DA00] =	vst v63  }
0x5b: {  	_ =	swait.ge [sflag:s28], $0x2800  }
0x5c: {  	[sflag:s28] =	ssyncset.done $0x0  }
0x5d: {  	s19 =	rddreg [dreg:$0x8];
	[sflag:s28] =	ssyncadd.s32 $0xFFFFD800  }
0x5e: {  	[spmem:s19] =	stream.linear.scatter [tilespmem:s29], [sflag:$0x4], $0x2800, $0x38;
	[tilespmem:$0x1DA00] =	vst v63  }
0x5f: {  	_ =	swait.ge [sflag:s28], $0x2800  }
0x60: {  	[sflag:s28] =	ssyncset.done $0x0  }
0x61: {  	s20 =	rddreg [dreg:$0x9];
	[sflag:s28] =	ssyncadd.s32 $0xFFFFD800  }
0x62: {  	[spmem:s20] =	stream.linear.scatter [tilespmem:s30], [sflag:$0x4], $0x2800, $0x38;
	[tilespmem:$0x1DA00] =	vst v63  }
0x63: {  	_ =	swait.ge [sflag:s28], $0x2800  }
0x64: {  	[sflag:s28] =	ssyncset.done $0x0  }
0x65: {  	s14 =	rddreg [dreg:$0xa];
	[sflag:s28] =	ssyncadd.s32 $0xFFFFD800  }
0x66: {  	[spmem:s14] =	stream.linear.scatter [tilespmem:s31], [sflag:$0x4], $0x2800, $0x38;
	[tilespmem:$0x1DA00] =	vst v63  }
0x67: {  	_ =	swait.ge [sflag:s28], $0x2800  }
0x68: {  	[sflag:s28] =	ssyncset.done $0x0  }
0x69: {  	s17 =	rddreg [dreg:$0xb];
	[sflag:s28] =	ssyncadd.s32 $0xFFFFD800  }
0x6a: {  	[spmem:s17] =	stream.linear.scatter [tilespmem:s29], [sflag:$0x4], $0x2800, $0x38;
	[tilespmem:$0x1DA00] =	vst v63  }
0x6b: {  	_ =	swait.ge [sflag:s28], $0x2800  }
0x6c: {  	[sflag:s28] =	ssyncset.done $0x0  }
0x6d: {  	s18 =	rddreg [dreg:$0xc];
	[sflag:s28] =	ssyncadd.s32 $0xFFFFD800  }
0x6e: {  	[spmem:s18] =	stream.linear.scatter [tilespmem:s29], [sflag:$0x4], $0x2000, $0x38;
	[tilespmem:$0x1DA00] =	vst v63  }
0x6f: {  	_ =	swait.ge [sflag:s28], $0x2000  }
0x70: {  	[sflag:s28] =	ssyncset.done $0x0  }
0x71: {  	s13 =	simm.s32 @!p0 $0x5180;
	[sflag:s28] =	ssyncadd.s32 $0xFFFFE000  }
0x72: {  	[spmem:s15] =	stream.linear.scatter @!p0 [tilespmem:s13], [sflag:$0x4], $0x800, $0x38;
	[tilespmem:$0x1DA00] =	vst v63  }
0x73: {  	s13 =	simm.s32 @!p0 $0x4  }
0x74: {  	_ =	swait.ge @!p0 [sflag:s13], $0x800  }
0x75: {  	[sflag:s13] =	ssyncset.done @!p0 $0x0  }
0x76: {  	[sflag:s13] =	ssyncadd.s32 @!p0 $0xFFFFF800  }
0x77: {  	s19 =	simm.s32 $0x0;
	[bflag:$0x0] =	sbarrier.arrive $0xFFFF  }
0x78: {  	[tilespmem:s2], [sflag:$0x3] =	stream.linear.gather [hbm4b:s16+s19], $0x50, $0x38;
	[tilespmem:$0x1DA00] =	vst v63  }
0x79: {  	_ = 	snop  }
0x7a: {  	[tilespmem:s29], [sflag:$0x1] =	stream.indirect.gather [hbm4b:s1+s0], $0x80, s19, s0, $0xb8;
	[tilespmem:$0x1DA00] =	vst v63  }
0x7b: {  	s14 =	rddreg [dreg:$0xd]  }
0x7c: {  	[tilespmem:s6], [sflag:$0x3] =	stream.linear.gather [hbm4b:s14+s19], $0x50, $0x38;
	[tilespmem:$0x1DA00] =	vst v63  }
0x7d: {  	_ = 	snop  }
0x7e: {  	[tilespmem:s30], [sflag:$0x1] =	stream.indirect.gather [hbm4b:s1+s0], $0x80, s0, s0, $0xb8;
	[tilespmem:$0x1DA00] =	vst v63  }
0x7f: {  	s20 =	rddreg [dreg:$0xe]  }
0x80: {  	[tilespmem:s8], [sflag:$0x3] =	stream.linear.gather [hbm4b:s20+s19], $0x50, $0x38;
	[tilespmem:$0x1DA00] =	vst v63  }
0x81: {  	s17 =	simm.s32 $0xA0  }
0x82: {  	[tilespmem:s31], [sflag:$0x1] =	stream.indirect.gather [hbm4b:s1+s0], $0x80, s17, s0, $0xb8;
	[tilespmem:$0x1DA00] =	vst v63  }
0x83: {  	_ =	swait.ge [sflag:s9], $0x50  }
0x84: {  	[sflag:s9] =	ssyncset.done $0x0  }
0x85: {  	[sflag:s9] =	ssyncadd.s32 $0xFFFFFFB0  }
0x86: {  	_ =	swait.ge [sflag:s10], $0x2800  }
0x87: {  	[sflag:s10] =	ssyncset.done $0x0  }
0x88: {  	[sflag:s10] =	ssyncadd.s32 $0xFFFFD800  }
0x89: {  	[spmem:s4] =	stream.indirect.scatter.add.f32 [tilespmem:s29], [sflag:$0x2], $0x80, s2, s0, $0xb8;
	[tilespmem:$0x1DA00] =	vst v63  }
0x8a: {  	_ =	swait.ge [sflag:s9], $0x50  }
0x8b: {  	[sflag:s9] =	ssyncset.done $0x0  }
0x8c: {  	[sflag:s9] =	ssyncadd.s32 $0xFFFFFFB0  }
0x8d: {  	_ =	swait.ge [sflag:s10], $0x2800  }
0x8e: {  	[sflag:s10] =	ssyncset.done $0x0  }
0x8f: {  	[sflag:s10] =	ssyncadd.s32 $0xFFFFD800  }
0x90: {  	[spmem:s4] =	stream.indirect.scatter.add.f32 [tilespmem:s30], [sflag:$0x2], $0x80, s6, s0, $0xb8;
	[tilespmem:$0x1DA00] =	vst v63  }
0x91: {  	_ =	swait.ge [sflag:s9], $0x50  }
0x92: {  	[sflag:s9] =	ssyncset.done $0x0  }
0x93: {  	[sflag:s9] =	ssyncadd.s32 $0xFFFFFFB0  }
0x94: {  	_ =	swait.ge [sflag:s10], $0x2800  }
0x95: {  	[sflag:s10] =	ssyncset.done $0x0  }
0x96: {  	[sflag:s10] =	ssyncadd.s32 $0xFFFFD800  }
0x97: {  	[spmem:s4] =	stream.indirect.scatter.add.f32 [tilespmem:s31], [sflag:$0x2], $0x80, s8, s0, $0xb8;
	[tilespmem:$0x1DA00] =	vst v63  }
0x98: {  	_ =	swait.ge [sflag:s11], $0x2800  }
0x99: {  	s18 =	sshrl.u32 s25, $0x3;
	[sflag:s11] =	ssyncset.done $0x0  }
0x9a: {  	s13 =	sadd.s32 s3, s18;
	[sflag:s11] =	ssyncadd.s32 $0xFFFFD800  }
0x9b: {  	[tilespmem:s2], [sflag:$0x3] =	stream.linear.gather [hbm4b:s13+s5], $0x50, $0x38;
	[tilespmem:$0x1DA00] =	vst v63  }
0x9c: {  	s19 =	simm.s32 $0xF0  }
0x9d: {  	[tilespmem:s29], [sflag:$0x1] =	stream.indirect.gather [hbm4b:s1+s0], $0x80, s19, s0, $0xb8;
	[tilespmem:$0x1DA00] =	vst v63  }
0x9e: {  	_ =	swait.ge [sflag:s11], $0x2800  }
0x9f: {  	[sflag:s11] =	ssyncset.done $0x0  }
0xa0: {  	[sflag:s11] =	ssyncadd.s32 $0xFFFFD800  }
0xa1: {  	[tilespmem:s6], [sflag:$0x3] =	stream.linear.gather [hbm4b:s24+s5], $0x50, $0x38;
	[tilespmem:$0x1DA00] =	vst v63  }
0xa2: {  	s20 =	simm.s32 $0x140  }
0xa3: {  	[tilespmem:s30], [sflag:$0x1] =	stream.indirect.gather [hbm4b:s1+s0], $0x80, s20, s0, $0xb8;
	[tilespmem:$0x1DA00] =	vst v63  }
0xa4: {  	s18 =	sadd.s32 $0x1E, s24;
	_ =	swait.ge [sflag:s11], $0x2800  }
0xa5: {  	s14 =	sadd.s32 $0xF0, s25;
	s17 =	sadd.s32 $0x1E, s23;
	[sflag:s11] =	ssyncset.done $0x0  }
0xa6: {  	s13 =	simm.s32 $0x3C0;
	s19 =	simm.s32 $0x190;
	[sflag:s11] =	ssyncadd.s32 $0xFFFFD800  }
0xa7: {  	[tilespmem:s8], [sflag:$0x3] =	stream.linear.gather [hbm4b:s23+s5], $0x50, $0x38;
	[tilespmem:$0x1DA00] =	vst v63  }
.LBB2_4:
0xa8: {  	[tilespmem:s31], [sflag:$0x1] =	stream.indirect.gather [hbm4b:s1+s0], $0x80, s19, s0, $0xb8;
	[tilespmem:$0x1DA00] =	vst v63  }
0xa9: {  	s19 =	smov.u32 s13  }
0xaa: {  	p1 =	sne.s32 s13, $0x9240;
	s13 =	sadd.s32 $0x3C0, s13;
	_ =	swait.ge [sflag:s9], $0x50  }
0xab: {  	[sflag:s9] =	ssyncset.done $0x0  }
0xac: {  	[sflag:s9] =	ssyncadd.s32 $0xFFFFFFB0  }
0xad: {  	_ =	swait.ge [sflag:s10], $0x2800  }
0xae: {  	[sflag:s10] =	ssyncset.done $0x0  }
0xaf: {  	[sflag:s10] =	ssyncadd.s32 $0xFFFFD800  }
0xb0: {  	[spmem:s4] =	stream.indirect.scatter.add.f32 [tilespmem:s29], [sflag:$0x2], $0x80, s2, s0, $0xb8;
	[tilespmem:$0x1DA00] =	vst v63  }
0xb1: {  	_ =	swait.ge [sflag:s9], $0x50  }
0xb2: {  	[sflag:s9] =	ssyncset.done $0x0  }
0xb3: {  	[sflag:s9] =	ssyncadd.s32 $0xFFFFFFB0  }
0xb4: {  	_ =	swait.ge [sflag:s10], $0x2800  }
0xb5: {  	[sflag:s10] =	ssyncset.done $0x0  }
0xb6: {  	[sflag:s10] =	ssyncadd.s32 $0xFFFFD800  }
0xb7: {  	[spmem:s4] =	stream.indirect.scatter.add.f32 [tilespmem:s30], [sflag:$0x2], $0x80, s6, s0, $0xb8;
	[tilespmem:$0x1DA00] =	vst v63  }
0xb8: {  	_ =	swait.ge [sflag:s9], $0x50  }
0xb9: {  	[sflag:s9] =	ssyncset.done $0x0  }
0xba: {  	[sflag:s9] =	ssyncadd.s32 $0xFFFFFFB0  }
0xbb: {  	_ =	swait.ge [sflag:s10], $0x2800  }
0xbc: {  	[sflag:s10] =	ssyncset.done $0x0  }
0xbd: {  	[sflag:s10] =	ssyncadd.s32 $0xFFFFD800  }
0xbe: {  	[spmem:s4] =	stream.indirect.scatter.add.f32 [tilespmem:s31], [sflag:$0x2], $0x80, s8, s0, $0xb8;
	[tilespmem:$0x1DA00] =	vst v63  }
0xbf: {  	_ =	swait.ge [sflag:s11], $0x2800  }
0xc0: {  	s20 =	sshrl.u32 s14, $0x3;
	[sflag:s11] =	ssyncset.done $0x0  }
0xc1: {  	s20 =	sadd.s32 s3, s20;
	s19 =	sshra.s32 s19, $0x2;
	[sflag:s11] =	ssyncadd.s32 $0xFFFFD800  }
0xc2: {  	[tilespmem:s2], [sflag:$0x3] =	stream.linear.gather [hbm4b:s20+s5], $0x50, $0x38;
	[tilespmem:$0x1DA00] =	vst v63  }
0xc3: {  	s20 =	sadd.s32 $0xF0, s19  }
0xc4: {  	[tilespmem:s29], [sflag:$0x1] =	stream.indirect.gather [hbm4b:s1+s0], $0x80, s20, s0, $0xb8;
	[tilespmem:$0x1DA00] =	vst v63  }
0xc5: {  	_ =	swait.ge [sflag:s11], $0x2800  }
0xc6: {  	[sflag:s11] =	ssyncset.done $0x0  }
0xc7: {  	[sflag:s11] =	ssyncadd.s32 $0xFFFFD800  }
0xc8: {  	[tilespmem:s6], [sflag:$0x3] =	stream.linear.gather [hbm4b:s18+s5], $0x50, $0x38;
	[tilespmem:$0x1DA00] =	vst v63  }
0xc9: {  	s20 =	sadd.s32 $0x140, s19  }
0xca: {  	[tilespmem:s30], [sflag:$0x1] =	stream.indirect.gather [hbm4b:s1+s0], $0x80, s20, s0, $0xb8;
	[tilespmem:$0x1DA00] =	vst v63  }
.Ltmp1:
0xcb: {  	_ =	swait.ge [sflag:s11], $0x2800;
	(pc) =	sbr.rel @p1 .LBB2_4-.Ltmp1, $4  }
0xcc: {  	[sflag:s11] =	ssyncset.done $0x0  }
0xcd: {  	s14 =	sadd.s32 $0xF0, s14;
	[sflag:s11] =	ssyncadd.s32 $0xFFFFD800  }
0xce: {  	[tilespmem:s8], [sflag:$0x3] =	stream.linear.gather [hbm4b:s17+s5], $0x50, $0x38;
	[tilespmem:$0x1DA00] =	vst v63  }
0xcf: {  	s19 =	sadd.s32 $0x190, s19;
	s18 =	sadd.s32 $0x1E, s18;
	s17 =	sadd.s32 $0x1E, s17  }
0xd0: {  	[tilespmem:s31], [sflag:$0x1] =	stream.indirect.gather [hbm4b:s1+s0], $0x80, s19, s0, $0xb8;
	[tilespmem:$0x1DA00] =	vst v63  }
0xd1: {  	_ =	swait.ge [sflag:s9], $0x50  }
0xd2: {  	[sflag:s9] =	ssyncset.done $0x0  }
0xd3: {  	[sflag:s9] =	ssyncadd.s32 $0xFFFFFFB0  }
0xd4: {  	_ =	swait.ge [sflag:s10], $0x2800  }
0xd5: {  	[sflag:s10] =	ssyncset.done $0x0  }
0xd6: {  	[sflag:s10] =	ssyncadd.s32 $0xFFFFD800  }
0xd7: {  	[spmem:s4] =	stream.indirect.scatter.add.f32 [tilespmem:s29], [sflag:$0x2], $0x80, s2, s0, $0xb8;
	[tilespmem:$0x1DA00] =	vst v63  }
0xd8: {  	_ =	swait.ge [sflag:s9], $0x50  }
0xd9: {  	[sflag:s9] =	ssyncset.done $0x0  }
0xda: {  	[sflag:s9] =	ssyncadd.s32 $0xFFFFFFB0  }
0xdb: {  	_ =	swait.ge [sflag:s10], $0x2800  }
0xdc: {  	[sflag:s10] =	ssyncset.done $0x0  }
0xdd: {  	[sflag:s10] =	ssyncadd.s32 $0xFFFFD800  }
0xde: {  	[spmem:s4] =	stream.indirect.scatter.add.f32 [tilespmem:s30], [sflag:$0x2], $0x80, s6, s0, $0xb8;
	[tilespmem:$0x1DA00] =	vst v63  }
0xdf: {  	_ =	swait.ge [sflag:s9], $0x50  }
0xe0: {  	[sflag:s9] =	ssyncset.done $0x0  }
0xe1: {  	[sflag:s9] =	ssyncadd.s32 $0xFFFFFFB0  }
0xe2: {  	_ =	swait.ge [sflag:s10], $0x2800  }
0xe3: {  	[sflag:s10] =	ssyncset.done $0x0  }
0xe4: {  	[sflag:s10] =	ssyncadd.s32 $0xFFFFD800  }
0xe5: {  	[spmem:s4] =	stream.indirect.scatter.add.f32 [tilespmem:s31], [sflag:$0x2], $0x80, s8, s0, $0xb8;
	[tilespmem:$0x1DA00] =	vst v63  }
0xe6: {  	_ =	swait.ge [sflag:s11], $0x2800  }
0xe7: {  	[sflag:s11] =	ssyncset.done $0x0  }
0xe8: {  	[sflag:s11] =	ssyncadd.s32 $0xFFFFD800  }
0xe9: {  	_ =	swait.ge [sflag:s11], $0x2800  }
0xea: {  	[sflag:s11] =	ssyncset.done $0x0  }
0xeb: {  	[sflag:s11] =	ssyncadd.s32 $0xFFFFD800  }
0xec: {  	_ =	swait.ge [sflag:s11], $0x2800  }
0xed: {  	[sflag:s11] =	ssyncset.done $0x0  }
0xee: {  	s13 =	rddreg [dreg:$0xf];
	[sflag:s11] =	ssyncadd.s32 $0xFFFFD800  }
0xef: {  	[tilespmem:s2], [sflag:$0x3] =	stream.linear.gather [hbm4b:s13+s5], $0x50, $0x38;
	[tilespmem:$0x1DA00] =	vst v63  }
0xf0: {  	s18 =	simm.s32 $0x2670  }
0xf1: {  	[tilespmem:s29], [sflag:$0x1] =	stream.indirect.gather [hbm4b:s1+s0], $0x80, s18, s0, $0xb8;
	[tilespmem:$0x1DA00] =	vst v63  }
0xf2: {  	_ = 	snop  }
0xf3: {  	[tilespmem:s6], [sflag:$0x3] =	stream.linear.gather [hbm4b:s26+s5], $0x50, $0x38;
	[tilespmem:$0x1DA00] =	vst v63  }
0xf4: {  	s19 =	simm.s32 $0x26C0  }
0xf5: {  	[tilespmem:s30], [sflag:$0x1] =	stream.indirect.gather [hbm4b:s1+s0], $0x80, s19, s0, $0xb8;
	[tilespmem:$0x1DA00] =	vst v63  }
0xf6: {  	_ =	swait.ge [sflag:s9], $0x50  }
0xf7: {  	[sflag:s9] =	ssyncset.done $0x0  }
0xf8: {  	[sflag:s9] =	ssyncadd.s32 $0xFFFFFFB0  }
0xf9: {  	_ =	swait.ge [sflag:s10], $0x2800  }
0xfa: {  	[sflag:s10] =	ssyncset.done $0x0  }
0xfb: {  	[sflag:s10] =	ssyncadd.s32 $0xFFFFD800  }
0xfc: {  	[spmem:s4] =	stream.indirect.scatter.add.f32 [tilespmem:s29], [sflag:$0x2], $0x80, s2, s0, $0xb8;
	[tilespmem:$0x1DA00] =	vst v63  }
0xfd: {  	_ =	swait.ge [sflag:s9], $0x50  }
0xfe: {  	[sflag:s9] =	ssyncset.done $0x0  }
0xff: {  	[sflag:s9] =	ssyncadd.s32 $0xFFFFFFB0  }
0x100: {  	_ =	swait.ge [sflag:s10], $0x2800  }
0x101: {  	[sflag:s10] =	ssyncset.done $0x0  }
0x102: {  	[sflag:s10] =	ssyncadd.s32 $0xFFFFD800  }
0x103: {  	[spmem:s4] =	stream.indirect.scatter.add.f32 [tilespmem:s30], [sflag:$0x2], $0x80, s6, s0, $0xb8;
	[tilespmem:$0x1DA00] =	vst v63  }
0x104: {  	_ =	swait.ge [sflag:s11], $0x2800  }
0x105: {  	[sflag:s11] =	ssyncset.done $0x0  }
0x106: {  	[sflag:s11] =	ssyncadd.s32 $0xFFFFD800  }
0x107: {  	_ =	swait.ge [sflag:s11], $0x2800  }
0x108: {  	[sflag:s11] =	ssyncset.done $0x0  }
0x109: {  	s20 =	stileid.u32;
	[sflag:s11] =	ssyncadd.s32 $0xFFFFD800  }
0x10a: {  	s13 =	sshll.u32 s20, $0x6;
	[bflag:$0x0] =	sbarrier.arrive $0xFFFF  }
0x10b: {  	s14 =	sshrl.u32 s7, $0x3;
	s13 =	sor.u32 $0x1C04, s13;
	s17 =	rddreg [dreg:$0x10]  }
0x10c: {  	[hbm:s17], [sflag:s13] =	dma.local [spmem:s14], $0x2700  }
0x10d: {  	_ =	swait.ge [sflag:s28], $0x2700  }
0x10e: {  	s12 =	sadd.s32 $0x1, s12;
	[sflag:s28] =	ssyncset.done $0x0  }
0x10f: {  	p1 =	sne.s32 s12, s22;
	s14 =	sshrl.u32 @!p0 s15, $0x3;
	[sflag:s28] =	ssyncadd.s32 $0xFFFFD900  }
0x110: {  	[hbm:s21], [sflag:s13] =	dma.local @!p0 [spmem:s14], $0x100  }
.Ltmp2:
0x111: {  	_ = 	snop;
	(pc) =	sbr.rel @p1 .LBB2_1-.Ltmp2, $4  }
0x112: {  	s13 =	simm.s32 @!p0 $0x4  }
0x113: {  	_ =	swait.ge @!p0 [sflag:s13], $0x100  }
0x114: {  	[sflag:s13] =	ssyncset.done @!p0 $0x0  }
0x115: {  	[sflag:s13] =	ssyncadd.s32 @!p0 $0xFFFFFF00  }
0x116: {  	_ =	sfence.sel $0x180000  }
0x117: {  	[bflag:$0x0] =	sbarrier.arrive $0xFFFF  }
0x118: {  	_ =	strace $0x90000047  }
0x119: {  	s0 =	stileid.u32;
	[bflag:$0x2] =	sbarrier.arrive $0xFFFF  }
0x11a: {  	p0 =	sne.s32 s0, $0x0;
	s0 =	rddreg [dreg:$0x4]  }
0x11b: {  	s0 =	sadd.s32 @!p0 $0x100000, s0  }
0x11c: {  	[sflag:s0] =	ssyncadd.tile.s32 @!p0 $0x1;
	_ =	shalt  }
.Lfunc_end2:
_tile_overlayer_lowered:
.L_overlay_start_2:
0x11d: {  	(tag) =	ssettag $0x2  }
0x11e: {  	s0 =	rddreg [dreg:$0x0];
	s2 =	stileid.u32  }
0x11f: {  	s1 =	rddreg [dreg:$0x1];
	p0 =	sne.s32 s2, $0x0  }
0x120: {  	s3 =	rddreg [dreg:$0x2];
	[bflag:$0x3] =	sbarrier.arrive $0xFFFF;
	s2 =	simm.s32 @!p0 $0x1C04  }
0x121: {  	[timem:s3], [sflag:s2] =	dma.local @!p0 [hbm:s0], s1  }
0x122: {  	s0 =	simm.s32 @!p0 $0x4  }
0x123: {  	_ =	swait.ge @!p0 [sflag:s0], s1  }
0x124: {  	s1 =	ssub.s32 @!p0 $0x0, s1;
	[sflag:s0] =	ssyncset.done @!p0 $0x0  }
0x125: {  	[sflag:s0] =	ssyncadd.s32 @!p0 s1  }
0x126: {  	[bflag:$0x3] =	sbarrier.arrive $0xFFFF  }
0x127: {  	_ =	shalt  }

</sc_bundles>
